<compile_context>
chip_gen: v7x
topology: tpu7x:2x2x1
jax: 0.10.2.dev20260603
libtpu: 0.0.44.dev20260713+nightly
codegen_flags: <defaults>
</compile_context>

<pallas_src>
import functools

import jax
import jax.numpy as jnp
from jax import lax
from jax.experimental import pallas as pl
from jax.experimental.pallas import tpu as pltpu
from jax.experimental.pallas import tpu_sc as plsc

B, S = 1024, 200
H = 128
EPS = 1e-12

NC, NS = 2, 16
NW = NC * NS
N_TOK = B * S
RPW = N_TOK // NW
CHUNK = 128
NCHUNKS = RPW // CHUNK
LANES = 16
VPR = H // LANES
NEWTON_ITERS = 1


def _rsqrt(x):
    i = lax.bitcast_convert_type(x, jnp.int32)
    i = jnp.int32(0x5F3759DF) - lax.shift_right_arithmetic(i, jnp.int32(1))
    y = lax.bitcast_convert_type(i, jnp.float32)
    half_x = 0.5 * x
    for _ in range(NEWTON_ITERS):
        y = y * (1.5 - half_x * y * y)
    return y


_GATHER_DNUMS = lax.GatherDimensionNumbers(
    offset_dims=(), collapsed_slice_dims=(0,), start_index_map=(0,))


def _lane_perm(v, idx):
    return lax.gather(v, idx[:, None], _GATHER_DNUMS, (1,),
                      mode=lax.GatherScatterMode.PROMISE_IN_BOUNDS)


def _hsum(v):
    for s in (8, 4, 2, 1):
        idx = lax.iota(jnp.int32, 16) ^ s
        v = v + _lane_perm(v, idx)
    return v


def _ln_rows(rows_ref):

    def row_body(r):
        vs = [rows_ref[r, pl.ds(j * LANES, LANES)] for j in range(VPR)]
        acc = vs[0]
        acc2 = vs[0] * vs[0]
        for j in range(1, VPR):
            acc = acc + vs[j]
            acc2 = acc2 + vs[j] * vs[j]
        mean = _hsum(acc) * (1.0 / H)
        var = _hsum(acc2) * (1.0 / H) - mean * mean
        rstd = _rsqrt(var + EPS)
        nms = (0.0 - mean) * rstd
        for j in range(VPR):
            rows_ref[r, pl.ds(j * LANES, LANES)] = vs[j] * rstd + nms

    plsc.parallel_loop(jnp.int32(0), jnp.int32(CHUNK), jnp.int32(1),
                       unroll=4)(row_body)


_mesh = plsc.VectorSubcoreMesh(core_axis_name="c", subcore_axis_name="s")


@functools.partial(
    pl.kernel,
    out_type=jax.ShapeDtypeStruct((N_TOK, H), jnp.float32),
    mesh=_mesh,
    scratch_types=[
        pltpu.VMEM((NCHUNKS, CHUNK), jnp.int32),
        pltpu.VMEM((3, CHUNK, H), jnp.float32),
        pltpu.SemaphoreType.DMA,
        pltpu.SemaphoreType.DMA,
        pltpu.SemaphoreType.DMA,
        pltpu.SemaphoreType.DMA,
        pltpu.SemaphoreType.DMA,
        pltpu.SemaphoreType.DMA,
    ],
)
def _gather_ln(ids_hbm, table_hbm, out_hbm, idx_all, rows_v,
               gsem0, gsem1, gsem2, osem0, osem1, osem2):
    wid = lax.axis_index("s") * NC + lax.axis_index("c")
    base_w = wid * RPW
    gsems = (gsem0, gsem1, gsem2)
    osems = (osem0, osem1, osem2)
    assert NCHUNKS % 3 == 2

    pltpu.sync_copy(ids_hbm.at[wid], idx_all)

    def start_gather(i, slot):
        pltpu.async_copy(table_hbm.at[idx_all.at[i]], rows_v.at[slot],
                         gsems[slot])

    def wait_gather(i, slot):
        pltpu.make_async_copy(table_hbm.at[idx_all.at[i]], rows_v.at[slot],
                              gsems[slot]).wait()

    def start_wb(i, slot):
        pltpu.async_copy(rows_v.at[slot],
                         out_hbm.at[pl.ds(base_w + i * CHUNK, CHUNK)],
                         osems[slot])

    def wait_wb(i, slot):
        pltpu.make_async_copy(rows_v.at[slot],
                              out_hbm.at[pl.ds(base_w + i * CHUNK, CHUNK)],
                              osems[slot]).wait()

    start_gather(jnp.int32(0), 0)
    start_gather(jnp.int32(1), 1)

    def tri_body(p, carry):
        for b in range(3):
            i = 3 * p + b
            wait_gather(i, b)
            nxt = (b + 2) % 3

            @pl.when(i >= 1)
            def _():
                wait_wb(i - 1, nxt)

            start_gather(i + 2, nxt)
            _ln_rows(rows_v.at[b])
            start_wb(i, b)
        return carry

    lax.fori_loop(0, (NCHUNKS - 2) // 3, tri_body, jnp.int32(0))
    for b, i in ((0, NCHUNKS - 2), (1, NCHUNKS - 1)):
        wait_gather(jnp.int32(i), b)
        _ln_rows(rows_v.at[b])
        start_wb(jnp.int32(i), b)
    wait_wb(jnp.int32(NCHUNKS - 3), 2)
    wait_wb(jnp.int32(NCHUNKS - 2), 0)
    wait_wb(jnp.int32(NCHUNKS - 1), 1)


def kernel(input_ids, token_type_ids, age, abspos, values, units,
           concept_table, segment_table, value_table, unit_table,
           age_w0, age_b0, age_w, age_b,
           abs_w0, abs_b0, abs_w, abs_b,
           ln_g, ln_b, sa, sb, sc, sd, se, sf):
    ids = input_ids.reshape(NW, NCHUNKS, CHUNK)
    out = _gather_ln(ids, concept_table)
    return out.reshape(B, S, H)

# --- scband reference (transcript-rebuilt; emitter-appended) ---
"""Pipeline reference for scband-ehr-embeddings-separate-value-embedding-75522704933097 (READ-ONLY COPY).

The authoritative reference and input builder live on the scoring server;
editing this copy changes nothing except your own understanding.
"""

import jax, jax.numpy as jnp
import numpy as np

B, S = 1024, 200
VOCAB = 100000
TYPE_VOCAB = 2
H = 128
EPS = 1e-12


def _time2vec(tau, w0, b0, w, b):
    # tau: (B, S) scalar times; in_features=1, out_features=H
    t = tau[..., None]                      # (B, S, 1)
    v0 = jnp.matmul(t, w0) + b0             # (B, S, 1) linear term
    v1 = jnp.sin(jnp.matmul(t, w) + b)      # (B, S, H-1) periodic terms
    return jnp.concatenate([v0, v1], axis=-1)  # (B, S, H)


def setup_inputs(seed: int = 0) -> dict:
    key = jax.random.key(seed)
    ks = jax.random.split(key, 24)
    inp = {}
    inp["input_ids"] = jax.random.randint(ks[0], (B, S), 0, VOCAB, dtype=jnp.int32)
    inp["token_type_ids"] = jax.random.randint(ks[1], (B, S), 0, TYPE_VOCAB, dtype=jnp.int32)
    inp["age"] = jax.random.uniform(ks[2], (B, S), dtype=jnp.float32)
    inp["abspos"] = jax.random.uniform(ks[3], (B, S), dtype=jnp.float32)
    inp["values"] = jax.random.randint(ks[4], (B, S), 0, VOCAB, dtype=jnp.int32)
    inp["units"] = jax.random.randint(ks[5], (B, S), 0, VOCAB, dtype=jnp.int32)
    # learned parameters
    inp["concept_table"] = jax.random.normal(ks[6], (VOCAB, H), dtype=jnp.float32) * 0.02
    inp["segment_table"] = jax.random.normal(ks[7], (TYPE_VOCAB, H), dtype=jnp.float32) * 0.02
    inp["value_table"] = jax.random.normal(ks[8], (VOCAB, H), dtype=jnp.float32) * 0.02
    inp["unit_table"] = jax.random.normal(ks[9], (VOCAB, H), dtype=jnp.float32) * 0.02
    # Time2Vec params for age
    inp["age_w0"] = jax.random.normal(ks[10], (1, 1), dtype=jnp.float32)
    inp["age_b0"] = jax.random.normal(ks[11], (1,), dtype=jnp.float32)
    inp["age_w"] = jax.random.normal(ks[12], (1, H - 1), dtype=jnp.float32)
    inp["age_b"] = jax.random.normal(ks[13], (H - 1,), dtype=jnp.float32)
    # Time2Vec params for abspos
    inp["abs_w0"] = jax.random.normal(ks[14], (1, 1), dtype=jnp.float32)
    inp["abs_b0"] = jax.random.normal(ks[15], (1,), dtype=jnp.float32)
    inp["abs_w"] = jax.random.normal(ks[16], (1, H - 1), dtype=jnp.float32)
    inp["abs_b"] = jax.random.normal(ks[17], (H - 1,), dtype=jnp.float32)
    # LayerNorm params
    inp["ln_g"] = jnp.ones((H,), dtype=jnp.float32)
    inp["ln_b"] = jnp.zeros((H,), dtype=jnp.float32)
    # linear scaling scalars (torch init: a=1, others=0)
    inp["sa"] = jnp.ones((1,), dtype=jnp.float32)
    inp["sb"] = jnp.zeros((1,), dtype=jnp.float32)
    inp["sc"] = jnp.zeros((1,), dtype=jnp.float32)
    inp["sd"] = jnp.zeros((1,), dtype=jnp.float32)
    inp["se"] = jnp.zeros((1,), dtype=jnp.float32)
    inp["sf"] = jnp.zeros((1,), dtype=jnp.float32)
    return inp


def reference(input_ids, token_type_ids, age, abspos, values, units,
              concept_table, segment_table, value_table, unit_table,
              age_w0, age_b0, age_w, age_b,
              abs_w0, abs_b0, abs_w, abs_b,
              ln_g, ln_b, sa, sb, sc, sd, se, sf):
    emb = sa * jnp.take(concept_table, input_ids, axis=0)            # (B, S, H) gather
    emb = emb + sb * jnp.take(segment_table, token_type_ids, axis=0)
    emb = emb + sc * _time2vec(age, age_w0, age_b0, age_w, age_b)
    emb = emb + sd * _time2vec(abspos, abs_w0, abs_b0, abs_w, abs_b)
    emb = emb + se * jnp.take(value_table, values, axis=0)
    emb = emb + sf * jnp.take(unit_table, units, axis=0)
    # LayerNorm over last dim
    mean = jnp.mean(emb, axis=-1, keepdims=True)
    var = jnp.mean(jnp.square(emb - mean), axis=-1, keepdims=True)
    emb = (emb - mean) / jnp.sqrt(var + EPS) * ln_g + ln_b
    # dropout: identity in eval mode
    return emb

if __name__ == "__main__":
    import jax
    _d = setup_inputs()
    print(jax.jit(kernel)(*tuple(_d.values())))

</pallas_src>

<mosaic_0001>
#map = affine_map<(d0, d1) -> (0, 0, 0)>
#map1 = affine_map<(d0, d1) -> (0, 0)>
module attributes {stable_mosaic.version = 14 : i64} {
  func.func @_gather_ln(%arg0: i32, %arg1: i32, %arg2: memref<32x50x128xi32, #tpu.memory_space<hbm>>, %arg3: memref<100000x128xf32, #tpu.memory_space<hbm>>, %arg4: memref<204800x128xf32, #tpu.memory_space<hbm>>, %arg5: memref<50x128xi32, #tpu.memory_space<vmem>>, %arg6: memref<3x128x128xf32, #tpu.memory_space<vmem>>, %arg7: memref<!tpu.dma_semaphore, #tpu.memory_space<semaphore_mem>>, %arg8: memref<!tpu.dma_semaphore, #tpu.memory_space<semaphore_mem>>, %arg9: memref<!tpu.dma_semaphore, #tpu.memory_space<semaphore_mem>>, %arg10: memref<!tpu.dma_semaphore, #tpu.memory_space<semaphore_mem>>, %arg11: memref<!tpu.dma_semaphore, #tpu.memory_space<semaphore_mem>>, %arg12: memref<!tpu.dma_semaphore, #tpu.memory_space<semaphore_mem>>) attributes {dimension_semantics = [#tpu.dimension_semantics<core_parallel>, #tpu.dimension_semantics<subcore_parallel>], iteration_bounds = array<i64: 2, 16>, scalar_prefetch = 0 : i64, scratch_operands = 8 : i64, tpu.core_type = #tpu.core_type<sc_vector_subcore>, window_params = [{transform_indices = #map}, {transform_indices = #map1}, {transform_indices = #map1}]} {
    %mul3A = arith.constant 2 : i32
    %mul3A_0 = arith.muli %arg1, %mul3A : i32
    %add3A = arith.addi %mul3A_0, %arg0 : i32
    %mul3A_1 = arith.constant 6400 : i32
    %mul3A_2 = arith.muli %add3A, %mul3A_1 : i32
    "tpu.region"() ({
      %run_scoped3A = tpu.sem_alloc : memref<!tpu.dma_semaphore, #tpu.memory_space<semaphore_mem>>
      %dma_start3A_146 = arith.constant 0 : i32
      %dma_start3A_147 = arith.constant 0 : i32
      %dma_start3A_148 = tpu.memref_slice %arg2[%add3A, %dma_start3A_146, %dma_start3A_147] : memref<32x50x128xi32, #tpu.memory_space<hbm>> -> memref<1x50x128xi32, #tpu.memory_space<hbm>>
      %dma_start3A_149 = tpu.memref_squeeze %dma_start3A_148 : memref<1x50x128xi32, #tpu.memory_space<hbm>> -> memref<50x128xi32, #tpu.memory_space<hbm>>
      %dma_start3A_150 = arith.constant 0 : i32
      %dma_start3A_151 = arith.constant 0 : i32
      %dma_start3A_152 = tpu.memref_slice %arg2[%add3A, %dma_start3A_150, %dma_start3A_151] : memref<32x50x128xi32, #tpu.memory_space<hbm>> -> memref<1x50x128xi32, #tpu.memory_space<hbm>>
      %dma_start3A_153 = tpu.memref_squeeze %dma_start3A_152 : memref<1x50x128xi32, #tpu.memory_space<hbm>> -> memref<50x128xi32, #tpu.memory_space<hbm>>
      tpu.enqueue_dma source(%dma_start3A_153 : memref<50x128xi32, #tpu.memory_space<hbm>>) target(%arg5 : memref<50x128xi32, #tpu.memory_space<vmem>>) target_semaphore(%run_scoped3A : memref<!tpu.dma_semaphore, #tpu.memory_space<semaphore_mem>>)
      %dma_wait3A_154 = arith.constant 0 : i32
      %dma_wait3A_155 = arith.constant 0 : i32
      %dma_wait3A_156 = tpu.memref_slice %arg2[%add3A, %dma_wait3A_154, %dma_wait3A_155] : memref<32x50x128xi32, #tpu.memory_space<hbm>> -> memref<1x50x128xi32, #tpu.memory_space<hbm>>
      %dma_wait3A_157 = tpu.memref_squeeze %dma_wait3A_156 : memref<1x50x128xi32, #tpu.memory_space<hbm>> -> memref<50x128xi32, #tpu.memory_space<hbm>>
      %dma_wait3A_158 = arith.constant 0 : i32
      %dma_wait3A_159 = arith.constant 0 : i32
      %dma_wait3A_160 = tpu.memref_slice %arg2[%add3A, %dma_wait3A_158, %dma_wait3A_159] : memref<32x50x128xi32, #tpu.memory_space<hbm>> -> memref<1x50x128xi32, #tpu.memory_space<hbm>>
      %dma_wait3A_161 = tpu.memref_squeeze %dma_wait3A_160 : memref<1x50x128xi32, #tpu.memory_space<hbm>> -> memref<50x128xi32, #tpu.memory_space<hbm>>
      tpu.wait_dma2 semaphore(%run_scoped3A : memref<!tpu.dma_semaphore, #tpu.memory_space<semaphore_mem>>) src(%dma_wait3A_161 : memref<50x128xi32, #tpu.memory_space<hbm>>) dst(%arg5 : memref<50x128xi32, #tpu.memory_space<vmem>>)
      tpu.yield
    }) : () -> ()
    %dma_start3A = arith.constant 0 : i32
    %dma_start3A_3 = arith.constant 0 : i32
    %dma_start3A_4 = arith.constant 0 : i32
    %dma_start3A_5 = arith.constant 0 : i32
    %dma_start3A_6 = tpu.memref_slice %arg6[%dma_start3A_3, %dma_start3A_4, %dma_start3A_5] : memref<3x128x128xf32, #tpu.memory_space<vmem>> -> memref<1x128x128xf32, #tpu.memory_space<vmem>>
    %dma_start3A_7 = tpu.memref_squeeze %dma_start3A_6 : memref<1x128x128xf32, #tpu.memory_space<vmem>> -> memref<128x128xf32, #tpu.memory_space<vmem>>
    %dma_start3A_8 = arith.constant 0 : i32
    %dma_start3A_9 = tpu.memref_slice %arg5[%dma_start3A, %dma_start3A_8] : memref<50x128xi32, #tpu.memory_space<vmem>> -> memref<1x128xi32, #tpu.memory_space<vmem>>
    %dma_start3A_10 = tpu.memref_squeeze %dma_start3A_9 : memref<1x128xi32, #tpu.memory_space<vmem>> -> memref<128xi32, #tpu.memory_space<vmem>>
    %dma_start3A_11 = arith.constant 0 : i32
    %dma_start3A_12 = arith.constant 0 : i32
    %dma_start3A_13 = tpu.memref_slice %arg3[%dma_start3A_11, %dma_start3A_12] : memref<100000x128xf32, #tpu.memory_space<hbm>> -> memref<100000x128xf32, #tpu.memory_space<hbm>>
    tpu.enqueue_indirect_dma source(%dma_start3A_13 : memref<100000x128xf32, #tpu.memory_space<hbm>>) target(%dma_start3A_7 : memref<128x128xf32, #tpu.memory_space<vmem>>) offsets(%dma_start3A_10 : memref<128xi32, #tpu.memory_space<vmem>>) semaphore(%arg7 : memref<!tpu.dma_semaphore, #tpu.memory_space<semaphore_mem>>)
    %dma_start3A_14 = arith.constant 1 : i32
    %dma_start3A_15 = arith.constant 1 : i32
    %dma_start3A_16 = arith.constant 0 : i32
    %dma_start3A_17 = arith.constant 0 : i32
    %dma_start3A_18 = tpu.memref_slice %arg6[%dma_start3A_15, %dma_start3A_16, %dma_start3A_17] : memref<3x128x128xf32, #tpu.memory_space<vmem>> -> memref<1x128x128xf32, #tpu.memory_space<vmem>>
    %dma_start3A_19 = tpu.memref_squeeze %dma_start3A_18 : memref<1x128x128xf32, #tpu.memory_space<vmem>> -> memref<128x128xf32, #tpu.memory_space<vmem>>
    %dma_start3A_20 = arith.constant 0 : i32
    %dma_start3A_21 = tpu.memref_slice %arg5[%dma_start3A_14, %dma_start3A_20] : memref<50x128xi32, #tpu.memory_space<vmem>> -> memref<1x128xi32, #tpu.memory_space<vmem>>
    %dma_start3A_22 = tpu.memref_squeeze %dma_start3A_21 : memref<1x128xi32, #tpu.memory_space<vmem>> -> memref<128xi32, #tpu.memory_space<vmem>>
    %dma_start3A_23 = arith.constant 0 : i32
    %dma_start3A_24 = arith.constant 0 : i32
    %dma_start3A_25 = tpu.memref_slice %arg3[%dma_start3A_23, %dma_start3A_24] : memref<100000x128xf32, #tpu.memory_space<hbm>> -> memref<100000x128xf32, #tpu.memory_space<hbm>>
    tpu.enqueue_indirect_dma source(%dma_start3A_25 : memref<100000x128xf32, #tpu.memory_space<hbm>>) target(%dma_start3A_19 : memref<128x128xf32, #tpu.memory_space<vmem>>) offsets(%dma_start3A_22 : memref<128xi32, #tpu.memory_space<vmem>>) semaphore(%arg8 : memref<!tpu.dma_semaphore, #tpu.memory_space<semaphore_mem>>)
    %scan3A = arith.constant 0 : i32
    %scan3A_26 = arith.constant 0 : i32
    %scan3A_27 = arith.constant 16 : i32
    %scan3A_28 = arith.addi %scan3A_26, %scan3A_27 : i32
    %scan3A_29 = arith.constant 1 : i32
    scf.for %scan3A_146 = %scan3A_26 to %scan3A_28 step %scan3A_29  : i32 {
      %mul3A_147 = arith.constant 3 : i32
      %mul3A_148 = arith.muli %mul3A_147, %scan3A_146 : i32
      %add3A_149 = arith.constant 0 : i32
      %add3A_150 = arith.addi %mul3A_148, %add3A_149 : i32
      %dma_wait3A_151 = arith.constant 0 : i32
      %dma_wait3A_152 = arith.constant 0 : i32
      %dma_wait3A_153 = arith.constant 0 : i32
      %dma_wait3A_154 = tpu.memref_slice %arg6[%dma_wait3A_151, %dma_wait3A_152, %dma_wait3A_153] : memref<3x128x128xf32, #tpu.memory_space<vmem>> -> memref<1x128x128xf32, #tpu.memory_space<vmem>>
      %dma_wait3A_155 = tpu.memref_squeeze %dma_wait3A_154 : memref<1x128x128xf32, #tpu.memory_space<vmem>> -> memref<128x128xf32, #tpu.memory_space<vmem>>
      %dma_wait3A_156 = arith.constant 0 : i32
      %dma_wait3A_157 = tpu.memref_slice %arg5[%add3A_150, %dma_wait3A_156] : memref<50x128xi32, #tpu.memory_space<vmem>> -> memref<1x128xi32, #tpu.memory_space<vmem>>
      %dma_wait3A_158 = tpu.memref_squeeze %dma_wait3A_157 : memref<1x128xi32, #tpu.memory_space<vmem>> -> memref<128xi32, #tpu.memory_space<vmem>>
      %dma_wait3A_159 = arith.constant 0 : i32
      %dma_wait3A_160 = arith.constant 0 : i32
      %dma_wait3A_161 = tpu.memref_slice %arg3[%dma_wait3A_159, %dma_wait3A_160] : memref<100000x128xf32, #tpu.memory_space<hbm>> -> memref<100000x128xf32, #tpu.memory_space<hbm>>
      tpu.wait_indirect_dma semaphore(%arg7 : memref<!tpu.dma_semaphore, #tpu.memory_space<semaphore_mem>>) src(%dma_wait3A_161 : memref<100000x128xf32, #tpu.memory_space<hbm>>) dst(%dma_wait3A_155 : memref<128x128xf32, #tpu.memory_space<vmem>>)
      %ge3A = arith.constant 1 : i32
      %ge3A_162 = arith.cmpi sge, %add3A_150, %ge3A : i32
      %convert_element_type3A = arith.extui %ge3A_162 : i1 to i32
      %cond3A = arith.constant 0 : i32
      %cond3A_163 = arith.cmpi ne, %convert_element_type3A, %cond3A : i32
      scf.if %cond3A_163 {
        %sub3A = arith.constant 1 : i32
        %sub3A_303 = arith.subi %add3A_150, %sub3A : i32
        %mul3A_304 = arith.constant 128 : i32
        %mul3A_305 = arith.muli %sub3A_303, %mul3A_304 : i32
        %add3A_306 = arith.addi %mul3A_2, %mul3A_305 : i32
        %dma_wait3A_307 = arith.constant 2 : i32
        %dma_wait3A_308 = arith.constant 0 : i32
        %dma_wait3A_309 = arith.constant 0 : i32
        %dma_wait3A_310 = tpu.memref_slice %arg6[%dma_wait3A_307, %dma_wait3A_308, %dma_wait3A_309] : memref<3x128x128xf32, #tpu.memory_space<vmem>> -> memref<1x128x128xf32, #tpu.memory_space<vmem>>
        %dma_wait3A_311 = tpu.memref_squeeze %dma_wait3A_310 : memref<1x128x128xf32, #tpu.memory_space<vmem>> -> memref<128x128xf32, #tpu.memory_space<vmem>>
        %dma_wait3A_312 = arith.constant 0 : i32
        %dma_wait3A_313 = tpu.memref_slice %arg4[%add3A_306, %dma_wait3A_312] : memref<204800x128xf32, #tpu.memory_space<hbm>> -> memref<128x128xf32, #tpu.memory_space<hbm>>
        %dma_wait3A_314 = arith.constant 0 : i32
        %dma_wait3A_315 = tpu.memref_slice %arg4[%add3A_306, %dma_wait3A_314] : memref<204800x128xf32, #tpu.memory_space<hbm>> -> memref<128x128xf32, #tpu.memory_space<hbm>>
        %dma_wait3A_316 = arith.constant 0 : i32
        %dma_wait3A_317 = arith.constant 0 : i32
        %dma_wait3A_318 = tpu.memref_slice %arg6[%dma_wait3A_307, %dma_wait3A_316, %dma_wait3A_317] : memref<3x128x128xf32, #tpu.memory_space<vmem>> -> memref<1x128x128xf32, #tpu.memory_space<vmem>>
        %dma_wait3A_319 = tpu.memref_squeeze %dma_wait3A_318 : memref<1x128x128xf32, #tpu.memory_space<vmem>> -> memref<128x128xf32, #tpu.memory_space<vmem>>
        tpu.wait_dma2 semaphore(%arg12 : memref<!tpu.dma_semaphore, #tpu.memory_space<semaphore_mem>>) src(%dma_wait3A_319 : memref<128x128xf32, #tpu.memory_space<vmem>>) dst(%dma_wait3A_315 : memref<128x128xf32, #tpu.memory_space<hbm>>)
      } else {
      }
      %add3A_164 = arith.constant 2 : i32
      %add3A_165 = arith.addi %add3A_150, %add3A_164 : i32
      %dma_start3A_166 = arith.constant 2 : i32
      %dma_start3A_167 = arith.constant 0 : i32
      %dma_start3A_168 = arith.constant 0 : i32
      %dma_start3A_169 = tpu.memref_slice %arg6[%dma_start3A_166, %dma_start3A_167, %dma_start3A_168] : memref<3x128x128xf32, #tpu.memory_space<vmem>> -> memref<1x128x128xf32, #tpu.memory_space<vmem>>
      %dma_start3A_170 = tpu.memref_squeeze %dma_start3A_169 : memref<1x128x128xf32, #tpu.memory_space<vmem>> -> memref<128x128xf32, #tpu.memory_space<vmem>>
      %dma_start3A_171 = arith.constant 0 : i32
      %dma_start3A_172 = tpu.memref_slice %arg5[%add3A_165, %dma_start3A_171] : memref<50x128xi32, #tpu.memory_space<vmem>> -> memref<1x128xi32, #tpu.memory_space<vmem>>
      %dma_start3A_173 = tpu.memref_squeeze %dma_start3A_172 : memref<1x128xi32, #tpu.memory_space<vmem>> -> memref<128xi32, #tpu.memory_space<vmem>>
      %dma_start3A_174 = arith.constant 0 : i32
      %dma_start3A_175 = arith.constant 0 : i32
      %dma_start3A_176 = tpu.memref_slice %arg3[%dma_start3A_174, %dma_start3A_175] : memref<100000x128xf32, #tpu.memory_space<hbm>> -> memref<100000x128xf32, #tpu.memory_space<hbm>>
      tpu.enqueue_indirect_dma source(%dma_start3A_176 : memref<100000x128xf32, #tpu.memory_space<hbm>>) target(%dma_start3A_170 : memref<128x128xf32, #tpu.memory_space<vmem>>) offsets(%dma_start3A_173 : memref<128xi32, #tpu.memory_space<vmem>>) semaphore(%arg9 : memref<!tpu.dma_semaphore, #tpu.memory_space<semaphore_mem>>)
      %parallel_loop3A_177 = arith.constant 0 : i32
      %parallel_loop3A_178 = arith.constant 128 : i32
      %parallel_loop3A_179 = arith.constant 1 : i32
      %parallel_loop3A_180 = arith.constant 0 : i32
      scf.for %parallel_loop3A_303 = %parallel_loop3A_177 to %parallel_loop3A_178 step %parallel_loop3A_179  : i32 {
        %parallel_loop3A_304 = arith.constant 0 : i32
        %parallel_loop3A_305 = arith.constant 0 : i32
        %parallel_loop3A_306 = tpu.memref_slice %arg6[%parallel_loop3A_180, %parallel_loop3A_304, %parallel_loop3A_305] : memref<3x128x128xf32, #tpu.memory_space<vmem>> -> memref<1x128x128xf32, #tpu.memory_space<vmem>>
        %parallel_loop3A_307 = tpu.memref_squeeze %parallel_loop3A_306 : memref<1x128x128xf32, #tpu.memory_space<vmem>> -> memref<128x128xf32, #tpu.memory_space<vmem>>
        %parallel_loop3A_308 = arith.index_cast %parallel_loop3A_303 : i32 to index
        %parallel_loop3A_309 = arith.constant 0 : index
        %parallel_loop3A_310 = tpu.vector_load %parallel_loop3A_307[%parallel_loop3A_308, %parallel_loop3A_309] {strides = array<i32>} : memref<128x128xf32, #tpu.memory_space<vmem>>, vector<1x16xf32>,
        %parallel_loop3A_311 = vector.shape_cast %parallel_loop3A_310 : vector<1x16xf32> to vector<16xf32>
        %parallel_loop3A_312 = arith.constant 0 : i32
        %parallel_loop3A_313 = arith.constant 0 : i32
        %parallel_loop3A_314 = tpu.memref_slice %arg6[%parallel_loop3A_180, %parallel_loop3A_312, %parallel_loop3A_313] : memref<3x128x128xf32, #tpu.memory_space<vmem>> -> memref<1x128x128xf32, #tpu.memory_space<vmem>>
        %parallel_loop3A_315 = tpu.memref_squeeze %parallel_loop3A_314 : memref<1x128x128xf32, #tpu.memory_space<vmem>> -> memref<128x128xf32, #tpu.memory_space<vmem>>
        %parallel_loop3A_316 = arith.index_cast %parallel_loop3A_303 : i32 to index
        %parallel_loop3A_317 = arith.constant 16 : index
        %parallel_loop3A_318 = tpu.vector_load %parallel_loop3A_315[%parallel_loop3A_316, %parallel_loop3A_317] {strides = array<i32>} : memref<128x128xf32, #tpu.memory_space<vmem>>, vector<1x16xf32>,
        %parallel_loop3A_319 = vector.shape_cast %parallel_loop3A_318 : vector<1x16xf32> to vector<16xf32>
        %parallel_loop3A_320 = arith.constant 0 : i32
        %parallel_loop3A_321 = arith.constant 0 : i32
        %parallel_loop3A_322 = tpu.memref_slice %arg6[%parallel_loop3A_180, %parallel_loop3A_320, %parallel_loop3A_321] : memref<3x128x128xf32, #tpu.memory_space<vmem>> -> memref<1x128x128xf32, #tpu.memory_space<vmem>>
        %parallel_loop3A_323 = tpu.memref_squeeze %parallel_loop3A_322 : memref<1x128x128xf32, #tpu.memory_space<vmem>> -> memref<128x128xf32, #tpu.memory_space<vmem>>
        %parallel_loop3A_324 = arith.index_cast %parallel_loop3A_303 : i32 to index
        %parallel_loop3A_325 = arith.constant 32 : index
        %parallel_loop3A_326 = tpu.vector_load %parallel_loop3A_323[%parallel_loop3A_324, %parallel_loop3A_325] {strides = array<i32>} : memref<128x128xf32, #tpu.memory_space<vmem>>, vector<1x16xf32>,
        %parallel_loop3A_327 = vector.shape_cast %parallel_loop3A_326 : vector<1x16xf32> to vector<16xf32>
        %parallel_loop3A_328 = arith.constant 0 : i32
        %parallel_loop3A_329 = arith.constant 0 : i32
        %parallel_loop3A_330 = tpu.memref_slice %arg6[%parallel_loop3A_180, %parallel_loop3A_328, %parallel_loop3A_329] : memref<3x128x128xf32, #tpu.memory_space<vmem>> -> memref<1x128x128xf32, #tpu.memory_space<vmem>>
        %parallel_loop3A_331 = tpu.memref_squeeze %parallel_loop3A_330 : memref<1x128x128xf32, #tpu.memory_space<vmem>> -> memref<128x128xf32, #tpu.memory_space<vmem>>
        %parallel_loop3A_332 = arith.index_cast %parallel_loop3A_303 : i32 to index
        %parallel_loop3A_333 = arith.constant 48 : index
        %parallel_loop3A_334 = tpu.vector_load %parallel_loop3A_331[%parallel_loop3A_332, %parallel_loop3A_333] {strides = array<i32>} : memref<128x128xf32, #tpu.memory_space<vmem>>, vector<1x16xf32>,
        %parallel_loop3A_335 = vector.shape_cast %parallel_loop3A_334 : vector<1x16xf32> to vector<16xf32>
        %parallel_loop3A_336 = arith.constant 0 : i32
        %parallel_loop3A_337 = arith.constant 0 : i32
        %parallel_loop3A_338 = tpu.memref_slice %arg6[%parallel_loop3A_180, %parallel_loop3A_336, %parallel_loop3A_337] : memref<3x128x128xf32, #tpu.memory_space<vmem>> -> memref<1x128x128xf32, #tpu.memory_space<vmem>>
        %parallel_loop3A_339 = tpu.memref_squeeze %parallel_loop3A_338 : memref<1x128x128xf32, #tpu.memory_space<vmem>> -> memref<128x128xf32, #tpu.memory_space<vmem>>
        %parallel_loop3A_340 = arith.index_cast %parallel_loop3A_303 : i32 to index
        %parallel_loop3A_341 = arith.constant 64 : index
        %parallel_loop3A_342 = tpu.vector_load %parallel_loop3A_339[%parallel_loop3A_340, %parallel_loop3A_341] {strides = array<i32>} : memref<128x128xf32, #tpu.memory_space<vmem>>, vector<1x16xf32>,
        %parallel_loop3A_343 = vector.shape_cast %parallel_loop3A_342 : vector<1x16xf32> to vector<16xf32>
        %parallel_loop3A_344 = arith.constant 0 : i32
        %parallel_loop3A_345 = arith.constant 0 : i32
        %parallel_loop3A_346 = tpu.memref_slice %arg6[%parallel_loop3A_180, %parallel_loop3A_344, %parallel_loop3A_345] : memref<3x128x128xf32, #tpu.memory_space<vmem>> -> memref<1x128x128xf32, #tpu.memory_space<vmem>>
        %parallel_loop3A_347 = tpu.memref_squeeze %parallel_loop3A_346 : memref<1x128x128xf32, #tpu.memory_space<vmem>> -> memref<128x128xf32, #tpu.memory_space<vmem>>
        %parallel_loop3A_348 = arith.index_cast %parallel_loop3A_303 : i32 to index
        %parallel_loop3A_349 = arith.constant 80 : index
        %parallel_loop3A_350 = tpu.vector_load %parallel_loop3A_347[%parallel_loop3A_348, %parallel_loop3A_349] {strides = array<i32>} : memref<128x128xf32, #tpu.memory_space<vmem>>, vector<1x16xf32>,
        %parallel_loop3A_351 = vector.shape_cast %parallel_loop3A_350 : vector<1x16xf32> to vector<16xf32>
        %parallel_loop3A_352 = arith.constant 0 : i32
        %parallel_loop3A_353 = arith.constant 0 : i32
        %parallel_loop3A_354 = tpu.memref_slice %arg6[%parallel_loop3A_180, %parallel_loop3A_352, %parallel_loop3A_353] : memref<3x128x128xf32, #tpu.memory_space<vmem>> -> memref<1x128x128xf32, #tpu.memory_space<vmem>>
        %parallel_loop3A_355 = tpu.memref_squeeze %parallel_loop3A_354 : memref<1x128x128xf32, #tpu.memory_space<vmem>> -> memref<128x128xf32, #tpu.memory_space<vmem>>
        %parallel_loop3A_356 = arith.index_cast %parallel_loop3A_303 : i32 to index
        %parallel_loop3A_357 = arith.constant 96 : index
        %parallel_loop3A_358 = tpu.vector_load %parallel_loop3A_355[%parallel_loop3A_356, %parallel_loop3A_357] {strides = array<i32>} : memref<128x128xf32, #tpu.memory_space<vmem>>, vector<1x16xf32>,
        %parallel_loop3A_359 = vector.shape_cast %parallel_loop3A_358 : vector<1x16xf32> to vector<16xf32>
        %parallel_loop3A_360 = arith.constant 0 : i32
        %parallel_loop3A_361 = arith.constant 0 : i32
        %parallel_loop3A_362 = tpu.memref_slice %arg6[%parallel_loop3A_180, %parallel_loop3A_360, %parallel_loop3A_361] : memref<3x128x128xf32, #tpu.memory_space<vmem>> -> memref<1x128x128xf32, #tpu.memory_space<vmem>>
        %parallel_loop3A_363 = tpu.memref_squeeze %parallel_loop3A_362 : memref<1x128x128xf32, #tpu.memory_space<vmem>> -> memref<128x128xf32, #tpu.memory_space<vmem>>
        %parallel_loop3A_364 = arith.index_cast %parallel_loop3A_303 : i32 to index
        %parallel_loop3A_365 = arith.constant 112 : index
        %parallel_loop3A_366 = tpu.vector_load %parallel_loop3A_363[%parallel_loop3A_364, %parallel_loop3A_365] {strides = array<i32>} : memref<128x128xf32, #tpu.memory_space<vmem>>, vector<1x16xf32>,
        %parallel_loop3A_367 = vector.shape_cast %parallel_loop3A_366 : vector<1x16xf32> to vector<16xf32>
        %parallel_loop3A_368 = arith.mulf %parallel_loop3A_311, %parallel_loop3A_311 : vector<16xf32>
        %parallel_loop3A_369 = arith.addf %parallel_loop3A_311, %parallel_loop3A_319 : vector<16xf32>
        %parallel_loop3A_370 = arith.mulf %parallel_loop3A_319, %parallel_loop3A_319 : vector<16xf32>
        %parallel_loop3A_371 = arith.addf %parallel_loop3A_368, %parallel_loop3A_370 : vector<16xf32>
        %parallel_loop3A_372 = arith.addf %parallel_loop3A_369, %parallel_loop3A_327 : vector<16xf32>
        %parallel_loop3A_373 = arith.mulf %parallel_loop3A_327, %parallel_loop3A_327 : vector<16xf32>
        %parallel_loop3A_374 = arith.addf %parallel_loop3A_371, %parallel_loop3A_373 : vector<16xf32>
        %parallel_loop3A_375 = arith.addf %parallel_loop3A_372, %parallel_loop3A_335 : vector<16xf32>
        %parallel_loop3A_376 = arith.mulf %parallel_loop3A_335, %parallel_loop3A_335 : vector<16xf32>
        %parallel_loop3A_377 = arith.addf %parallel_loop3A_374, %parallel_loop3A_376 : vector<16xf32>
        %parallel_loop3A_378 = arith.addf %parallel_loop3A_375, %parallel_loop3A_343 : vector<16xf32>
        %parallel_loop3A_379 = arith.mulf %parallel_loop3A_343, %parallel_loop3A_343 : vector<16xf32>
        %parallel_loop3A_380 = arith.addf %parallel_loop3A_377, %parallel_loop3A_379 : vector<16xf32>
        %parallel_loop3A_381 = arith.addf %parallel_loop3A_378, %parallel_loop3A_351 : vector<16xf32>
        %parallel_loop3A_382 = arith.mulf %parallel_loop3A_351, %parallel_loop3A_351 : vector<16xf32>
        %parallel_loop3A_383 = arith.addf %parallel_loop3A_380, %parallel_loop3A_382 : vector<16xf32>
        %parallel_loop3A_384 = arith.addf %parallel_loop3A_381, %parallel_loop3A_359 : vector<16xf32>
        %parallel_loop3A_385 = arith.mulf %parallel_loop3A_359, %parallel_loop3A_359 : vector<16xf32>
        %parallel_loop3A_386 = arith.addf %parallel_loop3A_383, %parallel_loop3A_385 : vector<16xf32>
        %parallel_loop3A_387 = arith.addf %parallel_loop3A_384, %parallel_loop3A_367 : vector<16xf32>
        %parallel_loop3A_388 = arith.mulf %parallel_loop3A_367, %parallel_loop3A_367 : vector<16xf32>
        %parallel_loop3A_389 = arith.addf %parallel_loop3A_386, %parallel_loop3A_388 : vector<16xf32>
        %parallel_loop3A_390 = tpu.iota {dimensions = array<i32: 0>} : vector<16xi32>
        %parallel_loop3A_391 = arith.constant 8 : i32
        %parallel_loop3A_392 = vector.broadcast %parallel_loop3A_391 : i32 to vector<16xi32>
        %parallel_loop3A_393 = arith.xori %parallel_loop3A_390, %parallel_loop3A_392 : vector<16xi32>
        %parallel_loop3A_394 = vector.shape_cast %parallel_loop3A_393 : vector<16xi32> to vector<16x1xi32>
        %parallel_loop3A_395 = vector.shape_cast %parallel_loop3A_394 : vector<16x1xi32> to vector<16xi32>
        %parallel_loop3A_396 = tpu.dynamic_gather %parallel_loop3A_387[%parallel_loop3A_395] in [0] : vector<16xf32>, vector<16xi32> -> vector<16xf32>
        %parallel_loop3A_397 = arith.addf %parallel_loop3A_387, %parallel_loop3A_396 : vector<16xf32>
        %parallel_loop3A_398 = tpu.iota {dimensions = array<i32: 0>} : vector<16xi32>
        %parallel_loop3A_399 = arith.constant 4 : i32
        %parallel_loop3A_400 = vector.broadcast %parallel_loop3A_399 : i32 to vector<16xi32>
        %parallel_loop3A_401 = arith.xori %parallel_loop3A_398, %parallel_loop3A_400 : vector<16xi32>
        %parallel_loop3A_402 = vector.shape_cast %parallel_loop3A_401 : vector<16xi32> to vector<16x1xi32>
        %parallel_loop3A_403 = vector.shape_cast %parallel_loop3A_402 : vector<16x1xi32> to vector<16xi32>
        %parallel_loop3A_404 = tpu.dynamic_gather %parallel_loop3A_397[%parallel_loop3A_403] in [0] : vector<16xf32>, vector<16xi32> -> vector<16xf32>
        %parallel_loop3A_405 = arith.addf %parallel_loop3A_397, %parallel_loop3A_404 : vector<16xf32>
        %parallel_loop3A_406 = tpu.iota {dimensions = array<i32: 0>} : vector<16xi32>
        %parallel_loop3A_407 = arith.constant 2 : i32
        %parallel_loop3A_408 = vector.broadcast %parallel_loop3A_407 : i32 to vector<16xi32>
        %parallel_loop3A_409 = arith.xori %parallel_loop3A_406, %parallel_loop3A_408 : vector<16xi32>
        %parallel_loop3A_410 = vector.shape_cast %parallel_loop3A_409 : vector<16xi32> to vector<16x1xi32>
        %parallel_loop3A_411 = vector.shape_cast %parallel_loop3A_410 : vector<16x1xi32> to vector<16xi32>
        %parallel_loop3A_412 = tpu.dynamic_gather %parallel_loop3A_405[%parallel_loop3A_411] in [0] : vector<16xf32>, vector<16xi32> -> vector<16xf32>
        %parallel_loop3A_413 = arith.addf %parallel_loop3A_405, %parallel_loop3A_412 : vector<16xf32>
        %parallel_loop3A_414 = tpu.iota {dimensions = array<i32: 0>} : vector<16xi32>
        %parallel_loop3A_415 = arith.constant 1 : i32
        %parallel_loop3A_416 = vector.broadcast %parallel_loop3A_415 : i32 to vector<16xi32>
        %parallel_loop3A_417 = arith.xori %parallel_loop3A_414, %parallel_loop3A_416 : vector<16xi32>
        %parallel_loop3A_418 = vector.shape_cast %parallel_loop3A_417 : vector<16xi32> to vector<16x1xi32>
        %parallel_loop3A_419 = vector.shape_cast %parallel_loop3A_418 : vector<16x1xi32> to vector<16xi32>
        %parallel_loop3A_420 = tpu.dynamic_gather %parallel_loop3A_413[%parallel_loop3A_419] in [0] : vector<16xf32>, vector<16xi32> -> vector<16xf32>
        %parallel_loop3A_421 = arith.addf %parallel_loop3A_413, %parallel_loop3A_420 : vector<16xf32>
        %parallel_loop3A_422 = arith.constant 7.812500e-03 : f32
        %parallel_loop3A_423 = vector.broadcast %parallel_loop3A_422 : f32 to vector<16xf32>
        %parallel_loop3A_424 = arith.mulf %parallel_loop3A_421, %parallel_loop3A_423 : vector<16xf32>
        %parallel_loop3A_425 = tpu.iota {dimensions = array<i32: 0>} : vector<16xi32>
        %parallel_loop3A_426 = arith.constant 8 : i32
        %parallel_loop3A_427 = vector.broadcast %parallel_loop3A_426 : i32 to vector<16xi32>
        %parallel_loop3A_428 = arith.xori %parallel_loop3A_425, %parallel_loop3A_427 : vector<16xi32>
        %parallel_loop3A_429 = vector.shape_cast %parallel_loop3A_428 : vector<16xi32> to vector<16x1xi32>
        %parallel_loop3A_430 = vector.shape_cast %parallel_loop3A_429 : vector<16x1xi32> to vector<16xi32>
        %parallel_loop3A_431 = tpu.dynamic_gather %parallel_loop3A_389[%parallel_loop3A_430] in [0] : vector<16xf32>, vector<16xi32> -> vector<16xf32>
        %parallel_loop3A_432 = arith.addf %parallel_loop3A_389, %parallel_loop3A_431 : vector<16xf32>
        %parallel_loop3A_433 = tpu.iota {dimensions = array<i32: 0>} : vector<16xi32>
        %parallel_loop3A_434 = arith.constant 4 : i32
        %parallel_loop3A_435 = vector.broadcast %parallel_loop3A_434 : i32 to vector<16xi32>
        %parallel_loop3A_436 = arith.xori %parallel_loop3A_433, %parallel_loop3A_435 : vector<16xi32>
        %parallel_loop3A_437 = vector.shape_cast %parallel_loop3A_436 : vector<16xi32> to vector<16x1xi32>
        %parallel_loop3A_438 = vector.shape_cast %parallel_loop3A_437 : vector<16x1xi32> to vector<16xi32>
        %parallel_loop3A_439 = tpu.dynamic_gather %parallel_loop3A_432[%parallel_loop3A_438] in [0] : vector<16xf32>, vector<16xi32> -> vector<16xf32>
        %parallel_loop3A_440 = arith.addf %parallel_loop3A_432, %parallel_loop3A_439 : vector<16xf32>
        %parallel_loop3A_441 = tpu.iota {dimensions = array<i32: 0>} : vector<16xi32>
        %parallel_loop3A_442 = arith.constant 2 : i32
        %parallel_loop3A_443 = vector.broadcast %parallel_loop3A_442 : i32 to vector<16xi32>
        %parallel_loop3A_444 = arith.xori %parallel_loop3A_441, %parallel_loop3A_443 : vector<16xi32>
        %parallel_loop3A_445 = vector.shape_cast %parallel_loop3A_444 : vector<16xi32> to vector<16x1xi32>
        %parallel_loop3A_446 = vector.shape_cast %parallel_loop3A_445 : vector<16x1xi32> to vector<16xi32>
        %parallel_loop3A_447 = tpu.dynamic_gather %parallel_loop3A_440[%parallel_loop3A_446] in [0] : vector<16xf32>, vector<16xi32> -> vector<16xf32>
        %parallel_loop3A_448 = arith.addf %parallel_loop3A_440, %parallel_loop3A_447 : vector<16xf32>
        %parallel_loop3A_449 = tpu.iota {dimensions = array<i32: 0>} : vector<16xi32>
        %parallel_loop3A_450 = arith.constant 1 : i32
        %parallel_loop3A_451 = vector.broadcast %parallel_loop3A_450 : i32 to vector<16xi32>
        %parallel_loop3A_452 = arith.xori %parallel_loop3A_449, %parallel_loop3A_451 : vector<16xi32>
        %parallel_loop3A_453 = vector.shape_cast %parallel_loop3A_452 : vector<16xi32> to vector<16x1xi32>
        %parallel_loop3A_454 = vector.shape_cast %parallel_loop3A_453 : vector<16x1xi32> to vector<16xi32>
        %parallel_loop3A_455 = tpu.dynamic_gather %parallel_loop3A_448[%parallel_loop3A_454] in [0] : vector<16xf32>, vector<16xi32> -> vector<16xf32>
        %parallel_loop3A_456 = arith.addf %parallel_loop3A_448, %parallel_loop3A_455 : vector<16xf32>
        %parallel_loop3A_457 = arith.constant 7.812500e-03 : f32
        %parallel_loop3A_458 = vector.broadcast %parallel_loop3A_457 : f32 to vector<16xf32>
        %parallel_loop3A_459 = arith.mulf %parallel_loop3A_456, %parallel_loop3A_458 : vector<16xf32>
        %parallel_loop3A_460 = arith.mulf %parallel_loop3A_424, %parallel_loop3A_424 : vector<16xf32>
        %parallel_loop3A_461 = arith.subf %parallel_loop3A_459, %parallel_loop3A_460 : vector<16xf32>
        %parallel_loop3A_462 = arith.constant 9.99999996E-13 : f32
        %parallel_loop3A_463 = vector.broadcast %parallel_loop3A_462 : f32 to vector<16xf32>
        %parallel_loop3A_464 = arith.addf %parallel_loop3A_461, %parallel_loop3A_463 : vector<16xf32>
        %parallel_loop3A_465 = tpu.bitcast %parallel_loop3A_464 : vector<16xf32> -> vector<16xi32>
        %parallel_loop3A_466 = arith.constant 1 : i32
        %parallel_loop3A_467 = vector.broadcast %parallel_loop3A_466 : i32 to vector<16xi32>
        %parallel_loop3A_468 = arith.shrsi %parallel_loop3A_465, %parallel_loop3A_467 : vector<16xi32>
        %parallel_loop3A_469 = arith.constant 1597463007 : i32
        %parallel_loop3A_470 = vector.broadcast %parallel_loop3A_469 : i32 to vector<16xi32>
        %parallel_loop3A_471 = arith.subi %parallel_loop3A_470, %parallel_loop3A_468 : vector<16xi32>
        %parallel_loop3A_472 = tpu.bitcast %parallel_loop3A_471 : vector<16xi32> -> vector<16xf32>
        %parallel_loop3A_473 = arith.constant 5.000000e-01 : f32
        %parallel_loop3A_474 = vector.broadcast %parallel_loop3A_473 : f32 to vector<16xf32>
        %parallel_loop3A_475 = arith.mulf %parallel_loop3A_474, %parallel_loop3A_464 : vector<16xf32>
        %parallel_loop3A_476 = arith.mulf %parallel_loop3A_475, %parallel_loop3A_472 : vector<16xf32>
        %parallel_loop3A_477 = arith.mulf %parallel_loop3A_476, %parallel_loop3A_472 : vector<16xf32>
        %parallel_loop3A_478 = arith.constant 1.500000e+00 : f32
        %parallel_loop3A_479 = vector.broadcast %parallel_loop3A_478 : f32 to vector<16xf32>
        %parallel_loop3A_480 = arith.subf %parallel_loop3A_479, %parallel_loop3A_477 : vector<16xf32>
        %parallel_loop3A_481 = arith.mulf %parallel_loop3A_472, %parallel_loop3A_480 : vector<16xf32>
        %parallel_loop3A_482 = arith.constant 0.000000e+00 : f32
        %parallel_loop3A_483 = vector.broadcast %parallel_loop3A_482 : f32 to vector<16xf32>
        %parallel_loop3A_484 = arith.subf %parallel_loop3A_483, %parallel_loop3A_424 : vector<16xf32>
        %parallel_loop3A_485 = arith.mulf %parallel_loop3A_484, %parallel_loop3A_481 : vector<16xf32>
        %parallel_loop3A_486 = arith.mulf %parallel_loop3A_311, %parallel_loop3A_481 : vector<16xf32>
        %parallel_loop3A_487 = arith.addf %parallel_loop3A_486, %parallel_loop3A_485 : vector<16xf32>
        %parallel_loop3A_488 = arith.constant 0 : i32
        %parallel_loop3A_489 = arith.constant 0 : i32
        %parallel_loop3A_490 = tpu.memref_slice %arg6[%parallel_loop3A_180, %parallel_loop3A_488, %parallel_loop3A_489] : memref<3x128x128xf32, #tpu.memory_space<vmem>> -> memref<1x128x128xf32, #tpu.memory_space<vmem>>
        %parallel_loop3A_491 = tpu.memref_squeeze %parallel_loop3A_490 : memref<1x128x128xf32, #tpu.memory_space<vmem>> -> memref<128x128xf32, #tpu.memory_space<vmem>>
        %parallel_loop3A_492 = arith.index_cast %parallel_loop3A_303 : i32 to index
        %parallel_loop3A_493 = arith.constant 0 : index
        %parallel_loop3A_494 = tpu.vector_load %parallel_loop3A_491[%parallel_loop3A_492, %parallel_loop3A_493] {strides = array<i32>} : memref<128x128xf32, #tpu.memory_space<vmem>>, vector<1x16xf32>,
        %parallel_loop3A_495 = vector.shape_cast %parallel_loop3A_494 : vector<1x16xf32> to vector<16xf32>
        %parallel_loop3A_496 = vector.shape_cast %parallel_loop3A_487 : vector<16xf32> to vector<1x16xf32>
        tpu.vector_store %parallel_loop3A_491[%parallel_loop3A_492, %parallel_loop3A_493], %parallel_loop3A_496 {strides = array<i32>} : memref<128x128xf32, #tpu.memory_space<vmem>>, vector<1x16xf32>,
        %parallel_loop3A_497 = arith.mulf %parallel_loop3A_319, %parallel_loop3A_481 : vector<16xf32>
        %parallel_loop3A_498 = arith.addf %parallel_loop3A_497, %parallel_loop3A_485 : vector<16xf32>
        %parallel_loop3A_499 = arith.constant 0 : i32
        %parallel_loop3A_500 = arith.constant 0 : i32
        %parallel_loop3A_501 = tpu.memref_slice %arg6[%parallel_loop3A_180, %parallel_loop3A_499, %parallel_loop3A_500] : memref<3x128x128xf32, #tpu.memory_space<vmem>> -> memref<1x128x128xf32, #tpu.memory_space<vmem>>
        %parallel_loop3A_502 = tpu.memref_squeeze %parallel_loop3A_501 : memref<1x128x128xf32, #tpu.memory_space<vmem>> -> memref<128x128xf32, #tpu.memory_space<vmem>>
        %parallel_loop3A_503 = arith.index_cast %parallel_loop3A_303 : i32 to index
        %parallel_loop3A_504 = arith.constant 16 : index
        %parallel_loop3A_505 = tpu.vector_load %parallel_loop3A_502[%parallel_loop3A_503, %parallel_loop3A_504] {strides = array<i32>} : memref<128x128xf32, #tpu.memory_space<vmem>>, vector<1x16xf32>,
        %parallel_loop3A_506 = vector.shape_cast %parallel_loop3A_505 : vector<1x16xf32> to vector<16xf32>
        %parallel_loop3A_507 = vector.shape_cast %parallel_loop3A_498 : vector<16xf32> to vector<1x16xf32>
        tpu.vector_store %parallel_loop3A_502[%parallel_loop3A_503, %parallel_loop3A_504], %parallel_loop3A_507 {strides = array<i32>} : memref<128x128xf32, #tpu.memory_space<vmem>>, vector<1x16xf32>,
        %parallel_loop3A_508 = arith.mulf %parallel_loop3A_327, %parallel_loop3A_481 : vector<16xf32>
        %parallel_loop3A_509 = arith.addf %parallel_loop3A_508, %parallel_loop3A_485 : vector<16xf32>
        %parallel_loop3A_510 = arith.constant 0 : i32
        %parallel_loop3A_511 = arith.constant 0 : i32
        %parallel_loop3A_512 = tpu.memref_slice %arg6[%parallel_loop3A_180, %parallel_loop3A_510, %parallel_loop3A_511] : memref<3x128x128xf32, #tpu.memory_space<vmem>> -> memref<1x128x128xf32, #tpu.memory_space<vmem>>
        %parallel_loop3A_513 = tpu.memref_squeeze %parallel_loop3A_512 : memref<1x128x128xf32, #tpu.memory_space<vmem>> -> memref<128x128xf32, #tpu.memory_space<vmem>>
        %parallel_loop3A_514 = arith.index_cast %parallel_loop3A_303 : i32 to index
        %parallel_loop3A_515 = arith.constant 32 : index
        %parallel_loop3A_516 = tpu.vector_load %parallel_loop3A_513[%parallel_loop3A_514, %parallel_loop3A_515] {strides = array<i32>} : memref<128x128xf32, #tpu.memory_space<vmem>>, vector<1x16xf32>,
        %parallel_loop3A_517 = vector.shape_cast %parallel_loop3A_516 : vector<1x16xf32> to vector<16xf32>
        %parallel_loop3A_518 = vector.shape_cast %parallel_loop3A_509 : vector<16xf32> to vector<1x16xf32>
        tpu.vector_store %parallel_loop3A_513[%parallel_loop3A_514, %parallel_loop3A_515], %parallel_loop3A_518 {strides = array<i32>} : memref<128x128xf32, #tpu.memory_space<vmem>>, vector<1x16xf32>,
        %parallel_loop3A_519 = arith.mulf %parallel_loop3A_335, %parallel_loop3A_481 : vector<16xf32>
        %parallel_loop3A_520 = arith.addf %parallel_loop3A_519, %parallel_loop3A_485 : vector<16xf32>
        %parallel_loop3A_521 = arith.constant 0 : i32
        %parallel_loop3A_522 = arith.constant 0 : i32
        %parallel_loop3A_523 = tpu.memref_slice %arg6[%parallel_loop3A_180, %parallel_loop3A_521, %parallel_loop3A_522] : memref<3x128x128xf32, #tpu.memory_space<vmem>> -> memref<1x128x128xf32, #tpu.memory_space<vmem>>
        %parallel_loop3A_524 = tpu.memref_squeeze %parallel_loop3A_523 : memref<1x128x128xf32, #tpu.memory_space<vmem>> -> memref<128x128xf32, #tpu.memory_space<vmem>>
        %parallel_loop3A_525 = arith.index_cast %parallel_loop3A_303 : i32 to index
        %parallel_loop3A_526 = arith.constant 48 : index
        %parallel_loop3A_527 = tpu.vector_load %parallel_loop3A_524[%parallel_loop3A_525, %parallel_loop3A_526] {strides = array<i32>} : memref<128x128xf32, #tpu.memory_space<vmem>>, vector<1x16xf32>,
        %parallel_loop3A_528 = vector.shape_cast %parallel_loop3A_527 : vector<1x16xf32> to vector<16xf32>
        %parallel_loop3A_529 = vector.shape_cast %parallel_loop3A_520 : vector<16xf32> to vector<1x16xf32>
        tpu.vector_store %parallel_loop3A_524[%parallel_loop3A_525, %parallel_loop3A_526], %parallel_loop3A_529 {strides = array<i32>} : memref<128x128xf32, #tpu.memory_space<vmem>>, vector<1x16xf32>,
        %parallel_loop3A_530 = arith.mulf %parallel_loop3A_343, %parallel_loop3A_481 : vector<16xf32>
        %parallel_loop3A_531 = arith.addf %parallel_loop3A_530, %parallel_loop3A_485 : vector<16xf32>
        %parallel_loop3A_532 = arith.constant 0 : i32
        %parallel_loop3A_533 = arith.constant 0 : i32
        %parallel_loop3A_534 = tpu.memref_slice %arg6[%parallel_loop3A_180, %parallel_loop3A_532, %parallel_loop3A_533] : memref<3x128x128xf32, #tpu.memory_space<vmem>> -> memref<1x128x128xf32, #tpu.memory_space<vmem>>
        %parallel_loop3A_535 = tpu.memref_squeeze %parallel_loop3A_534 : memref<1x128x128xf32, #tpu.memory_space<vmem>> -> memref<128x128xf32, #tpu.memory_space<vmem>>
        %parallel_loop3A_536 = arith.index_cast %parallel_loop3A_303 : i32 to index
        %parallel_loop3A_537 = arith.constant 64 : index
        %parallel_loop3A_538 = tpu.vector_load %parallel_loop3A_535[%parallel_loop3A_536, %parallel_loop3A_537] {strides = array<i32>} : memref<128x128xf32, #tpu.memory_space<vmem>>, vector<1x16xf32>,
        %parallel_loop3A_539 = vector.shape_cast %parallel_loop3A_538 : vector<1x16xf32> to vector<16xf32>
        %parallel_loop3A_540 = vector.shape_cast %parallel_loop3A_531 : vector<16xf32> to vector<1x16xf32>
        tpu.vector_store %parallel_loop3A_535[%parallel_loop3A_536, %parallel_loop3A_537], %parallel_loop3A_540 {strides = array<i32>} : memref<128x128xf32, #tpu.memory_space<vmem>>, vector<1x16xf32>,
        %parallel_loop3A_541 = arith.mulf %parallel_loop3A_351, %parallel_loop3A_481 : vector<16xf32>
        %parallel_loop3A_542 = arith.addf %parallel_loop3A_541, %parallel_loop3A_485 : vector<16xf32>
        %parallel_loop3A_543 = arith.constant 0 : i32
        %parallel_loop3A_544 = arith.constant 0 : i32
        %parallel_loop3A_545 = tpu.memref_slice %arg6[%parallel_loop3A_180, %parallel_loop3A_543, %parallel_loop3A_544] : memref<3x128x128xf32, #tpu.memory_space<vmem>> -> memref<1x128x128xf32, #tpu.memory_space<vmem>>
        %parallel_loop3A_546 = tpu.memref_squeeze %parallel_loop3A_545 : memref<1x128x128xf32, #tpu.memory_space<vmem>> -> memref<128x128xf32, #tpu.memory_space<vmem>>
        %parallel_loop3A_547 = arith.index_cast %parallel_loop3A_303 : i32 to index
        %parallel_loop3A_548 = arith.constant 80 : index
        %parallel_loop3A_549 = tpu.vector_load %parallel_loop3A_546[%parallel_loop3A_547, %parallel_loop3A_548] {strides = array<i32>} : memref<128x128xf32, #tpu.memory_space<vmem>>, vector<1x16xf32>,
        %parallel_loop3A_550 = vector.shape_cast %parallel_loop3A_549 : vector<1x16xf32> to vector<16xf32>
        %parallel_loop3A_551 = vector.shape_cast %parallel_loop3A_542 : vector<16xf32> to vector<1x16xf32>
        tpu.vector_store %parallel_loop3A_546[%parallel_loop3A_547, %parallel_loop3A_548], %parallel_loop3A_551 {strides = array<i32>} : memref<128x128xf32, #tpu.memory_space<vmem>>, vector<1x16xf32>,
        %parallel_loop3A_552 = arith.mulf %parallel_loop3A_359, %parallel_loop3A_481 : vector<16xf32>
        %parallel_loop3A_553 = arith.addf %parallel_loop3A_552, %parallel_loop3A_485 : vector<16xf32>
        %parallel_loop3A_554 = arith.constant 0 : i32
        %parallel_loop3A_555 = arith.constant 0 : i32
        %parallel_loop3A_556 = tpu.memref_slice %arg6[%parallel_loop3A_180, %parallel_loop3A_554, %parallel_loop3A_555] : memref<3x128x128xf32, #tpu.memory_space<vmem>> -> memref<1x128x128xf32, #tpu.memory_space<vmem>>
        %parallel_loop3A_557 = tpu.memref_squeeze %parallel_loop3A_556 : memref<1x128x128xf32, #tpu.memory_space<vmem>> -> memref<128x128xf32, #tpu.memory_space<vmem>>
        %parallel_loop3A_558 = arith.index_cast %parallel_loop3A_303 : i32 to index
        %parallel_loop3A_559 = arith.constant 96 : index
        %parallel_loop3A_560 = tpu.vector_load %parallel_loop3A_557[%parallel_loop3A_558, %parallel_loop3A_559] {strides = array<i32>} : memref<128x128xf32, #tpu.memory_space<vmem>>, vector<1x16xf32>,
        %parallel_loop3A_561 = vector.shape_cast %parallel_loop3A_560 : vector<1x16xf32> to vector<16xf32>
        %parallel_loop3A_562 = vector.shape_cast %parallel_loop3A_553 : vector<16xf32> to vector<1x16xf32>
        tpu.vector_store %parallel_loop3A_557[%parallel_loop3A_558, %parallel_loop3A_559], %parallel_loop3A_562 {strides = array<i32>} : memref<128x128xf32, #tpu.memory_space<vmem>>, vector<1x16xf32>,
        %parallel_loop3A_563 = arith.mulf %parallel_loop3A_367, %parallel_loop3A_481 : vector<16xf32>
        %parallel_loop3A_564 = arith.addf %parallel_loop3A_563, %parallel_loop3A_485 : vector<16xf32>
        %parallel_loop3A_565 = arith.constant 0 : i32
        %parallel_loop3A_566 = arith.constant 0 : i32
        %parallel_loop3A_567 = tpu.memref_slice %arg6[%parallel_loop3A_180, %parallel_loop3A_565, %parallel_loop3A_566] : memref<3x128x128xf32, #tpu.memory_space<vmem>> -> memref<1x128x128xf32, #tpu.memory_space<vmem>>
        %parallel_loop3A_568 = tpu.memref_squeeze %parallel_loop3A_567 : memref<1x128x128xf32, #tpu.memory_space<vmem>> -> memref<128x128xf32, #tpu.memory_space<vmem>>
        %parallel_loop3A_569 = arith.index_cast %parallel_loop3A_303 : i32 to index
        %parallel_loop3A_570 = arith.constant 112 : index
        %parallel_loop3A_571 = tpu.vector_load %parallel_loop3A_568[%parallel_loop3A_569, %parallel_loop3A_570] {strides = array<i32>} : memref<128x128xf32, #tpu.memory_space<vmem>>, vector<1x16xf32>,
        %parallel_loop3A_572 = vector.shape_cast %parallel_loop3A_571 : vector<1x16xf32> to vector<16xf32>
        %parallel_loop3A_573 = vector.shape_cast %parallel_loop3A_564 : vector<16xf32> to vector<1x16xf32>
        tpu.vector_store %parallel_loop3A_568[%parallel_loop3A_569, %parallel_loop3A_570], %parallel_loop3A_573 {strides = array<i32>} : memref<128x128xf32, #tpu.memory_space<vmem>>, vector<1x16xf32>,
      } {sc.loop_unroll_factor = 4 : i64, sc.parallel_access}
      %mul3A_181 = arith.constant 128 : i32
      %mul3A_182 = arith.muli %add3A_150, %mul3A_181 : i32
      %add3A_183 = arith.addi %mul3A_2, %mul3A_182 : i32
      %dma_start3A_184 = arith.constant 0 : i32
      %dma_start3A_185 = arith.constant 0 : i32
      %dma_start3A_186 = arith.constant 0 : i32
      %dma_start3A_187 = tpu.memref_slice %arg6[%dma_start3A_184, %dma_start3A_185, %dma_start3A_186] : memref<3x128x128xf32, #tpu.memory_space<vmem>> -> memref<1x128x128xf32, #tpu.memory_space<vmem>>
      %dma_start3A_188 = tpu.memref_squeeze %dma_start3A_187 : memref<1x128x128xf32, #tpu.memory_space<vmem>> -> memref<128x128xf32, #tpu.memory_space<vmem>>
      %dma_start3A_189 = arith.constant 0 : i32
      %dma_start3A_190 = tpu.memref_slice %arg4[%add3A_183, %dma_start3A_189] : memref<204800x128xf32, #tpu.memory_space<hbm>> -> memref<128x128xf32, #tpu.memory_space<hbm>>
      %dma_start3A_191 = arith.constant 0 : i32
      %dma_start3A_192 = tpu.memref_slice %arg4[%add3A_183, %dma_start3A_191] : memref<204800x128xf32, #tpu.memory_space<hbm>> -> memref<128x128xf32, #tpu.memory_space<hbm>>
      %dma_start3A_193 = arith.constant 0 : i32
      %dma_start3A_194 = arith.constant 0 : i32
      %dma_start3A_195 = tpu.memref_slice %arg6[%dma_start3A_184, %dma_start3A_193, %dma_start3A_194] : memref<3x128x128xf32, #tpu.memory_space<vmem>> -> memref<1x128x128xf32, #tpu.memory_space<vmem>>
      %dma_start3A_196 = tpu.memref_squeeze %dma_start3A_195 : memref<1x128x128xf32, #tpu.memory_space<vmem>> -> memref<128x128xf32, #tpu.memory_space<vmem>>
      tpu.enqueue_dma source(%dma_start3A_196 : memref<128x128xf32, #tpu.memory_space<vmem>>) target(%dma_start3A_192 : memref<128x128xf32, #tpu.memory_space<hbm>>) target_semaphore(%arg10 : memref<!tpu.dma_semaphore, #tpu.memory_space<semaphore_mem>>)
      %mul3A_197 = arith.constant 3 : i32
      %mul3A_198 = arith.muli %mul3A_197, %scan3A_146 : i32
      %add3A_199 = arith.constant 1 : i32
      %add3A_200 = arith.addi %mul3A_198, %add3A_199 : i32
      %dma_wait3A_201 = arith.constant 1 : i32
      %dma_wait3A_202 = arith.constant 0 : i32
      %dma_wait3A_203 = arith.constant 0 : i32
      %dma_wait3A_204 = tpu.memref_slice %arg6[%dma_wait3A_201, %dma_wait3A_202, %dma_wait3A_203] : memref<3x128x128xf32, #tpu.memory_space<vmem>> -> memref<1x128x128xf32, #tpu.memory_space<vmem>>
      %dma_wait3A_205 = tpu.memref_squeeze %dma_wait3A_204 : memref<1x128x128xf32, #tpu.memory_space<vmem>> -> memref<128x128xf32, #tpu.memory_space<vmem>>
      %dma_wait3A_206 = arith.constant 0 : i32
      %dma_wait3A_207 = tpu.memref_slice %arg5[%add3A_200, %dma_wait3A_206] : memref<50x128xi32, #tpu.memory_space<vmem>> -> memref<1x128xi32, #tpu.memory_space<vmem>>
      %dma_wait3A_208 = tpu.memref_squeeze %dma_wait3A_207 : memref<1x128xi32, #tpu.memory_space<vmem>> -> memref<128xi32, #tpu.memory_space<vmem>>
      %dma_wait3A_209 = arith.constant 0 : i32
      %dma_wait3A_210 = arith.constant 0 : i32
      %dma_wait3A_211 = tpu.memref_slice %arg3[%dma_wait3A_209, %dma_wait3A_210] : memref<100000x128xf32, #tpu.memory_space<hbm>> -> memref<100000x128xf32, #tpu.memory_space<hbm>>
      tpu.wait_indirect_dma semaphore(%arg8 : memref<!tpu.dma_semaphore, #tpu.memory_space<semaphore_mem>>) src(%dma_wait3A_211 : memref<100000x128xf32, #tpu.memory_space<hbm>>) dst(%dma_wait3A_205 : memref<128x128xf32, #tpu.memory_space<vmem>>)
      %ge3A_212 = arith.constant 1 : i32
      %ge3A_213 = arith.cmpi sge, %add3A_200, %ge3A_212 : i32
      %convert_element_type3A_214 = arith.extui %ge3A_213 : i1 to i32
      %cond3A_215 = arith.constant 0 : i32
      %cond3A_216 = arith.cmpi ne, %convert_element_type3A_214, %cond3A_215 : i32
      scf.if %cond3A_216 {
        %sub3A = arith.constant 1 : i32
        %sub3A_303 = arith.subi %add3A_200, %sub3A : i32
        %mul3A_304 = arith.constant 128 : i32
        %mul3A_305 = arith.muli %sub3A_303, %mul3A_304 : i32
        %add3A_306 = arith.addi %mul3A_2, %mul3A_305 : i32
        %dma_wait3A_307 = arith.constant 0 : i32
        %dma_wait3A_308 = arith.constant 0 : i32
        %dma_wait3A_309 = arith.constant 0 : i32
        %dma_wait3A_310 = tpu.memref_slice %arg6[%dma_wait3A_307, %dma_wait3A_308, %dma_wait3A_309] : memref<3x128x128xf32, #tpu.memory_space<vmem>> -> memref<1x128x128xf32, #tpu.memory_space<vmem>>
        %dma_wait3A_311 = tpu.memref_squeeze %dma_wait3A_310 : memref<1x128x128xf32, #tpu.memory_space<vmem>> -> memref<128x128xf32, #tpu.memory_space<vmem>>
        %dma_wait3A_312 = arith.constant 0 : i32
        %dma_wait3A_313 = tpu.memref_slice %arg4[%add3A_306, %dma_wait3A_312] : memref<204800x128xf32, #tpu.memory_space<hbm>> -> memref<128x128xf32, #tpu.memory_space<hbm>>
        %dma_wait3A_314 = arith.constant 0 : i32
        %dma_wait3A_315 = tpu.memref_slice %arg4[%add3A_306, %dma_wait3A_314] : memref<204800x128xf32, #tpu.memory_space<hbm>> -> memref<128x128xf32, #tpu.memory_space<hbm>>
        %dma_wait3A_316 = arith.constant 0 : i32
        %dma_wait3A_317 = arith.constant 0 : i32
        %dma_wait3A_318 = tpu.memref_slice %arg6[%dma_wait3A_307, %dma_wait3A_316, %dma_wait3A_317] : memref<3x128x128xf32, #tpu.memory_space<vmem>> -> memref<1x128x128xf32, #tpu.memory_space<vmem>>
        %dma_wait3A_319 = tpu.memref_squeeze %dma_wait3A_318 : memref<1x128x128xf32, #tpu.memory_space<vmem>> -> memref<128x128xf32, #tpu.memory_space<vmem>>
        tpu.wait_dma2 semaphore(%arg10 : memref<!tpu.dma_semaphore, #tpu.memory_space<semaphore_mem>>) src(%dma_wait3A_319 : memref<128x128xf32, #tpu.memory_space<vmem>>) dst(%dma_wait3A_315 : memref<128x128xf32, #tpu.memory_space<hbm>>)
      } else {
      }
      %add3A_217 = arith.constant 2 : i32
      %add3A_218 = arith.addi %add3A_200, %add3A_217 : i32
      %dma_start3A_219 = arith.constant 0 : i32
      %dma_start3A_220 = arith.constant 0 : i32
      %dma_start3A_221 = arith.constant 0 : i32
      %dma_start3A_222 = tpu.memref_slice %arg6[%dma_start3A_219, %dma_start3A_220, %dma_start3A_221] : memref<3x128x128xf32, #tpu.memory_space<vmem>> -> memref<1x128x128xf32, #tpu.memory_space<vmem>>
      %dma_start3A_223 = tpu.memref_squeeze %dma_start3A_222 : memref<1x128x128xf32, #tpu.memory_space<vmem>> -> memref<128x128xf32, #tpu.memory_space<vmem>>
      %dma_start3A_224 = arith.constant 0 : i32
      %dma_start3A_225 = tpu.memref_slice %arg5[%add3A_218, %dma_start3A_224] : memref<50x128xi32, #tpu.memory_space<vmem>> -> memref<1x128xi32, #tpu.memory_space<vmem>>
      %dma_start3A_226 = tpu.memref_squeeze %dma_start3A_225 : memref<1x128xi32, #tpu.memory_space<vmem>> -> memref<128xi32, #tpu.memory_space<vmem>>
      %dma_start3A_227 = arith.constant 0 : i32
      %dma_start3A_228 = arith.constant 0 : i32
      %dma_start3A_229 = tpu.memref_slice %arg3[%dma_start3A_227, %dma_start3A_228] : memref<100000x128xf32, #tpu.memory_space<hbm>> -> memref<100000x128xf32, #tpu.memory_space<hbm>>
      tpu.enqueue_indirect_dma source(%dma_start3A_229 : memref<100000x128xf32, #tpu.memory_space<hbm>>) target(%dma_start3A_223 : memref<128x128xf32, #tpu.memory_space<vmem>>) offsets(%dma_start3A_226 : memref<128xi32, #tpu.memory_space<vmem>>) semaphore(%arg7 : memref<!tpu.dma_semaphore, #tpu.memory_space<semaphore_mem>>)
      %parallel_loop3A_230 = arith.constant 0 : i32
      %parallel_loop3A_231 = arith.constant 128 : i32
      %parallel_loop3A_232 = arith.constant 1 : i32
      %parallel_loop3A_233 = arith.constant 1 : i32
      scf.for %parallel_loop3A_303 = %parallel_loop3A_230 to %parallel_loop3A_231 step %parallel_loop3A_232  : i32 {
        %parallel_loop3A_304 = arith.constant 0 : i32
        %parallel_loop3A_305 = arith.constant 0 : i32
        %parallel_loop3A_306 = tpu.memref_slice %arg6[%parallel_loop3A_233, %parallel_loop3A_304, %parallel_loop3A_305] : memref<3x128x128xf32, #tpu.memory_space<vmem>> -> memref<1x128x128xf32, #tpu.memory_space<vmem>>
        %parallel_loop3A_307 = tpu.memref_squeeze %parallel_loop3A_306 : memref<1x128x128xf32, #tpu.memory_space<vmem>> -> memref<128x128xf32, #tpu.memory_space<vmem>>
        %parallel_loop3A_308 = arith.index_cast %parallel_loop3A_303 : i32 to index
        %parallel_loop3A_309 = arith.constant 0 : index
        %parallel_loop3A_310 = tpu.vector_load %parallel_loop3A_307[%parallel_loop3A_308, %parallel_loop3A_309] {strides = array<i32>} : memref<128x128xf32, #tpu.memory_space<vmem>>, vector<1x16xf32>,
        %parallel_loop3A_311 = vector.shape_cast %parallel_loop3A_310 : vector<1x16xf32> to vector<16xf32>
        %parallel_loop3A_312 = arith.constant 0 : i32
        %parallel_loop3A_313 = arith.constant 0 : i32
        %parallel_loop3A_314 = tpu.memref_slice %arg6[%parallel_loop3A_233, %parallel_loop3A_312, %parallel_loop3A_313] : memref<3x128x128xf32, #tpu.memory_space<vmem>> -> memref<1x128x128xf32, #tpu.memory_space<vmem>>
        %parallel_loop3A_315 = tpu.memref_squeeze %parallel_loop3A_314 : memref<1x128x128xf32, #tpu.memory_space<vmem>> -> memref<128x128xf32, #tpu.memory_space<vmem>>
        %parallel_loop3A_316 = arith.index_cast %parallel_loop3A_303 : i32 to index
        %parallel_loop3A_317 = arith.constant 16 : index
        %parallel_loop3A_318 = tpu.vector_load %parallel_loop3A_315[%parallel_loop3A_316, %parallel_loop3A_317] {strides = array<i32>} : memref<128x128xf32, #tpu.memory_space<vmem>>, vector<1x16xf32>,
        %parallel_loop3A_319 = vector.shape_cast %parallel_loop3A_318 : vector<1x16xf32> to vector<16xf32>
        %parallel_loop3A_320 = arith.constant 0 : i32
        %parallel_loop3A_321 = arith.constant 0 : i32
        %parallel_loop3A_322 = tpu.memref_slice %arg6[%parallel_loop3A_233, %parallel_loop3A_320, %parallel_loop3A_321] : memref<3x128x128xf32, #tpu.memory_space<vmem>> -> memref<1x128x128xf32, #tpu.memory_space<vmem>>
        %parallel_loop3A_323 = tpu.memref_squeeze %parallel_loop3A_322 : memref<1x128x128xf32, #tpu.memory_space<vmem>> -> memref<128x128xf32, #tpu.memory_space<vmem>>
        %parallel_loop3A_324 = arith.index_cast %parallel_loop3A_303 : i32 to index
        %parallel_loop3A_325 = arith.constant 32 : index
        %parallel_loop3A_326 = tpu.vector_load %parallel_loop3A_323[%parallel_loop3A_324, %parallel_loop3A_325] {strides = array<i32>} : memref<128x128xf32, #tpu.memory_space<vmem>>, vector<1x16xf32>,
        %parallel_loop3A_327 = vector.shape_cast %parallel_loop3A_326 : vector<1x16xf32> to vector<16xf32>
        %parallel_loop3A_328 = arith.constant 0 : i32
        %parallel_loop3A_329 = arith.constant 0 : i32
        %parallel_loop3A_330 = tpu.memref_slice %arg6[%parallel_loop3A_233, %parallel_loop3A_328, %parallel_loop3A_329] : memref<3x128x128xf32, #tpu.memory_space<vmem>> -> memref<1x128x128xf32, #tpu.memory_space<vmem>>
        %parallel_loop3A_331 = tpu.memref_squeeze %parallel_loop3A_330 : memref<1x128x128xf32, #tpu.memory_space<vmem>> -> memref<128x128xf32, #tpu.memory_space<vmem>>
        %parallel_loop3A_332 = arith.index_cast %parallel_loop3A_303 : i32 to index
        %parallel_loop3A_333 = arith.constant 48 : index
        %parallel_loop3A_334 = tpu.vector_load %parallel_loop3A_331[%parallel_loop3A_332, %parallel_loop3A_333] {strides = array<i32>} : memref<128x128xf32, #tpu.memory_space<vmem>>, vector<1x16xf32>,
        %parallel_loop3A_335 = vector.shape_cast %parallel_loop3A_334 : vector<1x16xf32> to vector<16xf32>
        %parallel_loop3A_336 = arith.constant 0 : i32
        %parallel_loop3A_337 = arith.constant 0 : i32
        %parallel_loop3A_338 = tpu.memref_slice %arg6[%parallel_loop3A_233, %parallel_loop3A_336, %parallel_loop3A_337] : memref<3x128x128xf32, #tpu.memory_space<vmem>> -> memref<1x128x128xf32, #tpu.memory_space<vmem>>
        %parallel_loop3A_339 = tpu.memref_squeeze %parallel_loop3A_338 : memref<1x128x128xf32, #tpu.memory_space<vmem>> -> memref<128x128xf32, #tpu.memory_space<vmem>>
        %parallel_loop3A_340 = arith.index_cast %parallel_loop3A_303 : i32 to index
        %parallel_loop3A_341 = arith.constant 64 : index
        %parallel_loop3A_342 = tpu.vector_load %parallel_loop3A_339[%parallel_loop3A_340, %parallel_loop3A_341] {strides = array<i32>} : memref<128x128xf32, #tpu.memory_space<vmem>>, vector<1x16xf32>,
        %parallel_loop3A_343 = vector.shape_cast %parallel_loop3A_342 : vector<1x16xf32> to vector<16xf32>
        %parallel_loop3A_344 = arith.constant 0 : i32
        %parallel_loop3A_345 = arith.constant 0 : i32
        %parallel_loop3A_346 = tpu.memref_slice %arg6[%parallel_loop3A_233, %parallel_loop3A_344, %parallel_loop3A_345] : memref<3x128x128xf32, #tpu.memory_space<vmem>> -> memref<1x128x128xf32, #tpu.memory_space<vmem>>
        %parallel_loop3A_347 = tpu.memref_squeeze %parallel_loop3A_346 : memref<1x128x128xf32, #tpu.memory_space<vmem>> -> memref<128x128xf32, #tpu.memory_space<vmem>>
        %parallel_loop3A_348 = arith.index_cast %parallel_loop3A_303 : i32 to index
        %parallel_loop3A_349 = arith.constant 80 : index
        %parallel_loop3A_350 = tpu.vector_load %parallel_loop3A_347[%parallel_loop3A_348, %parallel_loop3A_349] {strides = array<i32>} : memref<128x128xf32, #tpu.memory_space<vmem>>, vector<1x16xf32>,
        %parallel_loop3A_351 = vector.shape_cast %parallel_loop3A_350 : vector<1x16xf32> to vector<16xf32>
        %parallel_loop3A_352 = arith.constant 0 : i32
        %parallel_loop3A_353 = arith.constant 0 : i32
        %parallel_loop3A_354 = tpu.memref_slice %arg6[%parallel_loop3A_233, %parallel_loop3A_352, %parallel_loop3A_353] : memref<3x128x128xf32, #tpu.memory_space<vmem>> -> memref<1x128x128xf32, #tpu.memory_space<vmem>>
        %parallel_loop3A_355 = tpu.memref_squeeze %parallel_loop3A_354 : memref<1x128x128xf32, #tpu.memory_space<vmem>> -> memref<128x128xf32, #tpu.memory_space<vmem>>
        %parallel_loop3A_356 = arith.index_cast %parallel_loop3A_303 : i32 to index
        %parallel_loop3A_357 = arith.constant 96 : index
        %parallel_loop3A_358 = tpu.vector_load %parallel_loop3A_355[%parallel_loop3A_356, %parallel_loop3A_357] {strides = array<i32>} : memref<128x128xf32, #tpu.memory_space<vmem>>, vector<1x16xf32>,
        %parallel_loop3A_359 = vector.shape_cast %parallel_loop3A_358 : vector<1x16xf32> to vector<16xf32>
        %parallel_loop3A_360 = arith.constant 0 : i32
        %parallel_loop3A_361 = arith.constant 0 : i32
        %parallel_loop3A_362 = tpu.memref_slice %arg6[%parallel_loop3A_233, %parallel_loop3A_360, %parallel_loop3A_361] : memref<3x128x128xf32, #tpu.memory_space<vmem>> -> memref<1x128x128xf32, #tpu.memory_space<vmem>>
        %parallel_loop3A_363 = tpu.memref_squeeze %parallel_loop3A_362 : memref<1x128x128xf32, #tpu.memory_space<vmem>> -> memref<128x128xf32, #tpu.memory_space<vmem>>
        %parallel_loop3A_364 = arith.index_cast %parallel_loop3A_303 : i32 to index
        %parallel_loop3A_365 = arith.constant 112 : index
        %parallel_loop3A_366 = tpu.vector_load %parallel_loop3A_363[%parallel_loop3A_364, %parallel_loop3A_365] {strides = array<i32>} : memref<128x128xf32, #tpu.memory_space<vmem>>, vector<1x16xf32>,
        %parallel_loop3A_367 = vector.shape_cast %parallel_loop3A_366 : vector<1x16xf32> to vector<16xf32>
        %parallel_loop3A_368 = arith.mulf %parallel_loop3A_311, %parallel_loop3A_311 : vector<16xf32>
        %parallel_loop3A_369 = arith.addf %parallel_loop3A_311, %parallel_loop3A_319 : vector<16xf32>
        %parallel_loop3A_370 = arith.mulf %parallel_loop3A_319, %parallel_loop3A_319 : vector<16xf32>
        %parallel_loop3A_371 = arith.addf %parallel_loop3A_368, %parallel_loop3A_370 : vector<16xf32>
        %parallel_loop3A_372 = arith.addf %parallel_loop3A_369, %parallel_loop3A_327 : vector<16xf32>
        %parallel_loop3A_373 = arith.mulf %parallel_loop3A_327, %parallel_loop3A_327 : vector<16xf32>
        %parallel_loop3A_374 = arith.addf %parallel_loop3A_371, %parallel_loop3A_373 : vector<16xf32>
        %parallel_loop3A_375 = arith.addf %parallel_loop3A_372, %parallel_loop3A_335 : vector<16xf32>
        %parallel_loop3A_376 = arith.mulf %parallel_loop3A_335, %parallel_loop3A_335 : vector<16xf32>
        %parallel_loop3A_377 = arith.addf %parallel_loop3A_374, %parallel_loop3A_376 : vector<16xf32>
        %parallel_loop3A_378 = arith.addf %parallel_loop3A_375, %parallel_loop3A_343 : vector<16xf32>
        %parallel_loop3A_379 = arith.mulf %parallel_loop3A_343, %parallel_loop3A_343 : vector<16xf32>
        %parallel_loop3A_380 = arith.addf %parallel_loop3A_377, %parallel_loop3A_379 : vector<16xf32>
        %parallel_loop3A_381 = arith.addf %parallel_loop3A_378, %parallel_loop3A_351 : vector<16xf32>
        %parallel_loop3A_382 = arith.mulf %parallel_loop3A_351, %parallel_loop3A_351 : vector<16xf32>
        %parallel_loop3A_383 = arith.addf %parallel_loop3A_380, %parallel_loop3A_382 : vector<16xf32>
        %parallel_loop3A_384 = arith.addf %parallel_loop3A_381, %parallel_loop3A_359 : vector<16xf32>
        %parallel_loop3A_385 = arith.mulf %parallel_loop3A_359, %parallel_loop3A_359 : vector<16xf32>
        %parallel_loop3A_386 = arith.addf %parallel_loop3A_383, %parallel_loop3A_385 : vector<16xf32>
        %parallel_loop3A_387 = arith.addf %parallel_loop3A_384, %parallel_loop3A_367 : vector<16xf32>
        %parallel_loop3A_388 = arith.mulf %parallel_loop3A_367, %parallel_loop3A_367 : vector<16xf32>
        %parallel_loop3A_389 = arith.addf %parallel_loop3A_386, %parallel_loop3A_388 : vector<16xf32>
        %parallel_loop3A_390 = tpu.iota {dimensions = array<i32: 0>} : vector<16xi32>
        %parallel_loop3A_391 = arith.constant 8 : i32
        %parallel_loop3A_392 = vector.broadcast %parallel_loop3A_391 : i32 to vector<16xi32>
        %parallel_loop3A_393 = arith.xori %parallel_loop3A_390, %parallel_loop3A_392 : vector<16xi32>
        %parallel_loop3A_394 = vector.shape_cast %parallel_loop3A_393 : vector<16xi32> to vector<16x1xi32>
        %parallel_loop3A_395 = vector.shape_cast %parallel_loop3A_394 : vector<16x1xi32> to vector<16xi32>
        %parallel_loop3A_396 = tpu.dynamic_gather %parallel_loop3A_387[%parallel_loop3A_395] in [0] : vector<16xf32>, vector<16xi32> -> vector<16xf32>
        %parallel_loop3A_397 = arith.addf %parallel_loop3A_387, %parallel_loop3A_396 : vector<16xf32>
        %parallel_loop3A_398 = tpu.iota {dimensions = array<i32: 0>} : vector<16xi32>
        %parallel_loop3A_399 = arith.constant 4 : i32
        %parallel_loop3A_400 = vector.broadcast %parallel_loop3A_399 : i32 to vector<16xi32>
        %parallel_loop3A_401 = arith.xori %parallel_loop3A_398, %parallel_loop3A_400 : vector<16xi32>
        %parallel_loop3A_402 = vector.shape_cast %parallel_loop3A_401 : vector<16xi32> to vector<16x1xi32>
        %parallel_loop3A_403 = vector.shape_cast %parallel_loop3A_402 : vector<16x1xi32> to vector<16xi32>
        %parallel_loop3A_404 = tpu.dynamic_gather %parallel_loop3A_397[%parallel_loop3A_403] in [0] : vector<16xf32>, vector<16xi32> -> vector<16xf32>
        %parallel_loop3A_405 = arith.addf %parallel_loop3A_397, %parallel_loop3A_404 : vector<16xf32>
        %parallel_loop3A_406 = tpu.iota {dimensions = array<i32: 0>} : vector<16xi32>
        %parallel_loop3A_407 = arith.constant 2 : i32
        %parallel_loop3A_408 = vector.broadcast %parallel_loop3A_407 : i32 to vector<16xi32>
        %parallel_loop3A_409 = arith.xori %parallel_loop3A_406, %parallel_loop3A_408 : vector<16xi32>
        %parallel_loop3A_410 = vector.shape_cast %parallel_loop3A_409 : vector<16xi32> to vector<16x1xi32>
        %parallel_loop3A_411 = vector.shape_cast %parallel_loop3A_410 : vector<16x1xi32> to vector<16xi32>
        %parallel_loop3A_412 = tpu.dynamic_gather %parallel_loop3A_405[%parallel_loop3A_411] in [0] : vector<16xf32>, vector<16xi32> -> vector<16xf32>
        %parallel_loop3A_413 = arith.addf %parallel_loop3A_405, %parallel_loop3A_412 : vector<16xf32>
        %parallel_loop3A_414 = tpu.iota {dimensions = array<i32: 0>} : vector<16xi32>
        %parallel_loop3A_415 = arith.constant 1 : i32
        %parallel_loop3A_416 = vector.broadcast %parallel_loop3A_415 : i32 to vector<16xi32>
        %parallel_loop3A_417 = arith.xori %parallel_loop3A_414, %parallel_loop3A_416 : vector<16xi32>
        %parallel_loop3A_418 = vector.shape_cast %parallel_loop3A_417 : vector<16xi32> to vector<16x1xi32>
        %parallel_loop3A_419 = vector.shape_cast %parallel_loop3A_418 : vector<16x1xi32> to vector<16xi32>
        %parallel_loop3A_420 = tpu.dynamic_gather %parallel_loop3A_413[%parallel_loop3A_419] in [0] : vector<16xf32>, vector<16xi32> -> vector<16xf32>
        %parallel_loop3A_421 = arith.addf %parallel_loop3A_413, %parallel_loop3A_420 : vector<16xf32>
        %parallel_loop3A_422 = arith.constant 7.812500e-03 : f32
        %parallel_loop3A_423 = vector.broadcast %parallel_loop3A_422 : f32 to vector<16xf32>
        %parallel_loop3A_424 = arith.mulf %parallel_loop3A_421, %parallel_loop3A_423 : vector<16xf32>
        %parallel_loop3A_425 = tpu.iota {dimensions = array<i32: 0>} : vector<16xi32>
        %parallel_loop3A_426 = arith.constant 8 : i32
        %parallel_loop3A_427 = vector.broadcast %parallel_loop3A_426 : i32 to vector<16xi32>
        %parallel_loop3A_428 = arith.xori %parallel_loop3A_425, %parallel_loop3A_427 : vector<16xi32>
        %parallel_loop3A_429 = vector.shape_cast %parallel_loop3A_428 : vector<16xi32> to vector<16x1xi32>
        %parallel_loop3A_430 = vector.shape_cast %parallel_loop3A_429 : vector<16x1xi32> to vector<16xi32>
        %parallel_loop3A_431 = tpu.dynamic_gather %parallel_loop3A_389[%parallel_loop3A_430] in [0] : vector<16xf32>, vector<16xi32> -> vector<16xf32>
        %parallel_loop3A_432 = arith.addf %parallel_loop3A_389, %parallel_loop3A_431 : vector<16xf32>
        %parallel_loop3A_433 = tpu.iota {dimensions = array<i32: 0>} : vector<16xi32>
        %parallel_loop3A_434 = arith.constant 4 : i32
        %parallel_loop3A_435 = vector.broadcast %parallel_loop3A_434 : i32 to vector<16xi32>
        %parallel_loop3A_436 = arith.xori %parallel_loop3A_433, %parallel_loop3A_435 : vector<16xi32>
        %parallel_loop3A_437 = vector.shape_cast %parallel_loop3A_436 : vector<16xi32> to vector<16x1xi32>
        %parallel_loop3A_438 = vector.shape_cast %parallel_loop3A_437 : vector<16x1xi32> to vector<16xi32>
        %parallel_loop3A_439 = tpu.dynamic_gather %parallel_loop3A_432[%parallel_loop3A_438] in [0] : vector<16xf32>, vector<16xi32> -> vector<16xf32>
        %parallel_loop3A_440 = arith.addf %parallel_loop3A_432, %parallel_loop3A_439 : vector<16xf32>
        %parallel_loop3A_441 = tpu.iota {dimensions = array<i32: 0>} : vector<16xi32>
        %parallel_loop3A_442 = arith.constant 2 : i32
        %parallel_loop3A_443 = vector.broadcast %parallel_loop3A_442 : i32 to vector<16xi32>
        %parallel_loop3A_444 = arith.xori %parallel_loop3A_441, %parallel_loop3A_443 : vector<16xi32>
        %parallel_loop3A_445 = vector.shape_cast %parallel_loop3A_444 : vector<16xi32> to vector<16x1xi32>
        %parallel_loop3A_446 = vector.shape_cast %parallel_loop3A_445 : vector<16x1xi32> to vector<16xi32>
        %parallel_loop3A_447 = tpu.dynamic_gather %parallel_loop3A_440[%parallel_loop3A_446] in [0] : vector<16xf32>, vector<16xi32> -> vector<16xf32>
        %parallel_loop3A_448 = arith.addf %parallel_loop3A_440, %parallel_loop3A_447 : vector<16xf32>
        %parallel_loop3A_449 = tpu.iota {dimensions = array<i32: 0>} : vector<16xi32>
        %parallel_loop3A_450 = arith.constant 1 : i32
        %parallel_loop3A_451 = vector.broadcast %parallel_loop3A_450 : i32 to vector<16xi32>
        %parallel_loop3A_452 = arith.xori %parallel_loop3A_449, %parallel_loop3A_451 : vector<16xi32>
        %parallel_loop3A_453 = vector.shape_cast %parallel_loop3A_452 : vector<16xi32> to vector<16x1xi32>
        %parallel_loop3A_454 = vector.shape_cast %parallel_loop3A_453 : vector<16x1xi32> to vector<16xi32>
        %parallel_loop3A_455 = tpu.dynamic_gather %parallel_loop3A_448[%parallel_loop3A_454] in [0] : vector<16xf32>, vector<16xi32> -> vector<16xf32>
        %parallel_loop3A_456 = arith.addf %parallel_loop3A_448, %parallel_loop3A_455 : vector<16xf32>
        %parallel_loop3A_457 = arith.constant 7.812500e-03 : f32
        %parallel_loop3A_458 = vector.broadcast %parallel_loop3A_457 : f32 to vector<16xf32>
        %parallel_loop3A_459 = arith.mulf %parallel_loop3A_456, %parallel_loop3A_458 : vector<16xf32>
        %parallel_loop3A_460 = arith.mulf %parallel_loop3A_424, %parallel_loop3A_424 : vector<16xf32>
        %parallel_loop3A_461 = arith.subf %parallel_loop3A_459, %parallel_loop3A_460 : vector<16xf32>
        %parallel_loop3A_462 = arith.constant 9.99999996E-13 : f32
        %parallel_loop3A_463 = vector.broadcast %parallel_loop3A_462 : f32 to vector<16xf32>
        %parallel_loop3A_464 = arith.addf %parallel_loop3A_461, %parallel_loop3A_463 : vector<16xf32>
        %parallel_loop3A_465 = tpu.bitcast %parallel_loop3A_464 : vector<16xf32> -> vector<16xi32>
        %parallel_loop3A_466 = arith.constant 1 : i32
        %parallel_loop3A_467 = vector.broadcast %parallel_loop3A_466 : i32 to vector<16xi32>
        %parallel_loop3A_468 = arith.shrsi %parallel_loop3A_465, %parallel_loop3A_467 : vector<16xi32>
        %parallel_loop3A_469 = arith.constant 1597463007 : i32
        %parallel_loop3A_470 = vector.broadcast %parallel_loop3A_469 : i32 to vector<16xi32>
        %parallel_loop3A_471 = arith.subi %parallel_loop3A_470, %parallel_loop3A_468 : vector<16xi32>
        %parallel_loop3A_472 = tpu.bitcast %parallel_loop3A_471 : vector<16xi32> -> vector<16xf32>
        %parallel_loop3A_473 = arith.constant 5.000000e-01 : f32
        %parallel_loop3A_474 = vector.broadcast %parallel_loop3A_473 : f32 to vector<16xf32>
        %parallel_loop3A_475 = arith.mulf %parallel_loop3A_474, %parallel_loop3A_464 : vector<16xf32>
        %parallel_loop3A_476 = arith.mulf %parallel_loop3A_475, %parallel_loop3A_472 : vector<16xf32>
        %parallel_loop3A_477 = arith.mulf %parallel_loop3A_476, %parallel_loop3A_472 : vector<16xf32>
        %parallel_loop3A_478 = arith.constant 1.500000e+00 : f32
        %parallel_loop3A_479 = vector.broadcast %parallel_loop3A_478 : f32 to vector<16xf32>
        %parallel_loop3A_480 = arith.subf %parallel_loop3A_479, %parallel_loop3A_477 : vector<16xf32>
        %parallel_loop3A_481 = arith.mulf %parallel_loop3A_472, %parallel_loop3A_480 : vector<16xf32>
        %parallel_loop3A_482 = arith.constant 0.000000e+00 : f32
        %parallel_loop3A_483 = vector.broadcast %parallel_loop3A_482 : f32 to vector<16xf32>
        %parallel_loop3A_484 = arith.subf %parallel_loop3A_483, %parallel_loop3A_424 : vector<16xf32>
        %parallel_loop3A_485 = arith.mulf %parallel_loop3A_484, %parallel_loop3A_481 : vector<16xf32>
        %parallel_loop3A_486 = arith.mulf %parallel_loop3A_311, %parallel_loop3A_481 : vector<16xf32>
        %parallel_loop3A_487 = arith.addf %parallel_loop3A_486, %parallel_loop3A_485 : vector<16xf32>
        %parallel_loop3A_488 = arith.constant 0 : i32
        %parallel_loop3A_489 = arith.constant 0 : i32
        %parallel_loop3A_490 = tpu.memref_slice %arg6[%parallel_loop3A_233, %parallel_loop3A_488, %parallel_loop3A_489] : memref<3x128x128xf32, #tpu.memory_space<vmem>> -> memref<1x128x128xf32, #tpu.memory_space<vmem>>
        %parallel_loop3A_491 = tpu.memref_squeeze %parallel_loop3A_490 : memref<1x128x128xf32, #tpu.memory_space<vmem>> -> memref<128x128xf32, #tpu.memory_space<vmem>>
        %parallel_loop3A_492 = arith.index_cast %parallel_loop3A_303 : i32 to index
        %parallel_loop3A_493 = arith.constant 0 : index
        %parallel_loop3A_494 = tpu.vector_load %parallel_loop3A_491[%parallel_loop3A_492, %parallel_loop3A_493] {strides = array<i32>} : memref<128x128xf32, #tpu.memory_space<vmem>>, vector<1x16xf32>,
        %parallel_loop3A_495 = vector.shape_cast %parallel_loop3A_494 : vector<1x16xf32> to vector<16xf32>
        %parallel_loop3A_496 = vector.shape_cast %parallel_loop3A_487 : vector<16xf32> to vector<1x16xf32>
        tpu.vector_store %parallel_loop3A_491[%parallel_loop3A_492, %parallel_loop3A_493], %parallel_loop3A_496 {strides = array<i32>} : memref<128x128xf32, #tpu.memory_space<vmem>>, vector<1x16xf32>,
        %parallel_loop3A_497 = arith.mulf %parallel_loop3A_319, %parallel_loop3A_481 : vector<16xf32>
        %parallel_loop3A_498 = arith.addf %parallel_loop3A_497, %parallel_loop3A_485 : vector<16xf32>
        %parallel_loop3A_499 = arith.constant 0 : i32
        %parallel_loop3A_500 = arith.constant 0 : i32
        %parallel_loop3A_501 = tpu.memref_slice %arg6[%parallel_loop3A_233, %parallel_loop3A_499, %parallel_loop3A_500] : memref<3x128x128xf32, #tpu.memory_space<vmem>> -> memref<1x128x128xf32, #tpu.memory_space<vmem>>
        %parallel_loop3A_502 = tpu.memref_squeeze %parallel_loop3A_501 : memref<1x128x128xf32, #tpu.memory_space<vmem>> -> memref<128x128xf32, #tpu.memory_space<vmem>>
        %parallel_loop3A_503 = arith.index_cast %parallel_loop3A_303 : i32 to index
        %parallel_loop3A_504 = arith.constant 16 : index
        %parallel_loop3A_505 = tpu.vector_load %parallel_loop3A_502[%parallel_loop3A_503, %parallel_loop3A_504] {strides = array<i32>} : memref<128x128xf32, #tpu.memory_space<vmem>>, vector<1x16xf32>,
        %parallel_loop3A_506 = vector.shape_cast %parallel_loop3A_505 : vector<1x16xf32> to vector<16xf32>
        %parallel_loop3A_507 = vector.shape_cast %parallel_loop3A_498 : vector<16xf32> to vector<1x16xf32>
        tpu.vector_store %parallel_loop3A_502[%parallel_loop3A_503, %parallel_loop3A_504], %parallel_loop3A_507 {strides = array<i32>} : memref<128x128xf32, #tpu.memory_space<vmem>>, vector<1x16xf32>,
        %parallel_loop3A_508 = arith.mulf %parallel_loop3A_327, %parallel_loop3A_481 : vector<16xf32>
        %parallel_loop3A_509 = arith.addf %parallel_loop3A_508, %parallel_loop3A_485 : vector<16xf32>
        %parallel_loop3A_510 = arith.constant 0 : i32
        %parallel_loop3A_511 = arith.constant 0 : i32
        %parallel_loop3A_512 = tpu.memref_slice %arg6[%parallel_loop3A_233, %parallel_loop3A_510, %parallel_loop3A_511] : memref<3x128x128xf32, #tpu.memory_space<vmem>> -> memref<1x128x128xf32, #tpu.memory_space<vmem>>
        %parallel_loop3A_513 = tpu.memref_squeeze %parallel_loop3A_512 : memref<1x128x128xf32, #tpu.memory_space<vmem>> -> memref<128x128xf32, #tpu.memory_space<vmem>>
        %parallel_loop3A_514 = arith.index_cast %parallel_loop3A_303 : i32 to index
        %parallel_loop3A_515 = arith.constant 32 : index
        %parallel_loop3A_516 = tpu.vector_load %parallel_loop3A_513[%parallel_loop3A_514, %parallel_loop3A_515] {strides = array<i32>} : memref<128x128xf32, #tpu.memory_space<vmem>>, vector<1x16xf32>,
        %parallel_loop3A_517 = vector.shape_cast %parallel_loop3A_516 : vector<1x16xf32> to vector<16xf32>
        %parallel_loop3A_518 = vector.shape_cast %parallel_loop3A_509 : vector<16xf32> to vector<1x16xf32>
        tpu.vector_store %parallel_loop3A_513[%parallel_loop3A_514, %parallel_loop3A_515], %parallel_loop3A_518 {strides = array<i32>} : memref<128x128xf32, #tpu.memory_space<vmem>>, vector<1x16xf32>,
        %parallel_loop3A_519 = arith.mulf %parallel_loop3A_335, %parallel_loop3A_481 : vector<16xf32>
        %parallel_loop3A_520 = arith.addf %parallel_loop3A_519, %parallel_loop3A_485 : vector<16xf32>
        %parallel_loop3A_521 = arith.constant 0 : i32
        %parallel_loop3A_522 = arith.constant 0 : i32
        %parallel_loop3A_523 = tpu.memref_slice %arg6[%parallel_loop3A_233, %parallel_loop3A_521, %parallel_loop3A_522] : memref<3x128x128xf32, #tpu.memory_space<vmem>> -> memref<1x128x128xf32, #tpu.memory_space<vmem>>
        %parallel_loop3A_524 = tpu.memref_squeeze %parallel_loop3A_523 : memref<1x128x128xf32, #tpu.memory_space<vmem>> -> memref<128x128xf32, #tpu.memory_space<vmem>>
        %parallel_loop3A_525 = arith.index_cast %parallel_loop3A_303 : i32 to index
        %parallel_loop3A_526 = arith.constant 48 : index
        %parallel_loop3A_527 = tpu.vector_load %parallel_loop3A_524[%parallel_loop3A_525, %parallel_loop3A_526] {strides = array<i32>} : memref<128x128xf32, #tpu.memory_space<vmem>>, vector<1x16xf32>,
        %parallel_loop3A_528 = vector.shape_cast %parallel_loop3A_527 : vector<1x16xf32> to vector<16xf32>
        %parallel_loop3A_529 = vector.shape_cast %parallel_loop3A_520 : vector<16xf32> to vector<1x16xf32>
        tpu.vector_store %parallel_loop3A_524[%parallel_loop3A_525, %parallel_loop3A_526], %parallel_loop3A_529 {strides = array<i32>} : memref<128x128xf32, #tpu.memory_space<vmem>>, vector<1x16xf32>,
        %parallel_loop3A_530 = arith.mulf %parallel_loop3A_343, %parallel_loop3A_481 : vector<16xf32>
        %parallel_loop3A_531 = arith.addf %parallel_loop3A_530, %parallel_loop3A_485 : vector<16xf32>
        %parallel_loop3A_532 = arith.constant 0 : i32
        %parallel_loop3A_533 = arith.constant 0 : i32
        %parallel_loop3A_534 = tpu.memref_slice %arg6[%parallel_loop3A_233, %parallel_loop3A_532, %parallel_loop3A_533] : memref<3x128x128xf32, #tpu.memory_space<vmem>> -> memref<1x128x128xf32, #tpu.memory_space<vmem>>
        %parallel_loop3A_535 = tpu.memref_squeeze %parallel_loop3A_534 : memref<1x128x128xf32, #tpu.memory_space<vmem>> -> memref<128x128xf32, #tpu.memory_space<vmem>>
        %parallel_loop3A_536 = arith.index_cast %parallel_loop3A_303 : i32 to index
        %parallel_loop3A_537 = arith.constant 64 : index
        %parallel_loop3A_538 = tpu.vector_load %parallel_loop3A_535[%parallel_loop3A_536, %parallel_loop3A_537] {strides = array<i32>} : memref<128x128xf32, #tpu.memory_space<vmem>>, vector<1x16xf32>,
        %parallel_loop3A_539 = vector.shape_cast %parallel_loop3A_538 : vector<1x16xf32> to vector<16xf32>
        %parallel_loop3A_540 = vector.shape_cast %parallel_loop3A_531 : vector<16xf32> to vector<1x16xf32>
        tpu.vector_store %parallel_loop3A_535[%parallel_loop3A_536, %parallel_loop3A_537], %parallel_loop3A_540 {strides = array<i32>} : memref<128x128xf32, #tpu.memory_space<vmem>>, vector<1x16xf32>,
        %parallel_loop3A_541 = arith.mulf %parallel_loop3A_351, %parallel_loop3A_481 : vector<16xf32>
        %parallel_loop3A_542 = arith.addf %parallel_loop3A_541, %parallel_loop3A_485 : vector<16xf32>
        %parallel_loop3A_543 = arith.constant 0 : i32
        %parallel_loop3A_544 = arith.constant 0 : i32
        %parallel_loop3A_545 = tpu.memref_slice %arg6[%parallel_loop3A_233, %parallel_loop3A_543, %parallel_loop3A_544] : memref<3x128x128xf32, #tpu.memory_space<vmem>> -> memref<1x128x128xf32, #tpu.memory_space<vmem>>
        %parallel_loop3A_546 = tpu.memref_squeeze %parallel_loop3A_545 : memref<1x128x128xf32, #tpu.memory_space<vmem>> -> memref<128x128xf32, #tpu.memory_space<vmem>>
        %parallel_loop3A_547 = arith.index_cast %parallel_loop3A_303 : i32 to index
        %parallel_loop3A_548 = arith.constant 80 : index
        %parallel_loop3A_549 = tpu.vector_load %parallel_loop3A_546[%parallel_loop3A_547, %parallel_loop3A_548] {strides = array<i32>} : memref<128x128xf32, #tpu.memory_space<vmem>>, vector<1x16xf32>,
        %parallel_loop3A_550 = vector.shape_cast %parallel_loop3A_549 : vector<1x16xf32> to vector<16xf32>
        %parallel_loop3A_551 = vector.shape_cast %parallel_loop3A_542 : vector<16xf32> to vector<1x16xf32>
        tpu.vector_store %parallel_loop3A_546[%parallel_loop3A_547, %parallel_loop3A_548], %parallel_loop3A_551 {strides = array<i32>} : memref<128x128xf32, #tpu.memory_space<vmem>>, vector<1x16xf32>,
        %parallel_loop3A_552 = arith.mulf %parallel_loop3A_359, %parallel_loop3A_481 : vector<16xf32>
        %parallel_loop3A_553 = arith.addf %parallel_loop3A_552, %parallel_loop3A_485 : vector<16xf32>
        %parallel_loop3A_554 = arith.constant 0 : i32
        %parallel_loop3A_555 = arith.constant 0 : i32
        %parallel_loop3A_556 = tpu.memref_slice %arg6[%parallel_loop3A_233, %parallel_loop3A_554, %parallel_loop3A_555] : memref<3x128x128xf32, #tpu.memory_space<vmem>> -> memref<1x128x128xf32, #tpu.memory_space<vmem>>
        %parallel_loop3A_557 = tpu.memref_squeeze %parallel_loop3A_556 : memref<1x128x128xf32, #tpu.memory_space<vmem>> -> memref<128x128xf32, #tpu.memory_space<vmem>>
        %parallel_loop3A_558 = arith.index_cast %parallel_loop3A_303 : i32 to index
        %parallel_loop3A_559 = arith.constant 96 : index
        %parallel_loop3A_560 = tpu.vector_load %parallel_loop3A_557[%parallel_loop3A_558, %parallel_loop3A_559] {strides = array<i32>} : memref<128x128xf32, #tpu.memory_space<vmem>>, vector<1x16xf32>,
        %parallel_loop3A_561 = vector.shape_cast %parallel_loop3A_560 : vector<1x16xf32> to vector<16xf32>
        %parallel_loop3A_562 = vector.shape_cast %parallel_loop3A_553 : vector<16xf32> to vector<1x16xf32>
        tpu.vector_store %parallel_loop3A_557[%parallel_loop3A_558, %parallel_loop3A_559], %parallel_loop3A_562 {strides = array<i32>} : memref<128x128xf32, #tpu.memory_space<vmem>>, vector<1x16xf32>,
        %parallel_loop3A_563 = arith.mulf %parallel_loop3A_367, %parallel_loop3A_481 : vector<16xf32>
        %parallel_loop3A_564 = arith.addf %parallel_loop3A_563, %parallel_loop3A_485 : vector<16xf32>
        %parallel_loop3A_565 = arith.constant 0 : i32
        %parallel_loop3A_566 = arith.constant 0 : i32
        %parallel_loop3A_567 = tpu.memref_slice %arg6[%parallel_loop3A_233, %parallel_loop3A_565, %parallel_loop3A_566] : memref<3x128x128xf32, #tpu.memory_space<vmem>> -> memref<1x128x128xf32, #tpu.memory_space<vmem>>
        %parallel_loop3A_568 = tpu.memref_squeeze %parallel_loop3A_567 : memref<1x128x128xf32, #tpu.memory_space<vmem>> -> memref<128x128xf32, #tpu.memory_space<vmem>>
        %parallel_loop3A_569 = arith.index_cast %parallel_loop3A_303 : i32 to index
        %parallel_loop3A_570 = arith.constant 112 : index
        %parallel_loop3A_571 = tpu.vector_load %parallel_loop3A_568[%parallel_loop3A_569, %parallel_loop3A_570] {strides = array<i32>} : memref<128x128xf32, #tpu.memory_space<vmem>>, vector<1x16xf32>,
        %parallel_loop3A_572 = vector.shape_cast %parallel_loop3A_571 : vector<1x16xf32> to vector<16xf32>
        %parallel_loop3A_573 = vector.shape_cast %parallel_loop3A_564 : vector<16xf32> to vector<1x16xf32>
        tpu.vector_store %parallel_loop3A_568[%parallel_loop3A_569, %parallel_loop3A_570], %parallel_loop3A_573 {strides = array<i32>} : memref<128x128xf32, #tpu.memory_space<vmem>>, vector<1x16xf32>,
      } {sc.loop_unroll_factor = 4 : i64, sc.parallel_access}
      %mul3A_234 = arith.constant 128 : i32
      %mul3A_235 = arith.muli %add3A_200, %mul3A_234 : i32
      %add3A_236 = arith.addi %mul3A_2, %mul3A_235 : i32
      %dma_start3A_237 = arith.constant 1 : i32
      %dma_start3A_238 = arith.constant 0 : i32
      %dma_start3A_239 = arith.constant 0 : i32
      %dma_start3A_240 = tpu.memref_slice %arg6[%dma_start3A_237, %dma_start3A_238, %dma_start3A_239] : memref<3x128x128xf32, #tpu.memory_space<vmem>> -> memref<1x128x128xf32, #tpu.memory_space<vmem>>
      %dma_start3A_241 = tpu.memref_squeeze %dma_start3A_240 : memref<1x128x128xf32, #tpu.memory_space<vmem>> -> memref<128x128xf32, #tpu.memory_space<vmem>>
      %dma_start3A_242 = arith.constant 0 : i32
      %dma_start3A_243 = tpu.memref_slice %arg4[%add3A_236, %dma_start3A_242] : memref<204800x128xf32, #tpu.memory_space<hbm>> -> memref<128x128xf32, #tpu.memory_space<hbm>>
      %dma_start3A_244 = arith.constant 0 : i32
      %dma_start3A_245 = tpu.memref_slice %arg4[%add3A_236, %dma_start3A_244] : memref<204800x128xf32, #tpu.memory_space<hbm>> -> memref<128x128xf32, #tpu.memory_space<hbm>>
      %dma_start3A_246 = arith.constant 0 : i32
      %dma_start3A_247 = arith.constant 0 : i32
      %dma_start3A_248 = tpu.memref_slice %arg6[%dma_start3A_237, %dma_start3A_246, %dma_start3A_247] : memref<3x128x128xf32, #tpu.memory_space<vmem>> -> memref<1x128x128xf32, #tpu.memory_space<vmem>>
      %dma_start3A_249 = tpu.memref_squeeze %dma_start3A_248 : memref<1x128x128xf32, #tpu.memory_space<vmem>> -> memref<128x128xf32, #tpu.memory_space<vmem>>
      tpu.enqueue_dma source(%dma_start3A_249 : memref<128x128xf32, #tpu.memory_space<vmem>>) target(%dma_start3A_245 : memref<128x128xf32, #tpu.memory_space<hbm>>) target_semaphore(%arg11 : memref<!tpu.dma_semaphore, #tpu.memory_space<semaphore_mem>>)
      %mul3A_250 = arith.constant 3 : i32
      %mul3A_251 = arith.muli %mul3A_250, %scan3A_146 : i32
      %add3A_252 = arith.constant 2 : i32
      %add3A_253 = arith.addi %mul3A_251, %add3A_252 : i32
      %dma_wait3A_254 = arith.constant 2 : i32
      %dma_wait3A_255 = arith.constant 0 : i32
      %dma_wait3A_256 = arith.constant 0 : i32
      %dma_wait3A_257 = tpu.memref_slice %arg6[%dma_wait3A_254, %dma_wait3A_255, %dma_wait3A_256] : memref<3x128x128xf32, #tpu.memory_space<vmem>> -> memref<1x128x128xf32, #tpu.memory_space<vmem>>
      %dma_wait3A_258 = tpu.memref_squeeze %dma_wait3A_257 : memref<1x128x128xf32, #tpu.memory_space<vmem>> -> memref<128x128xf32, #tpu.memory_space<vmem>>
      %dma_wait3A_259 = arith.constant 0 : i32
      %dma_wait3A_260 = tpu.memref_slice %arg5[%add3A_253, %dma_wait3A_259] : memref<50x128xi32, #tpu.memory_space<vmem>> -> memref<1x128xi32, #tpu.memory_space<vmem>>
      %dma_wait3A_261 = tpu.memref_squeeze %dma_wait3A_260 : memref<1x128xi32, #tpu.memory_space<vmem>> -> memref<128xi32, #tpu.memory_space<vmem>>
      %dma_wait3A_262 = arith.constant 0 : i32
      %dma_wait3A_263 = arith.constant 0 : i32
      %dma_wait3A_264 = tpu.memref_slice %arg3[%dma_wait3A_262, %dma_wait3A_263] : memref<100000x128xf32, #tpu.memory_space<hbm>> -> memref<100000x128xf32, #tpu.memory_space<hbm>>
      tpu.wait_indirect_dma semaphore(%arg9 : memref<!tpu.dma_semaphore, #tpu.memory_space<semaphore_mem>>) src(%dma_wait3A_264 : memref<100000x128xf32, #tpu.memory_space<hbm>>) dst(%dma_wait3A_258 : memref<128x128xf32, #tpu.memory_space<vmem>>)
      %ge3A_265 = arith.constant 1 : i32
      %ge3A_266 = arith.cmpi sge, %add3A_253, %ge3A_265 : i32
      %convert_element_type3A_267 = arith.extui %ge3A_266 : i1 to i32
      %cond3A_268 = arith.constant 0 : i32
      %cond3A_269 = arith.cmpi ne, %convert_element_type3A_267, %cond3A_268 : i32
      scf.if %cond3A_269 {
        %sub3A = arith.constant 1 : i32
        %sub3A_303 = arith.subi %add3A_253, %sub3A : i32
        %mul3A_304 = arith.constant 128 : i32
        %mul3A_305 = arith.muli %sub3A_303, %mul3A_304 : i32
        %add3A_306 = arith.addi %mul3A_2, %mul3A_305 : i32
        %dma_wait3A_307 = arith.constant 1 : i32
        %dma_wait3A_308 = arith.constant 0 : i32
        %dma_wait3A_309 = arith.constant 0 : i32
        %dma_wait3A_310 = tpu.memref_slice %arg6[%dma_wait3A_307, %dma_wait3A_308, %dma_wait3A_309] : memref<3x128x128xf32, #tpu.memory_space<vmem>> -> memref<1x128x128xf32, #tpu.memory_space<vmem>>
        %dma_wait3A_311 = tpu.memref_squeeze %dma_wait3A_310 : memref<1x128x128xf32, #tpu.memory_space<vmem>> -> memref<128x128xf32, #tpu.memory_space<vmem>>
        %dma_wait3A_312 = arith.constant 0 : i32
        %dma_wait3A_313 = tpu.memref_slice %arg4[%add3A_306, %dma_wait3A_312] : memref<204800x128xf32, #tpu.memory_space<hbm>> -> memref<128x128xf32, #tpu.memory_space<hbm>>
        %dma_wait3A_314 = arith.constant 0 : i32
        %dma_wait3A_315 = tpu.memref_slice %arg4[%add3A_306, %dma_wait3A_314] : memref<204800x128xf32, #tpu.memory_space<hbm>> -> memref<128x128xf32, #tpu.memory_space<hbm>>
        %dma_wait3A_316 = arith.constant 0 : i32
        %dma_wait3A_317 = arith.constant 0 : i32
        %dma_wait3A_318 = tpu.memref_slice %arg6[%dma_wait3A_307, %dma_wait3A_316, %dma_wait3A_317] : memref<3x128x128xf32, #tpu.memory_space<vmem>> -> memref<1x128x128xf32, #tpu.memory_space<vmem>>
        %dma_wait3A_319 = tpu.memref_squeeze %dma_wait3A_318 : memref<1x128x128xf32, #tpu.memory_space<vmem>> -> memref<128x128xf32, #tpu.memory_space<vmem>>
        tpu.wait_dma2 semaphore(%arg11 : memref<!tpu.dma_semaphore, #tpu.memory_space<semaphore_mem>>) src(%dma_wait3A_319 : memref<128x128xf32, #tpu.memory_space<vmem>>) dst(%dma_wait3A_315 : memref<128x128xf32, #tpu.memory_space<hbm>>)
      } else {
      }
      %add3A_270 = arith.constant 2 : i32
      %add3A_271 = arith.addi %add3A_253, %add3A_270 : i32
      %dma_start3A_272 = arith.constant 1 : i32
      %dma_start3A_273 = arith.constant 0 : i32
      %dma_start3A_274 = arith.constant 0 : i32
      %dma_start3A_275 = tpu.memref_slice %arg6[%dma_start3A_272, %dma_start3A_273, %dma_start3A_274] : memref<3x128x128xf32, #tpu.memory_space<vmem>> -> memref<1x128x128xf32, #tpu.memory_space<vmem>>
      %dma_start3A_276 = tpu.memref_squeeze %dma_start3A_275 : memref<1x128x128xf32, #tpu.memory_space<vmem>> -> memref<128x128xf32, #tpu.memory_space<vmem>>
      %dma_start3A_277 = arith.constant 0 : i32
      %dma_start3A_278 = tpu.memref_slice %arg5[%add3A_271, %dma_start3A_277] : memref<50x128xi32, #tpu.memory_space<vmem>> -> memref<1x128xi32, #tpu.memory_space<vmem>>
      %dma_start3A_279 = tpu.memref_squeeze %dma_start3A_278 : memref<1x128xi32, #tpu.memory_space<vmem>> -> memref<128xi32, #tpu.memory_space<vmem>>
      %dma_start3A_280 = arith.constant 0 : i32
      %dma_start3A_281 = arith.constant 0 : i32
      %dma_start3A_282 = tpu.memref_slice %arg3[%dma_start3A_280, %dma_start3A_281] : memref<100000x128xf32, #tpu.memory_space<hbm>> -> memref<100000x128xf32, #tpu.memory_space<hbm>>
      tpu.enqueue_indirect_dma source(%dma_start3A_282 : memref<100000x128xf32, #tpu.memory_space<hbm>>) target(%dma_start3A_276 : memref<128x128xf32, #tpu.memory_space<vmem>>) offsets(%dma_start3A_279 : memref<128xi32, #tpu.memory_space<vmem>>) semaphore(%arg8 : memref<!tpu.dma_semaphore, #tpu.memory_space<semaphore_mem>>)
      %parallel_loop3A_283 = arith.constant 0 : i32
      %parallel_loop3A_284 = arith.constant 128 : i32
      %parallel_loop3A_285 = arith.constant 1 : i32
      %parallel_loop3A_286 = arith.constant 2 : i32
      scf.for %parallel_loop3A_303 = %parallel_loop3A_283 to %parallel_loop3A_284 step %parallel_loop3A_285  : i32 {
        %parallel_loop3A_304 = arith.constant 0 : i32
        %parallel_loop3A_305 = arith.constant 0 : i32
        %parallel_loop3A_306 = tpu.memref_slice %arg6[%parallel_loop3A_286, %parallel_loop3A_304, %parallel_loop3A_305] : memref<3x128x128xf32, #tpu.memory_space<vmem>> -> memref<1x128x128xf32, #tpu.memory_space<vmem>>
        %parallel_loop3A_307 = tpu.memref_squeeze %parallel_loop3A_306 : memref<1x128x128xf32, #tpu.memory_space<vmem>> -> memref<128x128xf32, #tpu.memory_space<vmem>>
        %parallel_loop3A_308 = arith.index_cast %parallel_loop3A_303 : i32 to index
        %parallel_loop3A_309 = arith.constant 0 : index
        %parallel_loop3A_310 = tpu.vector_load %parallel_loop3A_307[%parallel_loop3A_308, %parallel_loop3A_309] {strides = array<i32>} : memref<128x128xf32, #tpu.memory_space<vmem>>, vector<1x16xf32>,
        %parallel_loop3A_311 = vector.shape_cast %parallel_loop3A_310 : vector<1x16xf32> to vector<16xf32>
        %parallel_loop3A_312 = arith.constant 0 : i32
        %parallel_loop3A_313 = arith.constant 0 : i32
        %parallel_loop3A_314 = tpu.memref_slice %arg6[%parallel_loop3A_286, %parallel_loop3A_312, %parallel_loop3A_313] : memref<3x128x128xf32, #tpu.memory_space<vmem>> -> memref<1x128x128xf32, #tpu.memory_space<vmem>>
        %parallel_loop3A_315 = tpu.memref_squeeze %parallel_loop3A_314 : memref<1x128x128xf32, #tpu.memory_space<vmem>> -> memref<128x128xf32, #tpu.memory_space<vmem>>
        %parallel_loop3A_316 = arith.index_cast %parallel_loop3A_303 : i32 to index
        %parallel_loop3A_317 = arith.constant 16 : index
        %parallel_loop3A_318 = tpu.vector_load %parallel_loop3A_315[%parallel_loop3A_316, %parallel_loop3A_317] {strides = array<i32>} : memref<128x128xf32, #tpu.memory_space<vmem>>, vector<1x16xf32>,
        %parallel_loop3A_319 = vector.shape_cast %parallel_loop3A_318 : vector<1x16xf32> to vector<16xf32>
        %parallel_loop3A_320 = arith.constant 0 : i32
        %parallel_loop3A_321 = arith.constant 0 : i32
        %parallel_loop3A_322 = tpu.memref_slice %arg6[%parallel_loop3A_286, %parallel_loop3A_320, %parallel_loop3A_321] : memref<3x128x128xf32, #tpu.memory_space<vmem>> -> memref<1x128x128xf32, #tpu.memory_space<vmem>>
        %parallel_loop3A_323 = tpu.memref_squeeze %parallel_loop3A_322 : memref<1x128x128xf32, #tpu.memory_space<vmem>> -> memref<128x128xf32, #tpu.memory_space<vmem>>
        %parallel_loop3A_324 = arith.index_cast %parallel_loop3A_303 : i32 to index
        %parallel_loop3A_325 = arith.constant 32 : index
        %parallel_loop3A_326 = tpu.vector_load %parallel_loop3A_323[%parallel_loop3A_324, %parallel_loop3A_325] {strides = array<i32>} : memref<128x128xf32, #tpu.memory_space<vmem>>, vector<1x16xf32>,
        %parallel_loop3A_327 = vector.shape_cast %parallel_loop3A_326 : vector<1x16xf32> to vector<16xf32>
        %parallel_loop3A_328 = arith.constant 0 : i32
        %parallel_loop3A_329 = arith.constant 0 : i32
        %parallel_loop3A_330 = tpu.memref_slice %arg6[%parallel_loop3A_286, %parallel_loop3A_328, %parallel_loop3A_329] : memref<3x128x128xf32, #tpu.memory_space<vmem>> -> memref<1x128x128xf32, #tpu.memory_space<vmem>>
        %parallel_loop3A_331 = tpu.memref_squeeze %parallel_loop3A_330 : memref<1x128x128xf32, #tpu.memory_space<vmem>> -> memref<128x128xf32, #tpu.memory_space<vmem>>
        %parallel_loop3A_332 = arith.index_cast %parallel_loop3A_303 : i32 to index
        %parallel_loop3A_333 = arith.constant 48 : index
        %parallel_loop3A_334 = tpu.vector_load %parallel_loop3A_331[%parallel_loop3A_332, %parallel_loop3A_333] {strides = array<i32>} : memref<128x128xf32, #tpu.memory_space<vmem>>, vector<1x16xf32>,
        %parallel_loop3A_335 = vector.shape_cast %parallel_loop3A_334 : vector<1x16xf32> to vector<16xf32>
        %parallel_loop3A_336 = arith.constant 0 : i32
        %parallel_loop3A_337 = arith.constant 0 : i32
        %parallel_loop3A_338 = tpu.memref_slice %arg6[%parallel_loop3A_286, %parallel_loop3A_336, %parallel_loop3A_337] : memref<3x128x128xf32, #tpu.memory_space<vmem>> -> memref<1x128x128xf32, #tpu.memory_space<vmem>>
        %parallel_loop3A_339 = tpu.memref_squeeze %parallel_loop3A_338 : memref<1x128x128xf32, #tpu.memory_space<vmem>> -> memref<128x128xf32, #tpu.memory_space<vmem>>
        %parallel_loop3A_340 = arith.index_cast %parallel_loop3A_303 : i32 to index
        %parallel_loop3A_341 = arith.constant 64 : index
        %parallel_loop3A_342 = tpu.vector_load %parallel_loop3A_339[%parallel_loop3A_340, %parallel_loop3A_341] {strides = array<i32>} : memref<128x128xf32, #tpu.memory_space<vmem>>, vector<1x16xf32>,
        %parallel_loop3A_343 = vector.shape_cast %parallel_loop3A_342 : vector<1x16xf32> to vector<16xf32>
        %parallel_loop3A_344 = arith.constant 0 : i32
        %parallel_loop3A_345 = arith.constant 0 : i32
        %parallel_loop3A_346 = tpu.memref_slice %arg6[%parallel_loop3A_286, %parallel_loop3A_344, %parallel_loop3A_345] : memref<3x128x128xf32, #tpu.memory_space<vmem>> -> memref<1x128x128xf32, #tpu.memory_space<vmem>>
        %parallel_loop3A_347 = tpu.memref_squeeze %parallel_loop3A_346 : memref<1x128x128xf32, #tpu.memory_space<vmem>> -> memref<128x128xf32, #tpu.memory_space<vmem>>
        %parallel_loop3A_348 = arith.index_cast %parallel_loop3A_303 : i32 to index
        %parallel_loop3A_349 = arith.constant 80 : index
        %parallel_loop3A_350 = tpu.vector_load %parallel_loop3A_347[%parallel_loop3A_348, %parallel_loop3A_349] {strides = array<i32>} : memref<128x128xf32, #tpu.memory_space<vmem>>, vector<1x16xf32>,
        %parallel_loop3A_351 = vector.shape_cast %parallel_loop3A_350 : vector<1x16xf32> to vector<16xf32>
        %parallel_loop3A_352 = arith.constant 0 : i32
        %parallel_loop3A_353 = arith.constant 0 : i32
        %parallel_loop3A_354 = tpu.memref_slice %arg6[%parallel_loop3A_286, %parallel_loop3A_352, %parallel_loop3A_353] : memref<3x128x128xf32, #tpu.memory_space<vmem>> -> memref<1x128x128xf32, #tpu.memory_space<vmem>>
        %parallel_loop3A_355 = tpu.memref_squeeze %parallel_loop3A_354 : memref<1x128x128xf32, #tpu.memory_space<vmem>> -> memref<128x128xf32, #tpu.memory_space<vmem>>
        %parallel_loop3A_356 = arith.index_cast %parallel_loop3A_303 : i32 to index
        %parallel_loop3A_357 = arith.constant 96 : index
        %parallel_loop3A_358 = tpu.vector_load %parallel_loop3A_355[%parallel_loop3A_356, %parallel_loop3A_357] {strides = array<i32>} : memref<128x128xf32, #tpu.memory_space<vmem>>, vector<1x16xf32>,
        %parallel_loop3A_359 = vector.shape_cast %parallel_loop3A_358 : vector<1x16xf32> to vector<16xf32>
        %parallel_loop3A_360 = arith.constant 0 : i32
        %parallel_loop3A_361 = arith.constant 0 : i32
        %parallel_loop3A_362 = tpu.memref_slice %arg6[%parallel_loop3A_286, %parallel_loop3A_360, %parallel_loop3A_361] : memref<3x128x128xf32, #tpu.memory_space<vmem>> -> memref<1x128x128xf32, #tpu.memory_space<vmem>>
        %parallel_loop3A_363 = tpu.memref_squeeze %parallel_loop3A_362 : memref<1x128x128xf32, #tpu.memory_space<vmem>> -> memref<128x128xf32, #tpu.memory_space<vmem>>
        %parallel_loop3A_364 = arith.index_cast %parallel_loop3A_303 : i32 to index
        %parallel_loop3A_365 = arith.constant 112 : index
        %parallel_loop3A_366 = tpu.vector_load %parallel_loop3A_363[%parallel_loop3A_364, %parallel_loop3A_365] {strides = array<i32>} : memref<128x128xf32, #tpu.memory_space<vmem>>, vector<1x16xf32>,
        %parallel_loop3A_367 = vector.shape_cast %parallel_loop3A_366 : vector<1x16xf32> to vector<16xf32>
        %parallel_loop3A_368 = arith.mulf %parallel_loop3A_311, %parallel_loop3A_311 : vector<16xf32>
        %parallel_loop3A_369 = arith.addf %parallel_loop3A_311, %parallel_loop3A_319 : vector<16xf32>
        %parallel_loop3A_370 = arith.mulf %parallel_loop3A_319, %parallel_loop3A_319 : vector<16xf32>
        %parallel_loop3A_371 = arith.addf %parallel_loop3A_368, %parallel_loop3A_370 : vector<16xf32>
        %parallel_loop3A_372 = arith.addf %parallel_loop3A_369, %parallel_loop3A_327 : vector<16xf32>
        %parallel_loop3A_373 = arith.mulf %parallel_loop3A_327, %parallel_loop3A_327 : vector<16xf32>
        %parallel_loop3A_374 = arith.addf %parallel_loop3A_371, %parallel_loop3A_373 : vector<16xf32>
        %parallel_loop3A_375 = arith.addf %parallel_loop3A_372, %parallel_loop3A_335 : vector<16xf32>
        %parallel_loop3A_376 = arith.mulf %parallel_loop3A_335, %parallel_loop3A_335 : vector<16xf32>
        %parallel_loop3A_377 = arith.addf %parallel_loop3A_374, %parallel_loop3A_376 : vector<16xf32>
        %parallel_loop3A_378 = arith.addf %parallel_loop3A_375, %parallel_loop3A_343 : vector<16xf32>
        %parallel_loop3A_379 = arith.mulf %parallel_loop3A_343, %parallel_loop3A_343 : vector<16xf32>
        %parallel_loop3A_380 = arith.addf %parallel_loop3A_377, %parallel_loop3A_379 : vector<16xf32>
        %parallel_loop3A_381 = arith.addf %parallel_loop3A_378, %parallel_loop3A_351 : vector<16xf32>
        %parallel_loop3A_382 = arith.mulf %parallel_loop3A_351, %parallel_loop3A_351 : vector<16xf32>
        %parallel_loop3A_383 = arith.addf %parallel_loop3A_380, %parallel_loop3A_382 : vector<16xf32>
        %parallel_loop3A_384 = arith.addf %parallel_loop3A_381, %parallel_loop3A_359 : vector<16xf32>
        %parallel_loop3A_385 = arith.mulf %parallel_loop3A_359, %parallel_loop3A_359 : vector<16xf32>
        %parallel_loop3A_386 = arith.addf %parallel_loop3A_383, %parallel_loop3A_385 : vector<16xf32>
        %parallel_loop3A_387 = arith.addf %parallel_loop3A_384, %parallel_loop3A_367 : vector<16xf32>
        %parallel_loop3A_388 = arith.mulf %parallel_loop3A_367, %parallel_loop3A_367 : vector<16xf32>
        %parallel_loop3A_389 = arith.addf %parallel_loop3A_386, %parallel_loop3A_388 : vector<16xf32>
        %parallel_loop3A_390 = tpu.iota {dimensions = array<i32: 0>} : vector<16xi32>
        %parallel_loop3A_391 = arith.constant 8 : i32
        %parallel_loop3A_392 = vector.broadcast %parallel_loop3A_391 : i32 to vector<16xi32>
        %parallel_loop3A_393 = arith.xori %parallel_loop3A_390, %parallel_loop3A_392 : vector<16xi32>
        %parallel_loop3A_394 = vector.shape_cast %parallel_loop3A_393 : vector<16xi32> to vector<16x1xi32>
        %parallel_loop3A_395 = vector.shape_cast %parallel_loop3A_394 : vector<16x1xi32> to vector<16xi32>
        %parallel_loop3A_396 = tpu.dynamic_gather %parallel_loop3A_387[%parallel_loop3A_395] in [0] : vector<16xf32>, vector<16xi32> -> vector<16xf32>
        %parallel_loop3A_397 = arith.addf %parallel_loop3A_387, %parallel_loop3A_396 : vector<16xf32>
        %parallel_loop3A_398 = tpu.iota {dimensions = array<i32: 0>} : vector<16xi32>
        %parallel_loop3A_399 = arith.constant 4 : i32
        %parallel_loop3A_400 = vector.broadcast %parallel_loop3A_399 : i32 to vector<16xi32>
        %parallel_loop3A_401 = arith.xori %parallel_loop3A_398, %parallel_loop3A_400 : vector<16xi32>
        %parallel_loop3A_402 = vector.shape_cast %parallel_loop3A_401 : vector<16xi32> to vector<16x1xi32>
        %parallel_loop3A_403 = vector.shape_cast %parallel_loop3A_402 : vector<16x1xi32> to vector<16xi32>
        %parallel_loop3A_404 = tpu.dynamic_gather %parallel_loop3A_397[%parallel_loop3A_403] in [0] : vector<16xf32>, vector<16xi32> -> vector<16xf32>
        %parallel_loop3A_405 = arith.addf %parallel_loop3A_397, %parallel_loop3A_404 : vector<16xf32>
        %parallel_loop3A_406 = tpu.iota {dimensions = array<i32: 0>} : vector<16xi32>
        %parallel_loop3A_407 = arith.constant 2 : i32
        %parallel_loop3A_408 = vector.broadcast %parallel_loop3A_407 : i32 to vector<16xi32>
        %parallel_loop3A_409 = arith.xori %parallel_loop3A_406, %parallel_loop3A_408 : vector<16xi32>
        %parallel_loop3A_410 = vector.shape_cast %parallel_loop3A_409 : vector<16xi32> to vector<16x1xi32>
        %parallel_loop3A_411 = vector.shape_cast %parallel_loop3A_410 : vector<16x1xi32> to vector<16xi32>
        %parallel_loop3A_412 = tpu.dynamic_gather %parallel_loop3A_405[%parallel_loop3A_411] in [0] : vector<16xf32>, vector<16xi32> -> vector<16xf32>
        %parallel_loop3A_413 = arith.addf %parallel_loop3A_405, %parallel_loop3A_412 : vector<16xf32>
        %parallel_loop3A_414 = tpu.iota {dimensions = array<i32: 0>} : vector<16xi32>
        %parallel_loop3A_415 = arith.constant 1 : i32
        %parallel_loop3A_416 = vector.broadcast %parallel_loop3A_415 : i32 to vector<16xi32>
        %parallel_loop3A_417 = arith.xori %parallel_loop3A_414, %parallel_loop3A_416 : vector<16xi32>
        %parallel_loop3A_418 = vector.shape_cast %parallel_loop3A_417 : vector<16xi32> to vector<16x1xi32>
        %parallel_loop3A_419 = vector.shape_cast %parallel_loop3A_418 : vector<16x1xi32> to vector<16xi32>
        %parallel_loop3A_420 = tpu.dynamic_gather %parallel_loop3A_413[%parallel_loop3A_419] in [0] : vector<16xf32>, vector<16xi32> -> vector<16xf32>
        %parallel_loop3A_421 = arith.addf %parallel_loop3A_413, %parallel_loop3A_420 : vector<16xf32>
        %parallel_loop3A_422 = arith.constant 7.812500e-03 : f32
        %parallel_loop3A_423 = vector.broadcast %parallel_loop3A_422 : f32 to vector<16xf32>
        %parallel_loop3A_424 = arith.mulf %parallel_loop3A_421, %parallel_loop3A_423 : vector<16xf32>
        %parallel_loop3A_425 = tpu.iota {dimensions = array<i32: 0>} : vector<16xi32>
        %parallel_loop3A_426 = arith.constant 8 : i32
        %parallel_loop3A_427 = vector.broadcast %parallel_loop3A_426 : i32 to vector<16xi32>
        %parallel_loop3A_428 = arith.xori %parallel_loop3A_425, %parallel_loop3A_427 : vector<16xi32>
        %parallel_loop3A_429 = vector.shape_cast %parallel_loop3A_428 : vector<16xi32> to vector<16x1xi32>
        %parallel_loop3A_430 = vector.shape_cast %parallel_loop3A_429 : vector<16x1xi32> to vector<16xi32>
        %parallel_loop3A_431 = tpu.dynamic_gather %parallel_loop3A_389[%parallel_loop3A_430] in [0] : vector<16xf32>, vector<16xi32> -> vector<16xf32>
        %parallel_loop3A_432 = arith.addf %parallel_loop3A_389, %parallel_loop3A_431 : vector<16xf32>
        %parallel_loop3A_433 = tpu.iota {dimensions = array<i32: 0>} : vector<16xi32>
        %parallel_loop3A_434 = arith.constant 4 : i32
        %parallel_loop3A_435 = vector.broadcast %parallel_loop3A_434 : i32 to vector<16xi32>
        %parallel_loop3A_436 = arith.xori %parallel_loop3A_433, %parallel_loop3A_435 : vector<16xi32>
        %parallel_loop3A_437 = vector.shape_cast %parallel_loop3A_436 : vector<16xi32> to vector<16x1xi32>
        %parallel_loop3A_438 = vector.shape_cast %parallel_loop3A_437 : vector<16x1xi32> to vector<16xi32>
        %parallel_loop3A_439 = tpu.dynamic_gather %parallel_loop3A_432[%parallel_loop3A_438] in [0] : vector<16xf32>, vector<16xi32> -> vector<16xf32>
        %parallel_loop3A_440 = arith.addf %parallel_loop3A_432, %parallel_loop3A_439 : vector<16xf32>
        %parallel_loop3A_441 = tpu.iota {dimensions = array<i32: 0>} : vector<16xi32>
        %parallel_loop3A_442 = arith.constant 2 : i32
        %parallel_loop3A_443 = vector.broadcast %parallel_loop3A_442 : i32 to vector<16xi32>
        %parallel_loop3A_444 = arith.xori %parallel_loop3A_441, %parallel_loop3A_443 : vector<16xi32>
        %parallel_loop3A_445 = vector.shape_cast %parallel_loop3A_444 : vector<16xi32> to vector<16x1xi32>
        %parallel_loop3A_446 = vector.shape_cast %parallel_loop3A_445 : vector<16x1xi32> to vector<16xi32>
        %parallel_loop3A_447 = tpu.dynamic_gather %parallel_loop3A_440[%parallel_loop3A_446] in [0] : vector<16xf32>, vector<16xi32> -> vector<16xf32>
        %parallel_loop3A_448 = arith.addf %parallel_loop3A_440, %parallel_loop3A_447 : vector<16xf32>
        %parallel_loop3A_449 = tpu.iota {dimensions = array<i32: 0>} : vector<16xi32>
        %parallel_loop3A_450 = arith.constant 1 : i32
        %parallel_loop3A_451 = vector.broadcast %parallel_loop3A_450 : i32 to vector<16xi32>
        %parallel_loop3A_452 = arith.xori %parallel_loop3A_449, %parallel_loop3A_451 : vector<16xi32>
        %parallel_loop3A_453 = vector.shape_cast %parallel_loop3A_452 : vector<16xi32> to vector<16x1xi32>
        %parallel_loop3A_454 = vector.shape_cast %parallel_loop3A_453 : vector<16x1xi32> to vector<16xi32>
        %parallel_loop3A_455 = tpu.dynamic_gather %parallel_loop3A_448[%parallel_loop3A_454] in [0] : vector<16xf32>, vector<16xi32> -> vector<16xf32>
        %parallel_loop3A_456 = arith.addf %parallel_loop3A_448, %parallel_loop3A_455 : vector<16xf32>
        %parallel_loop3A_457 = arith.constant 7.812500e-03 : f32
        %parallel_loop3A_458 = vector.broadcast %parallel_loop3A_457 : f32 to vector<16xf32>
        %parallel_loop3A_459 = arith.mulf %parallel_loop3A_456, %parallel_loop3A_458 : vector<16xf32>
        %parallel_loop3A_460 = arith.mulf %parallel_loop3A_424, %parallel_loop3A_424 : vector<16xf32>
        %parallel_loop3A_461 = arith.subf %parallel_loop3A_459, %parallel_loop3A_460 : vector<16xf32>
        %parallel_loop3A_462 = arith.constant 9.99999996E-13 : f32
        %parallel_loop3A_463 = vector.broadcast %parallel_loop3A_462 : f32 to vector<16xf32>
        %parallel_loop3A_464 = arith.addf %parallel_loop3A_461, %parallel_loop3A_463 : vector<16xf32>
        %parallel_loop3A_465 = tpu.bitcast %parallel_loop3A_464 : vector<16xf32> -> vector<16xi32>
        %parallel_loop3A_466 = arith.constant 1 : i32
        %parallel_loop3A_467 = vector.broadcast %parallel_loop3A_466 : i32 to vector<16xi32>
        %parallel_loop3A_468 = arith.shrsi %parallel_loop3A_465, %parallel_loop3A_467 : vector<16xi32>
        %parallel_loop3A_469 = arith.constant 1597463007 : i32
        %parallel_loop3A_470 = vector.broadcast %parallel_loop3A_469 : i32 to vector<16xi32>
        %parallel_loop3A_471 = arith.subi %parallel_loop3A_470, %parallel_loop3A_468 : vector<16xi32>
        %parallel_loop3A_472 = tpu.bitcast %parallel_loop3A_471 : vector<16xi32> -> vector<16xf32>
        %parallel_loop3A_473 = arith.constant 5.000000e-01 : f32
        %parallel_loop3A_474 = vector.broadcast %parallel_loop3A_473 : f32 to vector<16xf32>
        %parallel_loop3A_475 = arith.mulf %parallel_loop3A_474, %parallel_loop3A_464 : vector<16xf32>
        %parallel_loop3A_476 = arith.mulf %parallel_loop3A_475, %parallel_loop3A_472 : vector<16xf32>
        %parallel_loop3A_477 = arith.mulf %parallel_loop3A_476, %parallel_loop3A_472 : vector<16xf32>
        %parallel_loop3A_478 = arith.constant 1.500000e+00 : f32
        %parallel_loop3A_479 = vector.broadcast %parallel_loop3A_478 : f32 to vector<16xf32>
        %parallel_loop3A_480 = arith.subf %parallel_loop3A_479, %parallel_loop3A_477 : vector<16xf32>
        %parallel_loop3A_481 = arith.mulf %parallel_loop3A_472, %parallel_loop3A_480 : vector<16xf32>
        %parallel_loop3A_482 = arith.constant 0.000000e+00 : f32
        %parallel_loop3A_483 = vector.broadcast %parallel_loop3A_482 : f32 to vector<16xf32>
        %parallel_loop3A_484 = arith.subf %parallel_loop3A_483, %parallel_loop3A_424 : vector<16xf32>
        %parallel_loop3A_485 = arith.mulf %parallel_loop3A_484, %parallel_loop3A_481 : vector<16xf32>
        %parallel_loop3A_486 = arith.mulf %parallel_loop3A_311, %parallel_loop3A_481 : vector<16xf32>
        %parallel_loop3A_487 = arith.addf %parallel_loop3A_486, %parallel_loop3A_485 : vector<16xf32>
        %parallel_loop3A_488 = arith.constant 0 : i32
        %parallel_loop3A_489 = arith.constant 0 : i32
        %parallel_loop3A_490 = tpu.memref_slice %arg6[%parallel_loop3A_286, %parallel_loop3A_488, %parallel_loop3A_489] : memref<3x128x128xf32, #tpu.memory_space<vmem>> -> memref<1x128x128xf32, #tpu.memory_space<vmem>>
        %parallel_loop3A_491 = tpu.memref_squeeze %parallel_loop3A_490 : memref<1x128x128xf32, #tpu.memory_space<vmem>> -> memref<128x128xf32, #tpu.memory_space<vmem>>
        %parallel_loop3A_492 = arith.index_cast %parallel_loop3A_303 : i32 to index
        %parallel_loop3A_493 = arith.constant 0 : index
        %parallel_loop3A_494 = tpu.vector_load %parallel_loop3A_491[%parallel_loop3A_492, %parallel_loop3A_493] {strides = array<i32>} : memref<128x128xf32, #tpu.memory_space<vmem>>, vector<1x16xf32>,
        %parallel_loop3A_495 = vector.shape_cast %parallel_loop3A_494 : vector<1x16xf32> to vector<16xf32>
        %parallel_loop3A_496 = vector.shape_cast %parallel_loop3A_487 : vector<16xf32> to vector<1x16xf32>
        tpu.vector_store %parallel_loop3A_491[%parallel_loop3A_492, %parallel_loop3A_493], %parallel_loop3A_496 {strides = array<i32>} : memref<128x128xf32, #tpu.memory_space<vmem>>, vector<1x16xf32>,
        %parallel_loop3A_497 = arith.mulf %parallel_loop3A_319, %parallel_loop3A_481 : vector<16xf32>
        %parallel_loop3A_498 = arith.addf %parallel_loop3A_497, %parallel_loop3A_485 : vector<16xf32>
        %parallel_loop3A_499 = arith.constant 0 : i32
        %parallel_loop3A_500 = arith.constant 0 : i32
        %parallel_loop3A_501 = tpu.memref_slice %arg6[%parallel_loop3A_286, %parallel_loop3A_499, %parallel_loop3A_500] : memref<3x128x128xf32, #tpu.memory_space<vmem>> -> memref<1x128x128xf32, #tpu.memory_space<vmem>>
        %parallel_loop3A_502 = tpu.memref_squeeze %parallel_loop3A_501 : memref<1x128x128xf32, #tpu.memory_space<vmem>> -> memref<128x128xf32, #tpu.memory_space<vmem>>
        %parallel_loop3A_503 = arith.index_cast %parallel_loop3A_303 : i32 to index
        %parallel_loop3A_504 = arith.constant 16 : index
        %parallel_loop3A_505 = tpu.vector_load %parallel_loop3A_502[%parallel_loop3A_503, %parallel_loop3A_504] {strides = array<i32>} : memref<128x128xf32, #tpu.memory_space<vmem>>, vector<1x16xf32>,
        %parallel_loop3A_506 = vector.shape_cast %parallel_loop3A_505 : vector<1x16xf32> to vector<16xf32>
        %parallel_loop3A_507 = vector.shape_cast %parallel_loop3A_498 : vector<16xf32> to vector<1x16xf32>
        tpu.vector_store %parallel_loop3A_502[%parallel_loop3A_503, %parallel_loop3A_504], %parallel_loop3A_507 {strides = array<i32>} : memref<128x128xf32, #tpu.memory_space<vmem>>, vector<1x16xf32>,
        %parallel_loop3A_508 = arith.mulf %parallel_loop3A_327, %parallel_loop3A_481 : vector<16xf32>
        %parallel_loop3A_509 = arith.addf %parallel_loop3A_508, %parallel_loop3A_485 : vector<16xf32>
        %parallel_loop3A_510 = arith.constant 0 : i32
        %parallel_loop3A_511 = arith.constant 0 : i32
        %parallel_loop3A_512 = tpu.memref_slice %arg6[%parallel_loop3A_286, %parallel_loop3A_510, %parallel_loop3A_511] : memref<3x128x128xf32, #tpu.memory_space<vmem>> -> memref<1x128x128xf32, #tpu.memory_space<vmem>>
        %parallel_loop3A_513 = tpu.memref_squeeze %parallel_loop3A_512 : memref<1x128x128xf32, #tpu.memory_space<vmem>> -> memref<128x128xf32, #tpu.memory_space<vmem>>
        %parallel_loop3A_514 = arith.index_cast %parallel_loop3A_303 : i32 to index
        %parallel_loop3A_515 = arith.constant 32 : index
        %parallel_loop3A_516 = tpu.vector_load %parallel_loop3A_513[%parallel_loop3A_514, %parallel_loop3A_515] {strides = array<i32>} : memref<128x128xf32, #tpu.memory_space<vmem>>, vector<1x16xf32>,
        %parallel_loop3A_517 = vector.shape_cast %parallel_loop3A_516 : vector<1x16xf32> to vector<16xf32>
        %parallel_loop3A_518 = vector.shape_cast %parallel_loop3A_509 : vector<16xf32> to vector<1x16xf32>
        tpu.vector_store %parallel_loop3A_513[%parallel_loop3A_514, %parallel_loop3A_515], %parallel_loop3A_518 {strides = array<i32>} : memref<128x128xf32, #tpu.memory_space<vmem>>, vector<1x16xf32>,
        %parallel_loop3A_519 = arith.mulf %parallel_loop3A_335, %parallel_loop3A_481 : vector<16xf32>
        %parallel_loop3A_520 = arith.addf %parallel_loop3A_519, %parallel_loop3A_485 : vector<16xf32>
        %parallel_loop3A_521 = arith.constant 0 : i32
        %parallel_loop3A_522 = arith.constant 0 : i32
        %parallel_loop3A_523 = tpu.memref_slice %arg6[%parallel_loop3A_286, %parallel_loop3A_521, %parallel_loop3A_522] : memref<3x128x128xf32, #tpu.memory_space<vmem>> -> memref<1x128x128xf32, #tpu.memory_space<vmem>>
        %parallel_loop3A_524 = tpu.memref_squeeze %parallel_loop3A_523 : memref<1x128x128xf32, #tpu.memory_space<vmem>> -> memref<128x128xf32, #tpu.memory_space<vmem>>
        %parallel_loop3A_525 = arith.index_cast %parallel_loop3A_303 : i32 to index
        %parallel_loop3A_526 = arith.constant 48 : index
        %parallel_loop3A_527 = tpu.vector_load %parallel_loop3A_524[%parallel_loop3A_525, %parallel_loop3A_526] {strides = array<i32>} : memref<128x128xf32, #tpu.memory_space<vmem>>, vector<1x16xf32>,
        %parallel_loop3A_528 = vector.shape_cast %parallel_loop3A_527 : vector<1x16xf32> to vector<16xf32>
        %parallel_loop3A_529 = vector.shape_cast %parallel_loop3A_520 : vector<16xf32> to vector<1x16xf32>
        tpu.vector_store %parallel_loop3A_524[%parallel_loop3A_525, %parallel_loop3A_526], %parallel_loop3A_529 {strides = array<i32>} : memref<128x128xf32, #tpu.memory_space<vmem>>, vector<1x16xf32>,
        %parallel_loop3A_530 = arith.mulf %parallel_loop3A_343, %parallel_loop3A_481 : vector<16xf32>
        %parallel_loop3A_531 = arith.addf %parallel_loop3A_530, %parallel_loop3A_485 : vector<16xf32>
        %parallel_loop3A_532 = arith.constant 0 : i32
        %parallel_loop3A_533 = arith.constant 0 : i32
        %parallel_loop3A_534 = tpu.memref_slice %arg6[%parallel_loop3A_286, %parallel_loop3A_532, %parallel_loop3A_533] : memref<3x128x128xf32, #tpu.memory_space<vmem>> -> memref<1x128x128xf32, #tpu.memory_space<vmem>>
        %parallel_loop3A_535 = tpu.memref_squeeze %parallel_loop3A_534 : memref<1x128x128xf32, #tpu.memory_space<vmem>> -> memref<128x128xf32, #tpu.memory_space<vmem>>
        %parallel_loop3A_536 = arith.index_cast %parallel_loop3A_303 : i32 to index
        %parallel_loop3A_537 = arith.constant 64 : index
        %parallel_loop3A_538 = tpu.vector_load %parallel_loop3A_535[%parallel_loop3A_536, %parallel_loop3A_537] {strides = array<i32>} : memref<128x128xf32, #tpu.memory_space<vmem>>, vector<1x16xf32>,
        %parallel_loop3A_539 = vector.shape_cast %parallel_loop3A_538 : vector<1x16xf32> to vector<16xf32>
        %parallel_loop3A_540 = vector.shape_cast %parallel_loop3A_531 : vector<16xf32> to vector<1x16xf32>
        tpu.vector_store %parallel_loop3A_535[%parallel_loop3A_536, %parallel_loop3A_537], %parallel_loop3A_540 {strides = array<i32>} : memref<128x128xf32, #tpu.memory_space<vmem>>, vector<1x16xf32>,
        %parallel_loop3A_541 = arith.mulf %parallel_loop3A_351, %parallel_loop3A_481 : vector<16xf32>
        %parallel_loop3A_542 = arith.addf %parallel_loop3A_541, %parallel_loop3A_485 : vector<16xf32>
        %parallel_loop3A_543 = arith.constant 0 : i32
        %parallel_loop3A_544 = arith.constant 0 : i32
        %parallel_loop3A_545 = tpu.memref_slice %arg6[%parallel_loop3A_286, %parallel_loop3A_543, %parallel_loop3A_544] : memref<3x128x128xf32, #tpu.memory_space<vmem>> -> memref<1x128x128xf32, #tpu.memory_space<vmem>>
        %parallel_loop3A_546 = tpu.memref_squeeze %parallel_loop3A_545 : memref<1x128x128xf32, #tpu.memory_space<vmem>> -> memref<128x128xf32, #tpu.memory_space<vmem>>
        %parallel_loop3A_547 = arith.index_cast %parallel_loop3A_303 : i32 to index
        %parallel_loop3A_548 = arith.constant 80 : index
        %parallel_loop3A_549 = tpu.vector_load %parallel_loop3A_546[%parallel_loop3A_547, %parallel_loop3A_548] {strides = array<i32>} : memref<128x128xf32, #tpu.memory_space<vmem>>, vector<1x16xf32>,
        %parallel_loop3A_550 = vector.shape_cast %parallel_loop3A_549 : vector<1x16xf32> to vector<16xf32>
        %parallel_loop3A_551 = vector.shape_cast %parallel_loop3A_542 : vector<16xf32> to vector<1x16xf32>
        tpu.vector_store %parallel_loop3A_546[%parallel_loop3A_547, %parallel_loop3A_548], %parallel_loop3A_551 {strides = array<i32>} : memref<128x128xf32, #tpu.memory_space<vmem>>, vector<1x16xf32>,
        %parallel_loop3A_552 = arith.mulf %parallel_loop3A_359, %parallel_loop3A_481 : vector<16xf32>
        %parallel_loop3A_553 = arith.addf %parallel_loop3A_552, %parallel_loop3A_485 : vector<16xf32>
        %parallel_loop3A_554 = arith.constant 0 : i32
        %parallel_loop3A_555 = arith.constant 0 : i32
        %parallel_loop3A_556 = tpu.memref_slice %arg6[%parallel_loop3A_286, %parallel_loop3A_554, %parallel_loop3A_555] : memref<3x128x128xf32, #tpu.memory_space<vmem>> -> memref<1x128x128xf32, #tpu.memory_space<vmem>>
        %parallel_loop3A_557 = tpu.memref_squeeze %parallel_loop3A_556 : memref<1x128x128xf32, #tpu.memory_space<vmem>> -> memref<128x128xf32, #tpu.memory_space<vmem>>
        %parallel_loop3A_558 = arith.index_cast %parallel_loop3A_303 : i32 to index
        %parallel_loop3A_559 = arith.constant 96 : index
        %parallel_loop3A_560 = tpu.vector_load %parallel_loop3A_557[%parallel_loop3A_558, %parallel_loop3A_559] {strides = array<i32>} : memref<128x128xf32, #tpu.memory_space<vmem>>, vector<1x16xf32>,
        %parallel_loop3A_561 = vector.shape_cast %parallel_loop3A_560 : vector<1x16xf32> to vector<16xf32>
        %parallel_loop3A_562 = vector.shape_cast %parallel_loop3A_553 : vector<16xf32> to vector<1x16xf32>
        tpu.vector_store %parallel_loop3A_557[%parallel_loop3A_558, %parallel_loop3A_559], %parallel_loop3A_562 {strides = array<i32>} : memref<128x128xf32, #tpu.memory_space<vmem>>, vector<1x16xf32>,
        %parallel_loop3A_563 = arith.mulf %parallel_loop3A_367, %parallel_loop3A_481 : vector<16xf32>
        %parallel_loop3A_564 = arith.addf %parallel_loop3A_563, %parallel_loop3A_485 : vector<16xf32>
        %parallel_loop3A_565 = arith.constant 0 : i32
        %parallel_loop3A_566 = arith.constant 0 : i32
        %parallel_loop3A_567 = tpu.memref_slice %arg6[%parallel_loop3A_286, %parallel_loop3A_565, %parallel_loop3A_566] : memref<3x128x128xf32, #tpu.memory_space<vmem>> -> memref<1x128x128xf32, #tpu.memory_space<vmem>>
        %parallel_loop3A_568 = tpu.memref_squeeze %parallel_loop3A_567 : memref<1x128x128xf32, #tpu.memory_space<vmem>> -> memref<128x128xf32, #tpu.memory_space<vmem>>
        %parallel_loop3A_569 = arith.index_cast %parallel_loop3A_303 : i32 to index
        %parallel_loop3A_570 = arith.constant 112 : index
        %parallel_loop3A_571 = tpu.vector_load %parallel_loop3A_568[%parallel_loop3A_569, %parallel_loop3A_570] {strides = array<i32>} : memref<128x128xf32, #tpu.memory_space<vmem>>, vector<1x16xf32>,
        %parallel_loop3A_572 = vector.shape_cast %parallel_loop3A_571 : vector<1x16xf32> to vector<16xf32>
        %parallel_loop3A_573 = vector.shape_cast %parallel_loop3A_564 : vector<16xf32> to vector<1x16xf32>
        tpu.vector_store %parallel_loop3A_568[%parallel_loop3A_569, %parallel_loop3A_570], %parallel_loop3A_573 {strides = array<i32>} : memref<128x128xf32, #tpu.memory_space<vmem>>, vector<1x16xf32>,
      } {sc.loop_unroll_factor = 4 : i64, sc.parallel_access}
      %mul3A_287 = arith.constant 128 : i32
      %mul3A_288 = arith.muli %add3A_253, %mul3A_287 : i32
      %add3A_289 = arith.addi %mul3A_2, %mul3A_288 : i32
      %dma_start3A_290 = arith.constant 2 : i32
      %dma_start3A_291 = arith.constant 0 : i32
      %dma_start3A_292 = arith.constant 0 : i32
      %dma_start3A_293 = tpu.memref_slice %arg6[%dma_start3A_290, %dma_start3A_291, %dma_start3A_292] : memref<3x128x128xf32, #tpu.memory_space<vmem>> -> memref<1x128x128xf32, #tpu.memory_space<vmem>>
      %dma_start3A_294 = tpu.memref_squeeze %dma_start3A_293 : memref<1x128x128xf32, #tpu.memory_space<vmem>> -> memref<128x128xf32, #tpu.memory_space<vmem>>
      %dma_start3A_295 = arith.constant 0 : i32
      %dma_start3A_296 = tpu.memref_slice %arg4[%add3A_289, %dma_start3A_295] : memref<204800x128xf32, #tpu.memory_space<hbm>> -> memref<128x128xf32, #tpu.memory_space<hbm>>
      %dma_start3A_297 = arith.constant 0 : i32
      %dma_start3A_298 = tpu.memref_slice %arg4[%add3A_289, %dma_start3A_297] : memref<204800x128xf32, #tpu.memory_space<hbm>> -> memref<128x128xf32, #tpu.memory_space<hbm>>
      %dma_start3A_299 = arith.constant 0 : i32
      %dma_start3A_300 = arith.constant 0 : i32
      %dma_start3A_301 = tpu.memref_slice %arg6[%dma_start3A_290, %dma_start3A_299, %dma_start3A_300] : memref<3x128x128xf32, #tpu.memory_space<vmem>> -> memref<1x128x128xf32, #tpu.memory_space<vmem>>
      %dma_start3A_302 = tpu.memref_squeeze %dma_start3A_301 : memref<1x128x128xf32, #tpu.memory_space<vmem>> -> memref<128x128xf32, #tpu.memory_space<vmem>>
      tpu.enqueue_dma source(%dma_start3A_302 : memref<128x128xf32, #tpu.memory_space<vmem>>) target(%dma_start3A_298 : memref<128x128xf32, #tpu.memory_space<hbm>>) target_semaphore(%arg12 : memref<!tpu.dma_semaphore, #tpu.memory_space<semaphore_mem>>)
    }
    %scan3A_30 = arith.constant 16 : i32
    %dma_wait3A = arith.constant 48 : i32
    %dma_wait3A_31 = arith.constant 0 : i32
    %dma_wait3A_32 = arith.constant 0 : i32
    %dma_wait3A_33 = arith.constant 0 : i32
    %dma_wait3A_34 = tpu.memref_slice %arg6[%dma_wait3A_31, %dma_wait3A_32, %dma_wait3A_33] : memref<3x128x128xf32, #tpu.memory_space<vmem>> -> memref<1x128x128xf32, #tpu.memory_space<vmem>>
    %dma_wait3A_35 = tpu.memref_squeeze %dma_wait3A_34 : memref<1x128x128xf32, #tpu.memory_space<vmem>> -> memref<128x128xf32, #tpu.memory_space<vmem>>
    %dma_wait3A_36 = arith.constant 0 : i32
    %dma_wait3A_37 = tpu.memref_slice %arg5[%dma_wait3A, %dma_wait3A_36] : memref<50x128xi32, #tpu.memory_space<vmem>> -> memref<1x128xi32, #tpu.memory_space<vmem>>
    %dma_wait3A_38 = tpu.memref_squeeze %dma_wait3A_37 : memref<1x128xi32, #tpu.memory_space<vmem>> -> memref<128xi32, #tpu.memory_space<vmem>>
    %dma_wait3A_39 = arith.constant 0 : i32
    %dma_wait3A_40 = arith.constant 0 : i32
    %dma_wait3A_41 = tpu.memref_slice %arg3[%dma_wait3A_39, %dma_wait3A_40] : memref<100000x128xf32, #tpu.memory_space<hbm>> -> memref<100000x128xf32, #tpu.memory_space<hbm>>
    tpu.wait_indirect_dma semaphore(%arg7 : memref<!tpu.dma_semaphore, #tpu.memory_space<semaphore_mem>>) src(%dma_wait3A_41 : memref<100000x128xf32, #tpu.memory_space<hbm>>) dst(%dma_wait3A_35 : memref<128x128xf32, #tpu.memory_space<vmem>>)
    %parallel_loop3A = arith.constant 0 : i32
    %parallel_loop3A_42 = arith.constant 128 : i32
    %parallel_loop3A_43 = arith.constant 1 : i32
    %parallel_loop3A_44 = arith.constant 0 : i32
    scf.for %parallel_loop3A_146 = %parallel_loop3A to %parallel_loop3A_42 step %parallel_loop3A_43  : i32 {
      %parallel_loop3A_147 = arith.constant 0 : i32
      %parallel_loop3A_148 = arith.constant 0 : i32
      %parallel_loop3A_149 = tpu.memref_slice %arg6[%parallel_loop3A_44, %parallel_loop3A_147, %parallel_loop3A_148] : memref<3x128x128xf32, #tpu.memory_space<vmem>> -> memref<1x128x128xf32, #tpu.memory_space<vmem>>
      %parallel_loop3A_150 = tpu.memref_squeeze %parallel_loop3A_149 : memref<1x128x128xf32, #tpu.memory_space<vmem>> -> memref<128x128xf32, #tpu.memory_space<vmem>>
      %parallel_loop3A_151 = arith.index_cast %parallel_loop3A_146 : i32 to index
      %parallel_loop3A_152 = arith.constant 0 : index
      %parallel_loop3A_153 = tpu.vector_load %parallel_loop3A_150[%parallel_loop3A_151, %parallel_loop3A_152] {strides = array<i32>} : memref<128x128xf32, #tpu.memory_space<vmem>>, vector<1x16xf32>,
      %parallel_loop3A_154 = vector.shape_cast %parallel_loop3A_153 : vector<1x16xf32> to vector<16xf32>
      %parallel_loop3A_155 = arith.constant 0 : i32
      %parallel_loop3A_156 = arith.constant 0 : i32
      %parallel_loop3A_157 = tpu.memref_slice %arg6[%parallel_loop3A_44, %parallel_loop3A_155, %parallel_loop3A_156] : memref<3x128x128xf32, #tpu.memory_space<vmem>> -> memref<1x128x128xf32, #tpu.memory_space<vmem>>
      %parallel_loop3A_158 = tpu.memref_squeeze %parallel_loop3A_157 : memref<1x128x128xf32, #tpu.memory_space<vmem>> -> memref<128x128xf32, #tpu.memory_space<vmem>>
      %parallel_loop3A_159 = arith.index_cast %parallel_loop3A_146 : i32 to index
      %parallel_loop3A_160 = arith.constant 16 : index
      %parallel_loop3A_161 = tpu.vector_load %parallel_loop3A_158[%parallel_loop3A_159, %parallel_loop3A_160] {strides = array<i32>} : memref<128x128xf32, #tpu.memory_space<vmem>>, vector<1x16xf32>,
      %parallel_loop3A_162 = vector.shape_cast %parallel_loop3A_161 : vector<1x16xf32> to vector<16xf32>
      %parallel_loop3A_163 = arith.constant 0 : i32
      %parallel_loop3A_164 = arith.constant 0 : i32
      %parallel_loop3A_165 = tpu.memref_slice %arg6[%parallel_loop3A_44, %parallel_loop3A_163, %parallel_loop3A_164] : memref<3x128x128xf32, #tpu.memory_space<vmem>> -> memref<1x128x128xf32, #tpu.memory_space<vmem>>
      %parallel_loop3A_166 = tpu.memref_squeeze %parallel_loop3A_165 : memref<1x128x128xf32, #tpu.memory_space<vmem>> -> memref<128x128xf32, #tpu.memory_space<vmem>>
      %parallel_loop3A_167 = arith.index_cast %parallel_loop3A_146 : i32 to index
      %parallel_loop3A_168 = arith.constant 32 : index
      %parallel_loop3A_169 = tpu.vector_load %parallel_loop3A_166[%parallel_loop3A_167, %parallel_loop3A_168] {strides = array<i32>} : memref<128x128xf32, #tpu.memory_space<vmem>>, vector<1x16xf32>,
      %parallel_loop3A_170 = vector.shape_cast %parallel_loop3A_169 : vector<1x16xf32> to vector<16xf32>
      %parallel_loop3A_171 = arith.constant 0 : i32
      %parallel_loop3A_172 = arith.constant 0 : i32
      %parallel_loop3A_173 = tpu.memref_slice %arg6[%parallel_loop3A_44, %parallel_loop3A_171, %parallel_loop3A_172] : memref<3x128x128xf32, #tpu.memory_space<vmem>> -> memref<1x128x128xf32, #tpu.memory_space<vmem>>
      %parallel_loop3A_174 = tpu.memref_squeeze %parallel_loop3A_173 : memref<1x128x128xf32, #tpu.memory_space<vmem>> -> memref<128x128xf32, #tpu.memory_space<vmem>>
      %parallel_loop3A_175 = arith.index_cast %parallel_loop3A_146 : i32 to index
      %parallel_loop3A_176 = arith.constant 48 : index
      %parallel_loop3A_177 = tpu.vector_load %parallel_loop3A_174[%parallel_loop3A_175, %parallel_loop3A_176] {strides = array<i32>} : memref<128x128xf32, #tpu.memory_space<vmem>>, vector<1x16xf32>,
      %parallel_loop3A_178 = vector.shape_cast %parallel_loop3A_177 : vector<1x16xf32> to vector<16xf32>
      %parallel_loop3A_179 = arith.constant 0 : i32
      %parallel_loop3A_180 = arith.constant 0 : i32
      %parallel_loop3A_181 = tpu.memref_slice %arg6[%parallel_loop3A_44, %parallel_loop3A_179, %parallel_loop3A_180] : memref<3x128x128xf32, #tpu.memory_space<vmem>> -> memref<1x128x128xf32, #tpu.memory_space<vmem>>
      %parallel_loop3A_182 = tpu.memref_squeeze %parallel_loop3A_181 : memref<1x128x128xf32, #tpu.memory_space<vmem>> -> memref<128x128xf32, #tpu.memory_space<vmem>>
      %parallel_loop3A_183 = arith.index_cast %parallel_loop3A_146 : i32 to index
      %parallel_loop3A_184 = arith.constant 64 : index
      %parallel_loop3A_185 = tpu.vector_load %parallel_loop3A_182[%parallel_loop3A_183, %parallel_loop3A_184] {strides = array<i32>} : memref<128x128xf32, #tpu.memory_space<vmem>>, vector<1x16xf32>,
      %parallel_loop3A_186 = vector.shape_cast %parallel_loop3A_185 : vector<1x16xf32> to vector<16xf32>
      %parallel_loop3A_187 = arith.constant 0 : i32
      %parallel_loop3A_188 = arith.constant 0 : i32
      %parallel_loop3A_189 = tpu.memref_slice %arg6[%parallel_loop3A_44, %parallel_loop3A_187, %parallel_loop3A_188] : memref<3x128x128xf32, #tpu.memory_space<vmem>> -> memref<1x128x128xf32, #tpu.memory_space<vmem>>
      %parallel_loop3A_190 = tpu.memref_squeeze %parallel_loop3A_189 : memref<1x128x128xf32, #tpu.memory_space<vmem>> -> memref<128x128xf32, #tpu.memory_space<vmem>>
      %parallel_loop3A_191 = arith.index_cast %parallel_loop3A_146 : i32 to index
      %parallel_loop3A_192 = arith.constant 80 : index
      %parallel_loop3A_193 = tpu.vector_load %parallel_loop3A_190[%parallel_loop3A_191, %parallel_loop3A_192] {strides = array<i32>} : memref<128x128xf32, #tpu.memory_space<vmem>>, vector<1x16xf32>,
      %parallel_loop3A_194 = vector.shape_cast %parallel_loop3A_193 : vector<1x16xf32> to vector<16xf32>
      %parallel_loop3A_195 = arith.constant 0 : i32
      %parallel_loop3A_196 = arith.constant 0 : i32
      %parallel_loop3A_197 = tpu.memref_slice %arg6[%parallel_loop3A_44, %parallel_loop3A_195, %parallel_loop3A_196] : memref<3x128x128xf32, #tpu.memory_space<vmem>> -> memref<1x128x128xf32, #tpu.memory_space<vmem>>
      %parallel_loop3A_198 = tpu.memref_squeeze %parallel_loop3A_197 : memref<1x128x128xf32, #tpu.memory_space<vmem>> -> memref<128x128xf32, #tpu.memory_space<vmem>>
      %parallel_loop3A_199 = arith.index_cast %parallel_loop3A_146 : i32 to index
      %parallel_loop3A_200 = arith.constant 96 : index
      %parallel_loop3A_201 = tpu.vector_load %parallel_loop3A_198[%parallel_loop3A_199, %parallel_loop3A_200] {strides = array<i32>} : memref<128x128xf32, #tpu.memory_space<vmem>>, vector<1x16xf32>,
      %parallel_loop3A_202 = vector.shape_cast %parallel_loop3A_201 : vector<1x16xf32> to vector<16xf32>
      %parallel_loop3A_203 = arith.constant 0 : i32
      %parallel_loop3A_204 = arith.constant 0 : i32
      %parallel_loop3A_205 = tpu.memref_slice %arg6[%parallel_loop3A_44, %parallel_loop3A_203, %parallel_loop3A_204] : memref<3x128x128xf32, #tpu.memory_space<vmem>> -> memref<1x128x128xf32, #tpu.memory_space<vmem>>
      %parallel_loop3A_206 = tpu.memref_squeeze %parallel_loop3A_205 : memref<1x128x128xf32, #tpu.memory_space<vmem>> -> memref<128x128xf32, #tpu.memory_space<vmem>>
      %parallel_loop3A_207 = arith.index_cast %parallel_loop3A_146 : i32 to index
      %parallel_loop3A_208 = arith.constant 112 : index
      %parallel_loop3A_209 = tpu.vector_load %parallel_loop3A_206[%parallel_loop3A_207, %parallel_loop3A_208] {strides = array<i32>} : memref<128x128xf32, #tpu.memory_space<vmem>>, vector<1x16xf32>,
      %parallel_loop3A_210 = vector.shape_cast %parallel_loop3A_209 : vector<1x16xf32> to vector<16xf32>
      %parallel_loop3A_211 = arith.mulf %parallel_loop3A_154, %parallel_loop3A_154 : vector<16xf32>
      %parallel_loop3A_212 = arith.addf %parallel_loop3A_154, %parallel_loop3A_162 : vector<16xf32>
      %parallel_loop3A_213 = arith.mulf %parallel_loop3A_162, %parallel_loop3A_162 : vector<16xf32>
      %parallel_loop3A_214 = arith.addf %parallel_loop3A_211, %parallel_loop3A_213 : vector<16xf32>
      %parallel_loop3A_215 = arith.addf %parallel_loop3A_212, %parallel_loop3A_170 : vector<16xf32>
      %parallel_loop3A_216 = arith.mulf %parallel_loop3A_170, %parallel_loop3A_170 : vector<16xf32>
      %parallel_loop3A_217 = arith.addf %parallel_loop3A_214, %parallel_loop3A_216 : vector<16xf32>
      %parallel_loop3A_218 = arith.addf %parallel_loop3A_215, %parallel_loop3A_178 : vector<16xf32>
      %parallel_loop3A_219 = arith.mulf %parallel_loop3A_178, %parallel_loop3A_178 : vector<16xf32>
      %parallel_loop3A_220 = arith.addf %parallel_loop3A_217, %parallel_loop3A_219 : vector<16xf32>
      %parallel_loop3A_221 = arith.addf %parallel_loop3A_218, %parallel_loop3A_186 : vector<16xf32>
      %parallel_loop3A_222 = arith.mulf %parallel_loop3A_186, %parallel_loop3A_186 : vector<16xf32>
      %parallel_loop3A_223 = arith.addf %parallel_loop3A_220, %parallel_loop3A_222 : vector<16xf32>
      %parallel_loop3A_224 = arith.addf %parallel_loop3A_221, %parallel_loop3A_194 : vector<16xf32>
      %parallel_loop3A_225 = arith.mulf %parallel_loop3A_194, %parallel_loop3A_194 : vector<16xf32>
      %parallel_loop3A_226 = arith.addf %parallel_loop3A_223, %parallel_loop3A_225 : vector<16xf32>
      %parallel_loop3A_227 = arith.addf %parallel_loop3A_224, %parallel_loop3A_202 : vector<16xf32>
      %parallel_loop3A_228 = arith.mulf %parallel_loop3A_202, %parallel_loop3A_202 : vector<16xf32>
      %parallel_loop3A_229 = arith.addf %parallel_loop3A_226, %parallel_loop3A_228 : vector<16xf32>
      %parallel_loop3A_230 = arith.addf %parallel_loop3A_227, %parallel_loop3A_210 : vector<16xf32>
      %parallel_loop3A_231 = arith.mulf %parallel_loop3A_210, %parallel_loop3A_210 : vector<16xf32>
      %parallel_loop3A_232 = arith.addf %parallel_loop3A_229, %parallel_loop3A_231 : vector<16xf32>
      %parallel_loop3A_233 = tpu.iota {dimensions = array<i32: 0>} : vector<16xi32>
      %parallel_loop3A_234 = arith.constant 8 : i32
      %parallel_loop3A_235 = vector.broadcast %parallel_loop3A_234 : i32 to vector<16xi32>
      %parallel_loop3A_236 = arith.xori %parallel_loop3A_233, %parallel_loop3A_235 : vector<16xi32>
      %parallel_loop3A_237 = vector.shape_cast %parallel_loop3A_236 : vector<16xi32> to vector<16x1xi32>
      %parallel_loop3A_238 = vector.shape_cast %parallel_loop3A_237 : vector<16x1xi32> to vector<16xi32>
      %parallel_loop3A_239 = tpu.dynamic_gather %parallel_loop3A_230[%parallel_loop3A_238] in [0] : vector<16xf32>, vector<16xi32> -> vector<16xf32>
      %parallel_loop3A_240 = arith.addf %parallel_loop3A_230, %parallel_loop3A_239 : vector<16xf32>
      %parallel_loop3A_241 = tpu.iota {dimensions = array<i32: 0>} : vector<16xi32>
      %parallel_loop3A_242 = arith.constant 4 : i32
      %parallel_loop3A_243 = vector.broadcast %parallel_loop3A_242 : i32 to vector<16xi32>
      %parallel_loop3A_244 = arith.xori %parallel_loop3A_241, %parallel_loop3A_243 : vector<16xi32>
      %parallel_loop3A_245 = vector.shape_cast %parallel_loop3A_244 : vector<16xi32> to vector<16x1xi32>
      %parallel_loop3A_246 = vector.shape_cast %parallel_loop3A_245 : vector<16x1xi32> to vector<16xi32>
      %parallel_loop3A_247 = tpu.dynamic_gather %parallel_loop3A_240[%parallel_loop3A_246] in [0] : vector<16xf32>, vector<16xi32> -> vector<16xf32>
      %parallel_loop3A_248 = arith.addf %parallel_loop3A_240, %parallel_loop3A_247 : vector<16xf32>
      %parallel_loop3A_249 = tpu.iota {dimensions = array<i32: 0>} : vector<16xi32>
      %parallel_loop3A_250 = arith.constant 2 : i32
      %parallel_loop3A_251 = vector.broadcast %parallel_loop3A_250 : i32 to vector<16xi32>
      %parallel_loop3A_252 = arith.xori %parallel_loop3A_249, %parallel_loop3A_251 : vector<16xi32>
      %parallel_loop3A_253 = vector.shape_cast %parallel_loop3A_252 : vector<16xi32> to vector<16x1xi32>
      %parallel_loop3A_254 = vector.shape_cast %parallel_loop3A_253 : vector<16x1xi32> to vector<16xi32>
      %parallel_loop3A_255 = tpu.dynamic_gather %parallel_loop3A_248[%parallel_loop3A_254] in [0] : vector<16xf32>, vector<16xi32> -> vector<16xf32>
      %parallel_loop3A_256 = arith.addf %parallel_loop3A_248, %parallel_loop3A_255 : vector<16xf32>
      %parallel_loop3A_257 = tpu.iota {dimensions = array<i32: 0>} : vector<16xi32>
      %parallel_loop3A_258 = arith.constant 1 : i32
      %parallel_loop3A_259 = vector.broadcast %parallel_loop3A_258 : i32 to vector<16xi32>
      %parallel_loop3A_260 = arith.xori %parallel_loop3A_257, %parallel_loop3A_259 : vector<16xi32>
      %parallel_loop3A_261 = vector.shape_cast %parallel_loop3A_260 : vector<16xi32> to vector<16x1xi32>
      %parallel_loop3A_262 = vector.shape_cast %parallel_loop3A_261 : vector<16x1xi32> to vector<16xi32>
      %parallel_loop3A_263 = tpu.dynamic_gather %parallel_loop3A_256[%parallel_loop3A_262] in [0] : vector<16xf32>, vector<16xi32> -> vector<16xf32>
      %parallel_loop3A_264 = arith.addf %parallel_loop3A_256, %parallel_loop3A_263 : vector<16xf32>
      %parallel_loop3A_265 = arith.constant 7.812500e-03 : f32
      %parallel_loop3A_266 = vector.broadcast %parallel_loop3A_265 : f32 to vector<16xf32>
      %parallel_loop3A_267 = arith.mulf %parallel_loop3A_264, %parallel_loop3A_266 : vector<16xf32>
      %parallel_loop3A_268 = tpu.iota {dimensions = array<i32: 0>} : vector<16xi32>
      %parallel_loop3A_269 = arith.constant 8 : i32
      %parallel_loop3A_270 = vector.broadcast %parallel_loop3A_269 : i32 to vector<16xi32>
      %parallel_loop3A_271 = arith.xori %parallel_loop3A_268, %parallel_loop3A_270 : vector<16xi32>
      %parallel_loop3A_272 = vector.shape_cast %parallel_loop3A_271 : vector<16xi32> to vector<16x1xi32>
      %parallel_loop3A_273 = vector.shape_cast %parallel_loop3A_272 : vector<16x1xi32> to vector<16xi32>
      %parallel_loop3A_274 = tpu.dynamic_gather %parallel_loop3A_232[%parallel_loop3A_273] in [0] : vector<16xf32>, vector<16xi32> -> vector<16xf32>
      %parallel_loop3A_275 = arith.addf %parallel_loop3A_232, %parallel_loop3A_274 : vector<16xf32>
      %parallel_loop3A_276 = tpu.iota {dimensions = array<i32: 0>} : vector<16xi32>
      %parallel_loop3A_277 = arith.constant 4 : i32
      %parallel_loop3A_278 = vector.broadcast %parallel_loop3A_277 : i32 to vector<16xi32>
      %parallel_loop3A_279 = arith.xori %parallel_loop3A_276, %parallel_loop3A_278 : vector<16xi32>
      %parallel_loop3A_280 = vector.shape_cast %parallel_loop3A_279 : vector<16xi32> to vector<16x1xi32>
      %parallel_loop3A_281 = vector.shape_cast %parallel_loop3A_280 : vector<16x1xi32> to vector<16xi32>
      %parallel_loop3A_282 = tpu.dynamic_gather %parallel_loop3A_275[%parallel_loop3A_281] in [0] : vector<16xf32>, vector<16xi32> -> vector<16xf32>
      %parallel_loop3A_283 = arith.addf %parallel_loop3A_275, %parallel_loop3A_282 : vector<16xf32>
      %parallel_loop3A_284 = tpu.iota {dimensions = array<i32: 0>} : vector<16xi32>
      %parallel_loop3A_285 = arith.constant 2 : i32
      %parallel_loop3A_286 = vector.broadcast %parallel_loop3A_285 : i32 to vector<16xi32>
      %parallel_loop3A_287 = arith.xori %parallel_loop3A_284, %parallel_loop3A_286 : vector<16xi32>
      %parallel_loop3A_288 = vector.shape_cast %parallel_loop3A_287 : vector<16xi32> to vector<16x1xi32>
      %parallel_loop3A_289 = vector.shape_cast %parallel_loop3A_288 : vector<16x1xi32> to vector<16xi32>
      %parallel_loop3A_290 = tpu.dynamic_gather %parallel_loop3A_283[%parallel_loop3A_289] in [0] : vector<16xf32>, vector<16xi32> -> vector<16xf32>
      %parallel_loop3A_291 = arith.addf %parallel_loop3A_283, %parallel_loop3A_290 : vector<16xf32>
      %parallel_loop3A_292 = tpu.iota {dimensions = array<i32: 0>} : vector<16xi32>
      %parallel_loop3A_293 = arith.constant 1 : i32
      %parallel_loop3A_294 = vector.broadcast %parallel_loop3A_293 : i32 to vector<16xi32>
      %parallel_loop3A_295 = arith.xori %parallel_loop3A_292, %parallel_loop3A_294 : vector<16xi32>
      %parallel_loop3A_296 = vector.shape_cast %parallel_loop3A_295 : vector<16xi32> to vector<16x1xi32>
      %parallel_loop3A_297 = vector.shape_cast %parallel_loop3A_296 : vector<16x1xi32> to vector<16xi32>
      %parallel_loop3A_298 = tpu.dynamic_gather %parallel_loop3A_291[%parallel_loop3A_297] in [0] : vector<16xf32>, vector<16xi32> -> vector<16xf32>
      %parallel_loop3A_299 = arith.addf %parallel_loop3A_291, %parallel_loop3A_298 : vector<16xf32>
      %parallel_loop3A_300 = arith.constant 7.812500e-03 : f32
      %parallel_loop3A_301 = vector.broadcast %parallel_loop3A_300 : f32 to vector<16xf32>
      %parallel_loop3A_302 = arith.mulf %parallel_loop3A_299, %parallel_loop3A_301 : vector<16xf32>
      %parallel_loop3A_303 = arith.mulf %parallel_loop3A_267, %parallel_loop3A_267 : vector<16xf32>
      %parallel_loop3A_304 = arith.subf %parallel_loop3A_302, %parallel_loop3A_303 : vector<16xf32>
      %parallel_loop3A_305 = arith.constant 9.99999996E-13 : f32
      %parallel_loop3A_306 = vector.broadcast %parallel_loop3A_305 : f32 to vector<16xf32>
      %parallel_loop3A_307 = arith.addf %parallel_loop3A_304, %parallel_loop3A_306 : vector<16xf32>
      %parallel_loop3A_308 = tpu.bitcast %parallel_loop3A_307 : vector<16xf32> -> vector<16xi32>
      %parallel_loop3A_309 = arith.constant 1 : i32
      %parallel_loop3A_310 = vector.broadcast %parallel_loop3A_309 : i32 to vector<16xi32>
      %parallel_loop3A_311 = arith.shrsi %parallel_loop3A_308, %parallel_loop3A_310 : vector<16xi32>
      %parallel_loop3A_312 = arith.constant 1597463007 : i32
      %parallel_loop3A_313 = vector.broadcast %parallel_loop3A_312 : i32 to vector<16xi32>
      %parallel_loop3A_314 = arith.subi %parallel_loop3A_313, %parallel_loop3A_311 : vector<16xi32>
      %parallel_loop3A_315 = tpu.bitcast %parallel_loop3A_314 : vector<16xi32> -> vector<16xf32>
      %parallel_loop3A_316 = arith.constant 5.000000e-01 : f32
      %parallel_loop3A_317 = vector.broadcast %parallel_loop3A_316 : f32 to vector<16xf32>
      %parallel_loop3A_318 = arith.mulf %parallel_loop3A_317, %parallel_loop3A_307 : vector<16xf32>
      %parallel_loop3A_319 = arith.mulf %parallel_loop3A_318, %parallel_loop3A_315 : vector<16xf32>
      %parallel_loop3A_320 = arith.mulf %parallel_loop3A_319, %parallel_loop3A_315 : vector<16xf32>
      %parallel_loop3A_321 = arith.constant 1.500000e+00 : f32
      %parallel_loop3A_322 = vector.broadcast %parallel_loop3A_321 : f32 to vector<16xf32>
      %parallel_loop3A_323 = arith.subf %parallel_loop3A_322, %parallel_loop3A_320 : vector<16xf32>
      %parallel_loop3A_324 = arith.mulf %parallel_loop3A_315, %parallel_loop3A_323 : vector<16xf32>
      %parallel_loop3A_325 = arith.constant 0.000000e+00 : f32
      %parallel_loop3A_326 = vector.broadcast %parallel_loop3A_325 : f32 to vector<16xf32>
      %parallel_loop3A_327 = arith.subf %parallel_loop3A_326, %parallel_loop3A_267 : vector<16xf32>
      %parallel_loop3A_328 = arith.mulf %parallel_loop3A_327, %parallel_loop3A_324 : vector<16xf32>
      %parallel_loop3A_329 = arith.mulf %parallel_loop3A_154, %parallel_loop3A_324 : vector<16xf32>
      %parallel_loop3A_330 = arith.addf %parallel_loop3A_329, %parallel_loop3A_328 : vector<16xf32>
      %parallel_loop3A_331 = arith.constant 0 : i32
      %parallel_loop3A_332 = arith.constant 0 : i32
      %parallel_loop3A_333 = tpu.memref_slice %arg6[%parallel_loop3A_44, %parallel_loop3A_331, %parallel_loop3A_332] : memref<3x128x128xf32, #tpu.memory_space<vmem>> -> memref<1x128x128xf32, #tpu.memory_space<vmem>>
      %parallel_loop3A_334 = tpu.memref_squeeze %parallel_loop3A_333 : memref<1x128x128xf32, #tpu.memory_space<vmem>> -> memref<128x128xf32, #tpu.memory_space<vmem>>
      %parallel_loop3A_335 = arith.index_cast %parallel_loop3A_146 : i32 to index
      %parallel_loop3A_336 = arith.constant 0 : index
      %parallel_loop3A_337 = tpu.vector_load %parallel_loop3A_334[%parallel_loop3A_335, %parallel_loop3A_336] {strides = array<i32>} : memref<128x128xf32, #tpu.memory_space<vmem>>, vector<1x16xf32>,
      %parallel_loop3A_338 = vector.shape_cast %parallel_loop3A_337 : vector<1x16xf32> to vector<16xf32>
      %parallel_loop3A_339 = vector.shape_cast %parallel_loop3A_330 : vector<16xf32> to vector<1x16xf32>
      tpu.vector_store %parallel_loop3A_334[%parallel_loop3A_335, %parallel_loop3A_336], %parallel_loop3A_339 {strides = array<i32>} : memref<128x128xf32, #tpu.memory_space<vmem>>, vector<1x16xf32>,
      %parallel_loop3A_340 = arith.mulf %parallel_loop3A_162, %parallel_loop3A_324 : vector<16xf32>
      %parallel_loop3A_341 = arith.addf %parallel_loop3A_340, %parallel_loop3A_328 : vector<16xf32>
      %parallel_loop3A_342 = arith.constant 0 : i32
      %parallel_loop3A_343 = arith.constant 0 : i32
      %parallel_loop3A_344 = tpu.memref_slice %arg6[%parallel_loop3A_44, %parallel_loop3A_342, %parallel_loop3A_343] : memref<3x128x128xf32, #tpu.memory_space<vmem>> -> memref<1x128x128xf32, #tpu.memory_space<vmem>>
      %parallel_loop3A_345 = tpu.memref_squeeze %parallel_loop3A_344 : memref<1x128x128xf32, #tpu.memory_space<vmem>> -> memref<128x128xf32, #tpu.memory_space<vmem>>
      %parallel_loop3A_346 = arith.index_cast %parallel_loop3A_146 : i32 to index
      %parallel_loop3A_347 = arith.constant 16 : index
      %parallel_loop3A_348 = tpu.vector_load %parallel_loop3A_345[%parallel_loop3A_346, %parallel_loop3A_347] {strides = array<i32>} : memref<128x128xf32, #tpu.memory_space<vmem>>, vector<1x16xf32>,
      %parallel_loop3A_349 = vector.shape_cast %parallel_loop3A_348 : vector<1x16xf32> to vector<16xf32>
      %parallel_loop3A_350 = vector.shape_cast %parallel_loop3A_341 : vector<16xf32> to vector<1x16xf32>
      tpu.vector_store %parallel_loop3A_345[%parallel_loop3A_346, %parallel_loop3A_347], %parallel_loop3A_350 {strides = array<i32>} : memref<128x128xf32, #tpu.memory_space<vmem>>, vector<1x16xf32>,
      %parallel_loop3A_351 = arith.mulf %parallel_loop3A_170, %parallel_loop3A_324 : vector<16xf32>
      %parallel_loop3A_352 = arith.addf %parallel_loop3A_351, %parallel_loop3A_328 : vector<16xf32>
      %parallel_loop3A_353 = arith.constant 0 : i32
      %parallel_loop3A_354 = arith.constant 0 : i32
      %parallel_loop3A_355 = tpu.memref_slice %arg6[%parallel_loop3A_44, %parallel_loop3A_353, %parallel_loop3A_354] : memref<3x128x128xf32, #tpu.memory_space<vmem>> -> memref<1x128x128xf32, #tpu.memory_space<vmem>>
      %parallel_loop3A_356 = tpu.memref_squeeze %parallel_loop3A_355 : memref<1x128x128xf32, #tpu.memory_space<vmem>> -> memref<128x128xf32, #tpu.memory_space<vmem>>
      %parallel_loop3A_357 = arith.index_cast %parallel_loop3A_146 : i32 to index
      %parallel_loop3A_358 = arith.constant 32 : index
      %parallel_loop3A_359 = tpu.vector_load %parallel_loop3A_356[%parallel_loop3A_357, %parallel_loop3A_358] {strides = array<i32>} : memref<128x128xf32, #tpu.memory_space<vmem>>, vector<1x16xf32>,
      %parallel_loop3A_360 = vector.shape_cast %parallel_loop3A_359 : vector<1x16xf32> to vector<16xf32>
      %parallel_loop3A_361 = vector.shape_cast %parallel_loop3A_352 : vector<16xf32> to vector<1x16xf32>
      tpu.vector_store %parallel_loop3A_356[%parallel_loop3A_357, %parallel_loop3A_358], %parallel_loop3A_361 {strides = array<i32>} : memref<128x128xf32, #tpu.memory_space<vmem>>, vector<1x16xf32>,
      %parallel_loop3A_362 = arith.mulf %parallel_loop3A_178, %parallel_loop3A_324 : vector<16xf32>
      %parallel_loop3A_363 = arith.addf %parallel_loop3A_362, %parallel_loop3A_328 : vector<16xf32>
      %parallel_loop3A_364 = arith.constant 0 : i32
      %parallel_loop3A_365 = arith.constant 0 : i32
      %parallel_loop3A_366 = tpu.memref_slice %arg6[%parallel_loop3A_44, %parallel_loop3A_364, %parallel_loop3A_365] : memref<3x128x128xf32, #tpu.memory_space<vmem>> -> memref<1x128x128xf32, #tpu.memory_space<vmem>>
      %parallel_loop3A_367 = tpu.memref_squeeze %parallel_loop3A_366 : memref<1x128x128xf32, #tpu.memory_space<vmem>> -> memref<128x128xf32, #tpu.memory_space<vmem>>
      %parallel_loop3A_368 = arith.index_cast %parallel_loop3A_146 : i32 to index
      %parallel_loop3A_369 = arith.constant 48 : index
      %parallel_loop3A_370 = tpu.vector_load %parallel_loop3A_367[%parallel_loop3A_368, %parallel_loop3A_369] {strides = array<i32>} : memref<128x128xf32, #tpu.memory_space<vmem>>, vector<1x16xf32>,
      %parallel_loop3A_371 = vector.shape_cast %parallel_loop3A_370 : vector<1x16xf32> to vector<16xf32>
      %parallel_loop3A_372 = vector.shape_cast %parallel_loop3A_363 : vector<16xf32> to vector<1x16xf32>
      tpu.vector_store %parallel_loop3A_367[%parallel_loop3A_368, %parallel_loop3A_369], %parallel_loop3A_372 {strides = array<i32>} : memref<128x128xf32, #tpu.memory_space<vmem>>, vector<1x16xf32>,
      %parallel_loop3A_373 = arith.mulf %parallel_loop3A_186, %parallel_loop3A_324 : vector<16xf32>
      %parallel_loop3A_374 = arith.addf %parallel_loop3A_373, %parallel_loop3A_328 : vector<16xf32>
      %parallel_loop3A_375 = arith.constant 0 : i32
      %parallel_loop3A_376 = arith.constant 0 : i32
      %parallel_loop3A_377 = tpu.memref_slice %arg6[%parallel_loop3A_44, %parallel_loop3A_375, %parallel_loop3A_376] : memref<3x128x128xf32, #tpu.memory_space<vmem>> -> memref<1x128x128xf32, #tpu.memory_space<vmem>>
      %parallel_loop3A_378 = tpu.memref_squeeze %parallel_loop3A_377 : memref<1x128x128xf32, #tpu.memory_space<vmem>> -> memref<128x128xf32, #tpu.memory_space<vmem>>
      %parallel_loop3A_379 = arith.index_cast %parallel_loop3A_146 : i32 to index
      %parallel_loop3A_380 = arith.constant 64 : index
      %parallel_loop3A_381 = tpu.vector_load %parallel_loop3A_378[%parallel_loop3A_379, %parallel_loop3A_380] {strides = array<i32>} : memref<128x128xf32, #tpu.memory_space<vmem>>, vector<1x16xf32>,
      %parallel_loop3A_382 = vector.shape_cast %parallel_loop3A_381 : vector<1x16xf32> to vector<16xf32>
      %parallel_loop3A_383 = vector.shape_cast %parallel_loop3A_374 : vector<16xf32> to vector<1x16xf32>
      tpu.vector_store %parallel_loop3A_378[%parallel_loop3A_379, %parallel_loop3A_380], %parallel_loop3A_383 {strides = array<i32>} : memref<128x128xf32, #tpu.memory_space<vmem>>, vector<1x16xf32>,
      %parallel_loop3A_384 = arith.mulf %parallel_loop3A_194, %parallel_loop3A_324 : vector<16xf32>
      %parallel_loop3A_385 = arith.addf %parallel_loop3A_384, %parallel_loop3A_328 : vector<16xf32>
      %parallel_loop3A_386 = arith.constant 0 : i32
      %parallel_loop3A_387 = arith.constant 0 : i32
      %parallel_loop3A_388 = tpu.memref_slice %arg6[%parallel_loop3A_44, %parallel_loop3A_386, %parallel_loop3A_387] : memref<3x128x128xf32, #tpu.memory_space<vmem>> -> memref<1x128x128xf32, #tpu.memory_space<vmem>>
      %parallel_loop3A_389 = tpu.memref_squeeze %parallel_loop3A_388 : memref<1x128x128xf32, #tpu.memory_space<vmem>> -> memref<128x128xf32, #tpu.memory_space<vmem>>
      %parallel_loop3A_390 = arith.index_cast %parallel_loop3A_146 : i32 to index
      %parallel_loop3A_391 = arith.constant 80 : index
      %parallel_loop3A_392 = tpu.vector_load %parallel_loop3A_389[%parallel_loop3A_390, %parallel_loop3A_391] {strides = array<i32>} : memref<128x128xf32, #tpu.memory_space<vmem>>, vector<1x16xf32>,
      %parallel_loop3A_393 = vector.shape_cast %parallel_loop3A_392 : vector<1x16xf32> to vector<16xf32>
      %parallel_loop3A_394 = vector.shape_cast %parallel_loop3A_385 : vector<16xf32> to vector<1x16xf32>
      tpu.vector_store %parallel_loop3A_389[%parallel_loop3A_390, %parallel_loop3A_391], %parallel_loop3A_394 {strides = array<i32>} : memref<128x128xf32, #tpu.memory_space<vmem>>, vector<1x16xf32>,
      %parallel_loop3A_395 = arith.mulf %parallel_loop3A_202, %parallel_loop3A_324 : vector<16xf32>
      %parallel_loop3A_396 = arith.addf %parallel_loop3A_395, %parallel_loop3A_328 : vector<16xf32>
      %parallel_loop3A_397 = arith.constant 0 : i32
      %parallel_loop3A_398 = arith.constant 0 : i32
      %parallel_loop3A_399 = tpu.memref_slice %arg6[%parallel_loop3A_44, %parallel_loop3A_397, %parallel_loop3A_398] : memref<3x128x128xf32, #tpu.memory_space<vmem>> -> memref<1x128x128xf32, #tpu.memory_space<vmem>>
      %parallel_loop3A_400 = tpu.memref_squeeze %parallel_loop3A_399 : memref<1x128x128xf32, #tpu.memory_space<vmem>> -> memref<128x128xf32, #tpu.memory_space<vmem>>
      %parallel_loop3A_401 = arith.index_cast %parallel_loop3A_146 : i32 to index
      %parallel_loop3A_402 = arith.constant 96 : index
      %parallel_loop3A_403 = tpu.vector_load %parallel_loop3A_400[%parallel_loop3A_401, %parallel_loop3A_402] {strides = array<i32>} : memref<128x128xf32, #tpu.memory_space<vmem>>, vector<1x16xf32>,
      %parallel_loop3A_404 = vector.shape_cast %parallel_loop3A_403 : vector<1x16xf32> to vector<16xf32>
      %parallel_loop3A_405 = vector.shape_cast %parallel_loop3A_396 : vector<16xf32> to vector<1x16xf32>
      tpu.vector_store %parallel_loop3A_400[%parallel_loop3A_401, %parallel_loop3A_402], %parallel_loop3A_405 {strides = array<i32>} : memref<128x128xf32, #tpu.memory_space<vmem>>, vector<1x16xf32>,
      %parallel_loop3A_406 = arith.mulf %parallel_loop3A_210, %parallel_loop3A_324 : vector<16xf32>
      %parallel_loop3A_407 = arith.addf %parallel_loop3A_406, %parallel_loop3A_328 : vector<16xf32>
      %parallel_loop3A_408 = arith.constant 0 : i32
      %parallel_loop3A_409 = arith.constant 0 : i32
      %parallel_loop3A_410 = tpu.memref_slice %arg6[%parallel_loop3A_44, %parallel_loop3A_408, %parallel_loop3A_409] : memref<3x128x128xf32, #tpu.memory_space<vmem>> -> memref<1x128x128xf32, #tpu.memory_space<vmem>>
      %parallel_loop3A_411 = tpu.memref_squeeze %parallel_loop3A_410 : memref<1x128x128xf32, #tpu.memory_space<vmem>> -> memref<128x128xf32, #tpu.memory_space<vmem>>
      %parallel_loop3A_412 = arith.index_cast %parallel_loop3A_146 : i32 to index
      %parallel_loop3A_413 = arith.constant 112 : index
      %parallel_loop3A_414 = tpu.vector_load %parallel_loop3A_411[%parallel_loop3A_412, %parallel_loop3A_413] {strides = array<i32>} : memref<128x128xf32, #tpu.memory_space<vmem>>, vector<1x16xf32>,
      %parallel_loop3A_415 = vector.shape_cast %parallel_loop3A_414 : vector<1x16xf32> to vector<16xf32>
      %parallel_loop3A_416 = vector.shape_cast %parallel_loop3A_407 : vector<16xf32> to vector<1x16xf32>
      tpu.vector_store %parallel_loop3A_411[%parallel_loop3A_412, %parallel_loop3A_413], %parallel_loop3A_416 {strides = array<i32>} : memref<128x128xf32, #tpu.memory_space<vmem>>, vector<1x16xf32>,
    } {sc.loop_unroll_factor = 4 : i64, sc.parallel_access}
    %mul3A_45 = arith.constant 48 : i32
    %mul3A_46 = arith.constant 128 : i32
    %mul3A_47 = arith.muli %mul3A_45, %mul3A_46 : i32
    %add3A_48 = arith.addi %mul3A_2, %mul3A_47 : i32
    %dma_start3A_49 = arith.constant 0 : i32
    %dma_start3A_50 = arith.constant 0 : i32
    %dma_start3A_51 = arith.constant 0 : i32
    %dma_start3A_52 = tpu.memref_slice %arg6[%dma_start3A_49, %dma_start3A_50, %dma_start3A_51] : memref<3x128x128xf32, #tpu.memory_space<vmem>> -> memref<1x128x128xf32, #tpu.memory_space<vmem>>
    %dma_start3A_53 = tpu.memref_squeeze %dma_start3A_52 : memref<1x128x128xf32, #tpu.memory_space<vmem>> -> memref<128x128xf32, #tpu.memory_space<vmem>>
    %dma_start3A_54 = arith.constant 0 : i32
    %dma_start3A_55 = tpu.memref_slice %arg4[%add3A_48, %dma_start3A_54] : memref<204800x128xf32, #tpu.memory_space<hbm>> -> memref<128x128xf32, #tpu.memory_space<hbm>>
    %dma_start3A_56 = arith.constant 0 : i32
    %dma_start3A_57 = tpu.memref_slice %arg4[%add3A_48, %dma_start3A_56] : memref<204800x128xf32, #tpu.memory_space<hbm>> -> memref<128x128xf32, #tpu.memory_space<hbm>>
    %dma_start3A_58 = arith.constant 0 : i32
    %dma_start3A_59 = arith.constant 0 : i32
    %dma_start3A_60 = tpu.memref_slice %arg6[%dma_start3A_49, %dma_start3A_58, %dma_start3A_59] : memref<3x128x128xf32, #tpu.memory_space<vmem>> -> memref<1x128x128xf32, #tpu.memory_space<vmem>>
    %dma_start3A_61 = tpu.memref_squeeze %dma_start3A_60 : memref<1x128x128xf32, #tpu.memory_space<vmem>> -> memref<128x128xf32, #tpu.memory_space<vmem>>
    tpu.enqueue_dma source(%dma_start3A_61 : memref<128x128xf32, #tpu.memory_space<vmem>>) target(%dma_start3A_57 : memref<128x128xf32, #tpu.memory_space<hbm>>) target_semaphore(%arg10 : memref<!tpu.dma_semaphore, #tpu.memory_space<semaphore_mem>>)
    %dma_wait3A_62 = arith.constant 49 : i32
    %dma_wait3A_63 = arith.constant 1 : i32
    %dma_wait3A_64 = arith.constant 0 : i32
    %dma_wait3A_65 = arith.constant 0 : i32
    %dma_wait3A_66 = tpu.memref_slice %arg6[%dma_wait3A_63, %dma_wait3A_64, %dma_wait3A_65] : memref<3x128x128xf32, #tpu.memory_space<vmem>> -> memref<1x128x128xf32, #tpu.memory_space<vmem>>
    %dma_wait3A_67 = tpu.memref_squeeze %dma_wait3A_66 : memref<1x128x128xf32, #tpu.memory_space<vmem>> -> memref<128x128xf32, #tpu.memory_space<vmem>>
    %dma_wait3A_68 = arith.constant 0 : i32
    %dma_wait3A_69 = tpu.memref_slice %arg5[%dma_wait3A_62, %dma_wait3A_68] : memref<50x128xi32, #tpu.memory_space<vmem>> -> memref<1x128xi32, #tpu.memory_space<vmem>>
    %dma_wait3A_70 = tpu.memref_squeeze %dma_wait3A_69 : memref<1x128xi32, #tpu.memory_space<vmem>> -> memref<128xi32, #tpu.memory_space<vmem>>
    %dma_wait3A_71 = arith.constant 0 : i32
    %dma_wait3A_72 = arith.constant 0 : i32
    %dma_wait3A_73 = tpu.memref_slice %arg3[%dma_wait3A_71, %dma_wait3A_72] : memref<100000x128xf32, #tpu.memory_space<hbm>> -> memref<100000x128xf32, #tpu.memory_space<hbm>>
    tpu.wait_indirect_dma semaphore(%arg8 : memref<!tpu.dma_semaphore, #tpu.memory_space<semaphore_mem>>) src(%dma_wait3A_73 : memref<100000x128xf32, #tpu.memory_space<hbm>>) dst(%dma_wait3A_67 : memref<128x128xf32, #tpu.memory_space<vmem>>)
    %parallel_loop3A_74 = arith.constant 0 : i32
    %parallel_loop3A_75 = arith.constant 128 : i32
    %parallel_loop3A_76 = arith.constant 1 : i32
    %parallel_loop3A_77 = arith.constant 1 : i32
    scf.for %parallel_loop3A_146 = %parallel_loop3A_74 to %parallel_loop3A_75 step %parallel_loop3A_76  : i32 {
      %parallel_loop3A_147 = arith.constant 0 : i32
      %parallel_loop3A_148 = arith.constant 0 : i32
      %parallel_loop3A_149 = tpu.memref_slice %arg6[%parallel_loop3A_77, %parallel_loop3A_147, %parallel_loop3A_148] : memref<3x128x128xf32, #tpu.memory_space<vmem>> -> memref<1x128x128xf32, #tpu.memory_space<vmem>>
      %parallel_loop3A_150 = tpu.memref_squeeze %parallel_loop3A_149 : memref<1x128x128xf32, #tpu.memory_space<vmem>> -> memref<128x128xf32, #tpu.memory_space<vmem>>
      %parallel_loop3A_151 = arith.index_cast %parallel_loop3A_146 : i32 to index
      %parallel_loop3A_152 = arith.constant 0 : index
      %parallel_loop3A_153 = tpu.vector_load %parallel_loop3A_150[%parallel_loop3A_151, %parallel_loop3A_152] {strides = array<i32>} : memref<128x128xf32, #tpu.memory_space<vmem>>, vector<1x16xf32>,
      %parallel_loop3A_154 = vector.shape_cast %parallel_loop3A_153 : vector<1x16xf32> to vector<16xf32>
      %parallel_loop3A_155 = arith.constant 0 : i32
      %parallel_loop3A_156 = arith.constant 0 : i32
      %parallel_loop3A_157 = tpu.memref_slice %arg6[%parallel_loop3A_77, %parallel_loop3A_155, %parallel_loop3A_156] : memref<3x128x128xf32, #tpu.memory_space<vmem>> -> memref<1x128x128xf32, #tpu.memory_space<vmem>>
      %parallel_loop3A_158 = tpu.memref_squeeze %parallel_loop3A_157 : memref<1x128x128xf32, #tpu.memory_space<vmem>> -> memref<128x128xf32, #tpu.memory_space<vmem>>
      %parallel_loop3A_159 = arith.index_cast %parallel_loop3A_146 : i32 to index
      %parallel_loop3A_160 = arith.constant 16 : index
      %parallel_loop3A_161 = tpu.vector_load %parallel_loop3A_158[%parallel_loop3A_159, %parallel_loop3A_160] {strides = array<i32>} : memref<128x128xf32, #tpu.memory_space<vmem>>, vector<1x16xf32>,
      %parallel_loop3A_162 = vector.shape_cast %parallel_loop3A_161 : vector<1x16xf32> to vector<16xf32>
      %parallel_loop3A_163 = arith.constant 0 : i32
      %parallel_loop3A_164 = arith.constant 0 : i32
      %parallel_loop3A_165 = tpu.memref_slice %arg6[%parallel_loop3A_77, %parallel_loop3A_163, %parallel_loop3A_164] : memref<3x128x128xf32, #tpu.memory_space<vmem>> -> memref<1x128x128xf32, #tpu.memory_space<vmem>>
      %parallel_loop3A_166 = tpu.memref_squeeze %parallel_loop3A_165 : memref<1x128x128xf32, #tpu.memory_space<vmem>> -> memref<128x128xf32, #tpu.memory_space<vmem>>
      %parallel_loop3A_167 = arith.index_cast %parallel_loop3A_146 : i32 to index
      %parallel_loop3A_168 = arith.constant 32 : index
      %parallel_loop3A_169 = tpu.vector_load %parallel_loop3A_166[%parallel_loop3A_167, %parallel_loop3A_168] {strides = array<i32>} : memref<128x128xf32, #tpu.memory_space<vmem>>, vector<1x16xf32>,
      %parallel_loop3A_170 = vector.shape_cast %parallel_loop3A_169 : vector<1x16xf32> to vector<16xf32>
      %parallel_loop3A_171 = arith.constant 0 : i32
      %parallel_loop3A_172 = arith.constant 0 : i32
      %parallel_loop3A_173 = tpu.memref_slice %arg6[%parallel_loop3A_77, %parallel_loop3A_171, %parallel_loop3A_172] : memref<3x128x128xf32, #tpu.memory_space<vmem>> -> memref<1x128x128xf32, #tpu.memory_space<vmem>>
      %parallel_loop3A_174 = tpu.memref_squeeze %parallel_loop3A_173 : memref<1x128x128xf32, #tpu.memory_space<vmem>> -> memref<128x128xf32, #tpu.memory_space<vmem>>
      %parallel_loop3A_175 = arith.index_cast %parallel_loop3A_146 : i32 to index
      %parallel_loop3A_176 = arith.constant 48 : index
      %parallel_loop3A_177 = tpu.vector_load %parallel_loop3A_174[%parallel_loop3A_175, %parallel_loop3A_176] {strides = array<i32>} : memref<128x128xf32, #tpu.memory_space<vmem>>, vector<1x16xf32>,
      %parallel_loop3A_178 = vector.shape_cast %parallel_loop3A_177 : vector<1x16xf32> to vector<16xf32>
      %parallel_loop3A_179 = arith.constant 0 : i32
      %parallel_loop3A_180 = arith.constant 0 : i32
      %parallel_loop3A_181 = tpu.memref_slice %arg6[%parallel_loop3A_77, %parallel_loop3A_179, %parallel_loop3A_180] : memref<3x128x128xf32, #tpu.memory_space<vmem>> -> memref<1x128x128xf32, #tpu.memory_space<vmem>>
      %parallel_loop3A_182 = tpu.memref_squeeze %parallel_loop3A_181 : memref<1x128x128xf32, #tpu.memory_space<vmem>> -> memref<128x128xf32, #tpu.memory_space<vmem>>
      %parallel_loop3A_183 = arith.index_cast %parallel_loop3A_146 : i32 to index
      %parallel_loop3A_184 = arith.constant 64 : index
      %parallel_loop3A_185 = tpu.vector_load %parallel_loop3A_182[%parallel_loop3A_183, %parallel_loop3A_184] {strides = array<i32>} : memref<128x128xf32, #tpu.memory_space<vmem>>, vector<1x16xf32>,
      %parallel_loop3A_186 = vector.shape_cast %parallel_loop3A_185 : vector<1x16xf32> to vector<16xf32>
      %parallel_loop3A_187 = arith.constant 0 : i32
      %parallel_loop3A_188 = arith.constant 0 : i32
      %parallel_loop3A_189 = tpu.memref_slice %arg6[%parallel_loop3A_77, %parallel_loop3A_187, %parallel_loop3A_188] : memref<3x128x128xf32, #tpu.memory_space<vmem>> -> memref<1x128x128xf32, #tpu.memory_space<vmem>>
      %parallel_loop3A_190 = tpu.memref_squeeze %parallel_loop3A_189 : memref<1x128x128xf32, #tpu.memory_space<vmem>> -> memref<128x128xf32, #tpu.memory_space<vmem>>
      %parallel_loop3A_191 = arith.index_cast %parallel_loop3A_146 : i32 to index
      %parallel_loop3A_192 = arith.constant 80 : index
      %parallel_loop3A_193 = tpu.vector_load %parallel_loop3A_190[%parallel_loop3A_191, %parallel_loop3A_192] {strides = array<i32>} : memref<128x128xf32, #tpu.memory_space<vmem>>, vector<1x16xf32>,
      %parallel_loop3A_194 = vector.shape_cast %parallel_loop3A_193 : vector<1x16xf32> to vector<16xf32>
      %parallel_loop3A_195 = arith.constant 0 : i32
      %parallel_loop3A_196 = arith.constant 0 : i32
      %parallel_loop3A_197 = tpu.memref_slice %arg6[%parallel_loop3A_77, %parallel_loop3A_195, %parallel_loop3A_196] : memref<3x128x128xf32, #tpu.memory_space<vmem>> -> memref<1x128x128xf32, #tpu.memory_space<vmem>>
      %parallel_loop3A_198 = tpu.memref_squeeze %parallel_loop3A_197 : memref<1x128x128xf32, #tpu.memory_space<vmem>> -> memref<128x128xf32, #tpu.memory_space<vmem>>
      %parallel_loop3A_199 = arith.index_cast %parallel_loop3A_146 : i32 to index
      %parallel_loop3A_200 = arith.constant 96 : index
      %parallel_loop3A_201 = tpu.vector_load %parallel_loop3A_198[%parallel_loop3A_199, %parallel_loop3A_200] {strides = array<i32>} : memref<128x128xf32, #tpu.memory_space<vmem>>, vector<1x16xf32>,
      %parallel_loop3A_202 = vector.shape_cast %parallel_loop3A_201 : vector<1x16xf32> to vector<16xf32>
      %parallel_loop3A_203 = arith.constant 0 : i32
      %parallel_loop3A_204 = arith.constant 0 : i32
      %parallel_loop3A_205 = tpu.memref_slice %arg6[%parallel_loop3A_77, %parallel_loop3A_203, %parallel_loop3A_204] : memref<3x128x128xf32, #tpu.memory_space<vmem>> -> memref<1x128x128xf32, #tpu.memory_space<vmem>>
      %parallel_loop3A_206 = tpu.memref_squeeze %parallel_loop3A_205 : memref<1x128x128xf32, #tpu.memory_space<vmem>> -> memref<128x128xf32, #tpu.memory_space<vmem>>
      %parallel_loop3A_207 = arith.index_cast %parallel_loop3A_146 : i32 to index
      %parallel_loop3A_208 = arith.constant 112 : index
      %parallel_loop3A_209 = tpu.vector_load %parallel_loop3A_206[%parallel_loop3A_207, %parallel_loop3A_208] {strides = array<i32>} : memref<128x128xf32, #tpu.memory_space<vmem>>, vector<1x16xf32>,
      %parallel_loop3A_210 = vector.shape_cast %parallel_loop3A_209 : vector<1x16xf32> to vector<16xf32>
      %parallel_loop3A_211 = arith.mulf %parallel_loop3A_154, %parallel_loop3A_154 : vector<16xf32>
      %parallel_loop3A_212 = arith.addf %parallel_loop3A_154, %parallel_loop3A_162 : vector<16xf32>
      %parallel_loop3A_213 = arith.mulf %parallel_loop3A_162, %parallel_loop3A_162 : vector<16xf32>
      %parallel_loop3A_214 = arith.addf %parallel_loop3A_211, %parallel_loop3A_213 : vector<16xf32>
      %parallel_loop3A_215 = arith.addf %parallel_loop3A_212, %parallel_loop3A_170 : vector<16xf32>
      %parallel_loop3A_216 = arith.mulf %parallel_loop3A_170, %parallel_loop3A_170 : vector<16xf32>
      %parallel_loop3A_217 = arith.addf %parallel_loop3A_214, %parallel_loop3A_216 : vector<16xf32>
      %parallel_loop3A_218 = arith.addf %parallel_loop3A_215, %parallel_loop3A_178 : vector<16xf32>
      %parallel_loop3A_219 = arith.mulf %parallel_loop3A_178, %parallel_loop3A_178 : vector<16xf32>
      %parallel_loop3A_220 = arith.addf %parallel_loop3A_217, %parallel_loop3A_219 : vector<16xf32>
      %parallel_loop3A_221 = arith.addf %parallel_loop3A_218, %parallel_loop3A_186 : vector<16xf32>
      %parallel_loop3A_222 = arith.mulf %parallel_loop3A_186, %parallel_loop3A_186 : vector<16xf32>
      %parallel_loop3A_223 = arith.addf %parallel_loop3A_220, %parallel_loop3A_222 : vector<16xf32>
      %parallel_loop3A_224 = arith.addf %parallel_loop3A_221, %parallel_loop3A_194 : vector<16xf32>
      %parallel_loop3A_225 = arith.mulf %parallel_loop3A_194, %parallel_loop3A_194 : vector<16xf32>
      %parallel_loop3A_226 = arith.addf %parallel_loop3A_223, %parallel_loop3A_225 : vector<16xf32>
      %parallel_loop3A_227 = arith.addf %parallel_loop3A_224, %parallel_loop3A_202 : vector<16xf32>
      %parallel_loop3A_228 = arith.mulf %parallel_loop3A_202, %parallel_loop3A_202 : vector<16xf32>
      %parallel_loop3A_229 = arith.addf %parallel_loop3A_226, %parallel_loop3A_228 : vector<16xf32>
      %parallel_loop3A_230 = arith.addf %parallel_loop3A_227, %parallel_loop3A_210 : vector<16xf32>
      %parallel_loop3A_231 = arith.mulf %parallel_loop3A_210, %parallel_loop3A_210 : vector<16xf32>
      %parallel_loop3A_232 = arith.addf %parallel_loop3A_229, %parallel_loop3A_231 : vector<16xf32>
      %parallel_loop3A_233 = tpu.iota {dimensions = array<i32: 0>} : vector<16xi32>
      %parallel_loop3A_234 = arith.constant 8 : i32
      %parallel_loop3A_235 = vector.broadcast %parallel_loop3A_234 : i32 to vector<16xi32>
      %parallel_loop3A_236 = arith.xori %parallel_loop3A_233, %parallel_loop3A_235 : vector<16xi32>
      %parallel_loop3A_237 = vector.shape_cast %parallel_loop3A_236 : vector<16xi32> to vector<16x1xi32>
      %parallel_loop3A_238 = vector.shape_cast %parallel_loop3A_237 : vector<16x1xi32> to vector<16xi32>
      %parallel_loop3A_239 = tpu.dynamic_gather %parallel_loop3A_230[%parallel_loop3A_238] in [0] : vector<16xf32>, vector<16xi32> -> vector<16xf32>
      %parallel_loop3A_240 = arith.addf %parallel_loop3A_230, %parallel_loop3A_239 : vector<16xf32>
      %parallel_loop3A_241 = tpu.iota {dimensions = array<i32: 0>} : vector<16xi32>
      %parallel_loop3A_242 = arith.constant 4 : i32
      %parallel_loop3A_243 = vector.broadcast %parallel_loop3A_242 : i32 to vector<16xi32>
      %parallel_loop3A_244 = arith.xori %parallel_loop3A_241, %parallel_loop3A_243 : vector<16xi32>
      %parallel_loop3A_245 = vector.shape_cast %parallel_loop3A_244 : vector<16xi32> to vector<16x1xi32>
      %parallel_loop3A_246 = vector.shape_cast %parallel_loop3A_245 : vector<16x1xi32> to vector<16xi32>
      %parallel_loop3A_247 = tpu.dynamic_gather %parallel_loop3A_240[%parallel_loop3A_246] in [0] : vector<16xf32>, vector<16xi32> -> vector<16xf32>
      %parallel_loop3A_248 = arith.addf %parallel_loop3A_240, %parallel_loop3A_247 : vector<16xf32>
      %parallel_loop3A_249 = tpu.iota {dimensions = array<i32: 0>} : vector<16xi32>
      %parallel_loop3A_250 = arith.constant 2 : i32
      %parallel_loop3A_251 = vector.broadcast %parallel_loop3A_250 : i32 to vector<16xi32>
      %parallel_loop3A_252 = arith.xori %parallel_loop3A_249, %parallel_loop3A_251 : vector<16xi32>
      %parallel_loop3A_253 = vector.shape_cast %parallel_loop3A_252 : vector<16xi32> to vector<16x1xi32>
      %parallel_loop3A_254 = vector.shape_cast %parallel_loop3A_253 : vector<16x1xi32> to vector<16xi32>
      %parallel_loop3A_255 = tpu.dynamic_gather %parallel_loop3A_248[%parallel_loop3A_254] in [0] : vector<16xf32>, vector<16xi32> -> vector<16xf32>
      %parallel_loop3A_256 = arith.addf %parallel_loop3A_248, %parallel_loop3A_255 : vector<16xf32>
      %parallel_loop3A_257 = tpu.iota {dimensions = array<i32: 0>} : vector<16xi32>
      %parallel_loop3A_258 = arith.constant 1 : i32
      %parallel_loop3A_259 = vector.broadcast %parallel_loop3A_258 : i32 to vector<16xi32>
      %parallel_loop3A_260 = arith.xori %parallel_loop3A_257, %parallel_loop3A_259 : vector<16xi32>
      %parallel_loop3A_261 = vector.shape_cast %parallel_loop3A_260 : vector<16xi32> to vector<16x1xi32>
      %parallel_loop3A_262 = vector.shape_cast %parallel_loop3A_261 : vector<16x1xi32> to vector<16xi32>
      %parallel_loop3A_263 = tpu.dynamic_gather %parallel_loop3A_256[%parallel_loop3A_262] in [0] : vector<16xf32>, vector<16xi32> -> vector<16xf32>
      %parallel_loop3A_264 = arith.addf %parallel_loop3A_256, %parallel_loop3A_263 : vector<16xf32>
      %parallel_loop3A_265 = arith.constant 7.812500e-03 : f32
      %parallel_loop3A_266 = vector.broadcast %parallel_loop3A_265 : f32 to vector<16xf32>
      %parallel_loop3A_267 = arith.mulf %parallel_loop3A_264, %parallel_loop3A_266 : vector<16xf32>
      %parallel_loop3A_268 = tpu.iota {dimensions = array<i32: 0>} : vector<16xi32>
      %parallel_loop3A_269 = arith.constant 8 : i32
      %parallel_loop3A_270 = vector.broadcast %parallel_loop3A_269 : i32 to vector<16xi32>
      %parallel_loop3A_271 = arith.xori %parallel_loop3A_268, %parallel_loop3A_270 : vector<16xi32>
      %parallel_loop3A_272 = vector.shape_cast %parallel_loop3A_271 : vector<16xi32> to vector<16x1xi32>
      %parallel_loop3A_273 = vector.shape_cast %parallel_loop3A_272 : vector<16x1xi32> to vector<16xi32>
      %parallel_loop3A_274 = tpu.dynamic_gather %parallel_loop3A_232[%parallel_loop3A_273] in [0] : vector<16xf32>, vector<16xi32> -> vector<16xf32>
      %parallel_loop3A_275 = arith.addf %parallel_loop3A_232, %parallel_loop3A_274 : vector<16xf32>
      %parallel_loop3A_276 = tpu.iota {dimensions = array<i32: 0>} : vector<16xi32>
      %parallel_loop3A_277 = arith.constant 4 : i32
      %parallel_loop3A_278 = vector.broadcast %parallel_loop3A_277 : i32 to vector<16xi32>
      %parallel_loop3A_279 = arith.xori %parallel_loop3A_276, %parallel_loop3A_278 : vector<16xi32>
      %parallel_loop3A_280 = vector.shape_cast %parallel_loop3A_279 : vector<16xi32> to vector<16x1xi32>
      %parallel_loop3A_281 = vector.shape_cast %parallel_loop3A_280 : vector<16x1xi32> to vector<16xi32>
      %parallel_loop3A_282 = tpu.dynamic_gather %parallel_loop3A_275[%parallel_loop3A_281] in [0] : vector<16xf32>, vector<16xi32> -> vector<16xf32>
      %parallel_loop3A_283 = arith.addf %parallel_loop3A_275, %parallel_loop3A_282 : vector<16xf32>
      %parallel_loop3A_284 = tpu.iota {dimensions = array<i32: 0>} : vector<16xi32>
      %parallel_loop3A_285 = arith.constant 2 : i32
      %parallel_loop3A_286 = vector.broadcast %parallel_loop3A_285 : i32 to vector<16xi32>
      %parallel_loop3A_287 = arith.xori %parallel_loop3A_284, %parallel_loop3A_286 : vector<16xi32>
      %parallel_loop3A_288 = vector.shape_cast %parallel_loop3A_287 : vector<16xi32> to vector<16x1xi32>
      %parallel_loop3A_289 = vector.shape_cast %parallel_loop3A_288 : vector<16x1xi32> to vector<16xi32>
      %parallel_loop3A_290 = tpu.dynamic_gather %parallel_loop3A_283[%parallel_loop3A_289] in [0] : vector<16xf32>, vector<16xi32> -> vector<16xf32>
      %parallel_loop3A_291 = arith.addf %parallel_loop3A_283, %parallel_loop3A_290 : vector<16xf32>
      %parallel_loop3A_292 = tpu.iota {dimensions = array<i32: 0>} : vector<16xi32>
      %parallel_loop3A_293 = arith.constant 1 : i32
      %parallel_loop3A_294 = vector.broadcast %parallel_loop3A_293 : i32 to vector<16xi32>
      %parallel_loop3A_295 = arith.xori %parallel_loop3A_292, %parallel_loop3A_294 : vector<16xi32>
      %parallel_loop3A_296 = vector.shape_cast %parallel_loop3A_295 : vector<16xi32> to vector<16x1xi32>
      %parallel_loop3A_297 = vector.shape_cast %parallel_loop3A_296 : vector<16x1xi32> to vector<16xi32>
      %parallel_loop3A_298 = tpu.dynamic_gather %parallel_loop3A_291[%parallel_loop3A_297] in [0] : vector<16xf32>, vector<16xi32> -> vector<16xf32>
      %parallel_loop3A_299 = arith.addf %parallel_loop3A_291, %parallel_loop3A_298 : vector<16xf32>
      %parallel_loop3A_300 = arith.constant 7.812500e-03 : f32
      %parallel_loop3A_301 = vector.broadcast %parallel_loop3A_300 : f32 to vector<16xf32>
      %parallel_loop3A_302 = arith.mulf %parallel_loop3A_299, %parallel_loop3A_301 : vector<16xf32>
      %parallel_loop3A_303 = arith.mulf %parallel_loop3A_267, %parallel_loop3A_267 : vector<16xf32>
      %parallel_loop3A_304 = arith.subf %parallel_loop3A_302, %parallel_loop3A_303 : vector<16xf32>
      %parallel_loop3A_305 = arith.constant 9.99999996E-13 : f32
      %parallel_loop3A_306 = vector.broadcast %parallel_loop3A_305 : f32 to vector<16xf32>
      %parallel_loop3A_307 = arith.addf %parallel_loop3A_304, %parallel_loop3A_306 : vector<16xf32>
      %parallel_loop3A_308 = tpu.bitcast %parallel_loop3A_307 : vector<16xf32> -> vector<16xi32>
      %parallel_loop3A_309 = arith.constant 1 : i32
      %parallel_loop3A_310 = vector.broadcast %parallel_loop3A_309 : i32 to vector<16xi32>
      %parallel_loop3A_311 = arith.shrsi %parallel_loop3A_308, %parallel_loop3A_310 : vector<16xi32>
      %parallel_loop3A_312 = arith.constant 1597463007 : i32
      %parallel_loop3A_313 = vector.broadcast %parallel_loop3A_312 : i32 to vector<16xi32>
      %parallel_loop3A_314 = arith.subi %parallel_loop3A_313, %parallel_loop3A_311 : vector<16xi32>
      %parallel_loop3A_315 = tpu.bitcast %parallel_loop3A_314 : vector<16xi32> -> vector<16xf32>
      %parallel_loop3A_316 = arith.constant 5.000000e-01 : f32
      %parallel_loop3A_317 = vector.broadcast %parallel_loop3A_316 : f32 to vector<16xf32>
      %parallel_loop3A_318 = arith.mulf %parallel_loop3A_317, %parallel_loop3A_307 : vector<16xf32>
      %parallel_loop3A_319 = arith.mulf %parallel_loop3A_318, %parallel_loop3A_315 : vector<16xf32>
      %parallel_loop3A_320 = arith.mulf %parallel_loop3A_319, %parallel_loop3A_315 : vector<16xf32>
      %parallel_loop3A_321 = arith.constant 1.500000e+00 : f32
      %parallel_loop3A_322 = vector.broadcast %parallel_loop3A_321 : f32 to vector<16xf32>
      %parallel_loop3A_323 = arith.subf %parallel_loop3A_322, %parallel_loop3A_320 : vector<16xf32>
      %parallel_loop3A_324 = arith.mulf %parallel_loop3A_315, %parallel_loop3A_323 : vector<16xf32>
      %parallel_loop3A_325 = arith.constant 0.000000e+00 : f32
      %parallel_loop3A_326 = vector.broadcast %parallel_loop3A_325 : f32 to vector<16xf32>
      %parallel_loop3A_327 = arith.subf %parallel_loop3A_326, %parallel_loop3A_267 : vector<16xf32>
      %parallel_loop3A_328 = arith.mulf %parallel_loop3A_327, %parallel_loop3A_324 : vector<16xf32>
      %parallel_loop3A_329 = arith.mulf %parallel_loop3A_154, %parallel_loop3A_324 : vector<16xf32>
      %parallel_loop3A_330 = arith.addf %parallel_loop3A_329, %parallel_loop3A_328 : vector<16xf32>
      %parallel_loop3A_331 = arith.constant 0 : i32
      %parallel_loop3A_332 = arith.constant 0 : i32
      %parallel_loop3A_333 = tpu.memref_slice %arg6[%parallel_loop3A_77, %parallel_loop3A_331, %parallel_loop3A_332] : memref<3x128x128xf32, #tpu.memory_space<vmem>> -> memref<1x128x128xf32, #tpu.memory_space<vmem>>
      %parallel_loop3A_334 = tpu.memref_squeeze %parallel_loop3A_333 : memref<1x128x128xf32, #tpu.memory_space<vmem>> -> memref<128x128xf32, #tpu.memory_space<vmem>>
      %parallel_loop3A_335 = arith.index_cast %parallel_loop3A_146 : i32 to index
      %parallel_loop3A_336 = arith.constant 0 : index
      %parallel_loop3A_337 = tpu.vector_load %parallel_loop3A_334[%parallel_loop3A_335, %parallel_loop3A_336] {strides = array<i32>} : memref<128x128xf32, #tpu.memory_space<vmem>>, vector<1x16xf32>,
      %parallel_loop3A_338 = vector.shape_cast %parallel_loop3A_337 : vector<1x16xf32> to vector<16xf32>
      %parallel_loop3A_339 = vector.shape_cast %parallel_loop3A_330 : vector<16xf32> to vector<1x16xf32>
      tpu.vector_store %parallel_loop3A_334[%parallel_loop3A_335, %parallel_loop3A_336], %parallel_loop3A_339 {strides = array<i32>} : memref<128x128xf32, #tpu.memory_space<vmem>>, vector<1x16xf32>,
      %parallel_loop3A_340 = arith.mulf %parallel_loop3A_162, %parallel_loop3A_324 : vector<16xf32>
      %parallel_loop3A_341 = arith.addf %parallel_loop3A_340, %parallel_loop3A_328 : vector<16xf32>
      %parallel_loop3A_342 = arith.constant 0 : i32
      %parallel_loop3A_343 = arith.constant 0 : i32
      %parallel_loop3A_344 = tpu.memref_slice %arg6[%parallel_loop3A_77, %parallel_loop3A_342, %parallel_loop3A_343] : memref<3x128x128xf32, #tpu.memory_space<vmem>> -> memref<1x128x128xf32, #tpu.memory_space<vmem>>
      %parallel_loop3A_345 = tpu.memref_squeeze %parallel_loop3A_344 : memref<1x128x128xf32, #tpu.memory_space<vmem>> -> memref<128x128xf32, #tpu.memory_space<vmem>>
      %parallel_loop3A_346 = arith.index_cast %parallel_loop3A_146 : i32 to index
      %parallel_loop3A_347 = arith.constant 16 : index
      %parallel_loop3A_348 = tpu.vector_load %parallel_loop3A_345[%parallel_loop3A_346, %parallel_loop3A_347] {strides = array<i32>} : memref<128x128xf32, #tpu.memory_space<vmem>>, vector<1x16xf32>,
      %parallel_loop3A_349 = vector.shape_cast %parallel_loop3A_348 : vector<1x16xf32> to vector<16xf32>
      %parallel_loop3A_350 = vector.shape_cast %parallel_loop3A_341 : vector<16xf32> to vector<1x16xf32>
      tpu.vector_store %parallel_loop3A_345[%parallel_loop3A_346, %parallel_loop3A_347], %parallel_loop3A_350 {strides = array<i32>} : memref<128x128xf32, #tpu.memory_space<vmem>>, vector<1x16xf32>,
      %parallel_loop3A_351 = arith.mulf %parallel_loop3A_170, %parallel_loop3A_324 : vector<16xf32>
      %parallel_loop3A_352 = arith.addf %parallel_loop3A_351, %parallel_loop3A_328 : vector<16xf32>
      %parallel_loop3A_353 = arith.constant 0 : i32
      %parallel_loop3A_354 = arith.constant 0 : i32
      %parallel_loop3A_355 = tpu.memref_slice %arg6[%parallel_loop3A_77, %parallel_loop3A_353, %parallel_loop3A_354] : memref<3x128x128xf32, #tpu.memory_space<vmem>> -> memref<1x128x128xf32, #tpu.memory_space<vmem>>
      %parallel_loop3A_356 = tpu.memref_squeeze %parallel_loop3A_355 : memref<1x128x128xf32, #tpu.memory_space<vmem>> -> memref<128x128xf32, #tpu.memory_space<vmem>>
      %parallel_loop3A_357 = arith.index_cast %parallel_loop3A_146 : i32 to index
      %parallel_loop3A_358 = arith.constant 32 : index
      %parallel_loop3A_359 = tpu.vector_load %parallel_loop3A_356[%parallel_loop3A_357, %parallel_loop3A_358] {strides = array<i32>} : memref<128x128xf32, #tpu.memory_space<vmem>>, vector<1x16xf32>,
      %parallel_loop3A_360 = vector.shape_cast %parallel_loop3A_359 : vector<1x16xf32> to vector<16xf32>
      %parallel_loop3A_361 = vector.shape_cast %parallel_loop3A_352 : vector<16xf32> to vector<1x16xf32>
      tpu.vector_store %parallel_loop3A_356[%parallel_loop3A_357, %parallel_loop3A_358], %parallel_loop3A_361 {strides = array<i32>} : memref<128x128xf32, #tpu.memory_space<vmem>>, vector<1x16xf32>,
      %parallel_loop3A_362 = arith.mulf %parallel_loop3A_178, %parallel_loop3A_324 : vector<16xf32>
      %parallel_loop3A_363 = arith.addf %parallel_loop3A_362, %parallel_loop3A_328 : vector<16xf32>
      %parallel_loop3A_364 = arith.constant 0 : i32
      %parallel_loop3A_365 = arith.constant 0 : i32
      %parallel_loop3A_366 = tpu.memref_slice %arg6[%parallel_loop3A_77, %parallel_loop3A_364, %parallel_loop3A_365] : memref<3x128x128xf32, #tpu.memory_space<vmem>> -> memref<1x128x128xf32, #tpu.memory_space<vmem>>
      %parallel_loop3A_367 = tpu.memref_squeeze %parallel_loop3A_366 : memref<1x128x128xf32, #tpu.memory_space<vmem>> -> memref<128x128xf32, #tpu.memory_space<vmem>>
      %parallel_loop3A_368 = arith.index_cast %parallel_loop3A_146 : i32 to index
      %parallel_loop3A_369 = arith.constant 48 : index
      %parallel_loop3A_370 = tpu.vector_load %parallel_loop3A_367[%parallel_loop3A_368, %parallel_loop3A_369] {strides = array<i32>} : memref<128x128xf32, #tpu.memory_space<vmem>>, vector<1x16xf32>,
      %parallel_loop3A_371 = vector.shape_cast %parallel_loop3A_370 : vector<1x16xf32> to vector<16xf32>
      %parallel_loop3A_372 = vector.shape_cast %parallel_loop3A_363 : vector<16xf32> to vector<1x16xf32>
      tpu.vector_store %parallel_loop3A_367[%parallel_loop3A_368, %parallel_loop3A_369], %parallel_loop3A_372 {strides = array<i32>} : memref<128x128xf32, #tpu.memory_space<vmem>>, vector<1x16xf32>,
      %parallel_loop3A_373 = arith.mulf %parallel_loop3A_186, %parallel_loop3A_324 : vector<16xf32>
      %parallel_loop3A_374 = arith.addf %parallel_loop3A_373, %parallel_loop3A_328 : vector<16xf32>
      %parallel_loop3A_375 = arith.constant 0 : i32
      %parallel_loop3A_376 = arith.constant 0 : i32
      %parallel_loop3A_377 = tpu.memref_slice %arg6[%parallel_loop3A_77, %parallel_loop3A_375, %parallel_loop3A_376] : memref<3x128x128xf32, #tpu.memory_space<vmem>> -> memref<1x128x128xf32, #tpu.memory_space<vmem>>
      %parallel_loop3A_378 = tpu.memref_squeeze %parallel_loop3A_377 : memref<1x128x128xf32, #tpu.memory_space<vmem>> -> memref<128x128xf32, #tpu.memory_space<vmem>>
      %parallel_loop3A_379 = arith.index_cast %parallel_loop3A_146 : i32 to index
      %parallel_loop3A_380 = arith.constant 64 : index
      %parallel_loop3A_381 = tpu.vector_load %parallel_loop3A_378[%parallel_loop3A_379, %parallel_loop3A_380] {strides = array<i32>} : memref<128x128xf32, #tpu.memory_space<vmem>>, vector<1x16xf32>,
      %parallel_loop3A_382 = vector.shape_cast %parallel_loop3A_381 : vector<1x16xf32> to vector<16xf32>
      %parallel_loop3A_383 = vector.shape_cast %parallel_loop3A_374 : vector<16xf32> to vector<1x16xf32>
      tpu.vector_store %parallel_loop3A_378[%parallel_loop3A_379, %parallel_loop3A_380], %parallel_loop3A_383 {strides = array<i32>} : memref<128x128xf32, #tpu.memory_space<vmem>>, vector<1x16xf32>,
      %parallel_loop3A_384 = arith.mulf %parallel_loop3A_194, %parallel_loop3A_324 : vector<16xf32>
      %parallel_loop3A_385 = arith.addf %parallel_loop3A_384, %parallel_loop3A_328 : vector<16xf32>
      %parallel_loop3A_386 = arith.constant 0 : i32
      %parallel_loop3A_387 = arith.constant 0 : i32
      %parallel_loop3A_388 = tpu.memref_slice %arg6[%parallel_loop3A_77, %parallel_loop3A_386, %parallel_loop3A_387] : memref<3x128x128xf32, #tpu.memory_space<vmem>> -> memref<1x128x128xf32, #tpu.memory_space<vmem>>
      %parallel_loop3A_389 = tpu.memref_squeeze %parallel_loop3A_388 : memref<1x128x128xf32, #tpu.memory_space<vmem>> -> memref<128x128xf32, #tpu.memory_space<vmem>>
      %parallel_loop3A_390 = arith.index_cast %parallel_loop3A_146 : i32 to index
      %parallel_loop3A_391 = arith.constant 80 : index
      %parallel_loop3A_392 = tpu.vector_load %parallel_loop3A_389[%parallel_loop3A_390, %parallel_loop3A_391] {strides = array<i32>} : memref<128x128xf32, #tpu.memory_space<vmem>>, vector<1x16xf32>,
      %parallel_loop3A_393 = vector.shape_cast %parallel_loop3A_392 : vector<1x16xf32> to vector<16xf32>
      %parallel_loop3A_394 = vector.shape_cast %parallel_loop3A_385 : vector<16xf32> to vector<1x16xf32>
      tpu.vector_store %parallel_loop3A_389[%parallel_loop3A_390, %parallel_loop3A_391], %parallel_loop3A_394 {strides = array<i32>} : memref<128x128xf32, #tpu.memory_space<vmem>>, vector<1x16xf32>,
      %parallel_loop3A_395 = arith.mulf %parallel_loop3A_202, %parallel_loop3A_324 : vector<16xf32>
      %parallel_loop3A_396 = arith.addf %parallel_loop3A_395, %parallel_loop3A_328 : vector<16xf32>
      %parallel_loop3A_397 = arith.constant 0 : i32
      %parallel_loop3A_398 = arith.constant 0 : i32
      %parallel_loop3A_399 = tpu.memref_slice %arg6[%parallel_loop3A_77, %parallel_loop3A_397, %parallel_loop3A_398] : memref<3x128x128xf32, #tpu.memory_space<vmem>> -> memref<1x128x128xf32, #tpu.memory_space<vmem>>
      %parallel_loop3A_400 = tpu.memref_squeeze %parallel_loop3A_399 : memref<1x128x128xf32, #tpu.memory_space<vmem>> -> memref<128x128xf32, #tpu.memory_space<vmem>>
      %parallel_loop3A_401 = arith.index_cast %parallel_loop3A_146 : i32 to index
      %parallel_loop3A_402 = arith.constant 96 : index
      %parallel_loop3A_403 = tpu.vector_load %parallel_loop3A_400[%parallel_loop3A_401, %parallel_loop3A_402] {strides = array<i32>} : memref<128x128xf32, #tpu.memory_space<vmem>>, vector<1x16xf32>,
      %parallel_loop3A_404 = vector.shape_cast %parallel_loop3A_403 : vector<1x16xf32> to vector<16xf32>
      %parallel_loop3A_405 = vector.shape_cast %parallel_loop3A_396 : vector<16xf32> to vector<1x16xf32>
      tpu.vector_store %parallel_loop3A_400[%parallel_loop3A_401, %parallel_loop3A_402], %parallel_loop3A_405 {strides = array<i32>} : memref<128x128xf32, #tpu.memory_space<vmem>>, vector<1x16xf32>,
      %parallel_loop3A_406 = arith.mulf %parallel_loop3A_210, %parallel_loop3A_324 : vector<16xf32>
      %parallel_loop3A_407 = arith.addf %parallel_loop3A_406, %parallel_loop3A_328 : vector<16xf32>
      %parallel_loop3A_408 = arith.constant 0 : i32
      %parallel_loop3A_409 = arith.constant 0 : i32
      %parallel_loop3A_410 = tpu.memref_slice %arg6[%parallel_loop3A_77, %parallel_loop3A_408, %parallel_loop3A_409] : memref<3x128x128xf32, #tpu.memory_space<vmem>> -> memref<1x128x128xf32, #tpu.memory_space<vmem>>
      %parallel_loop3A_411 = tpu.memref_squeeze %parallel_loop3A_410 : memref<1x128x128xf32, #tpu.memory_space<vmem>> -> memref<128x128xf32, #tpu.memory_space<vmem>>
      %parallel_loop3A_412 = arith.index_cast %parallel_loop3A_146 : i32 to index
      %parallel_loop3A_413 = arith.constant 112 : index
      %parallel_loop3A_414 = tpu.vector_load %parallel_loop3A_411[%parallel_loop3A_412, %parallel_loop3A_413] {strides = array<i32>} : memref<128x128xf32, #tpu.memory_space<vmem>>, vector<1x16xf32>,
      %parallel_loop3A_415 = vector.shape_cast %parallel_loop3A_414 : vector<1x16xf32> to vector<16xf32>
      %parallel_loop3A_416 = vector.shape_cast %parallel_loop3A_407 : vector<16xf32> to vector<1x16xf32>
      tpu.vector_store %parallel_loop3A_411[%parallel_loop3A_412, %parallel_loop3A_413], %parallel_loop3A_416 {strides = array<i32>} : memref<128x128xf32, #tpu.memory_space<vmem>>, vector<1x16xf32>,
    } {sc.loop_unroll_factor = 4 : i64, sc.parallel_access}
    %mul3A_78 = arith.constant 49 : i32
    %mul3A_79 = arith.constant 128 : i32
    %mul3A_80 = arith.muli %mul3A_78, %mul3A_79 : i32
    %add3A_81 = arith.addi %mul3A_2, %mul3A_80 : i32
    %dma_start3A_82 = arith.constant 1 : i32
    %dma_start3A_83 = arith.constant 0 : i32
    %dma_start3A_84 = arith.constant 0 : i32
    %dma_start3A_85 = tpu.memref_slice %arg6[%dma_start3A_82, %dma_start3A_83, %dma_start3A_84] : memref<3x128x128xf32, #tpu.memory_space<vmem>> -> memref<1x128x128xf32, #tpu.memory_space<vmem>>
    %dma_start3A_86 = tpu.memref_squeeze %dma_start3A_85 : memref<1x128x128xf32, #tpu.memory_space<vmem>> -> memref<128x128xf32, #tpu.memory_space<vmem>>
    %dma_start3A_87 = arith.constant 0 : i32
    %dma_start3A_88 = tpu.memref_slice %arg4[%add3A_81, %dma_start3A_87] : memref<204800x128xf32, #tpu.memory_space<hbm>> -> memref<128x128xf32, #tpu.memory_space<hbm>>
    %dma_start3A_89 = arith.constant 0 : i32
    %dma_start3A_90 = tpu.memref_slice %arg4[%add3A_81, %dma_start3A_89] : memref<204800x128xf32, #tpu.memory_space<hbm>> -> memref<128x128xf32, #tpu.memory_space<hbm>>
    %dma_start3A_91 = arith.constant 0 : i32
    %dma_start3A_92 = arith.constant 0 : i32
    %dma_start3A_93 = tpu.memref_slice %arg6[%dma_start3A_82, %dma_start3A_91, %dma_start3A_92] : memref<3x128x128xf32, #tpu.memory_space<vmem>> -> memref<1x128x128xf32, #tpu.memory_space<vmem>>
    %dma_start3A_94 = tpu.memref_squeeze %dma_start3A_93 : memref<1x128x128xf32, #tpu.memory_space<vmem>> -> memref<128x128xf32, #tpu.memory_space<vmem>>
    tpu.enqueue_dma source(%dma_start3A_94 : memref<128x128xf32, #tpu.memory_space<vmem>>) target(%dma_start3A_90 : memref<128x128xf32, #tpu.memory_space<hbm>>) target_semaphore(%arg11 : memref<!tpu.dma_semaphore, #tpu.memory_space<semaphore_mem>>)
    %mul3A_95 = arith.constant 47 : i32
    %mul3A_96 = arith.constant 128 : i32
    %mul3A_97 = arith.muli %mul3A_95, %mul3A_96 : i32
    %add3A_98 = arith.addi %mul3A_2, %mul3A_97 : i32
    %dma_wait3A_99 = arith.constant 2 : i32
    %dma_wait3A_100 = arith.constant 0 : i32
    %dma_wait3A_101 = arith.constant 0 : i32
    %dma_wait3A_102 = tpu.memref_slice %arg6[%dma_wait3A_99, %dma_wait3A_100, %dma_wait3A_101] : memref<3x128x128xf32, #tpu.memory_space<vmem>> -> memref<1x128x128xf32, #tpu.memory_space<vmem>>
    %dma_wait3A_103 = tpu.memref_squeeze %dma_wait3A_102 : memref<1x128x128xf32, #tpu.memory_space<vmem>> -> memref<128x128xf32, #tpu.memory_space<vmem>>
    %dma_wait3A_104 = arith.constant 0 : i32
    %dma_wait3A_105 = tpu.memref_slice %arg4[%add3A_98, %dma_wait3A_104] : memref<204800x128xf32, #tpu.memory_space<hbm>> -> memref<128x128xf32, #tpu.memory_space<hbm>>
    %dma_wait3A_106 = arith.constant 0 : i32
    %dma_wait3A_107 = tpu.memref_slice %arg4[%add3A_98, %dma_wait3A_106] : memref<204800x128xf32, #tpu.memory_space<hbm>> -> memref<128x128xf32, #tpu.memory_space<hbm>>
    %dma_wait3A_108 = arith.constant 0 : i32
    %dma_wait3A_109 = arith.constant 0 : i32
    %dma_wait3A_110 = tpu.memref_slice %arg6[%dma_wait3A_99, %dma_wait3A_108, %dma_wait3A_109] : memref<3x128x128xf32, #tpu.memory_space<vmem>> -> memref<1x128x128xf32, #tpu.memory_space<vmem>>
    %dma_wait3A_111 = tpu.memref_squeeze %dma_wait3A_110 : memref<1x128x128xf32, #tpu.memory_space<vmem>> -> memref<128x128xf32, #tpu.memory_space<vmem>>
    tpu.wait_dma2 semaphore(%arg12 : memref<!tpu.dma_semaphore, #tpu.memory_space<semaphore_mem>>) src(%dma_wait3A_111 : memref<128x128xf32, #tpu.memory_space<vmem>>) dst(%dma_wait3A_107 : memref<128x128xf32, #tpu.memory_space<hbm>>)
    %mul3A_112 = arith.constant 48 : i32
    %mul3A_113 = arith.constant 128 : i32
    %mul3A_114 = arith.muli %mul3A_112, %mul3A_113 : i32
    %add3A_115 = arith.addi %mul3A_2, %mul3A_114 : i32
    %dma_wait3A_116 = arith.constant 0 : i32
    %dma_wait3A_117 = arith.constant 0 : i32
    %dma_wait3A_118 = arith.constant 0 : i32
    %dma_wait3A_119 = tpu.memref_slice %arg6[%dma_wait3A_116, %dma_wait3A_117, %dma_wait3A_118] : memref<3x128x128xf32, #tpu.memory_space<vmem>> -> memref<1x128x128xf32, #tpu.memory_space<vmem>>
    %dma_wait3A_120 = tpu.memref_squeeze %dma_wait3A_119 : memref<1x128x128xf32, #tpu.memory_space<vmem>> -> memref<128x128xf32, #tpu.memory_space<vmem>>
    %dma_wait3A_121 = arith.constant 0 : i32
    %dma_wait3A_122 = tpu.memref_slice %arg4[%add3A_115, %dma_wait3A_121] : memref<204800x128xf32, #tpu.memory_space<hbm>> -> memref<128x128xf32, #tpu.memory_space<hbm>>
    %dma_wait3A_123 = arith.constant 0 : i32
    %dma_wait3A_124 = tpu.memref_slice %arg4[%add3A_115, %dma_wait3A_123] : memref<204800x128xf32, #tpu.memory_space<hbm>> -> memref<128x128xf32, #tpu.memory_space<hbm>>
    %dma_wait3A_125 = arith.constant 0 : i32
    %dma_wait3A_126 = arith.constant 0 : i32
    %dma_wait3A_127 = tpu.memref_slice %arg6[%dma_wait3A_116, %dma_wait3A_125, %dma_wait3A_126] : memref<3x128x128xf32, #tpu.memory_space<vmem>> -> memref<1x128x128xf32, #tpu.memory_space<vmem>>
    %dma_wait3A_128 = tpu.memref_squeeze %dma_wait3A_127 : memref<1x128x128xf32, #tpu.memory_space<vmem>> -> memref<128x128xf32, #tpu.memory_space<vmem>>
    tpu.wait_dma2 semaphore(%arg10 : memref<!tpu.dma_semaphore, #tpu.memory_space<semaphore_mem>>) src(%dma_wait3A_128 : memref<128x128xf32, #tpu.memory_space<vmem>>) dst(%dma_wait3A_124 : memref<128x128xf32, #tpu.memory_space<hbm>>)
    %mul3A_129 = arith.constant 49 : i32
    %mul3A_130 = arith.constant 128 : i32
    %mul3A_131 = arith.muli %mul3A_129, %mul3A_130 : i32
    %add3A_132 = arith.addi %mul3A_2, %mul3A_131 : i32
    %dma_wait3A_133 = arith.constant 1 : i32
    %dma_wait3A_134 = arith.constant 0 : i32
    %dma_wait3A_135 = arith.constant 0 : i32
    %dma_wait3A_136 = tpu.memref_slice %arg6[%dma_wait3A_133, %dma_wait3A_134, %dma_wait3A_135] : memref<3x128x128xf32, #tpu.memory_space<vmem>> -> memref<1x128x128xf32, #tpu.memory_space<vmem>>
    %dma_wait3A_137 = tpu.memref_squeeze %dma_wait3A_136 : memref<1x128x128xf32, #tpu.memory_space<vmem>> -> memref<128x128xf32, #tpu.memory_space<vmem>>
    %dma_wait3A_138 = arith.constant 0 : i32
    %dma_wait3A_139 = tpu.memref_slice %arg4[%add3A_132, %dma_wait3A_138] : memref<204800x128xf32, #tpu.memory_space<hbm>> -> memref<128x128xf32, #tpu.memory_space<hbm>>
    %dma_wait3A_140 = arith.constant 0 : i32
    %dma_wait3A_141 = tpu.memref_slice %arg4[%add3A_132, %dma_wait3A_140] : memref<204800x128xf32, #tpu.memory_space<hbm>> -> memref<128x128xf32, #tpu.memory_space<hbm>>
    %dma_wait3A_142 = arith.constant 0 : i32
    %dma_wait3A_143 = arith.constant 0 : i32
    %dma_wait3A_144 = tpu.memref_slice %arg6[%dma_wait3A_133, %dma_wait3A_142, %dma_wait3A_143] : memref<3x128x128xf32, #tpu.memory_space<vmem>> -> memref<1x128x128xf32, #tpu.memory_space<vmem>>
    %dma_wait3A_145 = tpu.memref_squeeze %dma_wait3A_144 : memref<1x128x128xf32, #tpu.memory_space<vmem>> -> memref<128x128xf32, #tpu.memory_space<vmem>>
    tpu.wait_dma2 semaphore(%arg11 : memref<!tpu.dma_semaphore, #tpu.memory_space<semaphore_mem>>) src(%dma_wait3A_145 : memref<128x128xf32, #tpu.memory_space<vmem>>) dst(%dma_wait3A_141 : memref<128x128xf32, #tpu.memory_space<hbm>>)
    return
  }
}

</mosaic_0001>

<sc_bundles>
// kernel: kernel.3.cloned.1.call-start
scs
__scs_entry_jumppad:
0x0: {  	(pc) =	sbr.rel $0x88, $3  }
0x1: {  	(tag) =	ssettag $0x0;
	lr =	simm.s32 $0x1  }
0x2: {  	[smem:$0x3F9F] =	sst lr;
	_ =	strace $0xD0000000  }
0x3: {  	_ = 	snop  }
0x4: {  	_ = 	snop  }
0x5: {  	_ = 	snop  }
0x6: {  	_ = 	snop  }
0x7: {  	_ = 	snop  }
__scs_overlays_trampoline_lowered:
0x8: {  	[smem:$0x3FAE] =	sst s0  }
0x9: {  	[smem:$0x3FAF] =	sst s1  }
0xa: {  	[smem:$0x3FB0] =	sst s2  }
0xb: {  	[smem:$0x3FB1] =	sst s3  }
0xc: {  	[smem:$0x3FB2] =	sst s4  }
0xd: {  	[smem:$0x3FB3] =	sst s5  }
0xe: {  	[smem:$0x3FB4] =	sst s6  }
0xf: {  	[smem:$0x3FB5] =	sst s7  }
0x10: {  	[smem:$0x3FB6] =	sst s8  }
0x11: {  	[smem:$0x3FB7] =	sst s9;
	s0 =	simm.s32 @!p0 $0x0  }
0x12: {  	s1 =	sld [smem:$0x3F9D];
	s0 =	simm.s32 @p0 $0x1  }
0x13: {  	[smem:$0x3FB8] =	sst s0;
	s0 =	simm.s32 @!p1 $0x0  }
0x14: {  	s2 =	sld [smem:$0x3F9C];
	s0 =	simm.s32 @p1 $0x1  }
0x15: {  	[smem:$0x3FB9] =	sst s0;
	s0 =	simm.s32 @!p2 $0x0  }
0x16: {  	s3 =	sld [smem:$0x3FDB];
	s0 =	simm.s32 @p2 $0x1  }
0x17: {  	s4 =	simm.s32 $0x1BF5;
	[smem:$0x3FBB] =	sst s0  }
0x18: {  	s0 =	sld [smem:$0x3F9E];
	_ =	swait.ge [sflag:s4], $0x0  }
0x19: {  	s7 =	sld [smem:$0x3F9F]  }
0x1a: {  	s8 =	sadd.s32 $0xFFFFE003, lr  }
0x1b: {  	s9 =	sadd.s32 $0xFFFFFEF7, lr;
	s5 =	simm.s32 $0xFFFFFFFF;
	p2 =	slt.u32 s8, $0xFFFFF086  }
0x1c: {  	p1 =	slt.u32 s9, $0xF7A;
	s5 =	simm.s32 @!p2 $0x0  }
0x1d: {  	s5 =	simm.s32 @p1 $0x1;
	p0 =	seq.s32 s7, s2  }
0x1e: {  	s7 =	smul.u32 @!p0 $0xF7A, s2;
	p2 =	seq.s32 @!p0 s5, $0x0  }
0x1f: {  	s9 =	smul.u32 $0xF7A, s1;
	s8 =	simm.s32 @!p0 $0x1BF5;
	p2 =	por !p2, p0  }
0x20: {  	[sflag:s8] =	ssyncset.s32 @!p0 $0xFFFFF086;
	s6 =	sadd.s32 @!p0 s3, s7;
	s7 =	simm.s32 @!p0 $0x108  }
0x21: {  	s3 =	sadd.s32 s3, s9;
	s6 =	sadd.s32 @!p0 $0x88, s6;
	s7 =	simm.s32 @p2 $0x1082  }
0x22: {  	[simem:s7], [sflag:s8] =	dma.local @!p0 [hbm:s6], $0xF7A  }
0x23: {  	s9 =	sor.u32 $0xD0000000, s2;
	s6 =	simm.s32 $0x108;
	_ =	swait.ge @!p0 [sflag:s8], $0x0  }
0x24: {  	s3 =	sadd.s32 $0x88, s3;
	s6 =	simm.s32 @!p1 $0x1082;
	[sflag:s4] =	ssyncset.s32 $0xFFFFF086  }
0x25: {  	[simem:s6], [sflag:s4] =	dma.local [hbm:s3], $0xF7A  }
0x26: {  	[smem:$0x3F9F] =	sst s1;
	(tag) =	ssettag s2;
	_ =	strace s9  }
0x27: {  	s1 =	sld [smem:$0x3FAF]  }
0x28: {  	s2 =	sld [smem:$0x3FB0]  }
0x29: {  	s4 =	sld [smem:$0x3FB2]  }
0x2a: {  	p0 =	seq.s32 s5, $0x0;
	s5 =	sld [smem:$0x3FB3]  }
0x2b: {  	s6 =	sld [smem:$0x3FB4]  }
0x2c: {  	s7 =	sld [smem:$0x3FB5]  }
0x2d: {  	s3 =	simm.s32 $0x108;
	s8 =	sld [smem:$0x3FB6]  }
0x2e: {  	s3 =	simm.s32 @!p0 $0x1082;
	s9 =	sld [smem:$0x3FB7]  }
0x2f: {  	lr =	sadd.s32 s0, s3;
	s0 =	sld [smem:$0x3FAE]  }
0x30: {  	s3 =	sld [smem:$0x3FB1]  }
0x31: {  	[smem:$0x3FBA] =	sst s10  }
0x32: {  	s10 =	sld [smem:$0x3FB8];
	_ =	sdelay $0x3  }
0x33: {  	p0 =	seq.s32 s10, $0x1;
	s10 =	sld [smem:$0x3FBA];
	_ =	sdelay $0x3  }
0x34: {  	[smem:$0x3FBA] =	sst s10  }
0x35: {  	s10 =	sld [smem:$0x3FB9];
	_ =	sdelay $0x3  }
0x36: {  	p1 =	seq.s32 s10, $0x1;
	s10 =	sld [smem:$0x3FBA];
	_ =	sdelay $0x3  }
0x37: {  	[smem:$0x3FBA] =	sst s10  }
0x38: {  	s10 =	sld [smem:$0x3FBB]  }
0x39: {  	_ = 	snop;
	(pc) =	sbr.ind lr, $3  }
0x3a: {  	_ = 	snop  }
0x3b: {  	_ = 	snop  }
0x3c: {  	p2 =	seq.s32 s10, $0x1;
	s10 =	sld [smem:$0x3FBA]  }
0x3d: {  	_ =	shalt  }
0x3e: {  	_ =	shalt  }
0x3f: {  	_ =	shalt  }
0x40: {  	_ =	shalt  }
0x41: {  	_ =	shalt  }
0x42: {  	_ =	shalt  }
0x43: {  	_ =	shalt  }
0x44: {  	_ =	shalt  }
0x45: {  	_ =	shalt  }
0x46: {  	_ =	shalt  }
0x47: {  	_ =	shalt  }
0x48: {  	_ =	shalt  }
0x49: {  	_ =	shalt  }
0x4a: {  	_ =	shalt  }
0x4b: {  	_ =	shalt  }
0x4c: {  	_ =	shalt  }
0x4d: {  	_ =	shalt  }
0x4e: {  	_ =	shalt  }
0x4f: {  	_ =	shalt  }
0x50: {  	_ =	shalt  }
0x51: {  	_ =	shalt  }
0x52: {  	_ =	shalt  }
0x53: {  	_ =	shalt  }
0x54: {  	_ =	shalt  }
0x55: {  	_ =	shalt  }
0x56: {  	_ =	shalt  }
0x57: {  	_ =	shalt  }
0x58: {  	_ =	shalt  }
0x59: {  	_ =	shalt  }
0x5a: {  	_ =	shalt  }
0x5b: {  	_ =	shalt  }
0x5c: {  	_ =	shalt  }
0x5d: {  	_ =	shalt  }
0x5e: {  	_ =	shalt  }
0x5f: {  	_ =	shalt  }
0x60: {  	_ =	shalt  }
0x61: {  	_ =	shalt  }
0x62: {  	_ =	shalt  }
0x63: {  	_ =	shalt  }
0x64: {  	_ =	shalt  }
0x65: {  	_ =	shalt  }
0x66: {  	_ =	shalt  }
0x67: {  	_ =	shalt  }
0x68: {  	_ =	shalt  }
0x69: {  	_ =	shalt  }
0x6a: {  	_ =	shalt  }
0x6b: {  	_ =	shalt  }
0x6c: {  	_ =	shalt  }
0x6d: {  	_ =	shalt  }
0x6e: {  	_ =	shalt  }
0x6f: {  	_ =	shalt  }
0x70: {  	_ =	shalt  }
0x71: {  	_ =	shalt  }
0x72: {  	_ =	shalt  }
0x73: {  	_ =	shalt  }
0x74: {  	_ =	shalt  }
0x75: {  	_ =	shalt  }
0x76: {  	_ =	shalt  }
0x77: {  	_ =	shalt  }
0x78: {  	_ =	shalt  }
0x79: {  	_ =	shalt  }
0x7a: {  	_ =	shalt  }
0x7b: {  	_ =	shalt  }
0x7c: {  	_ =	shalt  }
0x7d: {  	_ =	shalt  }
0x7e: {  	_ =	shalt  }
0x7f: {  	_ =	shalt  }
0x80: {  	_ =	shalt  }
0x81: {  	_ =	shalt  }
0x82: {  	_ =	shalt  }
0x83: {  	_ =	shalt  }
0x84: {  	_ =	shalt  }
0x85: {  	_ =	shalt  }
0x86: {  	_ =	shalt  }
0x87: {  	_ =	shalt  }
.Lfunc_end0:
.L_simem_size_0:
called_computation_lowered:
.L_overlay_start_0:
0x88: {  	s2 =	sld [smem:$0x3FD9]  }
0x89: {  	s3 =	sld [smem:$0x3FFE];
	_ =	sdelay $0x1  }
0x8a: {  	s1 =	srdreg.scid  }
0x8b: {  	s0 =	sand.u32 $0x1, s1  }
0x8c: {  	s17 =	sshll.u32 s0, $0xA;
	s2 =	sadd.s32 s3, s2  }
0x8d: {  	s2 =	sadd.s32 s2, s17  }
0x8e: {  	[smem:$0x3FC6] =	sst s2  }
0x8f: {  	_ = 	snop  }
0x90: {  	s2 =	sld [smem:$0x3FC8]  }
0x91: {  	s18 =	sld [smem:$0x3FD0];
	(tm) =	ssettm $0x1  }
0x92: {  	s4 =	sld [smem:$0x3FFB];
	_ =	sdelay $0x3  }
0x93: {  	_ =	strace s4  }
0x94: {  	s4 =	sld [smem:$0x3FFC];
	_ =	sdelay $0x3  }
0x95: {  	_ =	strace s4  }
0x96: {  	s4 =	sld [smem:$0x3FFD];
	_ =	sdelay $0x3  }
0x97: {  	_ =	strace s4  }
0x98: {  	_ =	strace $0x8FFFFFFF  }
0x99: {  	s19 =	sld [smem:$0x3FDB];
	_ =	sdelay $0x1  }
0x9a: {  	s5 =	simm.s32 $_scs_section_size  }
0x9b: {  	s6 =	simm.s32 $_size__tile_overlayer_lowered;
	s7 =	simm.s32 $_tile_overlayer_lowered  }
0x9c: {  	s22 =	simm.s32 $0x1BFF;
	s21 =	sshll.u32 s7, $0x1;
	s4 =	sadd.s32 s5, s19  }
0x9d: {  	s8 =	simm.s32 $0x0;
	s20 =	sshll.u32 s6, $0x1;
	s6 =	sadd.s32 s21, s4  }
0x9e: {  	[timem:s8], [sflag:s22] =	dma.local [hbm:s6], s20  }
0x9f: {  	_ =	swait.ge [sflag:s22], s20  }
0xa0: {  	s5 =	ssub.s32 $0x0, s20;
	[sflag:s22] =	ssyncset.done $0x0  }
0xa1: {  	[sflag:s22] =	ssyncadd.s32 s5;
	_ =	sdelay $0x1  }
0xa2: {  	s23 =	simm.s32 $0x1B8B  }
0xa3: {  	_ =	swait.ge [sflag:s23], $0x1  }
0xa4: {  	[sflag:s23] =	ssyncset.done $0x0  }
0xa5: {  	s25 =	simm.s32 $0x1B8E;
	s24 =	sld [smem:$0x3FFE];
	[sflag:s23] =	ssyncadd.s32 $0xFFFFFFFF  }
0xa6: {  	s26 =	simm.s32 $execute0_lowered;
	[smem:$0x3FD2] =	sst s25  }
0xa7: {  	s6 =	sshll.u32 s26, $0x1;
	_ =	strace $0x80000046;
	[dreg:$0x1] =	wrdreg $0xFFFFFFFF  }
0xa8: {  	s28 =	simm.s32 $_size_execute0_lowered;
	s4 =	sadd.s32 s4, s6;
	[dreg:$0x0] =	wrdreg $0x0  }
0xa9: {  	s6 =	sshll.u32 s28, $0x1;
	[dreg:$0x2] =	wrdreg s4  }
0xaa: {  	[dreg:$0x3] =	wrdreg s6  }
0xab: {  	[dreg:$0x4] =	wrdreg $0xC0  }
0xac: {  	_ =	task [dreg:s8], $0x5FFFF  }
0xad: {  	[dreg:$0x1] =	wrdreg $0xFFFFFFFF  }
0xae: {  	[dreg:$0x0] =	wrdreg $0x60  }
0xaf: {  	[dreg:$0x2] =	wrdreg s24  }
0xb0: {  	[dreg:$0x3] =	wrdreg s2  }
0xb1: {  	[dreg:$0x4] =	wrdreg s18  }
0xb2: {  	[dreg:$0x5] =	wrdreg $0x9  }
0xb3: {  	_ =	task.clear_ibuf [dreg:s8], $0x6FFFF;
	_ =	strace $0x90000046  }
0xb4: {  	s29 =	simm.s32 $0x9;
	_ =	strace $0x80000048  }
0xb5: {  	_ =	swait.ge [sflag:s29], $0x1  }
0xb6: {  	[sflag:s29] =	ssyncadd.s32 $0xFFFFFFFF  }
0xb7: {  	_ =	strace $0x90000048  }
0xb8: {  	_ =	sfence  }
0xb9: {  	s30 =	sld [smem:$0x0];
	_ =	sdelay $0x2  }
0xba: {  	s31 =	sshll.u32 s1, $0xD;
	s1 =	sshrl.u32 s1, $0x2  }
0xbb: {  	s3 =	sand.u32 $0x4000, s31;
	s1 =	sadd.s32 s1, s30  }
0xbc: {  	s0 =	sor.u32 s3, s0;
	s1 =	sshll.u32 s1, $0x11  }
0xbd: {  	s0 =	sor.u32 s1, s0  }
0xbe: {  	s0 =	sadd.s32 $0x8F2B, s0  }
0xbf: {  	[sflag:s0] =	ssyncadd.remote.s32 $0x1  }
0xc0: {  	_ =	sfence.sel $0xFFFF  }
0xc1: {  	[dreg:$0x0] =	wrdreg $0xFFFFFFFF;
	(pc) =	sbr.abs _section_cstart, $3  }
0xc2: {  	[dreg:$0x1] =	wrdreg $0xFFFFFFFF  }
0xc3: {  	_ =	task.clear_ibuf [dreg:s8], $0x2FFFF;
	_ =	strace $0x9FFFFFFF  }
0xc4: {  	(tm) =	ssettm $0x7FFFFFFF  }
0xc5: {  	_ =	shalt  }
tec
execute0_lowered:
.L_overlay_start_1:
0x0: {  	(tag) =	ssettag $0x1  }
0x1: {  	s1 =	srdreg.scid;
	s6 =	rddreg [dreg:$0x0];
	v0 =	vimm.s32 $0xFEDCBA98  }
0x2: {  	s0 =	stileid.u32;
	s3 =	simm.s32 $0x0;
	v1 =	vimm.s32 $0x76543210;
	s4 =	rddreg [dreg:$0x3];
	v2 =	vimm.s32 $0xBA98FEDC;
	v3 =	vimm.s32 $0x32107654  }
0x3: {  	v4 =	vimm.s32 $0xDCFE98BA;
	v5 =	vimm.s32 $0x54761032;
	s11 =	simm.s32 $0x7;
	s12 =	simm.s32 $0x80;
	s13 =	simm.s32 $0x1C00  }
0x4: {  	v6 =	vimm.s32 $0xEFCDAB89;
	v7 =	vimm.s32 $0x67452301;
	s14 =	simm.s32 $0x5C00;
	s15 =	simm.s32 $0x1;
	s16 =	simm.s32 $0x9C00  }
0x5: {  	s17 =	simm.s32 $0x2;
	s7 =	sand.u32 $0x1, s1;
	s2 =	sshll.u32 s0, $0x1;
	v0 =	vunpack.c.l.s4.s8 v0;
	v1 =	vunpack.c.l.s4.s8 v1;
	v2 =	vunpack.c.l.s4.s8 v2  }
0x6: {  	s18 =	simm.s32 $0x4;
	s19 =	simm.s32 $0x3;
	v3 =	vunpack.c.l.s4.s8 v3;
	v4 =	vunpack.c.l.s4.s8 v4;
	v5 =	vunpack.c.l.s4.s8 v5;
	s8 =	sor.u32 s7, s2  }
0x7: {  	s20 =	simm.s32 $0x5;
	s21 =	simm.s32 $0x6;
	v6 =	vunpack.c.l.s4.s8 v6;
	v7 =	vunpack.c.l.s4.s8 v7;
	s9 =	smul.u32 $0x380, s8;
	v0 =	vunpack.c.0.s8.s32 v0  }
0x8: {  	s22 =	simm.s32 $0x0;
	s1 =	rddreg [dreg:$0x1];
	s5 =	smul.u32 $0x1900, s8;
	v2 =	vunpack.c.0.s8.s32 v2;
	v3 =	vunpack.c.0.s8.s32 v3;
	v4 =	vunpack.c.0.s8.s32 v4  }
0x9: {  	[smem:$0x7FF] =	sst s3;
	s7 =	ssub.s32 $0x2, s7;
	s8 =	smul.u32 $0xC8000, s8;
	v5 =	vunpack.c.0.s8.s32 v5;
	v6 =	vunpack.c.0.s8.s32 v6;
	v7 =	vunpack.c.0.s8.s32 v7  }
0xa: {  	s2 =	rddreg [dreg:$0x2];
	_ =	strace $0x80000047;
	s10 =	sshrl.u32 s7, $0x1;
	v1 =	vunpack.c.0.s8.s32 v1;
	v2 =	vcombine.low v3, v2  }
0xb: {  	s10 =	ssub.s32 s7, s10;
	s6 =	sadd.s32 s9, s6;
	s8 =	sshrl.u32 s8, $0x3;
	v3 =	vcombine.low v5, v4;
	v4 =	vcombine.low v7, v6;
	v0 =	vand.u32 $0xF, v0  }
0xc: {  	s7 =	sor.u32 $0x80, s5;
	s10 =	smax.u32 s10, $0x1;
	s31 =	sadd.s32 s2, s8;
	v0 =	vcombine.low v0, v1  }
0xd: {  	s6 =	sadd.s32 $0x400, s6;
	s8 =	sadd.s32 $0x18000, s31;
	s9 =	sadd.s32 $0x18800, s31;
	v1 =	vand.u32 $0xF, v2;
	v2 =	vand.u32 $0xF, v3;
	v3 =	vand.u32 $0xF, v4  }
.LBB2_1:
0xe: {  	[tilespmem:s3], [sflag:$0x7] =	stream.linear.gather [hbm4b:s6+s3], $0x1900, $0x38;
	[tilespmem:$0xDC00] =	vst v63  }
0xf: {  	_ =	swait.ge [sflag:s11], $0x1900  }
0x10: {  	[sflag:s11] =	ssyncset.done $0x0  }
0x11: {  	[sflag:s11] =	ssyncadd.s32 $0xFFFFE700  }
0x12: {  	[tilespmem:s13], [sflag:$0x1] =	stream.indirect.gather [hbm4b:s1+s12], $0x80, s3, s12, $0xb8;
	[tilespmem:$0xDC00] =	vst v63  }
0x13: {  	s23 =	simm.s32 $0x0  }
0x14: {  	[tilespmem:s14], [sflag:$0x2] =	stream.indirect.gather [hbm4b:s1+s12], $0x80, s12, s12, $0xb8;
	[tilespmem:$0xDC00] =	vst v63  }
.LBB2_2:
0x15: {  	_ =	swait.ge [sflag:s15], $0x4000  }
0x16: {  	p0 =	seq.s32 s23, $0x0;
	[sflag:s15] =	ssyncset.done $0x0  }
0x17: {  	s24 =	simm.s32 @!p0 $0x6;
	[sflag:s15] =	ssyncadd.s32 $0xFFFFC000  }
0x18: {  	s25 =	smul.u32 $0x180, s23;
	_ =	swait.ge @!p0 [sflag:s24], $0x4000  }
0x19: {  	[sflag:s24] =	ssyncset.done @!p0 $0x0  }
0x1a: {  	s26 =	simm.s32 $0x1D00;
	[sflag:s24] =	ssyncadd.s32 @!p0 $0xFFFFC000;
	s24 =	sadd.s32 $0x100, s25  }
0x1b: {  	[tilespmem:s16], [sflag:$0x3] =	stream.indirect.gather [hbm4b:s1+s12], $0x80, s24, s12, $0xb8;
	[tilespmem:$0xDC00] =	vst v63  }
0x1c: {  	v27 =	vld [tilespmem:s26+$0x80]  }
0x1d: {  	v25 =	vld [tilespmem:s26+$0x90]  }
0x1e: {  	v14 =	vld [tilespmem:s26+$0xFFFFFF10]  }
0x1f: {  	v26 =	vld [tilespmem:s26+$0xA0]  }
0x20: {  	v12 =	vld [tilespmem:s26+$0xFFFFFF80]  }
0x21: {  	v20 =	vld [tilespmem:s26+$0xB0]  }
0x22: {  	v13 =	vld [tilespmem:s26+$0xFFFFFF90]  }
0x23: {  	v18 =	vld [tilespmem:s26+$0xC0]  }
0x24: {  	v4 =	vld [tilespmem:s26+$0x0]  }
0x25: {  	v16 =	vld [tilespmem:s26+$0xFFFFFF00];
	v5 =	vmul.f32 v27, v27;
	v7 =	vmul.f32 v25, v25  }
0x26: {  	v21 =	vld [tilespmem:s26+$0xD0];
	v6 =	vadd.f32 v25, v27;
	v8 =	vmul.f32 v26, v26  }
0x27: {  	v15 =	vld [tilespmem:s26+$0xFFFFFFA0];
	v9 =	vmul.f32 v12, v12;
	v10 =	vmul.f32 v13, v13;
	v7 =	vadd.f32 v7, v5  }
0x28: {  	v11 =	vmul.f32 v14, v14;
	v24 =	vadd.f32 v13, v12;
	v6 =	vadd.f32 v26, v6;
	v5 =	vld [tilespmem:s26+$0x10]  }
0x29: {  	v19 =	vld [tilespmem:s26+$0xFFFFFF20];
	v17 =	vmul.f32 v4, v4;
	v7 =	vadd.f32 v8, v7;
	v8 =	vmul.f32 v20, v20  }
0x2a: {  	v22 =	vld [tilespmem:s26+$0xE0];
	v29 =	vmul.f32 v16, v16;
	v30 =	vadd.f32 v14, v16;
	v6 =	vadd.f32 v20, v6  }
0x2b: {  	v9 =	vadd.f32 v10, v9;
	v7 =	vadd.f32 v8, v7;
	v8 =	vmul.f32 v18, v18  }
0x2c: {  	v35 =	vld [tilespmem:s26+$0xF0];
	v10 =	vmul.f32 v21, v21;
	v11 =	vadd.f32 v11, v29;
	v6 =	vadd.f32 v18, v6  }
0x2d: {  	v33 =	vadd.f32 v15, v24;
	v24 =	vld [tilespmem:s26+$0xFFFFFFC0];
	v23 =	vmul.f32 v5, v5;
	v7 =	vadd.f32 v8, v7  }
0x2e: {  	v29 =	vadd.f32 v19, v30;
	v30 =	vmul.f32 v19, v19;
	v8 =	vadd.f32 v21, v6;
	v6 =	vld [tilespmem:s26+$0x20]  }
0x2f: {  	v31 =	vadd.f32 v23, v17;
	v23 =	vld [tilespmem:s26+$0xFFFFFF30];
	v7 =	vadd.f32 v10, v7;
	v10 =	vmul.f32 v22, v22  }
0x30: {  	v34 =	vmul.f32 v15, v15;
	v11 =	vadd.f32 v30, v11;
	v17 =	vld [tilespmem:s26+$0xFFFFFFB0];
	v8 =	vadd.f32 v22, v8  }
0x31: {  	v28 =	vadd.f32 v5, v4;
	v7 =	vadd.f32 v10, v7;
	v10 =	vmul.f32 v35, v35  }
0x32: {  	v9 =	vadd.f32 v34, v9;
	v30 =	vld [tilespmem:s26+$0xFFFFFF50];
	v46 =	vmul.f32 v24, v24;
	v8 =	vadd.f32 v35, v8  }
0x33: {  	v36 =	vadd.f32 v6, v28;
	v28 =	vld [tilespmem:s26+$0xFFFFFF40];
	v37 =	vmul.f32 v6, v6;
	v10 =	vadd.f32 v10, v7  }
0x34: {  	v32 =	vperm.xlane v8, v0;
	v7 =	vld [tilespmem:s26+$0x30];
	v29 =	vadd.f32 v23, v29;
	v38 =	vmul.f32 v23, v23  }
0x35: {  	v33 =	vadd.f32 v17, v33;
	v39 =	vmul.f32 v17, v17;
	v31 =	vadd.f32 v37, v31  }
0x36: {  	v34 =	vld [tilespmem:s26+$0xFFFFFF70];
	v32 =	vadd.f32 v32, v8;
	v8 =	vperm.xlane v10, v0;
	v11 =	vadd.f32 v38, v11  }
0x37: {  	v48 =	vmul.f32 v30, v30;
	v39 =	vadd.f32 v39, v9;
	v41 =	vadd.f32 v24, v33;
	v9 =	vld [tilespmem:s26+$0x50]  }
0x38: {  	v33 =	vld [tilespmem:s26+$0xFFFFFF60];
	v61 =	vperm.xlane v32, v1;
	v10 =	vadd.f32 v8, v10;
	v44 =	vadd.f32 v28, v29  }
0x39: {  	v8 =	vld [tilespmem:s26+$0x40];
	v45 =	vmul.f32 v28, v28;
	v39 =	vadd.f32 v46, v39;
	v36 =	vadd.f32 v7, v36  }
0x3a: {  	v63 =	vmul.f32 v7, v7;
	v32 =	vadd.f32 v61, v32;
	v62 =	vperm.xlane v10, v1  }
0x3b: {  	v52 =	vmul.f32 v34, v34;
	v29 =	vld [tilespmem:s26+$0xFFFFFFD0];
	v11 =	vadd.f32 v45, v11;
	v38 =	vadd.f32 v30, v44  }
0x3c: {  	v37 =	vadd.f32 v63, v31;
	v40 =	vperm.xlane v32, v2;
	v10 =	vadd.f32 v62, v10  }
0x3d: {  	v44 =	vmul.f32 v9, v9;
	v50 =	vmul.f32 v33, v33;
	v38 =	vadd.f32 v33, v38  }
0x3e: {  	v36 =	vadd.f32 v8, v36;
	v32 =	vadd.f32 v40, v32;
	v31 =	vperm.xlane v10, v2  }
0x3f: {  	v47 =	vmul.f32 v8, v8;
	v40 =	vadd.f32 v48, v11;
	v38 =	vadd.f32 v34, v38  }
0x40: {  	v41 =	vadd.f32 v29, v41;
	v42 =	vperm.xlane v32, v3;
	v43 =	vadd.f32 v31, v10;
	v31 =	vld [tilespmem:s26+$0xFFFFFFE0]  }
0x41: {  	v37 =	vadd.f32 v47, v37;
	v10 =	vld [tilespmem:s26+$0x60];
	v40 =	vadd.f32 v50, v40;
	v48 =	vperm.xlane v38, v0  }
0x42: {  	v11 =	vmul.f32 v29, v29;
	v36 =	vadd.f32 v9, v36;
	v32 =	vadd.f32 v42, v32  }
0x43: {  	v49 =	vperm.xlane v43, v3;
	v40 =	vadd.f32 v52, v40;
	v38 =	vadd.f32 v48, v38  }
0x44: {  	v39 =	vadd.f32 v11, v39;
	v11 =	vld [tilespmem:s26+$0x70];
	v37 =	vadd.f32 v44, v37;
	v45 =	vmul.f32 $7.812500000e-03, v32  }
0x45: {  	v42 =	vadd.f32 v49, v43;
	v32 =	vld [tilespmem:s26+$0xFFFFFFF0];
	v59 =	vperm.xlane v40, v0;
	v61 =	vperm.xlane v38, v1  }
0x46: {  	v41 =	vadd.f32 v31, v41;
	v51 =	vmul.f32 v31, v31;
	v36 =	vadd.f32 v10, v36  }
0x47: {  	v47 =	vmul.f32 v10, v10;
	v42 =	vmul.f32 $7.812500000e-03, v42;
	v40 =	vadd.f32 v59, v40  }
0x48: {  	v46 =	vmul.f32 v45, v45;
	v38 =	vadd.f32 v61, v38;
	v52 =	vsub.f32 $0.0e+00, v45  }
0x49: {  	v54 =	vmul.f32 v11, v11;
	v37 =	vadd.f32 v47, v37;
	v36 =	vadd.f32 v11, v36  }
0x4a: {  	v39 =	vadd.f32 v51, v39;
	v42 =	vsub.f32 v42, v46;
	v53 =	vmul.f32 v32, v32  }
0x4b: {  	v41 =	vadd.f32 v32, v41;
	v37 =	vadd.f32 v54, v37;
	v58 =	vperm.xlane v36, v0  }
0x4c: {  	v42 =	vadd.f32 $9.999999960e-13, v42;
	v39 =	vadd.f32 v53, v39  }
0x4d: {  	v57 =	vperm.xlane v41, v0;
	v36 =	vadd.f32 v58, v36;
	v62 =	vperm.xlane v37, v0  }
0x4e: {  	v53 =	vperm.xlane v40, v1;
	v55 =	vshra.s32 v42, $0x1;
	v42 =	vmul.f32 $5.000000000e-01, v42  }
0x4f: {  	v56 =	vsub.s32 $0x5F3759DF, v55;
	v41 =	vadd.f32 v57, v41;
	v60 =	vperm.xlane v39, v0  }
0x50: {  	v51 =	vperm.xlane v36, v1;
	v37 =	vadd.f32 v62, v37;
	v40 =	vadd.f32 v53, v40  }
0x51: {  	v55 =	vperm.xlane v38, v2;
	v42 =	vmul.f32 v56, v42;
	v39 =	vadd.f32 v60, v39  }
0x52: {  	v63 =	vperm.xlane v41, v1;
	v36 =	vadd.f32 v51, v36;
	v59 =	vperm.xlane v40, v2  }
0x53: {  	v38 =	vadd.f32 v55, v38;
	v42 =	vmul.f32 v56, v42;
	v54 =	vperm.xlane v39, v1  }
0x54: {  	v41 =	vadd.f32 v63, v41;
	v58 =	vperm.xlane v36, v2;
	v40 =	vadd.f32 v59, v40  }
0x55: {  	v61 =	vperm.xlane v38, v3;
	v42 =	vsub.f32 $1.500000000e+00, v42;
	v39 =	vadd.f32 v54, v39  }
0x56: {  	v57 =	vperm.xlane v41, v2;
	v36 =	vadd.f32 v58, v36;
	v49 =	vperm.xlane v40, v3  }
0x57: {  	v38 =	vadd.f32 v61, v38;
	v42 =	vmul.f32 v56, v42;
	v56 =	vperm.xlane v37, v1  }
0x58: {  	v60 =	vperm.xlane v39, v2;
	v48 =	vperm.xlane v36, v3  }
0x59: {  	v41 =	vadd.f32 v57, v41;
	v38 =	vmul.f32 $7.812500000e-03, v38;
	v43 =	vmul.f32 v42, v52  }
0x5a: {  	v40 =	vadd.f32 v49, v40;
	v35 =	vmul.f32 v42, v35;
	v27 =	vmul.f32 v42, v27  }
0x5b: {  	v37 =	vadd.f32 v56, v37;
	v25 =	vmul.f32 v42, v25;
	v26 =	vmul.f32 v42, v26  }
0x5c: {  	v58 =	vmul.f32 v42, v20;
	v63 =	vperm.xlane v41, v3;
	v39 =	vadd.f32 v60, v39  }
0x5d: {  	v40 =	vmul.f32 $7.812500000e-03, v40;
	v52 =	vmul.f32 v38, v38  }
0x5e: {  	v62 =	vperm.xlane v37, v2;
	v50 =	vperm.xlane v39, v3  }
0x5f: {  	v18 =	vmul.f32 v42, v18;
	v41 =	vadd.f32 v63, v41;
	v40 =	vsub.f32 v40, v52  }
0x60: {  	v61 =	vmul.f32 v42, v22;
	v37 =	vadd.f32 v62, v37;
	v39 =	vadd.f32 v50, v39  }
0x61: {  	v36 =	vadd.f32 v48, v36;
	v41 =	vmul.f32 $7.812500000e-03, v41;
	v40 =	vadd.f32 $9.999999960e-13, v40  }
0x62: {  	v38 =	vsub.f32 $0.0e+00, v38;
	v51 =	vperm.xlane v37, v3;
	v39 =	vmul.f32 $7.812500000e-03, v39  }
0x63: {  	v53 =	vmul.f32 v41, v41;
	v55 =	vshra.s32 v40, $0x1;
	v40 =	vmul.f32 $5.000000000e-01, v40  }
0x64: {  	v36 =	vmul.f32 $7.812500000e-03, v36;
	v37 =	vadd.f32 v51, v37;
	v44 =	vsub.s32 $0x5F3759DF, v55  }
0x65: {  	v35 =	vadd.f32 v43, v35;
	v39 =	vsub.f32 v39, v53;
	v40 =	vmul.f32 v44, v40  }
0x66: {  	v27 =	vadd.f32 v43, v27;
	v54 =	vmul.f32 v36, v36;
	v37 =	vmul.f32 $7.812500000e-03, v37  }
0x67: {  	v25 =	vadd.f32 v43, v25;
	v39 =	vadd.f32 $9.999999960e-13, v39;
	v59 =	vmul.f32 v44, v40  }
0x68: {  	v60 =	vmul.f32 v42, v21;
	v20 =	vsub.f32 $0.0e+00, v36;
	v37 =	vsub.f32 v37, v54  }
0x69: {  	v56 =	vshra.s32 v39, $0x1;
	v39 =	vmul.f32 $5.000000000e-01, v39;
	v36 =	vsub.f32 $1.500000000e+00, v59  }
0x6a: {  	v26 =	vadd.f32 v43, v26;
	v37 =	vadd.f32 $9.999999960e-13, v37;
	v45 =	vsub.s32 $0x5F3759DF, v56  }
0x6b: {  	v18 =	vadd.f32 v43, v18;
	[tilespmem:s26+$0x80] =	vst v27;
	v39 =	vmul.f32 v45, v39;
	v27 =	vmul.f32 v44, v36  }
0x6c: {  	[tilespmem:s26+$0x90] =	vst v25;
	v25 =	vadd.f32 v43, v58;
	v57 =	vshra.s32 v37, $0x1;
	v37 =	vmul.f32 $5.000000000e-01, v37  }
0x6d: {  	[tilespmem:s26+$0xA0] =	vst v26;
	v26 =	vadd.f32 v43, v60;
	v39 =	vmul.f32 v45, v39;
	v22 =	vmul.f32 v27, v38  }
0x6e: {  	v41 =	vsub.f32 $0.0e+00, v41;
	v16 =	vmul.f32 v27, v16;
	v14 =	vmul.f32 v27, v14  }
0x6f: {  	v46 =	vsub.s32 $0x5F3759DF, v57;
	v19 =	vmul.f32 v27, v19;
	v63 =	vmul.f32 v27, v23  }
0x70: {  	[tilespmem:s26+$0xC0] =	vst v18;
	v28 =	vmul.f32 v27, v28;
	v18 =	vmul.f32 v27, v30;
	v39 =	vsub.f32 $1.500000000e+00, v39  }
0x71: {  	[tilespmem:s26+$0xF0] =	vst v35;
	v38 =	vadd.f32 v43, v61;
	v30 =	vmul.f32 v27, v33;
	v37 =	vmul.f32 v46, v37  }
0x72: {  	[tilespmem:s26+$0xB0] =	vst v25;
	v23 =	vmul.f32 v27, v34;
	v16 =	vadd.f32 v22, v16;
	v62 =	vmul.f32 v45, v39  }
0x73: {  	[tilespmem:s26+$0xD0] =	vst v26;
	v14 =	vadd.f32 v22, v14;
	v19 =	vadd.f32 v22, v19;
	v37 =	vmul.f32 v46, v37  }
0x74: {  	v26 =	vadd.f32 v22, v63;
	[tilespmem:s26+$0xFFFFFF00] =	vst v16;
	v25 =	vmul.f32 v62, v41;
	v27 =	vmul.f32 v62, v12  }
0x75: {  	[tilespmem:s26+$0xFFFFFF10] =	vst v14;
	v21 =	vsub.f32 $1.500000000e+00, v37;
	v16 =	vmul.f32 v62, v13;
	v12 =	vmul.f32 v62, v15  }
0x76: {  	[tilespmem:s26+$0xFFFFFF20] =	vst v19;
	v19 =	vadd.f32 v22, v28;
	v14 =	vmul.f32 v62, v17;
	v17 =	vmul.f32 v62, v24  }
0x77: {  	[tilespmem:s26+$0xFFFFFF30] =	vst v26;
	v13 =	vadd.f32 v22, v18;
	v24 =	vmul.f32 v62, v29;
	v21 =	vmul.f32 v46, v21  }
0x78: {  	s28 =	simm.s32 $0x0;
	s29 =	simm.s32 $0x1F00;
	v28 =	vadd.f32 v22, v30;
	[tilespmem:s26+$0xFFFFFF40] =	vst v19;
	v26 =	vmul.f32 v62, v31;
	v18 =	vmul.f32 v62, v32  }
.LBB2_3:
0x79: {  	v19 =	vld [tilespmem:s29+$0x80];
	[tilespmem:s26+$0xFFFFFF50] =	vst v13;
	v22 =	vadd.f32 v22, v23;
	v15 =	vmul.f32 v21, v20;
	v4 =	vmul.f32 v21, v4  }
0x7a: {  	s28 =	sadd.s32 $0x4, s28;
	v27 =	vadd.f32 v25, v27;
	v5 =	vmul.f32 v21, v5;
	v6 =	vmul.f32 v21, v6;
	v20 =	vld [tilespmem:s29+$0x90];
	[tilespmem:s26+$0xFFFFFF60] =	vst v28  }
0x7b: {  	v7 =	vmul.f32 v21, v7;
	v8 =	vmul.f32 v21, v8;
	p0 =	slt.u32 s28, $0x7C;
	v13 =	vld [tilespmem:s29+$0xFFFFFF10];
	[tilespmem:s26+$0xFFFFFF70] =	vst v22;
	v22 =	vadd.f32 v25, v16  }
0x7c: {  	v9 =	vmul.f32 v21, v9;
	v16 =	vmul.f32 v21, v10;
	v23 =	vld [tilespmem:s29+$0xA0];
	[tilespmem:s26+$0xFFFFFF80] =	vst v27;
	v27 =	vadd.f32 v25, v12  }
0x7d: {  	v28 =	vadd.f32 v25, v17;
	v17 =	vmul.f32 v21, v11;
	v10 =	vadd.f32 v25, v14;
	v12 =	vld [tilespmem:s29+$0xFFFFFF80];
	[tilespmem:s26+$0xFFFFFF90] =	vst v22  }
0x7e: {  	v11 =	vadd.f32 v25, v24;
	v24 =	vadd.f32 v25, v26;
	v21 =	vld [tilespmem:s29+$0xB0];
	[tilespmem:s26+$0xFFFFFFA0] =	vst v27  }
0x7f: {  	v26 =	vmul.f32 v19, v19;
	v14 =	vld [tilespmem:s29+$0xFFFFFF90];
	v27 =	vadd.f32 v20, v19;
	v29 =	vmul.f32 v20, v20;
	[tilespmem:s26+$0xFFFFFFB0] =	vst v10  }
0x80: {  	v18 =	vadd.f32 v25, v18;
	v30 =	vadd.f32 v15, v4;
	v10 =	vmul.f32 v13, v13;
	v22 =	vld [tilespmem:s29+$0xC0];
	[tilespmem:s26+$0xFFFFFFC0] =	vst v28  }
0x81: {  	v4 =	vld [tilespmem:s29+$0x0];
	v26 =	vadd.f32 v29, v26;
	v27 =	vadd.f32 v23, v27;
	v28 =	vmul.f32 v23, v23;
	[tilespmem:s26+$0xFFFFFFD0] =	vst v11  }
0x82: {  	v6 =	vadd.f32 v15, v6;
	v29 =	vadd.f32 v15, v5;
	v11 =	vmul.f32 v12, v12;
	v25 =	vld [tilespmem:s29+$0xD0];
	[tilespmem:s26+$0xFFFFFFE0] =	vst v24  }
0x83: {  	v5 =	vld [tilespmem:s29+$0x10];
	v26 =	vadd.f32 v28, v26;
	v27 =	vadd.f32 v21, v27;
	v31 =	vmul.f32 v21, v21;
	[tilespmem:s26+$0xFFFFFFF0] =	vst v18  }
0x84: {  	v7 =	vadd.f32 v15, v7;
	v33 =	vadd.f32 v14, v12;
	v18 =	vmul.f32 v14, v14;
	v28 =	vld [tilespmem:s29+$0xE0];
	[tilespmem:s26+$0x0] =	vst v30  }
0x85: {  	v24 =	vld [tilespmem:s29+$0xFFFFFF00];
	v26 =	vadd.f32 v31, v26;
	v30 =	vadd.f32 v22, v27;
	v31 =	vmul.f32 v22, v22;
	[tilespmem:s26+$0x10] =	vst v29  }
0x86: {  	v11 =	vadd.f32 v18, v11;
	v29 =	vmul.f32 v4, v4;
	v39 =	vld [tilespmem:s29+$0xF0];
	[tilespmem:s26+$0x20] =	vst v6;
	v6 =	vadd.f32 v15, v8  }
0x87: {  	v27 =	vld [tilespmem:s29+$0xFFFFFF20];
	v8 =	vadd.f32 v31, v26;
	v26 =	vadd.f32 v25, v30;
	v30 =	vmul.f32 v25, v25;
	[tilespmem:s26+$0x30] =	vst v7  }
0x88: {  	v9 =	vadd.f32 v15, v9;
	v18 =	vld [tilespmem:s29+$0xFFFFFFA0];
	v31 =	vadd.f32 v5, v4;
	v7 =	vmul.f32 v5, v5;
	[tilespmem:s26+$0x40] =	vst v6  }
0x89: {  	v6 =	vld [tilespmem:s29+$0x20];
	v8 =	vadd.f32 v30, v8;
	v32 =	vadd.f32 v28, v26;
	v34 =	vmul.f32 v28, v28;
	[tilespmem:s26+$0xE0] =	vst v38  }
0x8a: {  	v30 =	vld [tilespmem:s29+$0xFFFFFF30];
	v35 =	vmul.f32 v24, v24;
	v36 =	vadd.f32 v13, v24;
	v37 =	vadd.f32 v7, v29;
	[tilespmem:s26+$0x50] =	vst v9  }
0x8b: {  	v26 =	vld [tilespmem:s29+$0xFFFFFFB0];
	v8 =	vadd.f32 v34, v8;
	v9 =	vadd.f32 v39, v32;
	v29 =	vmul.f32 v39, v39  }
0x8c: {  	v10 =	vadd.f32 v10, v35;
	v35 =	vadd.f32 v27, v36;
	v34 =	vmul.f32 v27, v27;
	v7 =	vld [tilespmem:s29+$0x30]  }
0x8d: {  	v32 =	vld [tilespmem:s29+$0xFFFFFF40];
	v33 =	vadd.f32 v18, v33;
	v36 =	vadd.f32 v29, v8;
	v38 =	vperm.xlane v9, v0  }
0x8e: {  	v40 =	vmul.f32 v18, v18;
	v29 =	vld [tilespmem:s29+$0xFFFFFFC0];
	v41 =	vadd.f32 v6, v31;
	v42 =	vmul.f32 v6, v6  }
0x8f: {  	v10 =	vadd.f32 v34, v10;
	v8 =	vld [tilespmem:s29+$0x40];
	v38 =	vadd.f32 v38, v9;
	v9 =	vperm.xlane v36, v0  }
0x90: {  	v35 =	vadd.f32 v30, v35;
	v43 =	vmul.f32 v30, v30;
	v11 =	vadd.f32 v40, v11;
	v34 =	vld [tilespmem:s29+$0xFFFFFF50]  }
0x91: {  	v40 =	vadd.f32 v26, v33;
	v31 =	vld [tilespmem:s29+$0xFFFFFFD0];
	v33 =	vperm.xlane v38, v1;
	v44 =	vadd.f32 v9, v36  }
0x92: {  	v45 =	vmul.f32 v26, v26;
	v42 =	vadd.f32 v42, v37;
	v41 =	vadd.f32 v7, v41;
	v9 =	vld [tilespmem:s29+$0x50]  }
0x93: {  	v46 =	vmul.f32 v7, v7;
	v36 =	vld [tilespmem:s29+$0xFFFFFF60];
	v38 =	vadd.f32 v33, v38;
	v37 =	vperm.xlane v44, v1  }
0x94: {  	v43 =	vadd.f32 v43, v10;
	v47 =	vadd.f32 v32, v35;
	v48 =	vmul.f32 v32, v32;
	v33 =	vld [tilespmem:s29+$0xFFFFFFE0]  }
0x95: {  	v45 =	vadd.f32 v45, v11;
	v10 =	vld [tilespmem:s29+$0x60];
	v11 =	vperm.xlane v38, v2;
	v44 =	vadd.f32 v37, v44  }
0x96: {  	v40 =	vadd.f32 v29, v40;
	v49 =	vmul.f32 v29, v29;
	v42 =	vadd.f32 v46, v42;
	v37 =	vld [tilespmem:s29+$0xFFFFFF70]  }
0x97: {  	v41 =	vadd.f32 v8, v41;
	v35 =	vld [tilespmem:s29+$0xFFFFFFF0];
	v38 =	vadd.f32 v11, v38;
	v46 =	vperm.xlane v44, v2  }
0x98: {  	v43 =	vadd.f32 v48, v43;
	v48 =	vmul.f32 v8, v8;
	v47 =	vadd.f32 v34, v47;
	v11 =	vld [tilespmem:s29+$0x70]  }
0x99: {  	v45 =	vadd.f32 v49, v45;
	v49 =	vperm.xlane v38, v3;
	v44 =	vadd.f32 v46, v44  }
0x9a: {  	v40 =	vadd.f32 v31, v40;
	v42 =	vadd.f32 v48, v42;
	v46 =	vmul.f32 v34, v34  }
0x9b: {  	v41 =	vadd.f32 v9, v41;
	v38 =	vadd.f32 v49, v38;
	v48 =	vperm.xlane v44, v3  }
0x9c: {  	v43 =	vadd.f32 v46, v43;
	v46 =	vmul.f32 v31, v31;
	v49 =	vmul.f32 v9, v9  }
0x9d: {  	v47 =	vadd.f32 v36, v47;
	v38 =	vmul.f32 $7.812500000e-03, v38;
	v44 =	vadd.f32 v48, v44  }
0x9e: {  	v40 =	vadd.f32 v33, v40;
	v48 =	vmul.f32 v36, v36;
	v45 =	vadd.f32 v46, v45  }
0x9f: {  	v42 =	vadd.f32 v49, v42;
	v44 =	vmul.f32 $7.812500000e-03, v44;
	v46 =	vmul.f32 v38, v38  }
0xa0: {  	v41 =	vadd.f32 v10, v41;
	v50 =	vmul.f32 v10, v10;
	v49 =	vmul.f32 v33, v33  }
0xa1: {  	v43 =	vadd.f32 v48, v43;
	v48 =	vmul.f32 v37, v37;
	v44 =	vsub.f32 v44, v46  }
0xa2: {  	v45 =	vadd.f32 v49, v45;
	v46 =	vadd.f32 v37, v47;
	v47 =	vmul.f32 v35, v35  }
0xa3: {  	v40 =	vadd.f32 v35, v40;
	v49 =	vmul.f32 v11, v11;
	v44 =	vadd.f32 $9.999999960e-13, v44  }
0xa4: {  	v41 =	vadd.f32 v11, v41;
	v42 =	vadd.f32 v50, v42;
	v51 =	vperm.xlane v46, v0  }
0xa5: {  	v43 =	vadd.f32 v48, v43;
	v48 =	vshra.s32 v44, $0x1;
	v44 =	vmul.f32 $5.000000000e-01, v44  }
0xa6: {  	v45 =	vadd.f32 v47, v45;
	v47 =	vperm.xlane v40, v0;
	v48 =	vsub.s32 $0x5F3759DF, v48  }
0xa7: {  	v42 =	vadd.f32 v49, v42;
	v49 =	vperm.xlane v41, v0;
	v44 =	vmul.f32 v48, v44  }
0xa8: {  	v50 =	vperm.xlane v43, v0;
	v46 =	vadd.f32 v51, v46;
	v40 =	vadd.f32 v47, v40  }
0xa9: {  	v41 =	vadd.f32 v49, v41;
	v47 =	vperm.xlane v45, v0;
	v44 =	vmul.f32 v48, v44  }
0xaa: {  	v43 =	vadd.f32 v50, v43;
	v50 =	vperm.xlane v42, v0;
	v49 =	vperm.xlane v46, v1  }
0xab: {  	v51 =	vperm.xlane v40, v1;
	v45 =	vadd.f32 v47, v45;
	v44 =	vsub.f32 $1.500000000e+00, v44  }
0xac: {  	v47 =	vperm.xlane v41, v1;
	v42 =	vadd.f32 v50, v42;
	v46 =	vadd.f32 v49, v46  }
0xad: {  	v38 =	vsub.f32 $0.0e+00, v38;
	v49 =	vperm.xlane v43, v1;
	v44 =	vmul.f32 v48, v44  }
0xae: {  	v40 =	vadd.f32 v51, v40;
	v41 =	vadd.f32 v47, v41;
	v48 =	vperm.xlane v45, v1  }
0xaf: {  	v43 =	vadd.f32 v49, v43;
	v38 =	vmul.f32 v44, v38;
	v39 =	vmul.f32 v44, v39  }
0xb0: {  	v47 =	vperm.xlane v46, v2;
	v45 =	vadd.f32 v48, v45;
	v48 =	vperm.xlane v42, v1  }
0xb1: {  	v49 =	vperm.xlane v40, v2;
	v50 =	vperm.xlane v41, v2;
	v39 =	vadd.f32 v38, v39  }
0xb2: {  	v46 =	vadd.f32 v47, v46;
	v47 =	vperm.xlane v43, v2;
	v42 =	vadd.f32 v48, v42  }
0xb3: {  	v40 =	vadd.f32 v49, v40;
	v41 =	vadd.f32 v50, v41;
	v48 =	vperm.xlane v45, v2;
	[tilespmem:s29+$0xF0] =	vst v39  }
0xb4: {  	v43 =	vadd.f32 v47, v43;
	v39 =	vperm.xlane v46, v3;
	v47 =	vperm.xlane v42, v2  }
0xb5: {  	v49 =	vperm.xlane v40, v3;
	v45 =	vadd.f32 v48, v45;
	v48 =	vperm.xlane v41, v3  }
0xb6: {  	v39 =	vadd.f32 v39, v46;
	v46 =	vperm.xlane v43, v3;
	v42 =	vadd.f32 v47, v42  }
0xb7: {  	v40 =	vadd.f32 v49, v40;
	v47 =	vperm.xlane v45, v3;
	v41 =	vadd.f32 v48, v41  }
0xb8: {  	v39 =	vmul.f32 $7.812500000e-03, v39;
	v43 =	vadd.f32 v46, v43;
	v46 =	vperm.xlane v42, v3  }
0xb9: {  	v40 =	vmul.f32 $7.812500000e-03, v40;
	v45 =	vadd.f32 v47, v45;
	v41 =	vmul.f32 $7.812500000e-03, v41  }
0xba: {  	v43 =	vmul.f32 $7.812500000e-03, v43;
	v47 =	vmul.f32 v39, v39;
	v42 =	vadd.f32 v46, v42  }
0xbb: {  	v39 =	vsub.f32 $0.0e+00, v39;
	v45 =	vmul.f32 $7.812500000e-03, v45;
	v46 =	vmul.f32 v40, v40  }
0xbc: {  	v43 =	vsub.f32 v43, v47;
	v42 =	vmul.f32 $7.812500000e-03, v42;
	v47 =	vmul.f32 v41, v41  }
0xbd: {  	v19 =	vmul.f32 v44, v19;
	v40 =	vsub.f32 $0.0e+00, v40;
	v45 =	vsub.f32 v45, v46  }
0xbe: {  	v46 =	vmul.f32 v44, v20;
	v43 =	vadd.f32 $9.999999960e-13, v43;
	v42 =	vsub.f32 v42, v47  }
0xbf: {  	v23 =	vmul.f32 v44, v23;
	v20 =	vsub.f32 $0.0e+00, v41;
	v45 =	vadd.f32 $9.999999960e-13, v45  }
0xc0: {  	v41 =	vshra.s32 v43, $0x1;
	v43 =	vmul.f32 $5.000000000e-01, v43;
	v42 =	vadd.f32 $9.999999960e-13, v42  }
0xc1: {  	v47 =	vshra.s32 v45, $0x1;
	v45 =	vmul.f32 $5.000000000e-01, v45;
	v41 =	vsub.s32 $0x5F3759DF, v41  }
0xc2: {  	v47 =	vsub.s32 $0x5F3759DF, v47;
	v48 =	vshra.s32 v42, $0x1;
	v42 =	vmul.f32 $5.000000000e-01, v42  }
0xc3: {  	v43 =	vmul.f32 v41, v43;
	v45 =	vmul.f32 v47, v45;
	v48 =	vsub.s32 $0x5F3759DF, v48  }
0xc4: {  	v16 =	vadd.f32 v15, v16;
	v49 =	vmul.f32 v44, v21;
	v42 =	vmul.f32 v48, v42  }
0xc5: {  	v15 =	vadd.f32 v15, v17;
	v21 =	vmul.f32 v41, v43;
	v43 =	vmul.f32 v47, v45  }
0xc6: {  	v22 =	vmul.f32 v44, v22;
	v19 =	vadd.f32 v38, v19;
	v17 =	vmul.f32 v48, v42;
	[tilespmem:s26+$0x60] =	vst v16  }
0xc7: {  	v25 =	vmul.f32 v44, v25;
	v16 =	vsub.f32 $1.500000000e+00, v21;
	v21 =	vsub.f32 $1.500000000e+00, v43;
	[tilespmem:s26+$0x70] =	vst v15;
	s26 =	smov.u32 s29  }
0xc8: {  	v15 =	vsub.f32 $1.500000000e+00, v17;
	v17 =	vadd.f32 v38, v46;
	[tilespmem:s29+$0x80] =	vst v19;
	v19 =	vmul.f32 v44, v28  }
0xc9: {  	v23 =	vadd.f32 v38, v23;
	v16 =	vmul.f32 v41, v16;
	v41 =	vmul.f32 v47, v21  }
0xca: {  	v21 =	vmul.f32 v48, v15;
	v15 =	vadd.f32 v38, v49;
	[tilespmem:s29+$0x90] =	vst v17;
	v17 =	vadd.f32 v38, v22  }
0xcb: {  	v22 =	vmul.f32 v16, v39;
	v24 =	vmul.f32 v16, v24;
	[tilespmem:s29+$0xA0] =	vst v23;
	v23 =	vadd.f32 v38, v25  }
0xcc: {  	v13 =	vmul.f32 v16, v13;
	v25 =	vmul.f32 v16, v27;
	v38 =	vadd.f32 v38, v19;
	[tilespmem:s29+$0xB0] =	vst v15  }
0xcd: {  	v19 =	vmul.f32 v16, v30;
	v15 =	vadd.f32 v22, v24;
	v24 =	vmul.f32 v16, v32;
	[tilespmem:s29+$0xC0] =	vst v17  }
0xce: {  	v28 =	vmul.f32 v16, v36;
	v13 =	vadd.f32 v22, v13;
	v17 =	vmul.f32 v16, v34;
	[tilespmem:s29+$0xD0] =	vst v23  }
.Ltmp0:
0xcf: {  	v23 =	vmul.f32 v16, v37;
	[tilespmem:s29+$0xFFFFFF00] =	vst v15;
	v15 =	vadd.f32 v22, v25;
	v25 =	vmul.f32 v41, v40;
	(pc) =	sbr.rel @p0 .LBB2_3-.Ltmp0, $4  }
0xd0: {  	v27 =	vmul.f32 v41, v12;
	v16 =	vmul.f32 v41, v14;
	[tilespmem:s29+$0xFFFFFF10] =	vst v13;
	v13 =	vadd.f32 v22, v19  }
0xd1: {  	v12 =	vmul.f32 v41, v18;
	v14 =	vmul.f32 v41, v26;
	[tilespmem:s29+$0xFFFFFF20] =	vst v15;
	v15 =	vadd.f32 v22, v24  }
0xd2: {  	v24 =	vmul.f32 v41, v31;
	[tilespmem:s29+$0xFFFFFF30] =	vst v13;
	v13 =	vadd.f32 v22, v17;
	v17 =	vmul.f32 v41, v29  }
0xd3: {  	v18 =	vmul.f32 v41, v35;
	v28 =	vadd.f32 v22, v28;
	v26 =	vmul.f32 v41, v33;
	s29 =	sadd.s32 $0x200, s29;
	[tilespmem:s26+$0xFFFFFF40] =	vst v15  }
0xd4: {  	[tilespmem:s26+$0xFFFFFF50] =	vst v13  }
0xd5: {  	v13 =	vadd.f32 v22, v23;
	[tilespmem:s26+$0xE0] =	vst v38  }
0xd6: {  	v15 =	vadd.f32 v25, v27;
	[tilespmem:s26+$0xFFFFFF60] =	vst v28  }
0xd7: {  	v12 =	vadd.f32 v25, v12;
	[tilespmem:s26+$0xFFFFFF70] =	vst v13  }
0xd8: {  	v13 =	vadd.f32 v25, v16;
	[tilespmem:s26+$0xFFFFFF80] =	vst v15  }
0xd9: {  	[tilespmem:s26+$0xFFFFFFA0] =	vst v12;
	v12 =	vadd.f32 v25, v24  }
0xda: {  	[tilespmem:s26+$0xFFFFFF90] =	vst v13;
	v13 =	vadd.f32 v25, v14  }
0xdb: {  	v14 =	vadd.f32 v25, v17;
	[tilespmem:s26+$0xFFFFFFD0] =	vst v12  }
0xdc: {  	v4 =	vmul.f32 v21, v4;
	v15 =	vadd.f32 v25, v26;
	[tilespmem:s26+$0xFFFFFFB0] =	vst v13;
	v13 =	vmul.f32 v21, v20  }
0xdd: {  	v5 =	vmul.f32 v21, v5;
	[tilespmem:s26+$0xFFFFFFC0] =	vst v14;
	v14 =	vadd.f32 v25, v18  }
0xde: {  	v6 =	vmul.f32 v21, v6;
	[tilespmem:s26+$0xFFFFFFE0] =	vst v15;
	v4 =	vadd.f32 v13, v4  }
0xdf: {  	v7 =	vmul.f32 v21, v7;
	v5 =	vadd.f32 v13, v5;
	[tilespmem:s26+$0xFFFFFFF0] =	vst v14  }
0xe0: {  	v8 =	vmul.f32 v21, v8;
	v6 =	vadd.f32 v13, v6;
	[tilespmem:s26+$0x0] =	vst v4  }
0xe1: {  	v4 =	vadd.f32 v13, v7;
	[tilespmem:s26+$0x10] =	vst v5;
	v5 =	vmul.f32 v21, v9  }
0xe2: {  	[tilespmem:s26+$0x20] =	vst v6;
	v6 =	vadd.f32 v13, v8;
	v7 =	vmul.f32 v21, v10  }
0xe3: {  	[tilespmem:s26+$0x30] =	vst v4;
	v4 =	vmul.f32 v21, v11;
	v5 =	vadd.f32 v13, v5  }
0xe4: {  	[tilespmem:s26+$0x40] =	vst v6;
	v6 =	vadd.f32 v13, v7  }
0xe5: {  	s28 =	sadd.s32 s5, s25;
	[tilespmem:s26+$0x50] =	vst v5;
	v4 =	vadd.f32 v13, v4  }
0xe6: {  	s28 =	sshll.u32 s28, $0x4;
	[tilespmem:s26+$0x60] =	vst v6  }
0xe7: {  	s31 =	sadd.s32 s2, s28;
	[tilespmem:s26+$0x70] =	vst v4  }
0xe8: {  	[hbm4b:s31+s3] =	stream.linear.scatter [tilespmem:s13], [sflag:$0x4], $0x4000, $0x38;
	[tilespmem:$0xDC00] =	vst v63  }
0xe9: {  	_ =	swait.ge [sflag:s17], $0x4000  }
0xea: {  	[sflag:s17] =	ssyncset.done $0x0  }
0xeb: {  	s31 =	smul.u32 $0x600, s23;
	[sflag:s17] =	ssyncadd.s32 $0xFFFFC000  }
0xec: {  	_ =	swait.ge [sflag:s18], $0x4000  }
0xed: {  	s26 =	sshra.s32 s31, $0x2;
	[sflag:s18] =	ssyncset.done $0x0  }
0xee: {  	s28 =	sadd.s32 $0x180, s26;
	[sflag:s18] =	ssyncadd.s32 $0xFFFFC000  }
0xef: {  	[tilespmem:s13], [sflag:$0x1] =	stream.indirect.gather [hbm4b:s1+s12], $0x80, s28, s12, $0xb8;
	[tilespmem:$0xDC00] =	vst v63  }
0xf0: {  	s28 =	simm.s32 $0x5C00  }
0xf1: {  	v27 =	vld [tilespmem:s28+$0x180]  }
0xf2: {  	v25 =	vld [tilespmem:s28+$0x190]  }
0xf3: {  	v14 =	vld [tilespmem:s28+$0x10]  }
0xf4: {  	v26 =	vld [tilespmem:s28+$0x1A0]  }
0xf5: {  	v12 =	vld [tilespmem:s28+$0x80]  }
0xf6: {  	v20 =	vld [tilespmem:s28+$0x1B0]  }
0xf7: {  	v13 =	vld [tilespmem:s28+$0x90]  }
0xf8: {  	v18 =	vld [tilespmem:s28+$0x1C0]  }
0xf9: {  	v4 =	vld [tilespmem:s28+$0x100]  }
0xfa: {  	v16 =	vld [tilespmem:s28+$0x0];
	v5 =	vmul.f32 v27, v27;
	v7 =	vmul.f32 v25, v25  }
0xfb: {  	v21 =	vld [tilespmem:s28+$0x1D0];
	v6 =	vadd.f32 v25, v27;
	v8 =	vmul.f32 v26, v26  }
0xfc: {  	v15 =	vld [tilespmem:s28+$0xA0];
	v9 =	vmul.f32 v12, v12;
	v10 =	vmul.f32 v13, v13;
	v7 =	vadd.f32 v7, v5  }
0xfd: {  	v11 =	vmul.f32 v14, v14;
	v24 =	vadd.f32 v13, v12;
	v6 =	vadd.f32 v26, v6;
	v5 =	vld [tilespmem:s28+$0x110]  }
0xfe: {  	v19 =	vld [tilespmem:s28+$0x20];
	v17 =	vmul.f32 v4, v4;
	v7 =	vadd.f32 v8, v7;
	v8 =	vmul.f32 v20, v20  }
0xff: {  	v22 =	vld [tilespmem:s28+$0x1E0];
	v29 =	vmul.f32 v16, v16;
	v30 =	vadd.f32 v14, v16;
	v6 =	vadd.f32 v20, v6  }
0x100: {  	v9 =	vadd.f32 v10, v9;
	v7 =	vadd.f32 v8, v7;
	v8 =	vmul.f32 v18, v18  }
0x101: {  	v35 =	vld [tilespmem:s28+$0x1F0];
	v10 =	vmul.f32 v21, v21;
	v11 =	vadd.f32 v11, v29;
	v6 =	vadd.f32 v18, v6  }
0x102: {  	v33 =	vadd.f32 v15, v24;
	v24 =	vld [tilespmem:s28+$0xC0];
	v23 =	vmul.f32 v5, v5;
	v7 =	vadd.f32 v8, v7  }
0x103: {  	v29 =	vadd.f32 v19, v30;
	v30 =	vmul.f32 v19, v19;
	v8 =	vadd.f32 v21, v6;
	v6 =	vld [tilespmem:s28+$0x120]  }
0x104: {  	v31 =	vadd.f32 v23, v17;
	v23 =	vld [tilespmem:s28+$0x30];
	v7 =	vadd.f32 v10, v7;
	v10 =	vmul.f32 v22, v22  }
0x105: {  	v34 =	vmul.f32 v15, v15;
	v11 =	vadd.f32 v30, v11;
	v17 =	vld [tilespmem:s28+$0xB0];
	v8 =	vadd.f32 v22, v8  }
0x106: {  	v28 =	vadd.f32 v5, v4;
	v7 =	vadd.f32 v10, v7;
	v10 =	vmul.f32 v35, v35  }
0x107: {  	v9 =	vadd.f32 v34, v9;
	v30 =	vld [tilespmem:s28+$0x50];
	v46 =	vmul.f32 v24, v24;
	v8 =	vadd.f32 v35, v8  }
0x108: {  	v36 =	vadd.f32 v6, v28;
	v28 =	vld [tilespmem:s28+$0x40];
	v37 =	vmul.f32 v6, v6;
	v10 =	vadd.f32 v10, v7  }
0x109: {  	v32 =	vperm.xlane v8, v0;
	v7 =	vld [tilespmem:s28+$0x130];
	v29 =	vadd.f32 v23, v29;
	v60 =	vmul.f32 v23, v23  }
0x10a: {  	v33 =	vadd.f32 v17, v33;
	v39 =	vmul.f32 v17, v17;
	v31 =	vadd.f32 v37, v31  }
0x10b: {  	v34 =	vld [tilespmem:s28+$0x70];
	v32 =	vadd.f32 v32, v8;
	v8 =	vperm.xlane v10, v0;
	v11 =	vadd.f32 v60, v11  }
0x10c: {  	v48 =	vmul.f32 v30, v30;
	v39 =	vadd.f32 v39, v9;
	v41 =	vadd.f32 v24, v33;
	v9 =	vld [tilespmem:s28+$0x150]  }
0x10d: {  	v33 =	vld [tilespmem:s28+$0x60];
	v61 =	vperm.xlane v32, v1;
	v10 =	vadd.f32 v8, v10;
	v44 =	vadd.f32 v28, v29  }
0x10e: {  	v8 =	vld [tilespmem:s28+$0x140];
	v45 =	vmul.f32 v28, v28;
	v39 =	vadd.f32 v46, v39;
	v36 =	vadd.f32 v7, v36  }
0x10f: {  	v63 =	vmul.f32 v7, v7;
	v32 =	vadd.f32 v61, v32;
	v62 =	vperm.xlane v10, v1  }
0x110: {  	v52 =	vmul.f32 v34, v34;
	v29 =	vld [tilespmem:s28+$0xD0];
	v11 =	vadd.f32 v45, v11;
	v38 =	vadd.f32 v30, v44  }
0x111: {  	v37 =	vadd.f32 v63, v31;
	v40 =	vperm.xlane v32, v2;
	v10 =	vadd.f32 v62, v10  }
0x112: {  	v44 =	vmul.f32 v9, v9;
	v50 =	vmul.f32 v33, v33;
	v38 =	vadd.f32 v33, v38  }
0x113: {  	v36 =	vadd.f32 v8, v36;
	v32 =	vadd.f32 v40, v32;
	v31 =	vperm.xlane v10, v2  }
0x114: {  	v47 =	vmul.f32 v8, v8;
	v40 =	vadd.f32 v48, v11;
	v38 =	vadd.f32 v34, v38  }
0x115: {  	v41 =	vadd.f32 v29, v41;
	v42 =	vperm.xlane v32, v3;
	v43 =	vadd.f32 v31, v10;
	v31 =	vld [tilespmem:s28+$0xE0]  }
0x116: {  	v37 =	vadd.f32 v47, v37;
	v10 =	vld [tilespmem:s28+$0x160];
	v40 =	vadd.f32 v50, v40;
	v48 =	vperm.xlane v38, v0  }
0x117: {  	v11 =	vmul.f32 v29, v29;
	v36 =	vadd.f32 v9, v36;
	v32 =	vadd.f32 v42, v32  }
0x118: {  	v49 =	vperm.xlane v43, v3;
	v40 =	vadd.f32 v52, v40;
	v38 =	vadd.f32 v48, v38  }
0x119: {  	v39 =	vadd.f32 v11, v39;
	v11 =	vld [tilespmem:s28+$0x170];
	v37 =	vadd.f32 v44, v37;
	v45 =	vmul.f32 $7.812500000e-03, v32  }
0x11a: {  	v42 =	vadd.f32 v49, v43;
	v32 =	vld [tilespmem:s28+$0xF0];
	v59 =	vperm.xlane v40, v0;
	v61 =	vperm.xlane v38, v1  }
0x11b: {  	v41 =	vadd.f32 v31, v41;
	v51 =	vmul.f32 v31, v31;
	v36 =	vadd.f32 v10, v36  }
0x11c: {  	v47 =	vmul.f32 v10, v10;
	v42 =	vmul.f32 $7.812500000e-03, v42;
	v40 =	vadd.f32 v59, v40  }
0x11d: {  	v46 =	vmul.f32 v45, v45;
	v38 =	vadd.f32 v61, v38;
	v52 =	vsub.f32 $0.0e+00, v45  }
0x11e: {  	v54 =	vmul.f32 v11, v11;
	v37 =	vadd.f32 v47, v37;
	v36 =	vadd.f32 v11, v36  }
0x11f: {  	v39 =	vadd.f32 v51, v39;
	v42 =	vsub.f32 v42, v46;
	v53 =	vmul.f32 v32, v32  }
0x120: {  	v41 =	vadd.f32 v32, v41;
	v37 =	vadd.f32 v54, v37;
	v58 =	vperm.xlane v36, v0  }
0x121: {  	v42 =	vadd.f32 $9.999999960e-13, v42;
	v39 =	vadd.f32 v53, v39  }
0x122: {  	v57 =	vperm.xlane v41, v0;
	v36 =	vadd.f32 v58, v36;
	v62 =	vperm.xlane v37, v0  }
0x123: {  	v53 =	vperm.xlane v40, v1;
	v55 =	vshra.s32 v42, $0x1;
	v42 =	vmul.f32 $5.000000000e-01, v42  }
0x124: {  	v56 =	vsub.s32 $0x5F3759DF, v55;
	v41 =	vadd.f32 v57, v41;
	v60 =	vperm.xlane v39, v0  }
0x125: {  	v51 =	vperm.xlane v36, v1;
	v37 =	vadd.f32 v62, v37;
	v40 =	vadd.f32 v53, v40  }
0x126: {  	v55 =	vperm.xlane v38, v2;
	v42 =	vmul.f32 v56, v42;
	v39 =	vadd.f32 v60, v39  }
0x127: {  	v63 =	vperm.xlane v41, v1;
	v36 =	vadd.f32 v51, v36;
	v59 =	vperm.xlane v40, v2  }
0x128: {  	v38 =	vadd.f32 v55, v38;
	v42 =	vmul.f32 v56, v42;
	v54 =	vperm.xlane v39, v1  }
0x129: {  	v41 =	vadd.f32 v63, v41;
	v58 =	vperm.xlane v36, v2;
	v40 =	vadd.f32 v59, v40  }
0x12a: {  	v61 =	vperm.xlane v38, v3;
	v42 =	vsub.f32 $1.500000000e+00, v42;
	v39 =	vadd.f32 v54, v39  }
0x12b: {  	v57 =	vperm.xlane v41, v2;
	v36 =	vadd.f32 v58, v36;
	v49 =	vperm.xlane v40, v3  }
0x12c: {  	v38 =	vadd.f32 v61, v38;
	v42 =	vmul.f32 v56, v42;
	v56 =	vperm.xlane v37, v1  }
0x12d: {  	v60 =	vperm.xlane v39, v2;
	v48 =	vperm.xlane v36, v3  }
0x12e: {  	v41 =	vadd.f32 v57, v41;
	v38 =	vmul.f32 $7.812500000e-03, v38;
	v43 =	vmul.f32 v42, v52  }
0x12f: {  	v40 =	vadd.f32 v49, v40;
	v35 =	vmul.f32 v42, v35;
	v27 =	vmul.f32 v42, v27  }
0x130: {  	v37 =	vadd.f32 v56, v37;
	v25 =	vmul.f32 v42, v25;
	v26 =	vmul.f32 v42, v26  }
0x131: {  	v58 =	vmul.f32 v42, v20;
	v63 =	vperm.xlane v41, v3;
	v39 =	vadd.f32 v60, v39  }
0x132: {  	v40 =	vmul.f32 $7.812500000e-03, v40;
	v52 =	vmul.f32 v38, v38  }
0x133: {  	v62 =	vperm.xlane v37, v2;
	v50 =	vperm.xlane v39, v3  }
0x134: {  	v18 =	vmul.f32 v42, v18;
	v41 =	vadd.f32 v63, v41;
	v40 =	vsub.f32 v40, v52  }
0x135: {  	v61 =	vmul.f32 v42, v22;
	v37 =	vadd.f32 v62, v37;
	v39 =	vadd.f32 v50, v39  }
0x136: {  	v36 =	vadd.f32 v48, v36;
	v41 =	vmul.f32 $7.812500000e-03, v41;
	v40 =	vadd.f32 $9.999999960e-13, v40  }
0x137: {  	v38 =	vsub.f32 $0.0e+00, v38;
	v51 =	vperm.xlane v37, v3;
	v39 =	vmul.f32 $7.812500000e-03, v39  }
0x138: {  	v53 =	vmul.f32 v41, v41;
	v55 =	vshra.s32 v40, $0x1;
	v40 =	vmul.f32 $5.000000000e-01, v40  }
0x139: {  	v36 =	vmul.f32 $7.812500000e-03, v36;
	v37 =	vadd.f32 v51, v37;
	v44 =	vsub.s32 $0x5F3759DF, v55  }
0x13a: {  	v35 =	vadd.f32 v43, v35;
	v39 =	vsub.f32 v39, v53;
	v40 =	vmul.f32 v44, v40  }
0x13b: {  	v27 =	vadd.f32 v43, v27;
	v54 =	vmul.f32 v36, v36;
	v37 =	vmul.f32 $7.812500000e-03, v37  }
0x13c: {  	v25 =	vadd.f32 v43, v25;
	v39 =	vadd.f32 $9.999999960e-13, v39;
	v59 =	vmul.f32 v44, v40  }
0x13d: {  	v60 =	vmul.f32 v42, v21;
	v20 =	vsub.f32 $0.0e+00, v36;
	v37 =	vsub.f32 v37, v54  }
0x13e: {  	v56 =	vshra.s32 v39, $0x1;
	v39 =	vmul.f32 $5.000000000e-01, v39;
	v36 =	vsub.f32 $1.500000000e+00, v59  }
0x13f: {  	v26 =	vadd.f32 v43, v26;
	v37 =	vadd.f32 $9.999999960e-13, v37;
	v45 =	vsub.s32 $0x5F3759DF, v56  }
0x140: {  	v18 =	vadd.f32 v43, v18;
	[tilespmem:s28+$0x180] =	vst v27;
	v39 =	vmul.f32 v45, v39;
	v27 =	vmul.f32 v44, v36  }
0x141: {  	[tilespmem:s28+$0x190] =	vst v25;
	v25 =	vadd.f32 v43, v58;
	v57 =	vshra.s32 v37, $0x1;
	v37 =	vmul.f32 $5.000000000e-01, v37  }
0x142: {  	[tilespmem:s28+$0x1A0] =	vst v26;
	v26 =	vadd.f32 v43, v60;
	v39 =	vmul.f32 v45, v39;
	v22 =	vmul.f32 v27, v38  }
0x143: {  	v41 =	vsub.f32 $0.0e+00, v41;
	v16 =	vmul.f32 v27, v16;
	v14 =	vmul.f32 v27, v14  }
0x144: {  	v46 =	vsub.s32 $0x5F3759DF, v57;
	v19 =	vmul.f32 v27, v19;
	v63 =	vmul.f32 v27, v23  }
0x145: {  	[tilespmem:s28+$0x1C0] =	vst v18;
	v28 =	vmul.f32 v27, v28;
	v18 =	vmul.f32 v27, v30;
	v39 =	vsub.f32 $1.500000000e+00, v39  }
0x146: {  	[tilespmem:s28+$0x1F0] =	vst v35;
	v38 =	vadd.f32 v43, v61;
	v30 =	vmul.f32 v27, v33;
	v37 =	vmul.f32 v46, v37  }
0x147: {  	[tilespmem:s28+$0x1B0] =	vst v25;
	v23 =	vmul.f32 v27, v34;
	v16 =	vadd.f32 v22, v16;
	v62 =	vmul.f32 v45, v39  }
0x148: {  	[tilespmem:s28+$0x1D0] =	vst v26;
	v14 =	vadd.f32 v22, v14;
	v19 =	vadd.f32 v22, v19;
	v37 =	vmul.f32 v46, v37  }
0x149: {  	v26 =	vadd.f32 v22, v63;
	[tilespmem:s28+$0x0] =	vst v16;
	v25 =	vmul.f32 v62, v41;
	v27 =	vmul.f32 v62, v12  }
0x14a: {  	[tilespmem:s28+$0x10] =	vst v14;
	v21 =	vsub.f32 $1.500000000e+00, v37;
	v16 =	vmul.f32 v62, v13;
	v12 =	vmul.f32 v62, v15  }
0x14b: {  	[tilespmem:s28+$0x20] =	vst v19;
	v19 =	vadd.f32 v22, v28;
	v14 =	vmul.f32 v62, v17;
	v17 =	vmul.f32 v62, v24  }
0x14c: {  	[tilespmem:s28+$0x30] =	vst v26;
	v13 =	vadd.f32 v22, v18;
	v24 =	vmul.f32 v62, v29;
	v21 =	vmul.f32 v46, v21  }
0x14d: {  	s29 =	simm.s32 $0x0;
	s30 =	simm.s32 $0x5E00;
	v28 =	vadd.f32 v22, v30;
	[tilespmem:s28+$0x40] =	vst v19;
	v26 =	vmul.f32 v62, v31;
	v18 =	vmul.f32 v62, v32  }
.LBB2_5:
0x14e: {  	v19 =	vld [tilespmem:s30+$0x180];
	[tilespmem:s28+$0x50] =	vst v13;
	v22 =	vadd.f32 v22, v23;
	v15 =	vmul.f32 v21, v20;
	v4 =	vmul.f32 v21, v4  }
0x14f: {  	s29 =	sadd.s32 $0x4, s29;
	v27 =	vadd.f32 v25, v27;
	v5 =	vmul.f32 v21, v5;
	v6 =	vmul.f32 v21, v6;
	v20 =	vld [tilespmem:s30+$0x190];
	[tilespmem:s28+$0x60] =	vst v28  }
0x150: {  	v7 =	vmul.f32 v21, v7;
	v8 =	vmul.f32 v21, v8;
	p0 =	slt.u32 s29, $0x7C;
	v13 =	vld [tilespmem:s30+$0x10];
	[tilespmem:s28+$0x70] =	vst v22;
	v22 =	vadd.f32 v25, v16  }
0x151: {  	v9 =	vmul.f32 v21, v9;
	v16 =	vmul.f32 v21, v10;
	v23 =	vld [tilespmem:s30+$0x1A0];
	[tilespmem:s28+$0x80] =	vst v27;
	v27 =	vadd.f32 v25, v12  }
0x152: {  	v28 =	vadd.f32 v25, v17;
	v17 =	vmul.f32 v21, v11;
	v10 =	vadd.f32 v25, v14;
	v12 =	vld [tilespmem:s30+$0x80];
	[tilespmem:s28+$0x90] =	vst v22  }
0x153: {  	v11 =	vadd.f32 v25, v24;
	v24 =	vadd.f32 v25, v26;
	v21 =	vld [tilespmem:s30+$0x1B0];
	[tilespmem:s28+$0xA0] =	vst v27  }
0x154: {  	v26 =	vmul.f32 v19, v19;
	v14 =	vld [tilespmem:s30+$0x90];
	v27 =	vadd.f32 v20, v19;
	v29 =	vmul.f32 v20, v20;
	[tilespmem:s28+$0xB0] =	vst v10  }
0x155: {  	v18 =	vadd.f32 v25, v18;
	v30 =	vadd.f32 v15, v4;
	v10 =	vmul.f32 v13, v13;
	v22 =	vld [tilespmem:s30+$0x1C0];
	[tilespmem:s28+$0xC0] =	vst v28  }
0x156: {  	v4 =	vld [tilespmem:s30+$0x100];
	v26 =	vadd.f32 v29, v26;
	v27 =	vadd.f32 v23, v27;
	v28 =	vmul.f32 v23, v23;
	[tilespmem:s28+$0xD0] =	vst v11  }
0x157: {  	v6 =	vadd.f32 v15, v6;
	v29 =	vadd.f32 v15, v5;
	v11 =	vmul.f32 v12, v12;
	v25 =	vld [tilespmem:s30+$0x1D0];
	[tilespmem:s28+$0xE0] =	vst v24  }
0x158: {  	v5 =	vld [tilespmem:s30+$0x110];
	v26 =	vadd.f32 v28, v26;
	v27 =	vadd.f32 v21, v27;
	v31 =	vmul.f32 v21, v21;
	[tilespmem:s28+$0xF0] =	vst v18  }
0x159: {  	v7 =	vadd.f32 v15, v7;
	v33 =	vadd.f32 v14, v12;
	v18 =	vmul.f32 v14, v14;
	v28 =	vld [tilespmem:s30+$0x1E0];
	[tilespmem:s28+$0x100] =	vst v30  }
0x15a: {  	v24 =	vld [tilespmem:s30+$0x0];
	v26 =	vadd.f32 v31, v26;
	v30 =	vadd.f32 v22, v27;
	v31 =	vmul.f32 v22, v22;
	[tilespmem:s28+$0x110] =	vst v29  }
0x15b: {  	v11 =	vadd.f32 v18, v11;
	v29 =	vmul.f32 v4, v4;
	v39 =	vld [tilespmem:s30+$0x1F0];
	[tilespmem:s28+$0x120] =	vst v6;
	v6 =	vadd.f32 v15, v8  }
0x15c: {  	v27 =	vld [tilespmem:s30+$0x20];
	v8 =	vadd.f32 v31, v26;
	v26 =	vadd.f32 v25, v30;
	v30 =	vmul.f32 v25, v25;
	[tilespmem:s28+$0x130] =	vst v7  }
0x15d: {  	v9 =	vadd.f32 v15, v9;
	v18 =	vld [tilespmem:s30+$0xA0];
	v31 =	vadd.f32 v5, v4;
	v7 =	vmul.f32 v5, v5;
	[tilespmem:s28+$0x140] =	vst v6  }
0x15e: {  	v6 =	vld [tilespmem:s30+$0x120];
	v8 =	vadd.f32 v30, v8;
	v32 =	vadd.f32 v28, v26;
	v34 =	vmul.f32 v28, v28;
	[tilespmem:s28+$0x1E0] =	vst v38  }
0x15f: {  	v30 =	vld [tilespmem:s30+$0x30];
	v35 =	vmul.f32 v24, v24;
	v36 =	vadd.f32 v13, v24;
	v37 =	vadd.f32 v7, v29;
	[tilespmem:s28+$0x150] =	vst v9  }
0x160: {  	v26 =	vld [tilespmem:s30+$0xB0];
	v8 =	vadd.f32 v34, v8;
	v9 =	vadd.f32 v39, v32;
	v29 =	vmul.f32 v39, v39  }
0x161: {  	v10 =	vadd.f32 v10, v35;
	v35 =	vadd.f32 v27, v36;
	v34 =	vmul.f32 v27, v27;
	v7 =	vld [tilespmem:s30+$0x130]  }
0x162: {  	v32 =	vld [tilespmem:s30+$0x40];
	v33 =	vadd.f32 v18, v33;
	v36 =	vadd.f32 v29, v8;
	v38 =	vperm.xlane v9, v0  }
0x163: {  	v40 =	vmul.f32 v18, v18;
	v29 =	vld [tilespmem:s30+$0xC0];
	v41 =	vadd.f32 v6, v31;
	v42 =	vmul.f32 v6, v6  }
0x164: {  	v10 =	vadd.f32 v34, v10;
	v8 =	vld [tilespmem:s30+$0x140];
	v38 =	vadd.f32 v38, v9;
	v9 =	vperm.xlane v36, v0  }
0x165: {  	v35 =	vadd.f32 v30, v35;
	v43 =	vmul.f32 v30, v30;
	v11 =	vadd.f32 v40, v11;
	v34 =	vld [tilespmem:s30+$0x50]  }
0x166: {  	v40 =	vadd.f32 v26, v33;
	v31 =	vld [tilespmem:s30+$0xD0];
	v33 =	vperm.xlane v38, v1;
	v44 =	vadd.f32 v9, v36  }
0x167: {  	v45 =	vmul.f32 v26, v26;
	v42 =	vadd.f32 v42, v37;
	v41 =	vadd.f32 v7, v41;
	v9 =	vld [tilespmem:s30+$0x150]  }
0x168: {  	v46 =	vmul.f32 v7, v7;
	v36 =	vld [tilespmem:s30+$0x60];
	v38 =	vadd.f32 v33, v38;
	v37 =	vperm.xlane v44, v1  }
0x169: {  	v43 =	vadd.f32 v43, v10;
	v47 =	vadd.f32 v32, v35;
	v48 =	vmul.f32 v32, v32;
	v33 =	vld [tilespmem:s30+$0xE0]  }
0x16a: {  	v45 =	vadd.f32 v45, v11;
	v10 =	vld [tilespmem:s30+$0x160];
	v11 =	vperm.xlane v38, v2;
	v44 =	vadd.f32 v37, v44  }
0x16b: {  	v40 =	vadd.f32 v29, v40;
	v49 =	vmul.f32 v29, v29;
	v42 =	vadd.f32 v46, v42;
	v37 =	vld [tilespmem:s30+$0x70]  }
0x16c: {  	v41 =	vadd.f32 v8, v41;
	v35 =	vld [tilespmem:s30+$0xF0];
	v38 =	vadd.f32 v11, v38;
	v46 =	vperm.xlane v44, v2  }
0x16d: {  	v43 =	vadd.f32 v48, v43;
	v48 =	vmul.f32 v8, v8;
	v47 =	vadd.f32 v34, v47;
	v11 =	vld [tilespmem:s30+$0x170]  }
0x16e: {  	v45 =	vadd.f32 v49, v45;
	v49 =	vperm.xlane v38, v3;
	v44 =	vadd.f32 v46, v44  }
0x16f: {  	v40 =	vadd.f32 v31, v40;
	v42 =	vadd.f32 v48, v42;
	v46 =	vmul.f32 v34, v34  }
0x170: {  	v41 =	vadd.f32 v9, v41;
	v38 =	vadd.f32 v49, v38;
	v48 =	vperm.xlane v44, v3  }
0x171: {  	v43 =	vadd.f32 v46, v43;
	v46 =	vmul.f32 v31, v31;
	v49 =	vmul.f32 v9, v9  }
0x172: {  	v47 =	vadd.f32 v36, v47;
	v38 =	vmul.f32 $7.812500000e-03, v38;
	v44 =	vadd.f32 v48, v44  }
0x173: {  	v40 =	vadd.f32 v33, v40;
	v48 =	vmul.f32 v36, v36;
	v45 =	vadd.f32 v46, v45  }
0x174: {  	v42 =	vadd.f32 v49, v42;
	v44 =	vmul.f32 $7.812500000e-03, v44;
	v46 =	vmul.f32 v38, v38  }
0x175: {  	v41 =	vadd.f32 v10, v41;
	v50 =	vmul.f32 v10, v10;
	v49 =	vmul.f32 v33, v33  }
0x176: {  	v43 =	vadd.f32 v48, v43;
	v48 =	vmul.f32 v37, v37;
	v44 =	vsub.f32 v44, v46  }
0x177: {  	v45 =	vadd.f32 v49, v45;
	v46 =	vadd.f32 v37, v47;
	v47 =	vmul.f32 v35, v35  }
0x178: {  	v40 =	vadd.f32 v35, v40;
	v49 =	vmul.f32 v11, v11;
	v44 =	vadd.f32 $9.999999960e-13, v44  }
0x179: {  	v41 =	vadd.f32 v11, v41;
	v42 =	vadd.f32 v50, v42;
	v51 =	vperm.xlane v46, v0  }
0x17a: {  	v43 =	vadd.f32 v48, v43;
	v48 =	vshra.s32 v44, $0x1;
	v44 =	vmul.f32 $5.000000000e-01, v44  }
0x17b: {  	v45 =	vadd.f32 v47, v45;
	v47 =	vperm.xlane v40, v0;
	v48 =	vsub.s32 $0x5F3759DF, v48  }
0x17c: {  	v42 =	vadd.f32 v49, v42;
	v49 =	vperm.xlane v41, v0;
	v44 =	vmul.f32 v48, v44  }
0x17d: {  	v50 =	vperm.xlane v43, v0;
	v46 =	vadd.f32 v51, v46;
	v40 =	vadd.f32 v47, v40  }
0x17e: {  	v41 =	vadd.f32 v49, v41;
	v47 =	vperm.xlane v45, v0;
	v44 =	vmul.f32 v48, v44  }
0x17f: {  	v43 =	vadd.f32 v50, v43;
	v50 =	vperm.xlane v42, v0;
	v49 =	vperm.xlane v46, v1  }
0x180: {  	v51 =	vperm.xlane v40, v1;
	v45 =	vadd.f32 v47, v45;
	v44 =	vsub.f32 $1.500000000e+00, v44  }
0x181: {  	v47 =	vperm.xlane v41, v1;
	v42 =	vadd.f32 v50, v42;
	v46 =	vadd.f32 v49, v46  }
0x182: {  	v38 =	vsub.f32 $0.0e+00, v38;
	v49 =	vperm.xlane v43, v1;
	v44 =	vmul.f32 v48, v44  }
0x183: {  	v40 =	vadd.f32 v51, v40;
	v41 =	vadd.f32 v47, v41;
	v48 =	vperm.xlane v45, v1  }
0x184: {  	v43 =	vadd.f32 v49, v43;
	v38 =	vmul.f32 v44, v38;
	v39 =	vmul.f32 v44, v39  }
0x185: {  	v47 =	vperm.xlane v46, v2;
	v45 =	vadd.f32 v48, v45;
	v48 =	vperm.xlane v42, v1  }
0x186: {  	v49 =	vperm.xlane v40, v2;
	v50 =	vperm.xlane v41, v2;
	v39 =	vadd.f32 v38, v39  }
0x187: {  	v46 =	vadd.f32 v47, v46;
	v47 =	vperm.xlane v43, v2;
	v42 =	vadd.f32 v48, v42  }
0x188: {  	v40 =	vadd.f32 v49, v40;
	v41 =	vadd.f32 v50, v41;
	v48 =	vperm.xlane v45, v2;
	[tilespmem:s30+$0x1F0] =	vst v39  }
0x189: {  	v43 =	vadd.f32 v47, v43;
	v39 =	vperm.xlane v46, v3;
	v47 =	vperm.xlane v42, v2  }
0x18a: {  	v49 =	vperm.xlane v40, v3;
	v45 =	vadd.f32 v48, v45;
	v48 =	vperm.xlane v41, v3  }
0x18b: {  	v39 =	vadd.f32 v39, v46;
	v46 =	vperm.xlane v43, v3;
	v42 =	vadd.f32 v47, v42  }
0x18c: {  	v40 =	vadd.f32 v49, v40;
	v47 =	vperm.xlane v45, v3;
	v41 =	vadd.f32 v48, v41  }
0x18d: {  	v39 =	vmul.f32 $7.812500000e-03, v39;
	v43 =	vadd.f32 v46, v43;
	v46 =	vperm.xlane v42, v3  }
0x18e: {  	v40 =	vmul.f32 $7.812500000e-03, v40;
	v45 =	vadd.f32 v47, v45;
	v41 =	vmul.f32 $7.812500000e-03, v41  }
0x18f: {  	v43 =	vmul.f32 $7.812500000e-03, v43;
	v47 =	vmul.f32 v39, v39;
	v42 =	vadd.f32 v46, v42  }
0x190: {  	v39 =	vsub.f32 $0.0e+00, v39;
	v45 =	vmul.f32 $7.812500000e-03, v45;
	v46 =	vmul.f32 v40, v40  }
0x191: {  	v43 =	vsub.f32 v43, v47;
	v42 =	vmul.f32 $7.812500000e-03, v42;
	v47 =	vmul.f32 v41, v41  }
0x192: {  	v19 =	vmul.f32 v44, v19;
	v40 =	vsub.f32 $0.0e+00, v40;
	v45 =	vsub.f32 v45, v46  }
0x193: {  	v46 =	vmul.f32 v44, v20;
	v43 =	vadd.f32 $9.999999960e-13, v43;
	v42 =	vsub.f32 v42, v47  }
0x194: {  	v23 =	vmul.f32 v44, v23;
	v20 =	vsub.f32 $0.0e+00, v41;
	v45 =	vadd.f32 $9.999999960e-13, v45  }
0x195: {  	v41 =	vshra.s32 v43, $0x1;
	v43 =	vmul.f32 $5.000000000e-01, v43;
	v42 =	vadd.f32 $9.999999960e-13, v42  }
0x196: {  	v47 =	vshra.s32 v45, $0x1;
	v45 =	vmul.f32 $5.000000000e-01, v45;
	v41 =	vsub.s32 $0x5F3759DF, v41  }
0x197: {  	v47 =	vsub.s32 $0x5F3759DF, v47;
	v48 =	vshra.s32 v42, $0x1;
	v42 =	vmul.f32 $5.000000000e-01, v42  }
0x198: {  	v43 =	vmul.f32 v41, v43;
	v45 =	vmul.f32 v47, v45;
	v48 =	vsub.s32 $0x5F3759DF, v48  }
0x199: {  	v16 =	vadd.f32 v15, v16;
	v49 =	vmul.f32 v44, v21;
	v42 =	vmul.f32 v48, v42  }
0x19a: {  	v15 =	vadd.f32 v15, v17;
	v21 =	vmul.f32 v41, v43;
	v43 =	vmul.f32 v47, v45  }
0x19b: {  	v22 =	vmul.f32 v44, v22;
	v19 =	vadd.f32 v38, v19;
	v17 =	vmul.f32 v48, v42;
	[tilespmem:s28+$0x160] =	vst v16  }
0x19c: {  	v25 =	vmul.f32 v44, v25;
	v16 =	vsub.f32 $1.500000000e+00, v21;
	v21 =	vsub.f32 $1.500000000e+00, v43;
	[tilespmem:s28+$0x170] =	vst v15;
	s28 =	smov.u32 s30  }
0x19d: {  	v15 =	vsub.f32 $1.500000000e+00, v17;
	v17 =	vadd.f32 v38, v46;
	[tilespmem:s30+$0x180] =	vst v19;
	v19 =	vmul.f32 v44, v28  }
0x19e: {  	v23 =	vadd.f32 v38, v23;
	v16 =	vmul.f32 v41, v16;
	v41 =	vmul.f32 v47, v21  }
0x19f: {  	v21 =	vmul.f32 v48, v15;
	v15 =	vadd.f32 v38, v49;
	[tilespmem:s30+$0x190] =	vst v17;
	v17 =	vadd.f32 v38, v22  }
0x1a0: {  	v22 =	vmul.f32 v16, v39;
	v24 =	vmul.f32 v16, v24;
	[tilespmem:s30+$0x1A0] =	vst v23;
	v23 =	vadd.f32 v38, v25  }
0x1a1: {  	v13 =	vmul.f32 v16, v13;
	v25 =	vmul.f32 v16, v27;
	v38 =	vadd.f32 v38, v19;
	[tilespmem:s30+$0x1B0] =	vst v15  }
0x1a2: {  	v19 =	vmul.f32 v16, v30;
	v15 =	vadd.f32 v22, v24;
	v24 =	vmul.f32 v16, v32;
	[tilespmem:s30+$0x1C0] =	vst v17  }
0x1a3: {  	v28 =	vmul.f32 v16, v36;
	v13 =	vadd.f32 v22, v13;
	v17 =	vmul.f32 v16, v34;
	[tilespmem:s30+$0x1D0] =	vst v23  }
.Ltmp1:
0x1a4: {  	v23 =	vmul.f32 v16, v37;
	[tilespmem:s30+$0x0] =	vst v15;
	v15 =	vadd.f32 v22, v25;
	v25 =	vmul.f32 v41, v40;
	(pc) =	sbr.rel @p0 .LBB2_5-.Ltmp1, $4  }
0x1a5: {  	v27 =	vmul.f32 v41, v12;
	v16 =	vmul.f32 v41, v14;
	[tilespmem:s30+$0x10] =	vst v13;
	v13 =	vadd.f32 v22, v19  }
0x1a6: {  	v12 =	vmul.f32 v41, v18;
	v14 =	vmul.f32 v41, v26;
	[tilespmem:s30+$0x20] =	vst v15;
	v15 =	vadd.f32 v22, v24  }
0x1a7: {  	v24 =	vmul.f32 v41, v31;
	[tilespmem:s30+$0x30] =	vst v13;
	v13 =	vadd.f32 v22, v17;
	v17 =	vmul.f32 v41, v29  }
0x1a8: {  	v18 =	vmul.f32 v41, v35;
	v28 =	vadd.f32 v22, v28;
	v26 =	vmul.f32 v41, v33;
	s30 =	sadd.s32 $0x200, s30;
	[tilespmem:s28+$0x40] =	vst v15  }
0x1a9: {  	[tilespmem:s28+$0x50] =	vst v13  }
0x1aa: {  	v13 =	vadd.f32 v22, v23;
	[tilespmem:s28+$0x1E0] =	vst v38  }
0x1ab: {  	v15 =	vadd.f32 v25, v27;
	[tilespmem:s28+$0x60] =	vst v28  }
0x1ac: {  	v12 =	vadd.f32 v25, v12;
	[tilespmem:s28+$0x70] =	vst v13  }
0x1ad: {  	v13 =	vadd.f32 v25, v16;
	[tilespmem:s28+$0x80] =	vst v15  }
0x1ae: {  	[tilespmem:s28+$0xA0] =	vst v12;
	v12 =	vadd.f32 v25, v24  }
0x1af: {  	[tilespmem:s28+$0x90] =	vst v13;
	v13 =	vadd.f32 v25, v14  }
0x1b0: {  	v14 =	vadd.f32 v25, v17;
	[tilespmem:s28+$0xD0] =	vst v12  }
0x1b1: {  	v4 =	vmul.f32 v21, v4;
	v15 =	vadd.f32 v25, v26;
	[tilespmem:s28+$0xB0] =	vst v13;
	v13 =	vmul.f32 v21, v20  }
0x1b2: {  	v5 =	vmul.f32 v21, v5;
	[tilespmem:s28+$0xC0] =	vst v14;
	v14 =	vadd.f32 v25, v18  }
0x1b3: {  	v6 =	vmul.f32 v21, v6;
	[tilespmem:s28+$0xE0] =	vst v15;
	v4 =	vadd.f32 v13, v4  }
0x1b4: {  	v7 =	vmul.f32 v21, v7;
	v5 =	vadd.f32 v13, v5;
	[tilespmem:s28+$0xF0] =	vst v14  }
0x1b5: {  	v8 =	vmul.f32 v21, v8;
	v6 =	vadd.f32 v13, v6;
	[tilespmem:s28+$0x100] =	vst v4  }
0x1b6: {  	v4 =	vadd.f32 v13, v7;
	[tilespmem:s28+$0x110] =	vst v5;
	v5 =	vmul.f32 v21, v9  }
0x1b7: {  	[tilespmem:s28+$0x120] =	vst v6;
	v6 =	vadd.f32 v13, v8;
	v7 =	vmul.f32 v21, v10  }
0x1b8: {  	[tilespmem:s28+$0x130] =	vst v4;
	v4 =	vmul.f32 v21, v11;
	v5 =	vadd.f32 v13, v5  }
0x1b9: {  	[tilespmem:s28+$0x140] =	vst v6;
	v6 =	vadd.f32 v13, v7  }
0x1ba: {  	s25 =	sadd.s32 s25, s7;
	[tilespmem:s28+$0x150] =	vst v5;
	v4 =	vadd.f32 v13, v4  }
0x1bb: {  	s25 =	sshll.u32 s25, $0x4;
	[tilespmem:s28+$0x160] =	vst v6  }
0x1bc: {  	s25 =	sadd.s32 s2, s25;
	[tilespmem:s28+$0x170] =	vst v4  }
0x1bd: {  	[hbm4b:s25+s3] =	stream.linear.scatter [tilespmem:s14], [sflag:$0x5], $0x4000, $0x38;
	[tilespmem:$0xDC00] =	vst v63  }
0x1be: {  	_ =	swait.ge [sflag:s19], $0x4000  }
0x1bf: {  	[sflag:s19] =	ssyncset.done $0x0  }
0x1c0: {  	[sflag:s19] =	ssyncadd.s32 $0xFFFFC000  }
0x1c1: {  	_ =	swait.ge [sflag:s20], $0x4000  }
0x1c2: {  	[sflag:s20] =	ssyncset.done $0x0  }
0x1c3: {  	s31 =	sadd.s32 $0x200, s26;
	s25 =	simm.s32 $0x9C00;
	[sflag:s20] =	ssyncadd.s32 $0xFFFFC000  }
0x1c4: {  	[tilespmem:s14], [sflag:$0x2] =	stream.indirect.gather [hbm4b:s1+s12], $0x80, s31, s12, $0xb8;
	[tilespmem:$0xDC00] =	vst v63  }
0x1c5: {  	v27 =	vld [tilespmem:s25+$0x180]  }
0x1c6: {  	v25 =	vld [tilespmem:s25+$0x190]  }
0x1c7: {  	v14 =	vld [tilespmem:s25+$0x10]  }
0x1c8: {  	v26 =	vld [tilespmem:s25+$0x1A0]  }
0x1c9: {  	v12 =	vld [tilespmem:s25+$0x80]  }
0x1ca: {  	v20 =	vld [tilespmem:s25+$0x1B0]  }
0x1cb: {  	v13 =	vld [tilespmem:s25+$0x90]  }
0x1cc: {  	v18 =	vld [tilespmem:s25+$0x1C0]  }
0x1cd: {  	v4 =	vld [tilespmem:s25+$0x100]  }
0x1ce: {  	v16 =	vld [tilespmem:s25+$0x0];
	v5 =	vmul.f32 v27, v27;
	v7 =	vmul.f32 v25, v25  }
0x1cf: {  	v21 =	vld [tilespmem:s25+$0x1D0];
	v6 =	vadd.f32 v25, v27;
	v8 =	vmul.f32 v26, v26  }
0x1d0: {  	v15 =	vld [tilespmem:s25+$0xA0];
	v9 =	vmul.f32 v12, v12;
	v10 =	vmul.f32 v13, v13;
	v7 =	vadd.f32 v7, v5  }
0x1d1: {  	v11 =	vmul.f32 v14, v14;
	v24 =	vadd.f32 v13, v12;
	v6 =	vadd.f32 v26, v6;
	v5 =	vld [tilespmem:s25+$0x110]  }
0x1d2: {  	v19 =	vld [tilespmem:s25+$0x20];
	v17 =	vmul.f32 v4, v4;
	v7 =	vadd.f32 v8, v7;
	v8 =	vmul.f32 v20, v20  }
0x1d3: {  	v22 =	vld [tilespmem:s25+$0x1E0];
	v29 =	vmul.f32 v16, v16;
	v30 =	vadd.f32 v14, v16;
	v6 =	vadd.f32 v20, v6  }
0x1d4: {  	v9 =	vadd.f32 v10, v9;
	v7 =	vadd.f32 v8, v7;
	v8 =	vmul.f32 v18, v18  }
0x1d5: {  	v35 =	vld [tilespmem:s25+$0x1F0];
	v10 =	vmul.f32 v21, v21;
	v11 =	vadd.f32 v11, v29;
	v6 =	vadd.f32 v18, v6  }
0x1d6: {  	v33 =	vadd.f32 v15, v24;
	v24 =	vld [tilespmem:s25+$0xC0];
	v23 =	vmul.f32 v5, v5;
	v7 =	vadd.f32 v8, v7  }
0x1d7: {  	v29 =	vadd.f32 v19, v30;
	v30 =	vmul.f32 v19, v19;
	v8 =	vadd.f32 v21, v6;
	v6 =	vld [tilespmem:s25+$0x120]  }
0x1d8: {  	v31 =	vadd.f32 v23, v17;
	v23 =	vld [tilespmem:s25+$0x30];
	v7 =	vadd.f32 v10, v7;
	v10 =	vmul.f32 v22, v22  }
0x1d9: {  	v34 =	vmul.f32 v15, v15;
	v11 =	vadd.f32 v30, v11;
	v17 =	vld [tilespmem:s25+$0xB0];
	v8 =	vadd.f32 v22, v8  }
0x1da: {  	v28 =	vadd.f32 v5, v4;
	v7 =	vadd.f32 v10, v7;
	v10 =	vmul.f32 v35, v35  }
0x1db: {  	v9 =	vadd.f32 v34, v9;
	v30 =	vld [tilespmem:s25+$0x50];
	v46 =	vmul.f32 v24, v24;
	v8 =	vadd.f32 v35, v8  }
0x1dc: {  	v36 =	vadd.f32 v6, v28;
	v28 =	vld [tilespmem:s25+$0x40];
	v37 =	vmul.f32 v6, v6;
	v10 =	vadd.f32 v10, v7  }
0x1dd: {  	v32 =	vperm.xlane v8, v0;
	v7 =	vld [tilespmem:s25+$0x130];
	v29 =	vadd.f32 v23, v29;
	v60 =	vmul.f32 v23, v23  }
0x1de: {  	v33 =	vadd.f32 v17, v33;
	v39 =	vmul.f32 v17, v17;
	v31 =	vadd.f32 v37, v31  }
0x1df: {  	v34 =	vld [tilespmem:s25+$0x70];
	v32 =	vadd.f32 v32, v8;
	v8 =	vperm.xlane v10, v0;
	v11 =	vadd.f32 v60, v11  }
0x1e0: {  	v48 =	vmul.f32 v30, v30;
	v39 =	vadd.f32 v39, v9;
	v41 =	vadd.f32 v24, v33;
	v9 =	vld [tilespmem:s25+$0x150]  }
0x1e1: {  	v33 =	vld [tilespmem:s25+$0x60];
	v61 =	vperm.xlane v32, v1;
	v10 =	vadd.f32 v8, v10;
	v44 =	vadd.f32 v28, v29  }
0x1e2: {  	v8 =	vld [tilespmem:s25+$0x140];
	v45 =	vmul.f32 v28, v28;
	v39 =	vadd.f32 v46, v39;
	v36 =	vadd.f32 v7, v36  }
0x1e3: {  	v63 =	vmul.f32 v7, v7;
	v32 =	vadd.f32 v61, v32;
	v62 =	vperm.xlane v10, v1  }
0x1e4: {  	v52 =	vmul.f32 v34, v34;
	v29 =	vld [tilespmem:s25+$0xD0];
	v11 =	vadd.f32 v45, v11;
	v38 =	vadd.f32 v30, v44  }
0x1e5: {  	v37 =	vadd.f32 v63, v31;
	v40 =	vperm.xlane v32, v2;
	v10 =	vadd.f32 v62, v10  }
0x1e6: {  	v44 =	vmul.f32 v9, v9;
	v50 =	vmul.f32 v33, v33;
	v38 =	vadd.f32 v33, v38  }
0x1e7: {  	v36 =	vadd.f32 v8, v36;
	v32 =	vadd.f32 v40, v32;
	v31 =	vperm.xlane v10, v2  }
0x1e8: {  	v47 =	vmul.f32 v8, v8;
	v40 =	vadd.f32 v48, v11;
	v38 =	vadd.f32 v34, v38  }
0x1e9: {  	v41 =	vadd.f32 v29, v41;
	v42 =	vperm.xlane v32, v3;
	v43 =	vadd.f32 v31, v10;
	v31 =	vld [tilespmem:s25+$0xE0]  }
0x1ea: {  	v37 =	vadd.f32 v47, v37;
	v10 =	vld [tilespmem:s25+$0x160];
	v40 =	vadd.f32 v50, v40;
	v48 =	vperm.xlane v38, v0  }
0x1eb: {  	v11 =	vmul.f32 v29, v29;
	v36 =	vadd.f32 v9, v36;
	v32 =	vadd.f32 v42, v32  }
0x1ec: {  	v49 =	vperm.xlane v43, v3;
	v40 =	vadd.f32 v52, v40;
	v38 =	vadd.f32 v48, v38  }
0x1ed: {  	v39 =	vadd.f32 v11, v39;
	v11 =	vld [tilespmem:s25+$0x170];
	v37 =	vadd.f32 v44, v37;
	v45 =	vmul.f32 $7.812500000e-03, v32  }
0x1ee: {  	v42 =	vadd.f32 v49, v43;
	v32 =	vld [tilespmem:s25+$0xF0];
	v59 =	vperm.xlane v40, v0;
	v61 =	vperm.xlane v38, v1  }
0x1ef: {  	v41 =	vadd.f32 v31, v41;
	v51 =	vmul.f32 v31, v31;
	v36 =	vadd.f32 v10, v36  }
0x1f0: {  	v47 =	vmul.f32 v10, v10;
	v42 =	vmul.f32 $7.812500000e-03, v42;
	v40 =	vadd.f32 v59, v40  }
0x1f1: {  	v46 =	vmul.f32 v45, v45;
	v38 =	vadd.f32 v61, v38;
	v52 =	vsub.f32 $0.0e+00, v45  }
0x1f2: {  	v54 =	vmul.f32 v11, v11;
	v37 =	vadd.f32 v47, v37;
	v36 =	vadd.f32 v11, v36  }
0x1f3: {  	v39 =	vadd.f32 v51, v39;
	v42 =	vsub.f32 v42, v46;
	v53 =	vmul.f32 v32, v32  }
0x1f4: {  	v41 =	vadd.f32 v32, v41;
	v37 =	vadd.f32 v54, v37;
	v58 =	vperm.xlane v36, v0  }
0x1f5: {  	v42 =	vadd.f32 $9.999999960e-13, v42;
	v39 =	vadd.f32 v53, v39  }
0x1f6: {  	v57 =	vperm.xlane v41, v0;
	v36 =	vadd.f32 v58, v36;
	v62 =	vperm.xlane v37, v0  }
0x1f7: {  	v53 =	vperm.xlane v40, v1;
	v55 =	vshra.s32 v42, $0x1;
	v42 =	vmul.f32 $5.000000000e-01, v42  }
0x1f8: {  	v56 =	vsub.s32 $0x5F3759DF, v55;
	v41 =	vadd.f32 v57, v41;
	v60 =	vperm.xlane v39, v0  }
0x1f9: {  	v51 =	vperm.xlane v36, v1;
	v37 =	vadd.f32 v62, v37;
	v40 =	vadd.f32 v53, v40  }
0x1fa: {  	v55 =	vperm.xlane v38, v2;
	v42 =	vmul.f32 v56, v42;
	v39 =	vadd.f32 v60, v39  }
0x1fb: {  	v63 =	vperm.xlane v41, v1;
	v36 =	vadd.f32 v51, v36;
	v59 =	vperm.xlane v40, v2  }
0x1fc: {  	v38 =	vadd.f32 v55, v38;
	v42 =	vmul.f32 v56, v42;
	v54 =	vperm.xlane v39, v1  }
0x1fd: {  	v41 =	vadd.f32 v63, v41;
	v58 =	vperm.xlane v36, v2;
	v40 =	vadd.f32 v59, v40  }
0x1fe: {  	v61 =	vperm.xlane v38, v3;
	v42 =	vsub.f32 $1.500000000e+00, v42;
	v39 =	vadd.f32 v54, v39  }
0x1ff: {  	v57 =	vperm.xlane v41, v2;
	v36 =	vadd.f32 v58, v36;
	v49 =	vperm.xlane v40, v3  }
0x200: {  	v38 =	vadd.f32 v61, v38;
	v42 =	vmul.f32 v56, v42;
	v56 =	vperm.xlane v37, v1  }
0x201: {  	v60 =	vperm.xlane v39, v2;
	v48 =	vperm.xlane v36, v3  }
0x202: {  	v41 =	vadd.f32 v57, v41;
	v38 =	vmul.f32 $7.812500000e-03, v38;
	v43 =	vmul.f32 v42, v52  }
0x203: {  	v40 =	vadd.f32 v49, v40;
	v35 =	vmul.f32 v42, v35;
	v27 =	vmul.f32 v42, v27  }
0x204: {  	v37 =	vadd.f32 v56, v37;
	v25 =	vmul.f32 v42, v25;
	v26 =	vmul.f32 v42, v26  }
0x205: {  	v58 =	vmul.f32 v42, v20;
	v63 =	vperm.xlane v41, v3;
	v39 =	vadd.f32 v60, v39  }
0x206: {  	v40 =	vmul.f32 $7.812500000e-03, v40;
	v52 =	vmul.f32 v38, v38  }
0x207: {  	v62 =	vperm.xlane v37, v2;
	v50 =	vperm.xlane v39, v3  }
0x208: {  	v18 =	vmul.f32 v42, v18;
	v41 =	vadd.f32 v63, v41;
	v40 =	vsub.f32 v40, v52  }
0x209: {  	v61 =	vmul.f32 v42, v22;
	v37 =	vadd.f32 v62, v37;
	v39 =	vadd.f32 v50, v39  }
0x20a: {  	v36 =	vadd.f32 v48, v36;
	v41 =	vmul.f32 $7.812500000e-03, v41;
	v40 =	vadd.f32 $9.999999960e-13, v40  }
0x20b: {  	v38 =	vsub.f32 $0.0e+00, v38;
	v51 =	vperm.xlane v37, v3;
	v39 =	vmul.f32 $7.812500000e-03, v39  }
0x20c: {  	v53 =	vmul.f32 v41, v41;
	v55 =	vshra.s32 v40, $0x1;
	v40 =	vmul.f32 $5.000000000e-01, v40  }
0x20d: {  	v36 =	vmul.f32 $7.812500000e-03, v36;
	v37 =	vadd.f32 v51, v37;
	v44 =	vsub.s32 $0x5F3759DF, v55  }
0x20e: {  	v35 =	vadd.f32 v43, v35;
	v39 =	vsub.f32 v39, v53;
	v40 =	vmul.f32 v44, v40  }
0x20f: {  	v27 =	vadd.f32 v43, v27;
	v54 =	vmul.f32 v36, v36;
	v37 =	vmul.f32 $7.812500000e-03, v37  }
0x210: {  	v25 =	vadd.f32 v43, v25;
	v39 =	vadd.f32 $9.999999960e-13, v39;
	v59 =	vmul.f32 v44, v40  }
0x211: {  	v60 =	vmul.f32 v42, v21;
	v20 =	vsub.f32 $0.0e+00, v36;
	v37 =	vsub.f32 v37, v54  }
0x212: {  	v56 =	vshra.s32 v39, $0x1;
	v39 =	vmul.f32 $5.000000000e-01, v39;
	v36 =	vsub.f32 $1.500000000e+00, v59  }
0x213: {  	v26 =	vadd.f32 v43, v26;
	v37 =	vadd.f32 $9.999999960e-13, v37;
	v45 =	vsub.s32 $0x5F3759DF, v56  }
0x214: {  	v18 =	vadd.f32 v43, v18;
	[tilespmem:s25+$0x180] =	vst v27;
	v39 =	vmul.f32 v45, v39;
	v27 =	vmul.f32 v44, v36  }
0x215: {  	[tilespmem:s25+$0x190] =	vst v25;
	v25 =	vadd.f32 v43, v58;
	v57 =	vshra.s32 v37, $0x1;
	v37 =	vmul.f32 $5.000000000e-01, v37  }
0x216: {  	[tilespmem:s25+$0x1A0] =	vst v26;
	v26 =	vadd.f32 v43, v60;
	v39 =	vmul.f32 v45, v39;
	v22 =	vmul.f32 v27, v38  }
0x217: {  	v41 =	vsub.f32 $0.0e+00, v41;
	v16 =	vmul.f32 v27, v16;
	v14 =	vmul.f32 v27, v14  }
0x218: {  	v46 =	vsub.s32 $0x5F3759DF, v57;
	v19 =	vmul.f32 v27, v19;
	v63 =	vmul.f32 v27, v23  }
0x219: {  	[tilespmem:s25+$0x1C0] =	vst v18;
	v28 =	vmul.f32 v27, v28;
	v18 =	vmul.f32 v27, v30;
	v39 =	vsub.f32 $1.500000000e+00, v39  }
0x21a: {  	[tilespmem:s25+$0x1F0] =	vst v35;
	v38 =	vadd.f32 v43, v61;
	v30 =	vmul.f32 v27, v33;
	v37 =	vmul.f32 v46, v37  }
0x21b: {  	[tilespmem:s25+$0x1B0] =	vst v25;
	v23 =	vmul.f32 v27, v34;
	v16 =	vadd.f32 v22, v16;
	v62 =	vmul.f32 v45, v39  }
0x21c: {  	[tilespmem:s25+$0x1D0] =	vst v26;
	v14 =	vadd.f32 v22, v14;
	v19 =	vadd.f32 v22, v19;
	v37 =	vmul.f32 v46, v37  }
0x21d: {  	v26 =	vadd.f32 v22, v63;
	[tilespmem:s25+$0x0] =	vst v16;
	v25 =	vmul.f32 v62, v41;
	v27 =	vmul.f32 v62, v12  }
0x21e: {  	[tilespmem:s25+$0x10] =	vst v14;
	v21 =	vsub.f32 $1.500000000e+00, v37;
	v16 =	vmul.f32 v62, v13;
	v12 =	vmul.f32 v62, v15  }
0x21f: {  	[tilespmem:s25+$0x20] =	vst v19;
	v19 =	vadd.f32 v22, v28;
	v14 =	vmul.f32 v62, v17;
	v17 =	vmul.f32 v62, v24  }
0x220: {  	[tilespmem:s25+$0x30] =	vst v26;
	v13 =	vadd.f32 v22, v18;
	v24 =	vmul.f32 v62, v29;
	v21 =	vmul.f32 v46, v21  }
0x221: {  	s26 =	simm.s32 $0x0;
	s28 =	simm.s32 $0x9E00;
	v28 =	vadd.f32 v22, v30;
	[tilespmem:s25+$0x40] =	vst v19;
	v26 =	vmul.f32 v62, v31;
	v18 =	vmul.f32 v62, v32  }
.LBB2_7:
0x222: {  	v19 =	vld [tilespmem:s28+$0x180];
	[tilespmem:s25+$0x50] =	vst v13;
	v22 =	vadd.f32 v22, v23;
	v15 =	vmul.f32 v21, v20;
	v4 =	vmul.f32 v21, v4  }
0x223: {  	s26 =	sadd.s32 $0x4, s26;
	v27 =	vadd.f32 v25, v27;
	v5 =	vmul.f32 v21, v5;
	v6 =	vmul.f32 v21, v6;
	v20 =	vld [tilespmem:s28+$0x190];
	[tilespmem:s25+$0x60] =	vst v28  }
0x224: {  	v7 =	vmul.f32 v21, v7;
	v8 =	vmul.f32 v21, v8;
	p0 =	slt.u32 s26, $0x7C;
	v13 =	vld [tilespmem:s28+$0x10];
	[tilespmem:s25+$0x70] =	vst v22;
	v22 =	vadd.f32 v25, v16  }
0x225: {  	v9 =	vmul.f32 v21, v9;
	v16 =	vmul.f32 v21, v10;
	v23 =	vld [tilespmem:s28+$0x1A0];
	[tilespmem:s25+$0x80] =	vst v27;
	v27 =	vadd.f32 v25, v12  }
0x226: {  	v28 =	vadd.f32 v25, v17;
	v17 =	vmul.f32 v21, v11;
	v10 =	vadd.f32 v25, v14;
	v12 =	vld [tilespmem:s28+$0x80];
	[tilespmem:s25+$0x90] =	vst v22  }
0x227: {  	v11 =	vadd.f32 v25, v24;
	v24 =	vadd.f32 v25, v26;
	v21 =	vld [tilespmem:s28+$0x1B0];
	[tilespmem:s25+$0xA0] =	vst v27  }
0x228: {  	v26 =	vmul.f32 v19, v19;
	v14 =	vld [tilespmem:s28+$0x90];
	v27 =	vadd.f32 v20, v19;
	v29 =	vmul.f32 v20, v20;
	[tilespmem:s25+$0xB0] =	vst v10  }
0x229: {  	v18 =	vadd.f32 v25, v18;
	v30 =	vadd.f32 v15, v4;
	v10 =	vmul.f32 v13, v13;
	v22 =	vld [tilespmem:s28+$0x1C0];
	[tilespmem:s25+$0xC0] =	vst v28  }
0x22a: {  	v4 =	vld [tilespmem:s28+$0x100];
	v26 =	vadd.f32 v29, v26;
	v27 =	vadd.f32 v23, v27;
	v28 =	vmul.f32 v23, v23;
	[tilespmem:s25+$0xD0] =	vst v11  }
0x22b: {  	v6 =	vadd.f32 v15, v6;
	v29 =	vadd.f32 v15, v5;
	v11 =	vmul.f32 v12, v12;
	v25 =	vld [tilespmem:s28+$0x1D0];
	[tilespmem:s25+$0xE0] =	vst v24  }
0x22c: {  	v5 =	vld [tilespmem:s28+$0x110];
	v26 =	vadd.f32 v28, v26;
	v27 =	vadd.f32 v21, v27;
	v31 =	vmul.f32 v21, v21;
	[tilespmem:s25+$0xF0] =	vst v18  }
0x22d: {  	v7 =	vadd.f32 v15, v7;
	v33 =	vadd.f32 v14, v12;
	v18 =	vmul.f32 v14, v14;
	v28 =	vld [tilespmem:s28+$0x1E0];
	[tilespmem:s25+$0x100] =	vst v30  }
0x22e: {  	v24 =	vld [tilespmem:s28+$0x0];
	v26 =	vadd.f32 v31, v26;
	v30 =	vadd.f32 v22, v27;
	v31 =	vmul.f32 v22, v22;
	[tilespmem:s25+$0x110] =	vst v29  }
0x22f: {  	v11 =	vadd.f32 v18, v11;
	v29 =	vmul.f32 v4, v4;
	v39 =	vld [tilespmem:s28+$0x1F0];
	[tilespmem:s25+$0x120] =	vst v6;
	v6 =	vadd.f32 v15, v8  }
0x230: {  	v27 =	vld [tilespmem:s28+$0x20];
	v8 =	vadd.f32 v31, v26;
	v26 =	vadd.f32 v25, v30;
	v30 =	vmul.f32 v25, v25;
	[tilespmem:s25+$0x130] =	vst v7  }
0x231: {  	v9 =	vadd.f32 v15, v9;
	v18 =	vld [tilespmem:s28+$0xA0];
	v31 =	vadd.f32 v5, v4;
	v7 =	vmul.f32 v5, v5;
	[tilespmem:s25+$0x140] =	vst v6  }
0x232: {  	v6 =	vld [tilespmem:s28+$0x120];
	v8 =	vadd.f32 v30, v8;
	v32 =	vadd.f32 v28, v26;
	v34 =	vmul.f32 v28, v28;
	[tilespmem:s25+$0x1E0] =	vst v38  }
0x233: {  	v30 =	vld [tilespmem:s28+$0x30];
	v35 =	vmul.f32 v24, v24;
	v36 =	vadd.f32 v13, v24;
	v37 =	vadd.f32 v7, v29;
	[tilespmem:s25+$0x150] =	vst v9  }
0x234: {  	v26 =	vld [tilespmem:s28+$0xB0];
	v8 =	vadd.f32 v34, v8;
	v9 =	vadd.f32 v39, v32;
	v29 =	vmul.f32 v39, v39  }
0x235: {  	v10 =	vadd.f32 v10, v35;
	v35 =	vadd.f32 v27, v36;
	v34 =	vmul.f32 v27, v27;
	v7 =	vld [tilespmem:s28+$0x130]  }
0x236: {  	v32 =	vld [tilespmem:s28+$0x40];
	v33 =	vadd.f32 v18, v33;
	v36 =	vadd.f32 v29, v8;
	v38 =	vperm.xlane v9, v0  }
0x237: {  	v40 =	vmul.f32 v18, v18;
	v29 =	vld [tilespmem:s28+$0xC0];
	v41 =	vadd.f32 v6, v31;
	v42 =	vmul.f32 v6, v6  }
0x238: {  	v10 =	vadd.f32 v34, v10;
	v8 =	vld [tilespmem:s28+$0x140];
	v38 =	vadd.f32 v38, v9;
	v9 =	vperm.xlane v36, v0  }
0x239: {  	v35 =	vadd.f32 v30, v35;
	v43 =	vmul.f32 v30, v30;
	v11 =	vadd.f32 v40, v11;
	v34 =	vld [tilespmem:s28+$0x50]  }
0x23a: {  	v40 =	vadd.f32 v26, v33;
	v31 =	vld [tilespmem:s28+$0xD0];
	v33 =	vperm.xlane v38, v1;
	v44 =	vadd.f32 v9, v36  }
0x23b: {  	v45 =	vmul.f32 v26, v26;
	v42 =	vadd.f32 v42, v37;
	v41 =	vadd.f32 v7, v41;
	v9 =	vld [tilespmem:s28+$0x150]  }
0x23c: {  	v46 =	vmul.f32 v7, v7;
	v36 =	vld [tilespmem:s28+$0x60];
	v38 =	vadd.f32 v33, v38;
	v37 =	vperm.xlane v44, v1  }
0x23d: {  	v43 =	vadd.f32 v43, v10;
	v47 =	vadd.f32 v32, v35;
	v48 =	vmul.f32 v32, v32;
	v33 =	vld [tilespmem:s28+$0xE0]  }
0x23e: {  	v45 =	vadd.f32 v45, v11;
	v10 =	vld [tilespmem:s28+$0x160];
	v11 =	vperm.xlane v38, v2;
	v44 =	vadd.f32 v37, v44  }
0x23f: {  	v40 =	vadd.f32 v29, v40;
	v49 =	vmul.f32 v29, v29;
	v42 =	vadd.f32 v46, v42;
	v37 =	vld [tilespmem:s28+$0x70]  }
0x240: {  	v41 =	vadd.f32 v8, v41;
	v35 =	vld [tilespmem:s28+$0xF0];
	v38 =	vadd.f32 v11, v38;
	v46 =	vperm.xlane v44, v2  }
0x241: {  	v43 =	vadd.f32 v48, v43;
	v48 =	vmul.f32 v8, v8;
	v47 =	vadd.f32 v34, v47;
	v11 =	vld [tilespmem:s28+$0x170]  }
0x242: {  	v45 =	vadd.f32 v49, v45;
	v49 =	vperm.xlane v38, v3;
	v44 =	vadd.f32 v46, v44  }
0x243: {  	v40 =	vadd.f32 v31, v40;
	v42 =	vadd.f32 v48, v42;
	v46 =	vmul.f32 v34, v34  }
0x244: {  	v41 =	vadd.f32 v9, v41;
	v38 =	vadd.f32 v49, v38;
	v48 =	vperm.xlane v44, v3  }
0x245: {  	v43 =	vadd.f32 v46, v43;
	v46 =	vmul.f32 v31, v31;
	v49 =	vmul.f32 v9, v9  }
0x246: {  	v47 =	vadd.f32 v36, v47;
	v38 =	vmul.f32 $7.812500000e-03, v38;
	v44 =	vadd.f32 v48, v44  }
0x247: {  	v40 =	vadd.f32 v33, v40;
	v48 =	vmul.f32 v36, v36;
	v45 =	vadd.f32 v46, v45  }
0x248: {  	v42 =	vadd.f32 v49, v42;
	v44 =	vmul.f32 $7.812500000e-03, v44;
	v46 =	vmul.f32 v38, v38  }
0x249: {  	v41 =	vadd.f32 v10, v41;
	v50 =	vmul.f32 v10, v10;
	v49 =	vmul.f32 v33, v33  }
0x24a: {  	v43 =	vadd.f32 v48, v43;
	v48 =	vmul.f32 v37, v37;
	v44 =	vsub.f32 v44, v46  }
0x24b: {  	v45 =	vadd.f32 v49, v45;
	v46 =	vadd.f32 v37, v47;
	v47 =	vmul.f32 v35, v35  }
0x24c: {  	v40 =	vadd.f32 v35, v40;
	v49 =	vmul.f32 v11, v11;
	v44 =	vadd.f32 $9.999999960e-13, v44  }
0x24d: {  	v41 =	vadd.f32 v11, v41;
	v42 =	vadd.f32 v50, v42;
	v51 =	vperm.xlane v46, v0  }
0x24e: {  	v43 =	vadd.f32 v48, v43;
	v48 =	vshra.s32 v44, $0x1;
	v44 =	vmul.f32 $5.000000000e-01, v44  }
0x24f: {  	v45 =	vadd.f32 v47, v45;
	v47 =	vperm.xlane v40, v0;
	v48 =	vsub.s32 $0x5F3759DF, v48  }
0x250: {  	v42 =	vadd.f32 v49, v42;
	v49 =	vperm.xlane v41, v0;
	v44 =	vmul.f32 v48, v44  }
0x251: {  	v50 =	vperm.xlane v43, v0;
	v46 =	vadd.f32 v51, v46;
	v40 =	vadd.f32 v47, v40  }
0x252: {  	v41 =	vadd.f32 v49, v41;
	v47 =	vperm.xlane v45, v0;
	v44 =	vmul.f32 v48, v44  }
0x253: {  	v43 =	vadd.f32 v50, v43;
	v50 =	vperm.xlane v42, v0;
	v49 =	vperm.xlane v46, v1  }
0x254: {  	v51 =	vperm.xlane v40, v1;
	v45 =	vadd.f32 v47, v45;
	v44 =	vsub.f32 $1.500000000e+00, v44  }
0x255: {  	v47 =	vperm.xlane v41, v1;
	v42 =	vadd.f32 v50, v42;
	v46 =	vadd.f32 v49, v46  }
0x256: {  	v38 =	vsub.f32 $0.0e+00, v38;
	v49 =	vperm.xlane v43, v1;
	v44 =	vmul.f32 v48, v44  }
0x257: {  	v40 =	vadd.f32 v51, v40;
	v41 =	vadd.f32 v47, v41;
	v48 =	vperm.xlane v45, v1  }
0x258: {  	v43 =	vadd.f32 v49, v43;
	v38 =	vmul.f32 v44, v38;
	v39 =	vmul.f32 v44, v39  }
0x259: {  	v47 =	vperm.xlane v46, v2;
	v45 =	vadd.f32 v48, v45;
	v48 =	vperm.xlane v42, v1  }
0x25a: {  	v49 =	vperm.xlane v40, v2;
	v50 =	vperm.xlane v41, v2;
	v39 =	vadd.f32 v38, v39  }
0x25b: {  	v46 =	vadd.f32 v47, v46;
	v47 =	vperm.xlane v43, v2;
	v42 =	vadd.f32 v48, v42  }
0x25c: {  	v40 =	vadd.f32 v49, v40;
	v41 =	vadd.f32 v50, v41;
	v48 =	vperm.xlane v45, v2;
	[tilespmem:s28+$0x1F0] =	vst v39  }
0x25d: {  	v43 =	vadd.f32 v47, v43;
	v39 =	vperm.xlane v46, v3;
	v47 =	vperm.xlane v42, v2  }
0x25e: {  	v49 =	vperm.xlane v40, v3;
	v45 =	vadd.f32 v48, v45;
	v48 =	vperm.xlane v41, v3  }
0x25f: {  	v39 =	vadd.f32 v39, v46;
	v46 =	vperm.xlane v43, v3;
	v42 =	vadd.f32 v47, v42  }
0x260: {  	v40 =	vadd.f32 v49, v40;
	v47 =	vperm.xlane v45, v3;
	v41 =	vadd.f32 v48, v41  }
0x261: {  	v39 =	vmul.f32 $7.812500000e-03, v39;
	v43 =	vadd.f32 v46, v43;
	v46 =	vperm.xlane v42, v3  }
0x262: {  	v40 =	vmul.f32 $7.812500000e-03, v40;
	v45 =	vadd.f32 v47, v45;
	v41 =	vmul.f32 $7.812500000e-03, v41  }
0x263: {  	v43 =	vmul.f32 $7.812500000e-03, v43;
	v47 =	vmul.f32 v39, v39;
	v42 =	vadd.f32 v46, v42  }
0x264: {  	v39 =	vsub.f32 $0.0e+00, v39;
	v45 =	vmul.f32 $7.812500000e-03, v45;
	v46 =	vmul.f32 v40, v40  }
0x265: {  	v43 =	vsub.f32 v43, v47;
	v42 =	vmul.f32 $7.812500000e-03, v42;
	v47 =	vmul.f32 v41, v41  }
0x266: {  	v19 =	vmul.f32 v44, v19;
	v40 =	vsub.f32 $0.0e+00, v40;
	v45 =	vsub.f32 v45, v46  }
0x267: {  	v46 =	vmul.f32 v44, v20;
	v43 =	vadd.f32 $9.999999960e-13, v43;
	v42 =	vsub.f32 v42, v47  }
0x268: {  	v23 =	vmul.f32 v44, v23;
	v20 =	vsub.f32 $0.0e+00, v41;
	v45 =	vadd.f32 $9.999999960e-13, v45  }
0x269: {  	v41 =	vshra.s32 v43, $0x1;
	v43 =	vmul.f32 $5.000000000e-01, v43;
	v42 =	vadd.f32 $9.999999960e-13, v42  }
0x26a: {  	v47 =	vshra.s32 v45, $0x1;
	v45 =	vmul.f32 $5.000000000e-01, v45;
	v41 =	vsub.s32 $0x5F3759DF, v41  }
0x26b: {  	v47 =	vsub.s32 $0x5F3759DF, v47;
	v48 =	vshra.s32 v42, $0x1;
	v42 =	vmul.f32 $5.000000000e-01, v42  }
0x26c: {  	v43 =	vmul.f32 v41, v43;
	v45 =	vmul.f32 v47, v45;
	v48 =	vsub.s32 $0x5F3759DF, v48  }
0x26d: {  	v16 =	vadd.f32 v15, v16;
	v49 =	vmul.f32 v44, v21;
	v42 =	vmul.f32 v48, v42  }
0x26e: {  	v15 =	vadd.f32 v15, v17;
	v21 =	vmul.f32 v41, v43;
	v43 =	vmul.f32 v47, v45  }
0x26f: {  	v22 =	vmul.f32 v44, v22;
	v19 =	vadd.f32 v38, v19;
	v17 =	vmul.f32 v48, v42;
	[tilespmem:s25+$0x160] =	vst v16  }
0x270: {  	v25 =	vmul.f32 v44, v25;
	v16 =	vsub.f32 $1.500000000e+00, v21;
	v21 =	vsub.f32 $1.500000000e+00, v43;
	[tilespmem:s25+$0x170] =	vst v15;
	s25 =	smov.u32 s28  }
0x271: {  	v15 =	vsub.f32 $1.500000000e+00, v17;
	v17 =	vadd.f32 v38, v46;
	[tilespmem:s28+$0x180] =	vst v19;
	v19 =	vmul.f32 v44, v28  }
0x272: {  	v23 =	vadd.f32 v38, v23;
	v16 =	vmul.f32 v41, v16;
	v41 =	vmul.f32 v47, v21  }
0x273: {  	v21 =	vmul.f32 v48, v15;
	v15 =	vadd.f32 v38, v49;
	[tilespmem:s28+$0x190] =	vst v17;
	v17 =	vadd.f32 v38, v22  }
0x274: {  	v22 =	vmul.f32 v16, v39;
	v24 =	vmul.f32 v16, v24;
	[tilespmem:s28+$0x1A0] =	vst v23;
	v23 =	vadd.f32 v38, v25  }
0x275: {  	v13 =	vmul.f32 v16, v13;
	v25 =	vmul.f32 v16, v27;
	v38 =	vadd.f32 v38, v19;
	[tilespmem:s28+$0x1B0] =	vst v15  }
0x276: {  	v19 =	vmul.f32 v16, v30;
	v15 =	vadd.f32 v22, v24;
	v24 =	vmul.f32 v16, v32;
	[tilespmem:s28+$0x1C0] =	vst v17  }
0x277: {  	v28 =	vmul.f32 v16, v36;
	v13 =	vadd.f32 v22, v13;
	v17 =	vmul.f32 v16, v34;
	[tilespmem:s28+$0x1D0] =	vst v23  }
.Ltmp2:
0x278: {  	v23 =	vmul.f32 v16, v37;
	[tilespmem:s28+$0x0] =	vst v15;
	v15 =	vadd.f32 v22, v25;
	v25 =	vmul.f32 v41, v40;
	(pc) =	sbr.rel @p0 .LBB2_7-.Ltmp2, $4  }
0x279: {  	v27 =	vmul.f32 v41, v12;
	v16 =	vmul.f32 v41, v14;
	[tilespmem:s28+$0x10] =	vst v13;
	v13 =	vadd.f32 v22, v19  }
0x27a: {  	v12 =	vmul.f32 v41, v18;
	v14 =	vmul.f32 v41, v26;
	[tilespmem:s28+$0x20] =	vst v15;
	v15 =	vadd.f32 v22, v24  }
0x27b: {  	v24 =	vmul.f32 v41, v31;
	[tilespmem:s28+$0x30] =	vst v13;
	v13 =	vadd.f32 v22, v17;
	v17 =	vmul.f32 v41, v29  }
0x27c: {  	v18 =	vmul.f32 v41, v35;
	v28 =	vadd.f32 v22, v28;
	v26 =	vmul.f32 v41, v33;
	s28 =	sadd.s32 $0x200, s28;
	[tilespmem:s25+$0x40] =	vst v15  }
0x27d: {  	[tilespmem:s25+$0x50] =	vst v13  }
0x27e: {  	v53 =	vadd.f32 v22, v23;
	[tilespmem:s25+$0x1E0] =	vst v38  }
0x27f: {  	v15 =	vadd.f32 v25, v27;
	[tilespmem:s25+$0x60] =	vst v28  }
0x280: {  	v54 =	vadd.f32 v25, v16;
	[tilespmem:s25+$0x70] =	vst v53  }
0x281: {  	v12 =	vadd.f32 v25, v12;
	[tilespmem:s25+$0x80] =	vst v15  }
0x282: {  	v55 =	vadd.f32 v25, v14;
	[tilespmem:s25+$0x90] =	vst v54  }
0x283: {  	v56 =	vadd.f32 v25, v17;
	[tilespmem:s25+$0xA0] =	vst v12  }
0x284: {  	v57 =	vadd.f32 v25, v24;
	[tilespmem:s25+$0xB0] =	vst v55  }
0x285: {  	v58 =	vmul.f32 v21, v20;
	v4 =	vmul.f32 v21, v4;
	v59 =	vadd.f32 v25, v26;
	[tilespmem:s25+$0xC0] =	vst v56  }
0x286: {  	v5 =	vmul.f32 v21, v5;
	v60 =	vadd.f32 v25, v18;
	[tilespmem:s25+$0xD0] =	vst v57  }
0x287: {  	v6 =	vmul.f32 v21, v6;
	v4 =	vadd.f32 v58, v4;
	[tilespmem:s25+$0xE0] =	vst v59  }
0x288: {  	v7 =	vmul.f32 v21, v7;
	v5 =	vadd.f32 v58, v5;
	[tilespmem:s25+$0xF0] =	vst v60  }
0x289: {  	v8 =	vmul.f32 v21, v8;
	v6 =	vadd.f32 v58, v6;
	[tilespmem:s25+$0x100] =	vst v4  }
0x28a: {  	v62 =	vmul.f32 v21, v10;
	v4 =	vadd.f32 v58, v7;
	[tilespmem:s25+$0x110] =	vst v5  }
0x28b: {  	s23 =	sadd.s32 $0x1, s23;
	v61 =	vadd.f32 v58, v8;
	v5 =	vmul.f32 v21, v9;
	[tilespmem:s25+$0x120] =	vst v6  }
0x28c: {  	p0 =	sne.s32 s23, $0x10;
	v63 =	vadd.f32 v58, v62;
	[tilespmem:s25+$0x130] =	vst v4;
	v4 =	vmul.f32 v21, v11  }
.Ltmp3:
0x28d: {  	[tilespmem:s25+$0x140] =	vst v61;
	v5 =	vadd.f32 v58, v5;
	(pc) =	sbr.rel @p0 .LBB2_2-.Ltmp3, $4  }
0x28e: {  	s24 =	sadd.s32 s5, s24;
	[tilespmem:s25+$0x160] =	vst v63;
	v4 =	vadd.f32 v58, v4  }
0x28f: {  	s24 =	sshll.u32 s24, $0x4;
	[tilespmem:s25+$0x150] =	vst v5  }
0x290: {  	s24 =	sadd.s32 s2, s24;
	[tilespmem:s25+$0x170] =	vst v4  }
0x291: {  	[hbm4b:s24+s3] =	stream.linear.scatter [tilespmem:s16], [sflag:$0x6], $0x4000, $0x38;
	[tilespmem:$0xDC00] =	vst v63  }
0x292: {  	_ =	swait.ge [sflag:s15], $0x4000  }
0x293: {  	[sflag:s15] =	ssyncset.done $0x0  }
0x294: {  	s23 =	simm.s32 $0x1D00;
	[sflag:s15] =	ssyncadd.s32 $0xFFFFC000  }
0x295: {  	v27 =	vld [tilespmem:s23+$0x80]  }
0x296: {  	v25 =	vld [tilespmem:s23+$0x90]  }
0x297: {  	v14 =	vld [tilespmem:s23+$0xFFFFFF10]  }
0x298: {  	v26 =	vld [tilespmem:s23+$0xA0]  }
0x299: {  	v12 =	vld [tilespmem:s23+$0xFFFFFF80]  }
0x29a: {  	v20 =	vld [tilespmem:s23+$0xB0]  }
0x29b: {  	v13 =	vld [tilespmem:s23+$0xFFFFFF90]  }
0x29c: {  	v18 =	vld [tilespmem:s23+$0xC0]  }
0x29d: {  	v4 =	vld [tilespmem:s23+$0x0]  }
0x29e: {  	v16 =	vld [tilespmem:s23+$0xFFFFFF00];
	v5 =	vmul.f32 v27, v27;
	v7 =	vmul.f32 v25, v25  }
0x29f: {  	v21 =	vld [tilespmem:s23+$0xD0];
	v6 =	vadd.f32 v25, v27;
	v8 =	vmul.f32 v26, v26  }
0x2a0: {  	v15 =	vld [tilespmem:s23+$0xFFFFFFA0];
	v9 =	vmul.f32 v12, v12;
	v10 =	vmul.f32 v13, v13;
	v7 =	vadd.f32 v7, v5  }
0x2a1: {  	v11 =	vmul.f32 v14, v14;
	v24 =	vadd.f32 v13, v12;
	v6 =	vadd.f32 v26, v6;
	v5 =	vld [tilespmem:s23+$0x10]  }
0x2a2: {  	v19 =	vld [tilespmem:s23+$0xFFFFFF20];
	v17 =	vmul.f32 v4, v4;
	v7 =	vadd.f32 v8, v7;
	v8 =	vmul.f32 v20, v20  }
0x2a3: {  	v22 =	vld [tilespmem:s23+$0xE0];
	v29 =	vmul.f32 v16, v16;
	v30 =	vadd.f32 v14, v16;
	v6 =	vadd.f32 v20, v6  }
0x2a4: {  	v9 =	vadd.f32 v10, v9;
	v7 =	vadd.f32 v8, v7;
	v8 =	vmul.f32 v18, v18  }
0x2a5: {  	v35 =	vld [tilespmem:s23+$0xF0];
	v10 =	vmul.f32 v21, v21;
	v11 =	vadd.f32 v11, v29;
	v6 =	vadd.f32 v18, v6  }
0x2a6: {  	v33 =	vadd.f32 v15, v24;
	v24 =	vld [tilespmem:s23+$0xFFFFFFC0];
	v23 =	vmul.f32 v5, v5;
	v7 =	vadd.f32 v8, v7  }
0x2a7: {  	v29 =	vadd.f32 v19, v30;
	v30 =	vmul.f32 v19, v19;
	v8 =	vadd.f32 v21, v6;
	v6 =	vld [tilespmem:s23+$0x20]  }
0x2a8: {  	v31 =	vadd.f32 v23, v17;
	v23 =	vld [tilespmem:s23+$0xFFFFFF30];
	v7 =	vadd.f32 v10, v7;
	v10 =	vmul.f32 v22, v22  }
0x2a9: {  	v34 =	vmul.f32 v15, v15;
	v11 =	vadd.f32 v30, v11;
	v17 =	vld [tilespmem:s23+$0xFFFFFFB0];
	v8 =	vadd.f32 v22, v8  }
0x2aa: {  	v28 =	vadd.f32 v5, v4;
	v7 =	vadd.f32 v10, v7;
	v10 =	vmul.f32 v35, v35  }
0x2ab: {  	v9 =	vadd.f32 v34, v9;
	v30 =	vld [tilespmem:s23+$0xFFFFFF50];
	v46 =	vmul.f32 v24, v24;
	v8 =	vadd.f32 v35, v8  }
0x2ac: {  	v36 =	vadd.f32 v6, v28;
	v28 =	vld [tilespmem:s23+$0xFFFFFF40];
	v37 =	vmul.f32 v6, v6;
	v10 =	vadd.f32 v10, v7  }
0x2ad: {  	v32 =	vperm.xlane v8, v0;
	v7 =	vld [tilespmem:s23+$0x30];
	v29 =	vadd.f32 v23, v29;
	v38 =	vmul.f32 v23, v23  }
0x2ae: {  	v33 =	vadd.f32 v17, v33;
	v39 =	vmul.f32 v17, v17;
	v31 =	vadd.f32 v37, v31  }
0x2af: {  	v34 =	vld [tilespmem:s23+$0xFFFFFF70];
	v32 =	vadd.f32 v32, v8;
	v8 =	vperm.xlane v10, v0;
	v11 =	vadd.f32 v38, v11  }
0x2b0: {  	v48 =	vmul.f32 v30, v30;
	v39 =	vadd.f32 v39, v9;
	v41 =	vadd.f32 v24, v33;
	v9 =	vld [tilespmem:s23+$0x50]  }
0x2b1: {  	v33 =	vld [tilespmem:s23+$0xFFFFFF60];
	v61 =	vperm.xlane v32, v1;
	v10 =	vadd.f32 v8, v10;
	v44 =	vadd.f32 v28, v29  }
0x2b2: {  	v8 =	vld [tilespmem:s23+$0x40];
	v45 =	vmul.f32 v28, v28;
	v39 =	vadd.f32 v46, v39;
	v36 =	vadd.f32 v7, v36  }
0x2b3: {  	v63 =	vmul.f32 v7, v7;
	v32 =	vadd.f32 v61, v32;
	v62 =	vperm.xlane v10, v1  }
0x2b4: {  	v52 =	vmul.f32 v34, v34;
	v29 =	vld [tilespmem:s23+$0xFFFFFFD0];
	v11 =	vadd.f32 v45, v11;
	v38 =	vadd.f32 v30, v44  }
0x2b5: {  	v37 =	vadd.f32 v63, v31;
	v40 =	vperm.xlane v32, v2;
	v10 =	vadd.f32 v62, v10  }
0x2b6: {  	v44 =	vmul.f32 v9, v9;
	v50 =	vmul.f32 v33, v33;
	v38 =	vadd.f32 v33, v38  }
0x2b7: {  	v36 =	vadd.f32 v8, v36;
	v32 =	vadd.f32 v40, v32;
	v31 =	vperm.xlane v10, v2  }
0x2b8: {  	v47 =	vmul.f32 v8, v8;
	v40 =	vadd.f32 v48, v11;
	v38 =	vadd.f32 v34, v38  }
0x2b9: {  	v41 =	vadd.f32 v29, v41;
	v42 =	vperm.xlane v32, v3;
	v43 =	vadd.f32 v31, v10;
	v31 =	vld [tilespmem:s23+$0xFFFFFFE0]  }
0x2ba: {  	v37 =	vadd.f32 v47, v37;
	v10 =	vld [tilespmem:s23+$0x60];
	v40 =	vadd.f32 v50, v40;
	v48 =	vperm.xlane v38, v0  }
0x2bb: {  	v11 =	vmul.f32 v29, v29;
	v36 =	vadd.f32 v9, v36;
	v32 =	vadd.f32 v42, v32  }
0x2bc: {  	v49 =	vperm.xlane v43, v3;
	v40 =	vadd.f32 v52, v40;
	v38 =	vadd.f32 v48, v38  }
0x2bd: {  	v39 =	vadd.f32 v11, v39;
	v11 =	vld [tilespmem:s23+$0x70];
	v37 =	vadd.f32 v44, v37;
	v45 =	vmul.f32 $7.812500000e-03, v32  }
0x2be: {  	v42 =	vadd.f32 v49, v43;
	v32 =	vld [tilespmem:s23+$0xFFFFFFF0];
	v59 =	vperm.xlane v40, v0;
	v61 =	vperm.xlane v38, v1  }
0x2bf: {  	v41 =	vadd.f32 v31, v41;
	v51 =	vmul.f32 v31, v31;
	v36 =	vadd.f32 v10, v36  }
0x2c0: {  	v47 =	vmul.f32 v10, v10;
	v42 =	vmul.f32 $7.812500000e-03, v42;
	v40 =	vadd.f32 v59, v40  }
0x2c1: {  	v46 =	vmul.f32 v45, v45;
	v38 =	vadd.f32 v61, v38;
	v52 =	vsub.f32 $0.0e+00, v45  }
0x2c2: {  	v54 =	vmul.f32 v11, v11;
	v37 =	vadd.f32 v47, v37;
	v36 =	vadd.f32 v11, v36  }
0x2c3: {  	v39 =	vadd.f32 v51, v39;
	v42 =	vsub.f32 v42, v46;
	v53 =	vmul.f32 v32, v32  }
0x2c4: {  	v41 =	vadd.f32 v32, v41;
	v37 =	vadd.f32 v54, v37;
	v58 =	vperm.xlane v36, v0  }
0x2c5: {  	v42 =	vadd.f32 $9.999999960e-13, v42;
	v39 =	vadd.f32 v53, v39  }
0x2c6: {  	v57 =	vperm.xlane v41, v0;
	v36 =	vadd.f32 v58, v36;
	v62 =	vperm.xlane v37, v0  }
0x2c7: {  	v53 =	vperm.xlane v40, v1;
	v55 =	vshra.s32 v42, $0x1;
	v42 =	vmul.f32 $5.000000000e-01, v42  }
0x2c8: {  	v56 =	vsub.s32 $0x5F3759DF, v55;
	v41 =	vadd.f32 v57, v41;
	v60 =	vperm.xlane v39, v0  }
0x2c9: {  	v51 =	vperm.xlane v36, v1;
	v37 =	vadd.f32 v62, v37;
	v40 =	vadd.f32 v53, v40  }
0x2ca: {  	v55 =	vperm.xlane v38, v2;
	v42 =	vmul.f32 v56, v42;
	v39 =	vadd.f32 v60, v39  }
0x2cb: {  	v63 =	vperm.xlane v41, v1;
	v36 =	vadd.f32 v51, v36;
	v59 =	vperm.xlane v40, v2  }
0x2cc: {  	v38 =	vadd.f32 v55, v38;
	v42 =	vmul.f32 v56, v42;
	v54 =	vperm.xlane v39, v1  }
0x2cd: {  	v41 =	vadd.f32 v63, v41;
	v58 =	vperm.xlane v36, v2;
	v40 =	vadd.f32 v59, v40  }
0x2ce: {  	v61 =	vperm.xlane v38, v3;
	v42 =	vsub.f32 $1.500000000e+00, v42;
	v39 =	vadd.f32 v54, v39  }
0x2cf: {  	v57 =	vperm.xlane v41, v2;
	v36 =	vadd.f32 v58, v36;
	v49 =	vperm.xlane v40, v3  }
0x2d0: {  	v38 =	vadd.f32 v61, v38;
	v42 =	vmul.f32 v56, v42;
	v56 =	vperm.xlane v37, v1  }
0x2d1: {  	v60 =	vperm.xlane v39, v2;
	v48 =	vperm.xlane v36, v3  }
0x2d2: {  	v41 =	vadd.f32 v57, v41;
	v38 =	vmul.f32 $7.812500000e-03, v38;
	v43 =	vmul.f32 v42, v52  }
0x2d3: {  	v40 =	vadd.f32 v49, v40;
	v35 =	vmul.f32 v42, v35;
	v27 =	vmul.f32 v42, v27  }
0x2d4: {  	v37 =	vadd.f32 v56, v37;
	v25 =	vmul.f32 v42, v25;
	v26 =	vmul.f32 v42, v26  }
0x2d5: {  	v58 =	vmul.f32 v42, v20;
	v63 =	vperm.xlane v41, v3;
	v39 =	vadd.f32 v60, v39  }
0x2d6: {  	v40 =	vmul.f32 $7.812500000e-03, v40;
	v52 =	vmul.f32 v38, v38  }
0x2d7: {  	v62 =	vperm.xlane v37, v2;
	v50 =	vperm.xlane v39, v3  }
0x2d8: {  	v18 =	vmul.f32 v42, v18;
	v41 =	vadd.f32 v63, v41;
	v40 =	vsub.f32 v40, v52  }
0x2d9: {  	v61 =	vmul.f32 v42, v22;
	v37 =	vadd.f32 v62, v37;
	v39 =	vadd.f32 v50, v39  }
0x2da: {  	v36 =	vadd.f32 v48, v36;
	v41 =	vmul.f32 $7.812500000e-03, v41;
	v40 =	vadd.f32 $9.999999960e-13, v40  }
0x2db: {  	v38 =	vsub.f32 $0.0e+00, v38;
	v51 =	vperm.xlane v37, v3;
	v39 =	vmul.f32 $7.812500000e-03, v39  }
0x2dc: {  	v53 =	vmul.f32 v41, v41;
	v55 =	vshra.s32 v40, $0x1;
	v40 =	vmul.f32 $5.000000000e-01, v40  }
0x2dd: {  	v36 =	vmul.f32 $7.812500000e-03, v36;
	v37 =	vadd.f32 v51, v37;
	v44 =	vsub.s32 $0x5F3759DF, v55  }
0x2de: {  	v35 =	vadd.f32 v43, v35;
	v39 =	vsub.f32 v39, v53;
	v40 =	vmul.f32 v44, v40  }
0x2df: {  	v27 =	vadd.f32 v43, v27;
	v54 =	vmul.f32 v36, v36;
	v37 =	vmul.f32 $7.812500000e-03, v37  }
0x2e0: {  	v25 =	vadd.f32 v43, v25;
	v39 =	vadd.f32 $9.999999960e-13, v39;
	v59 =	vmul.f32 v44, v40  }
0x2e1: {  	v60 =	vmul.f32 v42, v21;
	v20 =	vsub.f32 $0.0e+00, v36;
	v37 =	vsub.f32 v37, v54  }
0x2e2: {  	v56 =	vshra.s32 v39, $0x1;
	v39 =	vmul.f32 $5.000000000e-01, v39;
	v36 =	vsub.f32 $1.500000000e+00, v59  }
0x2e3: {  	v26 =	vadd.f32 v43, v26;
	v37 =	vadd.f32 $9.999999960e-13, v37;
	v45 =	vsub.s32 $0x5F3759DF, v56  }
0x2e4: {  	v18 =	vadd.f32 v43, v18;
	[tilespmem:s23+$0x80] =	vst v27;
	v39 =	vmul.f32 v45, v39;
	v27 =	vmul.f32 v44, v36  }
0x2e5: {  	[tilespmem:s23+$0x90] =	vst v25;
	v25 =	vadd.f32 v43, v58;
	v57 =	vshra.s32 v37, $0x1;
	v37 =	vmul.f32 $5.000000000e-01, v37  }
0x2e6: {  	[tilespmem:s23+$0xA0] =	vst v26;
	v26 =	vadd.f32 v43, v60;
	v39 =	vmul.f32 v45, v39;
	v22 =	vmul.f32 v27, v38  }
0x2e7: {  	v41 =	vsub.f32 $0.0e+00, v41;
	v16 =	vmul.f32 v27, v16;
	v14 =	vmul.f32 v27, v14  }
0x2e8: {  	v46 =	vsub.s32 $0x5F3759DF, v57;
	v19 =	vmul.f32 v27, v19;
	v63 =	vmul.f32 v27, v23  }
0x2e9: {  	[tilespmem:s23+$0xC0] =	vst v18;
	v28 =	vmul.f32 v27, v28;
	v18 =	vmul.f32 v27, v30;
	v39 =	vsub.f32 $1.500000000e+00, v39  }
0x2ea: {  	[tilespmem:s23+$0xF0] =	vst v35;
	v38 =	vadd.f32 v43, v61;
	v30 =	vmul.f32 v27, v33;
	v37 =	vmul.f32 v46, v37  }
0x2eb: {  	[tilespmem:s23+$0xB0] =	vst v25;
	v23 =	vmul.f32 v27, v34;
	v16 =	vadd.f32 v22, v16;
	v62 =	vmul.f32 v45, v39  }
0x2ec: {  	[tilespmem:s23+$0xD0] =	vst v26;
	v14 =	vadd.f32 v22, v14;
	v19 =	vadd.f32 v22, v19;
	v37 =	vmul.f32 v46, v37  }
0x2ed: {  	v26 =	vadd.f32 v22, v63;
	[tilespmem:s23+$0xFFFFFF00] =	vst v16;
	v25 =	vmul.f32 v62, v41;
	v27 =	vmul.f32 v62, v12  }
0x2ee: {  	[tilespmem:s23+$0xFFFFFF10] =	vst v14;
	v21 =	vsub.f32 $1.500000000e+00, v37;
	v16 =	vmul.f32 v62, v13;
	v12 =	vmul.f32 v62, v15  }
0x2ef: {  	[tilespmem:s23+$0xFFFFFF20] =	vst v19;
	v19 =	vadd.f32 v22, v28;
	v14 =	vmul.f32 v62, v17;
	v17 =	vmul.f32 v62, v24  }
0x2f0: {  	[tilespmem:s23+$0xFFFFFF30] =	vst v26;
	v13 =	vadd.f32 v22, v18;
	v24 =	vmul.f32 v62, v29;
	v21 =	vmul.f32 v46, v21  }
0x2f1: {  	s24 =	simm.s32 $0x0;
	s25 =	simm.s32 $0x1F00;
	v28 =	vadd.f32 v22, v30;
	[tilespmem:s23+$0xFFFFFF40] =	vst v19;
	v26 =	vmul.f32 v62, v31;
	v18 =	vmul.f32 v62, v32  }
.LBB2_10:
0x2f2: {  	v19 =	vld [tilespmem:s25+$0x80];
	[tilespmem:s23+$0xFFFFFF50] =	vst v13;
	v22 =	vadd.f32 v22, v23;
	v15 =	vmul.f32 v21, v20;
	v4 =	vmul.f32 v21, v4  }
0x2f3: {  	s24 =	sadd.s32 $0x4, s24;
	v27 =	vadd.f32 v25, v27;
	v5 =	vmul.f32 v21, v5;
	v6 =	vmul.f32 v21, v6;
	v20 =	vld [tilespmem:s25+$0x90];
	[tilespmem:s23+$0xFFFFFF60] =	vst v28  }
0x2f4: {  	v7 =	vmul.f32 v21, v7;
	v8 =	vmul.f32 v21, v8;
	p0 =	slt.u32 s24, $0x7C;
	v13 =	vld [tilespmem:s25+$0xFFFFFF10];
	[tilespmem:s23+$0xFFFFFF70] =	vst v22;
	v22 =	vadd.f32 v25, v16  }
0x2f5: {  	v9 =	vmul.f32 v21, v9;
	v16 =	vmul.f32 v21, v10;
	v23 =	vld [tilespmem:s25+$0xA0];
	[tilespmem:s23+$0xFFFFFF80] =	vst v27;
	v27 =	vadd.f32 v25, v12  }
0x2f6: {  	v28 =	vadd.f32 v25, v17;
	v17 =	vmul.f32 v21, v11;
	v10 =	vadd.f32 v25, v14;
	v12 =	vld [tilespmem:s25+$0xFFFFFF80];
	[tilespmem:s23+$0xFFFFFF90] =	vst v22  }
0x2f7: {  	v11 =	vadd.f32 v25, v24;
	v24 =	vadd.f32 v25, v26;
	v21 =	vld [tilespmem:s25+$0xB0];
	[tilespmem:s23+$0xFFFFFFA0] =	vst v27  }
0x2f8: {  	v26 =	vmul.f32 v19, v19;
	v14 =	vld [tilespmem:s25+$0xFFFFFF90];
	v27 =	vadd.f32 v20, v19;
	v29 =	vmul.f32 v20, v20;
	[tilespmem:s23+$0xFFFFFFB0] =	vst v10  }
0x2f9: {  	v18 =	vadd.f32 v25, v18;
	v30 =	vadd.f32 v15, v4;
	v10 =	vmul.f32 v13, v13;
	v22 =	vld [tilespmem:s25+$0xC0];
	[tilespmem:s23+$0xFFFFFFC0] =	vst v28  }
0x2fa: {  	v4 =	vld [tilespmem:s25+$0x0];
	v26 =	vadd.f32 v29, v26;
	v27 =	vadd.f32 v23, v27;
	v28 =	vmul.f32 v23, v23;
	[tilespmem:s23+$0xFFFFFFD0] =	vst v11  }
0x2fb: {  	v6 =	vadd.f32 v15, v6;
	v29 =	vadd.f32 v15, v5;
	v11 =	vmul.f32 v12, v12;
	v25 =	vld [tilespmem:s25+$0xD0];
	[tilespmem:s23+$0xFFFFFFE0] =	vst v24  }
0x2fc: {  	v5 =	vld [tilespmem:s25+$0x10];
	v26 =	vadd.f32 v28, v26;
	v27 =	vadd.f32 v21, v27;
	v31 =	vmul.f32 v21, v21;
	[tilespmem:s23+$0xFFFFFFF0] =	vst v18  }
0x2fd: {  	v7 =	vadd.f32 v15, v7;
	v33 =	vadd.f32 v14, v12;
	v18 =	vmul.f32 v14, v14;
	v28 =	vld [tilespmem:s25+$0xE0];
	[tilespmem:s23+$0x0] =	vst v30  }
0x2fe: {  	v24 =	vld [tilespmem:s25+$0xFFFFFF00];
	v26 =	vadd.f32 v31, v26;
	v30 =	vadd.f32 v22, v27;
	v31 =	vmul.f32 v22, v22;
	[tilespmem:s23+$0x10] =	vst v29  }
0x2ff: {  	v11 =	vadd.f32 v18, v11;
	v29 =	vmul.f32 v4, v4;
	v39 =	vld [tilespmem:s25+$0xF0];
	[tilespmem:s23+$0x20] =	vst v6;
	v6 =	vadd.f32 v15, v8  }
0x300: {  	v27 =	vld [tilespmem:s25+$0xFFFFFF20];
	v8 =	vadd.f32 v31, v26;
	v26 =	vadd.f32 v25, v30;
	v30 =	vmul.f32 v25, v25;
	[tilespmem:s23+$0x30] =	vst v7  }
0x301: {  	v9 =	vadd.f32 v15, v9;
	v18 =	vld [tilespmem:s25+$0xFFFFFFA0];
	v31 =	vadd.f32 v5, v4;
	v7 =	vmul.f32 v5, v5;
	[tilespmem:s23+$0x40] =	vst v6  }
0x302: {  	v6 =	vld [tilespmem:s25+$0x20];
	v8 =	vadd.f32 v30, v8;
	v32 =	vadd.f32 v28, v26;
	v34 =	vmul.f32 v28, v28;
	[tilespmem:s23+$0xE0] =	vst v38  }
0x303: {  	v30 =	vld [tilespmem:s25+$0xFFFFFF30];
	v35 =	vmul.f32 v24, v24;
	v36 =	vadd.f32 v13, v24;
	v37 =	vadd.f32 v7, v29;
	[tilespmem:s23+$0x50] =	vst v9  }
0x304: {  	v26 =	vld [tilespmem:s25+$0xFFFFFFB0];
	v8 =	vadd.f32 v34, v8;
	v9 =	vadd.f32 v39, v32;
	v29 =	vmul.f32 v39, v39  }
0x305: {  	v10 =	vadd.f32 v10, v35;
	v35 =	vadd.f32 v27, v36;
	v34 =	vmul.f32 v27, v27;
	v7 =	vld [tilespmem:s25+$0x30]  }
0x306: {  	v32 =	vld [tilespmem:s25+$0xFFFFFF40];
	v33 =	vadd.f32 v18, v33;
	v36 =	vadd.f32 v29, v8;
	v38 =	vperm.xlane v9, v0  }
0x307: {  	v40 =	vmul.f32 v18, v18;
	v29 =	vld [tilespmem:s25+$0xFFFFFFC0];
	v41 =	vadd.f32 v6, v31;
	v42 =	vmul.f32 v6, v6  }
0x308: {  	v10 =	vadd.f32 v34, v10;
	v8 =	vld [tilespmem:s25+$0x40];
	v38 =	vadd.f32 v38, v9;
	v9 =	vperm.xlane v36, v0  }
0x309: {  	v35 =	vadd.f32 v30, v35;
	v43 =	vmul.f32 v30, v30;
	v11 =	vadd.f32 v40, v11;
	v34 =	vld [tilespmem:s25+$0xFFFFFF50]  }
0x30a: {  	v40 =	vadd.f32 v26, v33;
	v31 =	vld [tilespmem:s25+$0xFFFFFFD0];
	v33 =	vperm.xlane v38, v1;
	v44 =	vadd.f32 v9, v36  }
0x30b: {  	v45 =	vmul.f32 v26, v26;
	v42 =	vadd.f32 v42, v37;
	v41 =	vadd.f32 v7, v41;
	v9 =	vld [tilespmem:s25+$0x50]  }
0x30c: {  	v46 =	vmul.f32 v7, v7;
	v36 =	vld [tilespmem:s25+$0xFFFFFF60];
	v38 =	vadd.f32 v33, v38;
	v37 =	vperm.xlane v44, v1  }
0x30d: {  	v43 =	vadd.f32 v43, v10;
	v47 =	vadd.f32 v32, v35;
	v48 =	vmul.f32 v32, v32;
	v33 =	vld [tilespmem:s25+$0xFFFFFFE0]  }
0x30e: {  	v45 =	vadd.f32 v45, v11;
	v10 =	vld [tilespmem:s25+$0x60];
	v11 =	vperm.xlane v38, v2;
	v44 =	vadd.f32 v37, v44  }
0x30f: {  	v40 =	vadd.f32 v29, v40;
	v49 =	vmul.f32 v29, v29;
	v42 =	vadd.f32 v46, v42;
	v37 =	vld [tilespmem:s25+$0xFFFFFF70]  }
0x310: {  	v41 =	vadd.f32 v8, v41;
	v35 =	vld [tilespmem:s25+$0xFFFFFFF0];
	v38 =	vadd.f32 v11, v38;
	v46 =	vperm.xlane v44, v2  }
0x311: {  	v43 =	vadd.f32 v48, v43;
	v48 =	vmul.f32 v8, v8;
	v47 =	vadd.f32 v34, v47;
	v11 =	vld [tilespmem:s25+$0x70]  }
0x312: {  	v45 =	vadd.f32 v49, v45;
	v49 =	vperm.xlane v38, v3;
	v44 =	vadd.f32 v46, v44  }
0x313: {  	v40 =	vadd.f32 v31, v40;
	v42 =	vadd.f32 v48, v42;
	v46 =	vmul.f32 v34, v34  }
0x314: {  	v41 =	vadd.f32 v9, v41;
	v38 =	vadd.f32 v49, v38;
	v48 =	vperm.xlane v44, v3  }
0x315: {  	v43 =	vadd.f32 v46, v43;
	v46 =	vmul.f32 v31, v31;
	v49 =	vmul.f32 v9, v9  }
0x316: {  	v47 =	vadd.f32 v36, v47;
	v38 =	vmul.f32 $7.812500000e-03, v38;
	v44 =	vadd.f32 v48, v44  }
0x317: {  	v40 =	vadd.f32 v33, v40;
	v48 =	vmul.f32 v36, v36;
	v45 =	vadd.f32 v46, v45  }
0x318: {  	v42 =	vadd.f32 v49, v42;
	v44 =	vmul.f32 $7.812500000e-03, v44;
	v46 =	vmul.f32 v38, v38  }
0x319: {  	v41 =	vadd.f32 v10, v41;
	v50 =	vmul.f32 v10, v10;
	v49 =	vmul.f32 v33, v33  }
0x31a: {  	v43 =	vadd.f32 v48, v43;
	v48 =	vmul.f32 v37, v37;
	v44 =	vsub.f32 v44, v46  }
0x31b: {  	v45 =	vadd.f32 v49, v45;
	v46 =	vadd.f32 v37, v47;
	v47 =	vmul.f32 v35, v35  }
0x31c: {  	v40 =	vadd.f32 v35, v40;
	v49 =	vmul.f32 v11, v11;
	v44 =	vadd.f32 $9.999999960e-13, v44  }
0x31d: {  	v41 =	vadd.f32 v11, v41;
	v42 =	vadd.f32 v50, v42;
	v51 =	vperm.xlane v46, v0  }
0x31e: {  	v43 =	vadd.f32 v48, v43;
	v48 =	vshra.s32 v44, $0x1;
	v44 =	vmul.f32 $5.000000000e-01, v44  }
0x31f: {  	v45 =	vadd.f32 v47, v45;
	v47 =	vperm.xlane v40, v0;
	v48 =	vsub.s32 $0x5F3759DF, v48  }
0x320: {  	v42 =	vadd.f32 v49, v42;
	v49 =	vperm.xlane v41, v0;
	v44 =	vmul.f32 v48, v44  }
0x321: {  	v50 =	vperm.xlane v43, v0;
	v46 =	vadd.f32 v51, v46;
	v40 =	vadd.f32 v47, v40  }
0x322: {  	v41 =	vadd.f32 v49, v41;
	v47 =	vperm.xlane v45, v0;
	v44 =	vmul.f32 v48, v44  }
0x323: {  	v43 =	vadd.f32 v50, v43;
	v50 =	vperm.xlane v42, v0;
	v49 =	vperm.xlane v46, v1  }
0x324: {  	v51 =	vperm.xlane v40, v1;
	v45 =	vadd.f32 v47, v45;
	v44 =	vsub.f32 $1.500000000e+00, v44  }
0x325: {  	v47 =	vperm.xlane v41, v1;
	v42 =	vadd.f32 v50, v42;
	v46 =	vadd.f32 v49, v46  }
0x326: {  	v38 =	vsub.f32 $0.0e+00, v38;
	v49 =	vperm.xlane v43, v1;
	v44 =	vmul.f32 v48, v44  }
0x327: {  	v40 =	vadd.f32 v51, v40;
	v41 =	vadd.f32 v47, v41;
	v48 =	vperm.xlane v45, v1  }
0x328: {  	v43 =	vadd.f32 v49, v43;
	v38 =	vmul.f32 v44, v38;
	v39 =	vmul.f32 v44, v39  }
0x329: {  	v47 =	vperm.xlane v46, v2;
	v45 =	vadd.f32 v48, v45;
	v48 =	vperm.xlane v42, v1  }
0x32a: {  	v49 =	vperm.xlane v40, v2;
	v50 =	vperm.xlane v41, v2;
	v39 =	vadd.f32 v38, v39  }
0x32b: {  	v46 =	vadd.f32 v47, v46;
	v47 =	vperm.xlane v43, v2;
	v42 =	vadd.f32 v48, v42  }
0x32c: {  	v40 =	vadd.f32 v49, v40;
	v41 =	vadd.f32 v50, v41;
	v48 =	vperm.xlane v45, v2;
	[tilespmem:s25+$0xF0] =	vst v39  }
0x32d: {  	v43 =	vadd.f32 v47, v43;
	v39 =	vperm.xlane v46, v3;
	v47 =	vperm.xlane v42, v2  }
0x32e: {  	v49 =	vperm.xlane v40, v3;
	v45 =	vadd.f32 v48, v45;
	v48 =	vperm.xlane v41, v3  }
0x32f: {  	v39 =	vadd.f32 v39, v46;
	v46 =	vperm.xlane v43, v3;
	v42 =	vadd.f32 v47, v42  }
0x330: {  	v40 =	vadd.f32 v49, v40;
	v47 =	vperm.xlane v45, v3;
	v41 =	vadd.f32 v48, v41  }
0x331: {  	v39 =	vmul.f32 $7.812500000e-03, v39;
	v43 =	vadd.f32 v46, v43;
	v46 =	vperm.xlane v42, v3  }
0x332: {  	v40 =	vmul.f32 $7.812500000e-03, v40;
	v45 =	vadd.f32 v47, v45;
	v41 =	vmul.f32 $7.812500000e-03, v41  }
0x333: {  	v43 =	vmul.f32 $7.812500000e-03, v43;
	v47 =	vmul.f32 v39, v39;
	v42 =	vadd.f32 v46, v42  }
0x334: {  	v39 =	vsub.f32 $0.0e+00, v39;
	v45 =	vmul.f32 $7.812500000e-03, v45;
	v46 =	vmul.f32 v40, v40  }
0x335: {  	v43 =	vsub.f32 v43, v47;
	v42 =	vmul.f32 $7.812500000e-03, v42;
	v47 =	vmul.f32 v41, v41  }
0x336: {  	v19 =	vmul.f32 v44, v19;
	v40 =	vsub.f32 $0.0e+00, v40;
	v45 =	vsub.f32 v45, v46  }
0x337: {  	v46 =	vmul.f32 v44, v20;
	v43 =	vadd.f32 $9.999999960e-13, v43;
	v42 =	vsub.f32 v42, v47  }
0x338: {  	v23 =	vmul.f32 v44, v23;
	v20 =	vsub.f32 $0.0e+00, v41;
	v45 =	vadd.f32 $9.999999960e-13, v45  }
0x339: {  	v41 =	vshra.s32 v43, $0x1;
	v43 =	vmul.f32 $5.000000000e-01, v43;
	v42 =	vadd.f32 $9.999999960e-13, v42  }
0x33a: {  	v47 =	vshra.s32 v45, $0x1;
	v45 =	vmul.f32 $5.000000000e-01, v45;
	v41 =	vsub.s32 $0x5F3759DF, v41  }
0x33b: {  	v47 =	vsub.s32 $0x5F3759DF, v47;
	v48 =	vshra.s32 v42, $0x1;
	v42 =	vmul.f32 $5.000000000e-01, v42  }
0x33c: {  	v43 =	vmul.f32 v41, v43;
	v45 =	vmul.f32 v47, v45;
	v48 =	vsub.s32 $0x5F3759DF, v48  }
0x33d: {  	v16 =	vadd.f32 v15, v16;
	v49 =	vmul.f32 v44, v21;
	v42 =	vmul.f32 v48, v42  }
0x33e: {  	v15 =	vadd.f32 v15, v17;
	v21 =	vmul.f32 v41, v43;
	v43 =	vmul.f32 v47, v45  }
0x33f: {  	v22 =	vmul.f32 v44, v22;
	v19 =	vadd.f32 v38, v19;
	v17 =	vmul.f32 v48, v42;
	[tilespmem:s23+$0x60] =	vst v16  }
0x340: {  	v25 =	vmul.f32 v44, v25;
	v16 =	vsub.f32 $1.500000000e+00, v21;
	v21 =	vsub.f32 $1.500000000e+00, v43;
	[tilespmem:s23+$0x70] =	vst v15;
	s23 =	smov.u32 s25  }
0x341: {  	v15 =	vsub.f32 $1.500000000e+00, v17;
	v17 =	vadd.f32 v38, v46;
	[tilespmem:s25+$0x80] =	vst v19;
	v19 =	vmul.f32 v44, v28  }
0x342: {  	v23 =	vadd.f32 v38, v23;
	v16 =	vmul.f32 v41, v16;
	v41 =	vmul.f32 v47, v21  }
0x343: {  	v21 =	vmul.f32 v48, v15;
	v15 =	vadd.f32 v38, v49;
	[tilespmem:s25+$0x90] =	vst v17;
	v17 =	vadd.f32 v38, v22  }
0x344: {  	v22 =	vmul.f32 v16, v39;
	v24 =	vmul.f32 v16, v24;
	[tilespmem:s25+$0xA0] =	vst v23;
	v23 =	vadd.f32 v38, v25  }
0x345: {  	v13 =	vmul.f32 v16, v13;
	v25 =	vmul.f32 v16, v27;
	v38 =	vadd.f32 v38, v19;
	[tilespmem:s25+$0xB0] =	vst v15  }
0x346: {  	v19 =	vmul.f32 v16, v30;
	v15 =	vadd.f32 v22, v24;
	v24 =	vmul.f32 v16, v32;
	[tilespmem:s25+$0xC0] =	vst v17  }
0x347: {  	v28 =	vmul.f32 v16, v36;
	v13 =	vadd.f32 v22, v13;
	v17 =	vmul.f32 v16, v34;
	[tilespmem:s25+$0xD0] =	vst v23  }
.Ltmp4:
0x348: {  	v23 =	vmul.f32 v16, v37;
	[tilespmem:s25+$0xFFFFFF00] =	vst v15;
	v15 =	vadd.f32 v22, v25;
	v25 =	vmul.f32 v41, v40;
	(pc) =	sbr.rel @p0 .LBB2_10-.Ltmp4, $4  }
0x349: {  	v27 =	vmul.f32 v41, v12;
	v16 =	vmul.f32 v41, v14;
	[tilespmem:s25+$0xFFFFFF10] =	vst v13;
	v13 =	vadd.f32 v22, v19  }
0x34a: {  	v12 =	vmul.f32 v41, v18;
	v14 =	vmul.f32 v41, v26;
	[tilespmem:s25+$0xFFFFFF20] =	vst v15;
	v15 =	vadd.f32 v22, v24  }
0x34b: {  	v24 =	vmul.f32 v41, v31;
	[tilespmem:s25+$0xFFFFFF30] =	vst v13;
	v13 =	vadd.f32 v22, v17;
	v17 =	vmul.f32 v41, v29  }
0x34c: {  	v18 =	vmul.f32 v41, v35;
	v28 =	vadd.f32 v22, v28;
	v26 =	vmul.f32 v41, v33;
	s25 =	sadd.s32 $0x200, s25;
	[tilespmem:s23+$0xFFFFFF40] =	vst v15  }
0x34d: {  	[tilespmem:s23+$0xFFFFFF50] =	vst v13  }
0x34e: {  	v13 =	vadd.f32 v22, v23;
	[tilespmem:s23+$0xE0] =	vst v38  }
0x34f: {  	v15 =	vadd.f32 v25, v27;
	[tilespmem:s23+$0xFFFFFF60] =	vst v28  }
0x350: {  	v12 =	vadd.f32 v25, v12;
	[tilespmem:s23+$0xFFFFFF70] =	vst v13  }
0x351: {  	v13 =	vadd.f32 v25, v16;
	[tilespmem:s23+$0xFFFFFF80] =	vst v15  }
0x352: {  	[tilespmem:s23+$0xFFFFFFA0] =	vst v12;
	v12 =	vadd.f32 v25, v24  }
0x353: {  	[tilespmem:s23+$0xFFFFFF90] =	vst v13;
	v13 =	vadd.f32 v25, v14  }
0x354: {  	v14 =	vadd.f32 v25, v17;
	[tilespmem:s23+$0xFFFFFFD0] =	vst v12  }
0x355: {  	v4 =	vmul.f32 v21, v4;
	v15 =	vadd.f32 v25, v26;
	[tilespmem:s23+$0xFFFFFFB0] =	vst v13;
	v13 =	vmul.f32 v21, v20  }
0x356: {  	v5 =	vmul.f32 v21, v5;
	[tilespmem:s23+$0xFFFFFFC0] =	vst v14;
	v14 =	vadd.f32 v25, v18  }
0x357: {  	v6 =	vmul.f32 v21, v6;
	[tilespmem:s23+$0xFFFFFFE0] =	vst v15;
	v4 =	vadd.f32 v13, v4  }
0x358: {  	v7 =	vmul.f32 v21, v7;
	v5 =	vadd.f32 v13, v5;
	[tilespmem:s23+$0xFFFFFFF0] =	vst v14  }
0x359: {  	v8 =	vmul.f32 v21, v8;
	v6 =	vadd.f32 v13, v6;
	[tilespmem:s23+$0x0] =	vst v4  }
0x35a: {  	v4 =	vadd.f32 v13, v7;
	[tilespmem:s23+$0x10] =	vst v5;
	v5 =	vmul.f32 v21, v9  }
0x35b: {  	[tilespmem:s23+$0x20] =	vst v6;
	v6 =	vadd.f32 v13, v8;
	v7 =	vmul.f32 v21, v10  }
0x35c: {  	[tilespmem:s23+$0x30] =	vst v4;
	v4 =	vmul.f32 v21, v11;
	v5 =	vadd.f32 v13, v5  }
0x35d: {  	[tilespmem:s23+$0x40] =	vst v6;
	v6 =	vadd.f32 v13, v7  }
0x35e: {  	[tilespmem:s23+$0x50] =	vst v5;
	v4 =	vadd.f32 v13, v4  }
0x35f: {  	[tilespmem:s23+$0x60] =	vst v6  }
0x360: {  	[tilespmem:s23+$0x70] =	vst v4  }
0x361: {  	[hbm4b:s8+s3] =	stream.linear.scatter [tilespmem:s13], [sflag:$0x4], $0x4000, $0x38;
	[tilespmem:$0xDC00] =	vst v63  }
0x362: {  	_ =	swait.ge [sflag:s17], $0x4000  }
0x363: {  	[sflag:s17] =	ssyncset.done $0x0  }
0x364: {  	s23 =	simm.s32 $0x5C00;
	[sflag:s17] =	ssyncadd.s32 $0xFFFFC000  }
0x365: {  	v27 =	vld [tilespmem:s23+$0x180]  }
0x366: {  	v25 =	vld [tilespmem:s23+$0x190]  }
0x367: {  	v14 =	vld [tilespmem:s23+$0x10]  }
0x368: {  	v26 =	vld [tilespmem:s23+$0x1A0]  }
0x369: {  	v12 =	vld [tilespmem:s23+$0x80]  }
0x36a: {  	v20 =	vld [tilespmem:s23+$0x1B0]  }
0x36b: {  	v13 =	vld [tilespmem:s23+$0x90]  }
0x36c: {  	v18 =	vld [tilespmem:s23+$0x1C0]  }
0x36d: {  	v4 =	vld [tilespmem:s23+$0x100]  }
0x36e: {  	v16 =	vld [tilespmem:s23+$0x0];
	v5 =	vmul.f32 v27, v27;
	v7 =	vmul.f32 v25, v25  }
0x36f: {  	v21 =	vld [tilespmem:s23+$0x1D0];
	v6 =	vadd.f32 v25, v27;
	v8 =	vmul.f32 v26, v26  }
0x370: {  	v15 =	vld [tilespmem:s23+$0xA0];
	v9 =	vmul.f32 v12, v12;
	v10 =	vmul.f32 v13, v13;
	v7 =	vadd.f32 v7, v5  }
0x371: {  	v11 =	vmul.f32 v14, v14;
	v24 =	vadd.f32 v13, v12;
	v6 =	vadd.f32 v26, v6;
	v5 =	vld [tilespmem:s23+$0x110]  }
0x372: {  	v19 =	vld [tilespmem:s23+$0x20];
	v17 =	vmul.f32 v4, v4;
	v7 =	vadd.f32 v8, v7;
	v8 =	vmul.f32 v20, v20  }
0x373: {  	v22 =	vld [tilespmem:s23+$0x1E0];
	v29 =	vmul.f32 v16, v16;
	v30 =	vadd.f32 v14, v16;
	v6 =	vadd.f32 v20, v6  }
0x374: {  	v9 =	vadd.f32 v10, v9;
	v7 =	vadd.f32 v8, v7;
	v8 =	vmul.f32 v18, v18  }
0x375: {  	v35 =	vld [tilespmem:s23+$0x1F0];
	v10 =	vmul.f32 v21, v21;
	v11 =	vadd.f32 v11, v29;
	v6 =	vadd.f32 v18, v6  }
0x376: {  	v33 =	vadd.f32 v15, v24;
	v24 =	vld [tilespmem:s23+$0xC0];
	v23 =	vmul.f32 v5, v5;
	v7 =	vadd.f32 v8, v7  }
0x377: {  	v29 =	vadd.f32 v19, v30;
	v30 =	vmul.f32 v19, v19;
	v8 =	vadd.f32 v21, v6;
	v6 =	vld [tilespmem:s23+$0x120]  }
0x378: {  	v31 =	vadd.f32 v23, v17;
	v23 =	vld [tilespmem:s23+$0x30];
	v7 =	vadd.f32 v10, v7;
	v10 =	vmul.f32 v22, v22  }
0x379: {  	v34 =	vmul.f32 v15, v15;
	v11 =	vadd.f32 v30, v11;
	v17 =	vld [tilespmem:s23+$0xB0];
	v8 =	vadd.f32 v22, v8  }
0x37a: {  	v28 =	vadd.f32 v5, v4;
	v7 =	vadd.f32 v10, v7;
	v10 =	vmul.f32 v35, v35  }
0x37b: {  	v9 =	vadd.f32 v34, v9;
	v30 =	vld [tilespmem:s23+$0x50];
	v46 =	vmul.f32 v24, v24;
	v8 =	vadd.f32 v35, v8  }
0x37c: {  	v36 =	vadd.f32 v6, v28;
	v28 =	vld [tilespmem:s23+$0x40];
	v37 =	vmul.f32 v6, v6;
	v10 =	vadd.f32 v10, v7  }
0x37d: {  	v32 =	vperm.xlane v8, v0;
	v7 =	vld [tilespmem:s23+$0x130];
	v29 =	vadd.f32 v23, v29;
	v60 =	vmul.f32 v23, v23  }
0x37e: {  	v33 =	vadd.f32 v17, v33;
	v39 =	vmul.f32 v17, v17;
	v31 =	vadd.f32 v37, v31  }
0x37f: {  	v34 =	vld [tilespmem:s23+$0x70];
	v32 =	vadd.f32 v32, v8;
	v8 =	vperm.xlane v10, v0;
	v11 =	vadd.f32 v60, v11  }
0x380: {  	v48 =	vmul.f32 v30, v30;
	v39 =	vadd.f32 v39, v9;
	v41 =	vadd.f32 v24, v33;
	v9 =	vld [tilespmem:s23+$0x150]  }
0x381: {  	v33 =	vld [tilespmem:s23+$0x60];
	v61 =	vperm.xlane v32, v1;
	v10 =	vadd.f32 v8, v10;
	v44 =	vadd.f32 v28, v29  }
0x382: {  	v8 =	vld [tilespmem:s23+$0x140];
	v45 =	vmul.f32 v28, v28;
	v39 =	vadd.f32 v46, v39;
	v36 =	vadd.f32 v7, v36  }
0x383: {  	v63 =	vmul.f32 v7, v7;
	v32 =	vadd.f32 v61, v32;
	v62 =	vperm.xlane v10, v1  }
0x384: {  	v52 =	vmul.f32 v34, v34;
	v29 =	vld [tilespmem:s23+$0xD0];
	v11 =	vadd.f32 v45, v11;
	v38 =	vadd.f32 v30, v44  }
0x385: {  	v37 =	vadd.f32 v63, v31;
	v40 =	vperm.xlane v32, v2;
	v10 =	vadd.f32 v62, v10  }
0x386: {  	v44 =	vmul.f32 v9, v9;
	v50 =	vmul.f32 v33, v33;
	v38 =	vadd.f32 v33, v38  }
0x387: {  	v36 =	vadd.f32 v8, v36;
	v32 =	vadd.f32 v40, v32;
	v31 =	vperm.xlane v10, v2  }
0x388: {  	v47 =	vmul.f32 v8, v8;
	v40 =	vadd.f32 v48, v11;
	v38 =	vadd.f32 v34, v38  }
0x389: {  	v41 =	vadd.f32 v29, v41;
	v42 =	vperm.xlane v32, v3;
	v43 =	vadd.f32 v31, v10;
	v31 =	vld [tilespmem:s23+$0xE0]  }
0x38a: {  	v37 =	vadd.f32 v47, v37;
	v10 =	vld [tilespmem:s23+$0x160];
	v40 =	vadd.f32 v50, v40;
	v48 =	vperm.xlane v38, v0  }
0x38b: {  	v11 =	vmul.f32 v29, v29;
	v36 =	vadd.f32 v9, v36;
	v32 =	vadd.f32 v42, v32  }
0x38c: {  	v49 =	vperm.xlane v43, v3;
	v40 =	vadd.f32 v52, v40;
	v38 =	vadd.f32 v48, v38  }
0x38d: {  	v39 =	vadd.f32 v11, v39;
	v11 =	vld [tilespmem:s23+$0x170];
	v37 =	vadd.f32 v44, v37;
	v45 =	vmul.f32 $7.812500000e-03, v32  }
0x38e: {  	v42 =	vadd.f32 v49, v43;
	v32 =	vld [tilespmem:s23+$0xF0];
	v59 =	vperm.xlane v40, v0;
	v61 =	vperm.xlane v38, v1  }
0x38f: {  	v41 =	vadd.f32 v31, v41;
	v51 =	vmul.f32 v31, v31;
	v36 =	vadd.f32 v10, v36  }
0x390: {  	v47 =	vmul.f32 v10, v10;
	v42 =	vmul.f32 $7.812500000e-03, v42;
	v40 =	vadd.f32 v59, v40  }
0x391: {  	v46 =	vmul.f32 v45, v45;
	v38 =	vadd.f32 v61, v38;
	v52 =	vsub.f32 $0.0e+00, v45  }
0x392: {  	v54 =	vmul.f32 v11, v11;
	v37 =	vadd.f32 v47, v37;
	v36 =	vadd.f32 v11, v36  }
0x393: {  	v39 =	vadd.f32 v51, v39;
	v42 =	vsub.f32 v42, v46;
	v53 =	vmul.f32 v32, v32  }
0x394: {  	v41 =	vadd.f32 v32, v41;
	v37 =	vadd.f32 v54, v37;
	v58 =	vperm.xlane v36, v0  }
0x395: {  	v42 =	vadd.f32 $9.999999960e-13, v42;
	v39 =	vadd.f32 v53, v39  }
0x396: {  	v57 =	vperm.xlane v41, v0;
	v36 =	vadd.f32 v58, v36;
	v62 =	vperm.xlane v37, v0  }
0x397: {  	v53 =	vperm.xlane v40, v1;
	v55 =	vshra.s32 v42, $0x1;
	v42 =	vmul.f32 $5.000000000e-01, v42  }
0x398: {  	v56 =	vsub.s32 $0x5F3759DF, v55;
	v41 =	vadd.f32 v57, v41;
	v60 =	vperm.xlane v39, v0  }
0x399: {  	v51 =	vperm.xlane v36, v1;
	v37 =	vadd.f32 v62, v37;
	v40 =	vadd.f32 v53, v40  }
0x39a: {  	v55 =	vperm.xlane v38, v2;
	v42 =	vmul.f32 v56, v42;
	v39 =	vadd.f32 v60, v39  }
0x39b: {  	v63 =	vperm.xlane v41, v1;
	v36 =	vadd.f32 v51, v36;
	v59 =	vperm.xlane v40, v2  }
0x39c: {  	v38 =	vadd.f32 v55, v38;
	v42 =	vmul.f32 v56, v42;
	v54 =	vperm.xlane v39, v1  }
0x39d: {  	v41 =	vadd.f32 v63, v41;
	v58 =	vperm.xlane v36, v2;
	v40 =	vadd.f32 v59, v40  }
0x39e: {  	v61 =	vperm.xlane v38, v3;
	v42 =	vsub.f32 $1.500000000e+00, v42;
	v39 =	vadd.f32 v54, v39  }
0x39f: {  	v57 =	vperm.xlane v41, v2;
	v36 =	vadd.f32 v58, v36;
	v49 =	vperm.xlane v40, v3  }
0x3a0: {  	v38 =	vadd.f32 v61, v38;
	v42 =	vmul.f32 v56, v42;
	v56 =	vperm.xlane v37, v1  }
0x3a1: {  	v60 =	vperm.xlane v39, v2;
	v48 =	vperm.xlane v36, v3  }
0x3a2: {  	v41 =	vadd.f32 v57, v41;
	v38 =	vmul.f32 $7.812500000e-03, v38;
	v43 =	vmul.f32 v42, v52  }
0x3a3: {  	v40 =	vadd.f32 v49, v40;
	v35 =	vmul.f32 v42, v35;
	v27 =	vmul.f32 v42, v27  }
0x3a4: {  	v37 =	vadd.f32 v56, v37;
	v25 =	vmul.f32 v42, v25;
	v26 =	vmul.f32 v42, v26  }
0x3a5: {  	v58 =	vmul.f32 v42, v20;
	v63 =	vperm.xlane v41, v3;
	v39 =	vadd.f32 v60, v39  }
0x3a6: {  	v40 =	vmul.f32 $7.812500000e-03, v40;
	v52 =	vmul.f32 v38, v38  }
0x3a7: {  	v62 =	vperm.xlane v37, v2;
	v50 =	vperm.xlane v39, v3  }
0x3a8: {  	v18 =	vmul.f32 v42, v18;
	v41 =	vadd.f32 v63, v41;
	v40 =	vsub.f32 v40, v52  }
0x3a9: {  	v61 =	vmul.f32 v42, v22;
	v37 =	vadd.f32 v62, v37;
	v39 =	vadd.f32 v50, v39  }
0x3aa: {  	v36 =	vadd.f32 v48, v36;
	v41 =	vmul.f32 $7.812500000e-03, v41;
	v40 =	vadd.f32 $9.999999960e-13, v40  }
0x3ab: {  	v38 =	vsub.f32 $0.0e+00, v38;
	v51 =	vperm.xlane v37, v3;
	v39 =	vmul.f32 $7.812500000e-03, v39  }
0x3ac: {  	v53 =	vmul.f32 v41, v41;
	v55 =	vshra.s32 v40, $0x1;
	v40 =	vmul.f32 $5.000000000e-01, v40  }
0x3ad: {  	v36 =	vmul.f32 $7.812500000e-03, v36;
	v37 =	vadd.f32 v51, v37;
	v44 =	vsub.s32 $0x5F3759DF, v55  }
0x3ae: {  	v35 =	vadd.f32 v43, v35;
	v39 =	vsub.f32 v39, v53;
	v40 =	vmul.f32 v44, v40  }
0x3af: {  	v27 =	vadd.f32 v43, v27;
	v54 =	vmul.f32 v36, v36;
	v37 =	vmul.f32 $7.812500000e-03, v37  }
0x3b0: {  	v25 =	vadd.f32 v43, v25;
	v39 =	vadd.f32 $9.999999960e-13, v39;
	v59 =	vmul.f32 v44, v40  }
0x3b1: {  	v60 =	vmul.f32 v42, v21;
	v20 =	vsub.f32 $0.0e+00, v36;
	v37 =	vsub.f32 v37, v54  }
0x3b2: {  	v56 =	vshra.s32 v39, $0x1;
	v39 =	vmul.f32 $5.000000000e-01, v39;
	v36 =	vsub.f32 $1.500000000e+00, v59  }
0x3b3: {  	v26 =	vadd.f32 v43, v26;
	v37 =	vadd.f32 $9.999999960e-13, v37;
	v45 =	vsub.s32 $0x5F3759DF, v56  }
0x3b4: {  	v18 =	vadd.f32 v43, v18;
	[tilespmem:s23+$0x180] =	vst v27;
	v39 =	vmul.f32 v45, v39;
	v27 =	vmul.f32 v44, v36  }
0x3b5: {  	[tilespmem:s23+$0x190] =	vst v25;
	v25 =	vadd.f32 v43, v58;
	v57 =	vshra.s32 v37, $0x1;
	v37 =	vmul.f32 $5.000000000e-01, v37  }
0x3b6: {  	[tilespmem:s23+$0x1A0] =	vst v26;
	v26 =	vadd.f32 v43, v60;
	v39 =	vmul.f32 v45, v39;
	v22 =	vmul.f32 v27, v38  }
0x3b7: {  	v41 =	vsub.f32 $0.0e+00, v41;
	v16 =	vmul.f32 v27, v16;
	v14 =	vmul.f32 v27, v14  }
0x3b8: {  	v46 =	vsub.s32 $0x5F3759DF, v57;
	v19 =	vmul.f32 v27, v19;
	v63 =	vmul.f32 v27, v23  }
0x3b9: {  	[tilespmem:s23+$0x1C0] =	vst v18;
	v28 =	vmul.f32 v27, v28;
	v18 =	vmul.f32 v27, v30;
	v39 =	vsub.f32 $1.500000000e+00, v39  }
0x3ba: {  	[tilespmem:s23+$0x1F0] =	vst v35;
	v38 =	vadd.f32 v43, v61;
	v30 =	vmul.f32 v27, v33;
	v37 =	vmul.f32 v46, v37  }
0x3bb: {  	[tilespmem:s23+$0x1B0] =	vst v25;
	v23 =	vmul.f32 v27, v34;
	v16 =	vadd.f32 v22, v16;
	v62 =	vmul.f32 v45, v39  }
0x3bc: {  	[tilespmem:s23+$0x1D0] =	vst v26;
	v14 =	vadd.f32 v22, v14;
	v19 =	vadd.f32 v22, v19;
	v37 =	vmul.f32 v46, v37  }
0x3bd: {  	v26 =	vadd.f32 v22, v63;
	[tilespmem:s23+$0x0] =	vst v16;
	v25 =	vmul.f32 v62, v41;
	v27 =	vmul.f32 v62, v12  }
0x3be: {  	[tilespmem:s23+$0x10] =	vst v14;
	v21 =	vsub.f32 $1.500000000e+00, v37;
	v16 =	vmul.f32 v62, v13;
	v12 =	vmul.f32 v62, v15  }
0x3bf: {  	[tilespmem:s23+$0x20] =	vst v19;
	v19 =	vadd.f32 v22, v28;
	v14 =	vmul.f32 v62, v17;
	v17 =	vmul.f32 v62, v24  }
0x3c0: {  	[tilespmem:s23+$0x30] =	vst v26;
	v13 =	vadd.f32 v22, v18;
	v24 =	vmul.f32 v62, v29;
	v21 =	vmul.f32 v46, v21  }
0x3c1: {  	s24 =	simm.s32 $0x0;
	s25 =	simm.s32 $0x5E00;
	v28 =	vadd.f32 v22, v30;
	[tilespmem:s23+$0x40] =	vst v19;
	v26 =	vmul.f32 v62, v31;
	v18 =	vmul.f32 v62, v32  }
.LBB2_12:
0x3c2: {  	v19 =	vld [tilespmem:s25+$0x180];
	[tilespmem:s23+$0x50] =	vst v13;
	v22 =	vadd.f32 v22, v23;
	v15 =	vmul.f32 v21, v20;
	v4 =	vmul.f32 v21, v4  }
0x3c3: {  	s24 =	sadd.s32 $0x4, s24;
	v27 =	vadd.f32 v25, v27;
	v5 =	vmul.f32 v21, v5;
	v6 =	vmul.f32 v21, v6;
	v20 =	vld [tilespmem:s25+$0x190];
	[tilespmem:s23+$0x60] =	vst v28  }
0x3c4: {  	v7 =	vmul.f32 v21, v7;
	v8 =	vmul.f32 v21, v8;
	p0 =	slt.u32 s24, $0x7C;
	v13 =	vld [tilespmem:s25+$0x10];
	[tilespmem:s23+$0x70] =	vst v22;
	v22 =	vadd.f32 v25, v16  }
0x3c5: {  	v9 =	vmul.f32 v21, v9;
	v16 =	vmul.f32 v21, v10;
	v23 =	vld [tilespmem:s25+$0x1A0];
	[tilespmem:s23+$0x80] =	vst v27;
	v27 =	vadd.f32 v25, v12  }
0x3c6: {  	v28 =	vadd.f32 v25, v17;
	v17 =	vmul.f32 v21, v11;
	v10 =	vadd.f32 v25, v14;
	v12 =	vld [tilespmem:s25+$0x80];
	[tilespmem:s23+$0x90] =	vst v22  }
0x3c7: {  	v11 =	vadd.f32 v25, v24;
	v24 =	vadd.f32 v25, v26;
	v21 =	vld [tilespmem:s25+$0x1B0];
	[tilespmem:s23+$0xA0] =	vst v27  }
0x3c8: {  	v26 =	vmul.f32 v19, v19;
	v14 =	vld [tilespmem:s25+$0x90];
	v27 =	vadd.f32 v20, v19;
	v29 =	vmul.f32 v20, v20;
	[tilespmem:s23+$0xB0] =	vst v10  }
0x3c9: {  	v18 =	vadd.f32 v25, v18;
	v30 =	vadd.f32 v15, v4;
	v10 =	vmul.f32 v13, v13;
	v22 =	vld [tilespmem:s25+$0x1C0];
	[tilespmem:s23+$0xC0] =	vst v28  }
0x3ca: {  	v4 =	vld [tilespmem:s25+$0x100];
	v26 =	vadd.f32 v29, v26;
	v27 =	vadd.f32 v23, v27;
	v28 =	vmul.f32 v23, v23;
	[tilespmem:s23+$0xD0] =	vst v11  }
0x3cb: {  	v6 =	vadd.f32 v15, v6;
	v29 =	vadd.f32 v15, v5;
	v11 =	vmul.f32 v12, v12;
	v25 =	vld [tilespmem:s25+$0x1D0];
	[tilespmem:s23+$0xE0] =	vst v24  }
0x3cc: {  	v5 =	vld [tilespmem:s25+$0x110];
	v26 =	vadd.f32 v28, v26;
	v27 =	vadd.f32 v21, v27;
	v31 =	vmul.f32 v21, v21;
	[tilespmem:s23+$0xF0] =	vst v18  }
0x3cd: {  	v7 =	vadd.f32 v15, v7;
	v33 =	vadd.f32 v14, v12;
	v18 =	vmul.f32 v14, v14;
	v28 =	vld [tilespmem:s25+$0x1E0];
	[tilespmem:s23+$0x100] =	vst v30  }
0x3ce: {  	v24 =	vld [tilespmem:s25+$0x0];
	v26 =	vadd.f32 v31, v26;
	v30 =	vadd.f32 v22, v27;
	v31 =	vmul.f32 v22, v22;
	[tilespmem:s23+$0x110] =	vst v29  }
0x3cf: {  	v11 =	vadd.f32 v18, v11;
	v29 =	vmul.f32 v4, v4;
	v39 =	vld [tilespmem:s25+$0x1F0];
	[tilespmem:s23+$0x120] =	vst v6;
	v6 =	vadd.f32 v15, v8  }
0x3d0: {  	v27 =	vld [tilespmem:s25+$0x20];
	v8 =	vadd.f32 v31, v26;
	v26 =	vadd.f32 v25, v30;
	v30 =	vmul.f32 v25, v25;
	[tilespmem:s23+$0x130] =	vst v7  }
0x3d1: {  	v9 =	vadd.f32 v15, v9;
	v18 =	vld [tilespmem:s25+$0xA0];
	v31 =	vadd.f32 v5, v4;
	v7 =	vmul.f32 v5, v5;
	[tilespmem:s23+$0x140] =	vst v6  }
0x3d2: {  	v6 =	vld [tilespmem:s25+$0x120];
	v8 =	vadd.f32 v30, v8;
	v32 =	vadd.f32 v28, v26;
	v34 =	vmul.f32 v28, v28;
	[tilespmem:s23+$0x1E0] =	vst v38  }
0x3d3: {  	v30 =	vld [tilespmem:s25+$0x30];
	v35 =	vmul.f32 v24, v24;
	v36 =	vadd.f32 v13, v24;
	v37 =	vadd.f32 v7, v29;
	[tilespmem:s23+$0x150] =	vst v9  }
0x3d4: {  	v26 =	vld [tilespmem:s25+$0xB0];
	v8 =	vadd.f32 v34, v8;
	v9 =	vadd.f32 v39, v32;
	v29 =	vmul.f32 v39, v39  }
0x3d5: {  	v10 =	vadd.f32 v10, v35;
	v35 =	vadd.f32 v27, v36;
	v34 =	vmul.f32 v27, v27;
	v7 =	vld [tilespmem:s25+$0x130]  }
0x3d6: {  	v32 =	vld [tilespmem:s25+$0x40];
	v33 =	vadd.f32 v18, v33;
	v36 =	vadd.f32 v29, v8;
	v38 =	vperm.xlane v9, v0  }
0x3d7: {  	v40 =	vmul.f32 v18, v18;
	v29 =	vld [tilespmem:s25+$0xC0];
	v41 =	vadd.f32 v6, v31;
	v42 =	vmul.f32 v6, v6  }
0x3d8: {  	v10 =	vadd.f32 v34, v10;
	v8 =	vld [tilespmem:s25+$0x140];
	v38 =	vadd.f32 v38, v9;
	v9 =	vperm.xlane v36, v0  }
0x3d9: {  	v35 =	vadd.f32 v30, v35;
	v43 =	vmul.f32 v30, v30;
	v11 =	vadd.f32 v40, v11;
	v34 =	vld [tilespmem:s25+$0x50]  }
0x3da: {  	v40 =	vadd.f32 v26, v33;
	v31 =	vld [tilespmem:s25+$0xD0];
	v33 =	vperm.xlane v38, v1;
	v44 =	vadd.f32 v9, v36  }
0x3db: {  	v45 =	vmul.f32 v26, v26;
	v42 =	vadd.f32 v42, v37;
	v41 =	vadd.f32 v7, v41;
	v9 =	vld [tilespmem:s25+$0x150]  }
0x3dc: {  	v46 =	vmul.f32 v7, v7;
	v36 =	vld [tilespmem:s25+$0x60];
	v38 =	vadd.f32 v33, v38;
	v37 =	vperm.xlane v44, v1  }
0x3dd: {  	v43 =	vadd.f32 v43, v10;
	v47 =	vadd.f32 v32, v35;
	v48 =	vmul.f32 v32, v32;
	v33 =	vld [tilespmem:s25+$0xE0]  }
0x3de: {  	v45 =	vadd.f32 v45, v11;
	v10 =	vld [tilespmem:s25+$0x160];
	v11 =	vperm.xlane v38, v2;
	v44 =	vadd.f32 v37, v44  }
0x3df: {  	v40 =	vadd.f32 v29, v40;
	v49 =	vmul.f32 v29, v29;
	v42 =	vadd.f32 v46, v42;
	v37 =	vld [tilespmem:s25+$0x70]  }
0x3e0: {  	v41 =	vadd.f32 v8, v41;
	v35 =	vld [tilespmem:s25+$0xF0];
	v38 =	vadd.f32 v11, v38;
	v46 =	vperm.xlane v44, v2  }
0x3e1: {  	v43 =	vadd.f32 v48, v43;
	v48 =	vmul.f32 v8, v8;
	v47 =	vadd.f32 v34, v47;
	v11 =	vld [tilespmem:s25+$0x170]  }
0x3e2: {  	v45 =	vadd.f32 v49, v45;
	v49 =	vperm.xlane v38, v3;
	v44 =	vadd.f32 v46, v44  }
0x3e3: {  	v40 =	vadd.f32 v31, v40;
	v42 =	vadd.f32 v48, v42;
	v46 =	vmul.f32 v34, v34  }
0x3e4: {  	v41 =	vadd.f32 v9, v41;
	v38 =	vadd.f32 v49, v38;
	v48 =	vperm.xlane v44, v3  }
0x3e5: {  	v43 =	vadd.f32 v46, v43;
	v46 =	vmul.f32 v31, v31;
	v49 =	vmul.f32 v9, v9  }
0x3e6: {  	v47 =	vadd.f32 v36, v47;
	v38 =	vmul.f32 $7.812500000e-03, v38;
	v44 =	vadd.f32 v48, v44  }
0x3e7: {  	v40 =	vadd.f32 v33, v40;
	v48 =	vmul.f32 v36, v36;
	v45 =	vadd.f32 v46, v45  }
0x3e8: {  	v42 =	vadd.f32 v49, v42;
	v44 =	vmul.f32 $7.812500000e-03, v44;
	v46 =	vmul.f32 v38, v38  }
0x3e9: {  	v41 =	vadd.f32 v10, v41;
	v50 =	vmul.f32 v10, v10;
	v49 =	vmul.f32 v33, v33  }
0x3ea: {  	v43 =	vadd.f32 v48, v43;
	v48 =	vmul.f32 v37, v37;
	v44 =	vsub.f32 v44, v46  }
0x3eb: {  	v45 =	vadd.f32 v49, v45;
	v46 =	vadd.f32 v37, v47;
	v47 =	vmul.f32 v35, v35  }
0x3ec: {  	v40 =	vadd.f32 v35, v40;
	v49 =	vmul.f32 v11, v11;
	v44 =	vadd.f32 $9.999999960e-13, v44  }
0x3ed: {  	v41 =	vadd.f32 v11, v41;
	v42 =	vadd.f32 v50, v42;
	v51 =	vperm.xlane v46, v0  }
0x3ee: {  	v43 =	vadd.f32 v48, v43;
	v48 =	vshra.s32 v44, $0x1;
	v44 =	vmul.f32 $5.000000000e-01, v44  }
0x3ef: {  	v45 =	vadd.f32 v47, v45;
	v47 =	vperm.xlane v40, v0;
	v48 =	vsub.s32 $0x5F3759DF, v48  }
0x3f0: {  	v42 =	vadd.f32 v49, v42;
	v49 =	vperm.xlane v41, v0;
	v44 =	vmul.f32 v48, v44  }
0x3f1: {  	v50 =	vperm.xlane v43, v0;
	v46 =	vadd.f32 v51, v46;
	v40 =	vadd.f32 v47, v40  }
0x3f2: {  	v41 =	vadd.f32 v49, v41;
	v47 =	vperm.xlane v45, v0;
	v44 =	vmul.f32 v48, v44  }
0x3f3: {  	v43 =	vadd.f32 v50, v43;
	v50 =	vperm.xlane v42, v0;
	v49 =	vperm.xlane v46, v1  }
0x3f4: {  	v51 =	vperm.xlane v40, v1;
	v45 =	vadd.f32 v47, v45;
	v44 =	vsub.f32 $1.500000000e+00, v44  }
0x3f5: {  	v47 =	vperm.xlane v41, v1;
	v42 =	vadd.f32 v50, v42;
	v46 =	vadd.f32 v49, v46  }
0x3f6: {  	v38 =	vsub.f32 $0.0e+00, v38;
	v49 =	vperm.xlane v43, v1;
	v44 =	vmul.f32 v48, v44  }
0x3f7: {  	v40 =	vadd.f32 v51, v40;
	v41 =	vadd.f32 v47, v41;
	v48 =	vperm.xlane v45, v1  }
0x3f8: {  	v43 =	vadd.f32 v49, v43;
	v38 =	vmul.f32 v44, v38;
	v39 =	vmul.f32 v44, v39  }
0x3f9: {  	v47 =	vperm.xlane v46, v2;
	v45 =	vadd.f32 v48, v45;
	v48 =	vperm.xlane v42, v1  }
0x3fa: {  	v49 =	vperm.xlane v40, v2;
	v50 =	vperm.xlane v41, v2;
	v39 =	vadd.f32 v38, v39  }
0x3fb: {  	v46 =	vadd.f32 v47, v46;
	v47 =	vperm.xlane v43, v2;
	v42 =	vadd.f32 v48, v42  }
0x3fc: {  	v40 =	vadd.f32 v49, v40;
	v41 =	vadd.f32 v50, v41;
	v48 =	vperm.xlane v45, v2;
	[tilespmem:s25+$0x1F0] =	vst v39  }
0x3fd: {  	v43 =	vadd.f32 v47, v43;
	v39 =	vperm.xlane v46, v3;
	v47 =	vperm.xlane v42, v2  }
0x3fe: {  	v49 =	vperm.xlane v40, v3;
	v45 =	vadd.f32 v48, v45;
	v48 =	vperm.xlane v41, v3  }
0x3ff: {  	v39 =	vadd.f32 v39, v46;
	v46 =	vperm.xlane v43, v3;
	v42 =	vadd.f32 v47, v42  }
0x400: {  	v40 =	vadd.f32 v49, v40;
	v47 =	vperm.xlane v45, v3;
	v41 =	vadd.f32 v48, v41  }
0x401: {  	v39 =	vmul.f32 $7.812500000e-03, v39;
	v43 =	vadd.f32 v46, v43;
	v46 =	vperm.xlane v42, v3  }
0x402: {  	v40 =	vmul.f32 $7.812500000e-03, v40;
	v45 =	vadd.f32 v47, v45;
	v41 =	vmul.f32 $7.812500000e-03, v41  }
0x403: {  	v43 =	vmul.f32 $7.812500000e-03, v43;
	v47 =	vmul.f32 v39, v39;
	v42 =	vadd.f32 v46, v42  }
0x404: {  	v39 =	vsub.f32 $0.0e+00, v39;
	v45 =	vmul.f32 $7.812500000e-03, v45;
	v46 =	vmul.f32 v40, v40  }
0x405: {  	v43 =	vsub.f32 v43, v47;
	v42 =	vmul.f32 $7.812500000e-03, v42;
	v47 =	vmul.f32 v41, v41  }
0x406: {  	v19 =	vmul.f32 v44, v19;
	v40 =	vsub.f32 $0.0e+00, v40;
	v45 =	vsub.f32 v45, v46  }
0x407: {  	v46 =	vmul.f32 v44, v20;
	v43 =	vadd.f32 $9.999999960e-13, v43;
	v42 =	vsub.f32 v42, v47  }
0x408: {  	v23 =	vmul.f32 v44, v23;
	v20 =	vsub.f32 $0.0e+00, v41;
	v45 =	vadd.f32 $9.999999960e-13, v45  }
0x409: {  	v41 =	vshra.s32 v43, $0x1;
	v43 =	vmul.f32 $5.000000000e-01, v43;
	v42 =	vadd.f32 $9.999999960e-13, v42  }
0x40a: {  	v47 =	vshra.s32 v45, $0x1;
	v45 =	vmul.f32 $5.000000000e-01, v45;
	v41 =	vsub.s32 $0x5F3759DF, v41  }
0x40b: {  	v47 =	vsub.s32 $0x5F3759DF, v47;
	v48 =	vshra.s32 v42, $0x1;
	v42 =	vmul.f32 $5.000000000e-01, v42  }
0x40c: {  	v43 =	vmul.f32 v41, v43;
	v45 =	vmul.f32 v47, v45;
	v48 =	vsub.s32 $0x5F3759DF, v48  }
0x40d: {  	v16 =	vadd.f32 v15, v16;
	v49 =	vmul.f32 v44, v21;
	v42 =	vmul.f32 v48, v42  }
0x40e: {  	v15 =	vadd.f32 v15, v17;
	v21 =	vmul.f32 v41, v43;
	v43 =	vmul.f32 v47, v45  }
0x40f: {  	v22 =	vmul.f32 v44, v22;
	v19 =	vadd.f32 v38, v19;
	v17 =	vmul.f32 v48, v42;
	[tilespmem:s23+$0x160] =	vst v16  }
0x410: {  	v25 =	vmul.f32 v44, v25;
	v16 =	vsub.f32 $1.500000000e+00, v21;
	v21 =	vsub.f32 $1.500000000e+00, v43;
	[tilespmem:s23+$0x170] =	vst v15;
	s23 =	smov.u32 s25  }
0x411: {  	v15 =	vsub.f32 $1.500000000e+00, v17;
	v17 =	vadd.f32 v38, v46;
	[tilespmem:s25+$0x180] =	vst v19;
	v19 =	vmul.f32 v44, v28  }
0x412: {  	v23 =	vadd.f32 v38, v23;
	v16 =	vmul.f32 v41, v16;
	v41 =	vmul.f32 v47, v21  }
0x413: {  	v21 =	vmul.f32 v48, v15;
	v15 =	vadd.f32 v38, v49;
	[tilespmem:s25+$0x190] =	vst v17;
	v17 =	vadd.f32 v38, v22  }
0x414: {  	v22 =	vmul.f32 v16, v39;
	v24 =	vmul.f32 v16, v24;
	[tilespmem:s25+$0x1A0] =	vst v23;
	v23 =	vadd.f32 v38, v25  }
0x415: {  	v13 =	vmul.f32 v16, v13;
	v25 =	vmul.f32 v16, v27;
	v38 =	vadd.f32 v38, v19;
	[tilespmem:s25+$0x1B0] =	vst v15  }
0x416: {  	v19 =	vmul.f32 v16, v30;
	v15 =	vadd.f32 v22, v24;
	v24 =	vmul.f32 v16, v32;
	[tilespmem:s25+$0x1C0] =	vst v17  }
0x417: {  	v28 =	vmul.f32 v16, v36;
	v13 =	vadd.f32 v22, v13;
	v17 =	vmul.f32 v16, v34;
	[tilespmem:s25+$0x1D0] =	vst v23  }
.Ltmp5:
0x418: {  	v23 =	vmul.f32 v16, v37;
	[tilespmem:s25+$0x0] =	vst v15;
	v15 =	vadd.f32 v22, v25;
	v25 =	vmul.f32 v41, v40;
	(pc) =	sbr.rel @p0 .LBB2_12-.Ltmp5, $4  }
0x419: {  	v27 =	vmul.f32 v41, v12;
	v16 =	vmul.f32 v41, v14;
	[tilespmem:s25+$0x10] =	vst v13;
	v13 =	vadd.f32 v22, v19  }
0x41a: {  	v12 =	vmul.f32 v41, v18;
	v14 =	vmul.f32 v41, v26;
	[tilespmem:s25+$0x20] =	vst v15;
	v15 =	vadd.f32 v22, v24  }
0x41b: {  	v24 =	vmul.f32 v41, v31;
	[tilespmem:s25+$0x30] =	vst v13;
	v13 =	vadd.f32 v22, v17;
	v17 =	vmul.f32 v41, v29  }
0x41c: {  	v18 =	vmul.f32 v41, v35;
	v28 =	vadd.f32 v22, v28;
	v26 =	vmul.f32 v41, v33;
	s25 =	sadd.s32 $0x200, s25;
	[tilespmem:s23+$0x40] =	vst v15  }
0x41d: {  	[tilespmem:s23+$0x50] =	vst v13  }
0x41e: {  	v53 =	vadd.f32 v22, v23;
	[tilespmem:s23+$0x1E0] =	vst v38  }
0x41f: {  	v15 =	vadd.f32 v25, v27;
	[tilespmem:s23+$0x60] =	vst v28  }
0x420: {  	v54 =	vadd.f32 v25, v16;
	[tilespmem:s23+$0x70] =	vst v53  }
0x421: {  	v12 =	vadd.f32 v25, v12;
	[tilespmem:s23+$0x80] =	vst v15  }
0x422: {  	v55 =	vadd.f32 v25, v14;
	[tilespmem:s23+$0x90] =	vst v54  }
0x423: {  	v56 =	vadd.f32 v25, v17;
	[tilespmem:s23+$0xA0] =	vst v12  }
0x424: {  	v57 =	vadd.f32 v25, v24;
	[tilespmem:s23+$0xB0] =	vst v55  }
0x425: {  	v58 =	vmul.f32 v21, v20;
	v4 =	vmul.f32 v21, v4;
	v59 =	vadd.f32 v25, v26;
	[tilespmem:s23+$0xC0] =	vst v56  }
0x426: {  	v5 =	vmul.f32 v21, v5;
	v60 =	vadd.f32 v25, v18;
	[tilespmem:s23+$0xD0] =	vst v57  }
0x427: {  	v6 =	vmul.f32 v21, v6;
	v4 =	vadd.f32 v58, v4;
	[tilespmem:s23+$0xE0] =	vst v59  }
0x428: {  	v7 =	vmul.f32 v21, v7;
	v5 =	vadd.f32 v58, v5;
	[tilespmem:s23+$0xF0] =	vst v60  }
0x429: {  	v8 =	vmul.f32 v21, v8;
	v6 =	vadd.f32 v58, v6;
	[tilespmem:s23+$0x100] =	vst v4  }
0x42a: {  	v62 =	vmul.f32 v21, v10;
	v4 =	vadd.f32 v58, v7;
	[tilespmem:s23+$0x110] =	vst v5  }
0x42b: {  	v61 =	vadd.f32 v58, v8;
	v5 =	vmul.f32 v21, v9;
	[tilespmem:s23+$0x120] =	vst v6  }
0x42c: {  	v63 =	vadd.f32 v58, v62;
	[tilespmem:s23+$0x130] =	vst v4;
	v4 =	vmul.f32 v21, v11  }
0x42d: {  	[tilespmem:s23+$0x140] =	vst v61;
	v5 =	vadd.f32 v58, v5  }
0x42e: {  	[tilespmem:s23+$0x160] =	vst v63;
	v4 =	vadd.f32 v58, v4  }
0x42f: {  	[tilespmem:s23+$0x150] =	vst v5  }
0x430: {  	[tilespmem:s23+$0x170] =	vst v4  }
0x431: {  	[hbm4b:s9+s3] =	stream.linear.scatter [tilespmem:s14], [sflag:$0x5], $0x4000, $0x38;
	[tilespmem:$0xDC00] =	vst v63  }
0x432: {  	_ =	swait.ge [sflag:s21], $0x4000  }
0x433: {  	[sflag:s21] =	ssyncset.done $0x0  }
0x434: {  	s22 =	sadd.s32 $0x1, s22;
	[sflag:s21] =	ssyncadd.s32 $0xFFFFC000  }
0x435: {  	p0 =	sne.s32 s22, s10;
	_ =	swait.ge [sflag:s18], $0x4000  }
.Ltmp6:
0x436: {  	[sflag:s18] =	ssyncset.done $0x0;
	(pc) =	sbr.rel @p0 .LBB2_1-.Ltmp6, $4  }
0x437: {  	[sflag:s18] =	ssyncadd.s32 $0xFFFFC000  }
0x438: {  	_ =	swait.ge [sflag:s20], $0x4000  }
0x439: {  	[sflag:s20] =	ssyncset.done $0x0  }
0x43a: {  	[sflag:s20] =	ssyncadd.s32 $0xFFFFC000  }
0x43b: {  	_ =	sfence.sel $0x180000  }
0x43c: {  	[bflag:$0x0] =	sbarrier.arrive $0xFFFF  }
0x43d: {  	p0 =	sne.s32 s0, $0x0;
	_ =	strace $0x90000047  }
0x43e: {  	s0 =	sadd.s32 @!p0 $0x100000, s4;
	[bflag:$0x2] =	sbarrier.arrive $0xFFFF  }
0x43f: {  	[sflag:s0] =	ssyncadd.tile.s32 @!p0 $0x1;
	_ =	shalt  }
.Lfunc_end2:
_tile_overlayer_lowered:
.L_overlay_start_2:
0x440: {  	(tag) =	ssettag $0x2  }
0x441: {  	s0 =	rddreg [dreg:$0x0];
	s2 =	stileid.u32  }
0x442: {  	s1 =	rddreg [dreg:$0x1];
	p0 =	sne.s32 s2, $0x0  }
0x443: {  	s3 =	rddreg [dreg:$0x2];
	[bflag:$0x3] =	sbarrier.arrive $0xFFFF;
	s2 =	simm.s32 @!p0 $0x1C07  }
0x444: {  	[timem:s3], [sflag:s2] =	dma.local @!p0 [hbm:s0], s1  }
0x445: {  	s0 =	simm.s32 @!p0 $0x7  }
0x446: {  	_ =	swait.ge @!p0 [sflag:s0], s1  }
0x447: {  	s1 =	ssub.s32 @!p0 $0x0, s1;
	[sflag:s0] =	ssyncset.done @!p0 $0x0  }
0x448: {  	[sflag:s0] =	ssyncadd.s32 @!p0 s1  }
0x449: {  	[bflag:$0x3] =	sbarrier.arrive $0xFFFF  }
0x44a: {  	_ =	shalt  }

</sc_bundles>
